<compile_context>
chip_gen: v7x
topology: tpu7x:2x2x1
jax: 0.10.2.dev20260603
libtpu: 0.0.44.dev20260713+nightly
codegen_flags: <defaults>
</compile_context>

<pallas_src>
import functools

import jax
import jax.numpy as jnp
from jax import lax
from jax.experimental import pallas as pl
from jax.experimental.pallas import tpu as pltpu
from jax.experimental.pallas import tpu_sc as plsc

N = 10000
E = 320000
D = 128
B = 64
C = 10

NC = 2
NS = 16
NW = NC * NS
K = 80
Q = 40
EP = 481280
EPW = EP // NW
NCHUNK = EPW // K
NG = 4
GC = NCHUNK // NG
N_PAD = 10240
RPT = N_PAD // NS

BR = 2000
NBLK = N // BR


def _leaky(x):
    return jnp.where(x >= 0, x, 0.1 * x)


@functools.cache
def _get_sc_scatter():
    mesh = plsc.VectorSubcoreMesh(core_axis_name="c", subcore_axis_name="s")
    return pl.kernel(
        _sc_scatter_body,
        mesh=mesh,
        out_type=jax.ShapeDtypeStruct((2, N_PAD, D), jnp.float32),
        scratch_types=[
            pltpu.VMEM((GC, K), jnp.int32),
            pltpu.VMEM((GC, K), jnp.int32),
            pltpu.VMEM((K, D), jnp.float32),
            pltpu.VMEM_SHARED((N_PAD, D), jnp.float32),
            pltpu.SemaphoreType.DMA,
        ],
    )


def _sc_scatter_body(h_hbm, src_hbm, dst_hbm, zeros_hbm, out_hbm,
                     src_v, dst_v, rows_v, agg_sh, sem):
    cid = lax.axis_index("c")
    sid = lax.axis_index("s")
    wid = sid * NC + cid

    pltpu.sync_copy(zeros_hbm.at[pl.ds(sid * RPT, RPT)],
                    agg_sh.at[pl.ds(sid * RPT, RPT)])
    plsc.subcore_barrier()

    for g in range(NG):
        pltpu.sync_copy(src_hbm.at[wid, g], src_v)
        pltpu.sync_copy(dst_hbm.at[wid, g], dst_v)

        def body(c, _):
            pltpu.async_copy(h_hbm.at[src_v.at[c]], rows_v, sem).wait()
            pltpu.sync_copy(rows_v, agg_sh.at[dst_v.at[c]], add=True)
            return _

        lax.fori_loop(0, GC, body, None)
    plsc.subcore_barrier()

    pltpu.sync_copy(
        agg_sh.at[pl.ds(sid * RPT, RPT)],
        out_hbm.at[cid, pl.ds(sid * RPT, RPT)])


def _tc_layer_body(h_ref, p0_ref, p1_ref, wa_ref, ba_ref, wb_ref, bb_ref,
                   m2_ref, stats_ref):
    i = pl.program_id(0)
    m = h_ref[...] + (p0_ref[0] + p1_ref[0])
    m = _leaky(jnp.dot(m, wa_ref[...], preferred_element_type=jnp.float32,
                       precision=lax.Precision.DEFAULT) + ba_ref[...])
    m2 = _leaky(jnp.dot(m, wb_ref[...], preferred_element_type=jnp.float32,
                        precision=lax.Precision.DEFAULT) + bb_ref[...])
    m2_ref[...] = m2
    sm = jnp.sum(m2, axis=0, keepdims=True)
    upd = jnp.concatenate([sm, jnp.zeros((7, D), jnp.float32)], axis=0)

    @pl.when(i == 0)
    def _():
        stats_ref[...] = jnp.zeros_like(stats_ref)

    stats_ref[...] += upd


def _tc_layer(h, p, wa, ba, wb, bb):
    return pl.pallas_call(
        _tc_layer_body,
        grid=(NBLK,),
        in_specs=[
            pl.BlockSpec((BR, D), lambda i: (i, 0)),
            pl.BlockSpec((1, BR, D), lambda i: (0, i, 0)),
            pl.BlockSpec((1, BR, D), lambda i: (1, i, 0)),
            pl.BlockSpec((D, D), lambda i: (0, 0)),
            pl.BlockSpec((1, D), lambda i: (0, 0)),
            pl.BlockSpec((D, D), lambda i: (0, 0)),
            pl.BlockSpec((1, D), lambda i: (0, 0)),
        ],
        out_specs=[
            pl.BlockSpec((BR, D), lambda i: (i, 0)),
            pl.BlockSpec((8, D), lambda i: (0, 0)),
        ],
        out_shape=[
            jax.ShapeDtypeStruct((N, D), jnp.float32),
            jax.ShapeDtypeStruct((8, D), jnp.float32),
        ],
    )(h, p, p, wa, ba, wb, bb)


def _tc_var_body(m2_ref, stats_ref, sq_ref):
    i = pl.program_id(0)
    mean = stats_ref[0:1, :] / N
    dd = m2_ref[...] - mean
    v = jnp.sum(dd * dd, axis=0, keepdims=True)
    upd = jnp.concatenate([v, jnp.zeros((7, D), jnp.float32)], axis=0)

    @pl.when(i == 0)
    def _():
        sq_ref[...] = jnp.zeros_like(sq_ref)

    sq_ref[...] += upd


def _tc_var(m2, stats):
    return pl.pallas_call(
        _tc_var_body,
        grid=(NBLK,),
        in_specs=[
            pl.BlockSpec((BR, D), lambda i: (i, 0)),
            pl.BlockSpec((8, D), lambda i: (0, 0)),
        ],
        out_specs=pl.BlockSpec((8, D), lambda i: (0, 0)),
        out_shape=jax.ShapeDtypeStruct((8, D), jnp.float32),
    )(m2, stats)


def _tc_norm_body(m2_ref, stats_ref, sq_ref, g_ref, be_ref, h_ref):
    mean = stats_ref[0:1, :] / N
    var = sq_ref[0:1, :] / N
    h_ref[...] = _leaky((m2_ref[...] - mean) / jnp.sqrt(var + 1e-5)
                        * g_ref[...] + be_ref[...])


def _tc_norm(m2, stats, sq, g, be):
    return pl.pallas_call(
        _tc_norm_body,
        grid=(NBLK,),
        in_specs=[
            pl.BlockSpec((BR, D), lambda i: (i, 0)),
            pl.BlockSpec((8, D), lambda i: (0, 0)),
            pl.BlockSpec((8, D), lambda i: (0, 0)),
            pl.BlockSpec((1, D), lambda i: (0, 0)),
            pl.BlockSpec((1, D), lambda i: (0, 0)),
        ],
        out_specs=pl.BlockSpec((BR, D), lambda i: (i, 0)),
        out_shape=jax.ShapeDtypeStruct((N, D), jnp.float32),
    )(m2, stats, sq, g, be)


def _tc_pool_body(m2_ref, stats_ref, sq_ref, g_ref, be_ref, batch_ref,
                  wf1_ref, bf1_ref, gf_ref, bef_ref, wf2_ref, bf2_ref,
                  out_ref, psum_ref, cnt_ref):
    i = pl.program_id(0)
    mean = stats_ref[0:1, :] / N
    var = sq_ref[0:1, :] / N
    h = _leaky((m2_ref[...] - mean) / jnp.sqrt(var + 1e-5)
               * g_ref[...] + be_ref[...])

    b = batch_ref[0, 0, :]
    seg = lax.broadcasted_iota(jnp.int32, (BR, B), 1)
    onehot = (b[:, None] == seg).astype(jnp.float32)

    @pl.when(i == 0)
    def _():
        psum_ref[...] = jnp.zeros_like(psum_ref)
        cnt_ref[...] = jnp.zeros_like(cnt_ref)

    dn = (((0,), (0,)), ((), ()))
    psum_ref[...] += lax.dot_general(onehot, h, dn,
                                     preferred_element_type=jnp.float32,
                                     precision=lax.Precision.HIGHEST)
    cnt_ref[...] += lax.dot_general(onehot, jnp.ones((BR, D), jnp.float32),
                                    dn, preferred_element_type=jnp.float32,
                                    precision=lax.Precision.HIGHEST)

    @pl.when(i == NBLK - 1)
    def _():
        pooled = psum_ref[...] / jnp.maximum(cnt_ref[...], 1.0)
        z = jnp.dot(pooled, wf1_ref[...], preferred_element_type=jnp.float32,
                    precision=lax.Precision.DEFAULT) + bf1_ref[...]
        zm = jnp.mean(z, axis=0, keepdims=True)
        zd = z - zm
        zv = jnp.mean(zd * zd, axis=0, keepdims=True)
        z = _leaky(zd / jnp.sqrt(zv + 1e-5) * gf_ref[...] + bef_ref[...])
        out_ref[...] = jnp.dot(z, wf2_ref[...], preferred_element_type=jnp.float32,
                               precision=lax.Precision.DEFAULT) + bf2_ref[...]


def _tc_pool(m2, stats, sq, g, be, batchr, wf1, bf1, gf, bef, wf2p, bf2p):
    return pl.pallas_call(
        _tc_pool_body,
        grid=(NBLK,),
        in_specs=[
            pl.BlockSpec((BR, D), lambda i: (i, 0)),
            pl.BlockSpec((8, D), lambda i: (0, 0)),
            pl.BlockSpec((8, D), lambda i: (0, 0)),
            pl.BlockSpec((1, D), lambda i: (0, 0)),
            pl.BlockSpec((1, D), lambda i: (0, 0)),
            pl.BlockSpec((1, 1, BR), lambda i: (i, 0, 0)),
            pl.BlockSpec((D, D), lambda i: (0, 0)),
            pl.BlockSpec((1, D), lambda i: (0, 0)),
            pl.BlockSpec((1, D), lambda i: (0, 0)),
            pl.BlockSpec((1, D), lambda i: (0, 0)),
            pl.BlockSpec((D, 16), lambda i: (0, 0)),
            pl.BlockSpec((1, 16), lambda i: (0, 0)),
        ],
        out_specs=pl.BlockSpec((B, 16), lambda i: (0, 0)),
        out_shape=jax.ShapeDtypeStruct((B, 16), jnp.float32),
        scratch_shapes=[
            pltpu.VMEM((B, D), jnp.float32),
            pltpu.VMEM((B, D), jnp.float32),
        ],
    )(m2, stats, sq, g, be, batchr, wf1, bf1, gf, bef, wf2p, bf2p)


def _prep_edges(src, dst):
    perm = jnp.argsort(dst, stable=True)
    src_s = src[perm]
    dst_s = dst[perm]
    starts = jnp.searchsorted(dst_s, jnp.arange(N + 1, dtype=jnp.int32))
    starts = starts.astype(jnp.int32)
    ps = jnp.sort(jnp.concatenate([
        starts, jnp.arange(1, NW, dtype=jnp.int32) * (E // NW)]))
    NPR = ps.shape[0] - 1
    NCOL = NW * K
    CL = E // NCOL
    colr = ps[:-1] // CL
    first_r = jnp.searchsorted(colr, jnp.arange(NCOL, dtype=jnp.int32),
                               side="left").astype(jnp.int32)
    s0col = ps[jnp.clip(first_r, 0, NPR - 1)]

    ei = jnp.arange(E, dtype=jnp.int32)
    pr_e = jnp.searchsorted(ps, ei, side="right").astype(jnp.int32) - 1
    cidx_e = ei - s0col[colr[pr_e]]
    total_ok = jnp.max(cidx_e) < NCHUNK

    slot = jnp.arange(EP, dtype=jnp.int32)
    t = slot // EPW
    rem = slot % EPW
    c = rem // K
    j = rem % K
    col = t * K + j
    e = s0col[col] + c
    ec = jnp.clip(e, 0, E - 1)
    rowe = dst_s[ec]
    pr_slot = jnp.searchsorted(ps, ec, side="right").astype(jnp.int32) - 1
    valid = (e < E) & (colr[pr_slot] == col)
    pad_dst = (N + (slot % (N_PAD - N))).astype(jnp.int32)
    pad_src = slot % N
    src_p = jnp.where(valid, src_s[ec], pad_src)
    dst_p = jnp.where(valid, rowe, pad_dst)
    tail = slot < E
    src_f = jnp.where(tail, src_s[jnp.clip(slot, 0, E - 1)], pad_src)
    dst_f = jnp.where(tail, dst_s[jnp.clip(slot, 0, E - 1)], pad_dst)
    srcr = jnp.where(total_ok, src_p, src_f).reshape(NW, NG, GC, K)
    dstr = jnp.where(total_ok, dst_p, dst_f).reshape(NW, NG, GC, K)
    return srcr, dstr


def kernel(x, edge_index, batch, node_ids,
           W1a, b1a, W1b, b1b, g1, be1,
           W2a, b2a, W2b, b2b, g2, be2,
           W3a, b3a, W3b, b3b, g3, be3,
           W4a, b4a, W4b, b4b, g4, be4,
           Wf1, bf1, gf, bef, Wf2, bf2):
    srcr, dstr = _prep_edges(edge_index[0], edge_index[1])
    zeros = jnp.zeros((N_PAD, D), jnp.float32)
    batchr = batch.reshape(NBLK, 1, BR)

    r1 = lambda v: v.reshape(1, D)
    layers = [
        (W1a, r1(b1a), W1b, r1(b1b), r1(g1), r1(be1)),
        (W2a, r1(b2a), W2b, r1(b2b), r1(g2), r1(be2)),
        (W3a, r1(b3a), W3b, r1(b3b), r1(g3), r1(be3)),
        (W4a, r1(b4a), W4b, r1(b4b), r1(g4), r1(be4)),
    ]

    h = x
    m2 = stats = sq = None
    for li, (wa, ba, wb, bb, g, be) in enumerate(layers):
        p = _get_sc_scatter()(h, srcr, dstr, zeros)
        m2, stats = _tc_layer(h, p, wa, ba, wb, bb)
        sq = _tc_var(m2, stats)
        if li < 3:
            h = _tc_norm(m2, stats, sq, g, be)

    wf2p = jnp.pad(Wf2, ((0, 0), (0, 16 - C)))
    bf2p = jnp.pad(bf2, (0, 16 - C)).reshape(1, 16)
    z = _tc_pool(m2, stats, sq, layers[3][4], layers[3][5], batchr,
                 Wf1, r1(bf1), gf.reshape(1, D), bef.reshape(1, D),
                 wf2p, bf2p)
    return z[:, :C]

# --- scband reference (transcript-rebuilt; emitter-appended) ---
"""Pipeline reference for scband-gnnclassifier-gin-33397665693794 (READ-ONLY COPY).

The authoritative reference and input builder live on the scoring server;
editing this copy changes nothing except your own understanding.
"""

import jax, jax.numpy as jnp
import numpy as np

N, E, D, H, C, B = 10000, 320000, 128, 128, 10, 64


def _leaky(x):
    return jnp.where(x >= 0, x, 0.1 * x)


def _bn(x, g, b):
    m = jnp.mean(x, axis=0)
    v = jnp.var(x, axis=0)
    return (x - m) / jnp.sqrt(v + 1e-5) * g + b


def setup_inputs(seed: int = 0):
    key = jax.random.key(seed)
    ks = jax.random.split(key, 40)
    ki = iter(ks)
    inp = {}
    inp["x"] = jax.random.normal(next(ki), (N, D), dtype=jnp.float32)
    inp["edge_index"] = jax.random.randint(next(ki), (2, E), 0, N, dtype=jnp.int32)
    inp["batch"] = jnp.sort(jax.random.randint(next(ki), (N,), 0, B, dtype=jnp.int32))
    inp["node_ids"] = jax.random.randint(next(ki), (N,), 0, N, dtype=jnp.int32)

    def lin(kk, i, o):
        return (jax.random.normal(kk, (i, o), dtype=jnp.float32) / np.sqrt(i)).astype(jnp.float32)

    dims = [(D, H), (H, H), (H, H), (H, H)]
    for i, (di, do) in enumerate(dims, start=1):
        inp["W%da" % i] = lin(next(ki), di, do)
        inp["b%da" % i] = jnp.zeros((do,), jnp.float32)
        inp["W%db" % i] = lin(next(ki), do, do)
        inp["b%db" % i] = jnp.zeros((do,), jnp.float32)
        inp["g%d" % i] = jnp.ones((do,), jnp.float32)
        inp["be%d" % i] = jnp.zeros((do,), jnp.float32)
    inp["Wf1"] = lin(next(ki), H, H)
    inp["bf1"] = jnp.zeros((H,), jnp.float32)
    inp["gf"] = jnp.ones((H,), jnp.float32)
    inp["bef"] = jnp.zeros((H,), jnp.float32)
    inp["Wf2"] = lin(next(ki), H, C)
    inp["bf2"] = jnp.zeros((C,), jnp.float32)
    return inp


def reference(x, edge_index, batch, node_ids, W1a, b1a, W1b, b1b, g1, be1, W2a, b2a, W2b, b2b, g2, be2, W3a, b3a, W3b, b3b, g3, be3, W4a, b4a, W4b, b4b, g4, be4, Wf1, bf1, gf, bef, Wf2, bf2):
    src = edge_index[0]
    dst = edge_index[1]
    layers = [(W1a, b1a, W1b, b1b, g1, be1), (W2a, b2a, W2b, b2b, g2, be2), (W3a, b3a, W3b, b3b, g3, be3), (W4a, b4a, W4b, b4b, g4, be4)]
    h = x
    for (Wa, ba, Wb, bb, g, be) in layers:
        # GINConv (eps=0, sum aggregation): mlp((1+eps)*x + sum_{j in N(i)} x_j)
        agg = jnp.zeros_like(h).at[dst].add(h[src])
        m = h + agg
        m = _leaky(m @ Wa + ba)
        m = _leaky(m @ Wb + bb)
        # BatchNorm (batch stats) + LeakyReLU; dropout is identity in eval
        h = _leaky(_bn(m, g, be))
    sums = jax.ops.segment_sum(h, batch, num_segments=B)
    cnt = jax.ops.segment_sum(jnp.ones((h.shape[0], 1), h.dtype), batch, num_segments=B)
    pooled = sums / jnp.maximum(cnt, 1.0)
    z = pooled @ Wf1 + bf1
    z = _leaky(_bn(z, gf, bef))
    z = z @ Wf2 + bf2
    return z

if __name__ == "__main__":
    import jax
    _d = setup_inputs()
    print(jax.jit(kernel)(*tuple(_d.values())))

</pallas_src>

<mosaic_0001>
#map = affine_map<(d0, d1) -> (0, 0)>
#map1 = affine_map<(d0, d1) -> (0, 0, 0, 0)>
#map2 = affine_map<(d0, d1) -> (0, 0, 0)>
module attributes {stable_mosaic.version = 14 : i64} {
  func.func @_sc_scatter_body(%arg0: i32, %arg1: i32, %arg2: memref<10000x128xf32, #tpu.memory_space<hbm>>, %arg3: memref<32x4x47x80xi32, #tpu.memory_space<hbm>>, %arg4: memref<32x4x47x80xi32, #tpu.memory_space<hbm>>, %arg5: memref<10240x128xf32, #tpu.memory_space<hbm>>, %arg6: memref<2x10240x128xf32, #tpu.memory_space<hbm>>, %arg7: memref<47x80xi32, #tpu.memory_space<vmem>>, %arg8: memref<47x80xi32, #tpu.memory_space<vmem>>, %arg9: memref<80x128xf32, #tpu.memory_space<vmem>>, %arg10: memref<10240x128xf32, #tpu.memory_space<vmem_shared>>, %arg11: memref<!tpu.dma_semaphore, #tpu.memory_space<semaphore_mem>>) attributes {dimension_semantics = [#tpu.dimension_semantics<core_parallel>, #tpu.dimension_semantics<subcore_parallel>], iteration_bounds = array<i64: 2, 16>, scalar_prefetch = 0 : i64, scratch_operands = 5 : i64, tpu.core_type = #tpu.core_type<sc_vector_subcore>, window_params = [{transform_indices = #map}, {transform_indices = #map1}, {transform_indices = #map1}, {transform_indices = #map}, {transform_indices = #map2}]} {
    %mul3A = arith.constant 2 : i32
    %mul3A_0 = arith.muli %arg1, %mul3A : i32
    %add3A = arith.addi %mul3A_0, %arg0 : i32
    %mul3A_1 = arith.constant 640 : i32
    %mul3A_2 = arith.muli %arg1, %mul3A_1 : i32
    %mul3A_3 = arith.constant 640 : i32
    %mul3A_4 = arith.muli %arg1, %mul3A_3 : i32
    "tpu.region"() ({
      %run_scoped3A_36 = tpu.sem_alloc : memref<!tpu.dma_semaphore, #tpu.memory_space<semaphore_mem>>
      %dma_start3A = arith.constant 0 : i32
      %dma_start3A_37 = tpu.memref_slice %arg10[%mul3A_4, %dma_start3A] : memref<10240x128xf32, #tpu.memory_space<vmem_shared>> -> memref<640x128xf32, #tpu.memory_space<vmem_shared>>
      %dma_start3A_38 = arith.constant 0 : i32
      %dma_start3A_39 = tpu.memref_slice %arg5[%mul3A_2, %dma_start3A_38] : memref<10240x128xf32, #tpu.memory_space<hbm>> -> memref<640x128xf32, #tpu.memory_space<hbm>>
      tpu.enqueue_dma source(%dma_start3A_39 : memref<640x128xf32, #tpu.memory_space<hbm>>) target(%dma_start3A_37 : memref<640x128xf32, #tpu.memory_space<vmem_shared>>) target_semaphore(%run_scoped3A_36 : memref<!tpu.dma_semaphore, #tpu.memory_space<semaphore_mem>>)
      %dma_wait3A = arith.constant 0 : i32
      %dma_wait3A_40 = tpu.memref_slice %arg10[%mul3A_4, %dma_wait3A] : memref<10240x128xf32, #tpu.memory_space<vmem_shared>> -> memref<640x128xf32, #tpu.memory_space<vmem_shared>>
      %dma_wait3A_41 = arith.constant 0 : i32
      %dma_wait3A_42 = tpu.memref_slice %arg5[%mul3A_2, %dma_wait3A_41] : memref<10240x128xf32, #tpu.memory_space<hbm>> -> memref<640x128xf32, #tpu.memory_space<hbm>>
      tpu.wait_dma2 semaphore(%run_scoped3A_36 : memref<!tpu.dma_semaphore, #tpu.memory_space<semaphore_mem>>) src(%dma_wait3A_42 : memref<640x128xf32, #tpu.memory_space<hbm>>) dst(%dma_wait3A_40 : memref<640x128xf32, #tpu.memory_space<vmem_shared>>)
      tpu.yield
    }) : () -> ()
    %barrier3A = arith.constant 0 : index
    tpu.barrier barrier_id(%barrier3A)
    %run_scoped3A = arith.constant 0 : i32
    "tpu.region"() ({
      %run_scoped3A_36 = tpu.sem_alloc : memref<!tpu.dma_semaphore, #tpu.memory_space<semaphore_mem>>
      %dma_start3A = arith.constant 0 : i32
      %dma_start3A_37 = arith.constant 0 : i32
      %dma_start3A_38 = tpu.memref_slice %arg3[%add3A, %run_scoped3A, %dma_start3A, %dma_start3A_37] : memref<32x4x47x80xi32, #tpu.memory_space<hbm>> -> memref<1x1x47x80xi32, #tpu.memory_space<hbm>>
      %dma_start3A_39 = tpu.memref_squeeze %dma_start3A_38 : memref<1x1x47x80xi32, #tpu.memory_space<hbm>> -> memref<47x80xi32, #tpu.memory_space<hbm>>
      %dma_start3A_40 = arith.constant 0 : i32
      %dma_start3A_41 = arith.constant 0 : i32
      %dma_start3A_42 = tpu.memref_slice %arg3[%add3A, %run_scoped3A, %dma_start3A_40, %dma_start3A_41] : memref<32x4x47x80xi32, #tpu.memory_space<hbm>> -> memref<1x1x47x80xi32, #tpu.memory_space<hbm>>
      %dma_start3A_43 = tpu.memref_squeeze %dma_start3A_42 : memref<1x1x47x80xi32, #tpu.memory_space<hbm>> -> memref<47x80xi32, #tpu.memory_space<hbm>>
      tpu.enqueue_dma source(%dma_start3A_43 : memref<47x80xi32, #tpu.memory_space<hbm>>) target(%arg7 : memref<47x80xi32, #tpu.memory_space<vmem>>) target_semaphore(%run_scoped3A_36 : memref<!tpu.dma_semaphore, #tpu.memory_space<semaphore_mem>>)
      %dma_wait3A = arith.constant 0 : i32
      %dma_wait3A_44 = arith.constant 0 : i32
      %dma_wait3A_45 = tpu.memref_slice %arg3[%add3A, %run_scoped3A, %dma_wait3A, %dma_wait3A_44] : memref<32x4x47x80xi32, #tpu.memory_space<hbm>> -> memref<1x1x47x80xi32, #tpu.memory_space<hbm>>
      %dma_wait3A_46 = tpu.memref_squeeze %dma_wait3A_45 : memref<1x1x47x80xi32, #tpu.memory_space<hbm>> -> memref<47x80xi32, #tpu.memory_space<hbm>>
      %dma_wait3A_47 = arith.constant 0 : i32
      %dma_wait3A_48 = arith.constant 0 : i32
      %dma_wait3A_49 = tpu.memref_slice %arg3[%add3A, %run_scoped3A, %dma_wait3A_47, %dma_wait3A_48] : memref<32x4x47x80xi32, #tpu.memory_space<hbm>> -> memref<1x1x47x80xi32, #tpu.memory_space<hbm>>
      %dma_wait3A_50 = tpu.memref_squeeze %dma_wait3A_49 : memref<1x1x47x80xi32, #tpu.memory_space<hbm>> -> memref<47x80xi32, #tpu.memory_space<hbm>>
      tpu.wait_dma2 semaphore(%run_scoped3A_36 : memref<!tpu.dma_semaphore, #tpu.memory_space<semaphore_mem>>) src(%dma_wait3A_50 : memref<47x80xi32, #tpu.memory_space<hbm>>) dst(%arg7 : memref<47x80xi32, #tpu.memory_space<vmem>>)
      tpu.yield
    }) : () -> ()
    %run_scoped3A_5 = arith.constant 0 : i32
    "tpu.region"() ({
      %run_scoped3A_36 = tpu.sem_alloc : memref<!tpu.dma_semaphore, #tpu.memory_space<semaphore_mem>>
      %dma_start3A = arith.constant 0 : i32
      %dma_start3A_37 = arith.constant 0 : i32
      %dma_start3A_38 = tpu.memref_slice %arg4[%add3A, %run_scoped3A_5, %dma_start3A, %dma_start3A_37] : memref<32x4x47x80xi32, #tpu.memory_space<hbm>> -> memref<1x1x47x80xi32, #tpu.memory_space<hbm>>
      %dma_start3A_39 = tpu.memref_squeeze %dma_start3A_38 : memref<1x1x47x80xi32, #tpu.memory_space<hbm>> -> memref<47x80xi32, #tpu.memory_space<hbm>>
      %dma_start3A_40 = arith.constant 0 : i32
      %dma_start3A_41 = arith.constant 0 : i32
      %dma_start3A_42 = tpu.memref_slice %arg4[%add3A, %run_scoped3A_5, %dma_start3A_40, %dma_start3A_41] : memref<32x4x47x80xi32, #tpu.memory_space<hbm>> -> memref<1x1x47x80xi32, #tpu.memory_space<hbm>>
      %dma_start3A_43 = tpu.memref_squeeze %dma_start3A_42 : memref<1x1x47x80xi32, #tpu.memory_space<hbm>> -> memref<47x80xi32, #tpu.memory_space<hbm>>
      tpu.enqueue_dma source(%dma_start3A_43 : memref<47x80xi32, #tpu.memory_space<hbm>>) target(%arg8 : memref<47x80xi32, #tpu.memory_space<vmem>>) target_semaphore(%run_scoped3A_36 : memref<!tpu.dma_semaphore, #tpu.memory_space<semaphore_mem>>)
      %dma_wait3A = arith.constant 0 : i32
      %dma_wait3A_44 = arith.constant 0 : i32
      %dma_wait3A_45 = tpu.memref_slice %arg4[%add3A, %run_scoped3A_5, %dma_wait3A, %dma_wait3A_44] : memref<32x4x47x80xi32, #tpu.memory_space<hbm>> -> memref<1x1x47x80xi32, #tpu.memory_space<hbm>>
      %dma_wait3A_46 = tpu.memref_squeeze %dma_wait3A_45 : memref<1x1x47x80xi32, #tpu.memory_space<hbm>> -> memref<47x80xi32, #tpu.memory_space<hbm>>
      %dma_wait3A_47 = arith.constant 0 : i32
      %dma_wait3A_48 = arith.constant 0 : i32
      %dma_wait3A_49 = tpu.memref_slice %arg4[%add3A, %run_scoped3A_5, %dma_wait3A_47, %dma_wait3A_48] : memref<32x4x47x80xi32, #tpu.memory_space<hbm>> -> memref<1x1x47x80xi32, #tpu.memory_space<hbm>>
      %dma_wait3A_50 = tpu.memref_squeeze %dma_wait3A_49 : memref<1x1x47x80xi32, #tpu.memory_space<hbm>> -> memref<47x80xi32, #tpu.memory_space<hbm>>
      tpu.wait_dma2 semaphore(%run_scoped3A_36 : memref<!tpu.dma_semaphore, #tpu.memory_space<semaphore_mem>>) src(%dma_wait3A_50 : memref<47x80xi32, #tpu.memory_space<hbm>>) dst(%arg8 : memref<47x80xi32, #tpu.memory_space<vmem>>)
      tpu.yield
    }) : () -> ()
    %scan3A = arith.constant 0 : i32
    %scan3A_6 = arith.constant 47 : i32
    %scan3A_7 = arith.addi %scan3A, %scan3A_6 : i32
    %scan3A_8 = arith.constant 1 : i32
    scf.for %scan3A_36 = %scan3A to %scan3A_7 step %scan3A_8  : i32 {
      %dma_start3A = arith.constant 0 : i32
      %dma_start3A_37 = tpu.memref_slice %arg7[%scan3A_36, %dma_start3A] : memref<47x80xi32, #tpu.memory_space<vmem>> -> memref<1x80xi32, #tpu.memory_space<vmem>>
      %dma_start3A_38 = tpu.memref_squeeze %dma_start3A_37 : memref<1x80xi32, #tpu.memory_space<vmem>> -> memref<80xi32, #tpu.memory_space<vmem>>
      %dma_start3A_39 = arith.constant 0 : i32
      %dma_start3A_40 = arith.constant 0 : i32
      %dma_start3A_41 = tpu.memref_slice %arg2[%dma_start3A_39, %dma_start3A_40] : memref<10000x128xf32, #tpu.memory_space<hbm>> -> memref<10000x128xf32, #tpu.memory_space<hbm>>
      tpu.enqueue_indirect_dma source(%dma_start3A_41 : memref<10000x128xf32, #tpu.memory_space<hbm>>) target(%arg9 : memref<80x128xf32, #tpu.memory_space<vmem>>) offsets(%dma_start3A_38 : memref<80xi32, #tpu.memory_space<vmem>>) semaphore(%arg11 : memref<!tpu.dma_semaphore, #tpu.memory_space<semaphore_mem>>)
      %dma_wait3A = arith.constant 0 : i32
      %dma_wait3A_42 = tpu.memref_slice %arg7[%scan3A_36, %dma_wait3A] : memref<47x80xi32, #tpu.memory_space<vmem>> -> memref<1x80xi32, #tpu.memory_space<vmem>>
      %dma_wait3A_43 = tpu.memref_squeeze %dma_wait3A_42 : memref<1x80xi32, #tpu.memory_space<vmem>> -> memref<80xi32, #tpu.memory_space<vmem>>
      %dma_wait3A_44 = arith.constant 0 : i32
      %dma_wait3A_45 = arith.constant 0 : i32
      %dma_wait3A_46 = tpu.memref_slice %arg2[%dma_wait3A_44, %dma_wait3A_45] : memref<10000x128xf32, #tpu.memory_space<hbm>> -> memref<10000x128xf32, #tpu.memory_space<hbm>>
      tpu.wait_indirect_dma semaphore(%arg11 : memref<!tpu.dma_semaphore, #tpu.memory_space<semaphore_mem>>) src(%dma_wait3A_46 : memref<10000x128xf32, #tpu.memory_space<hbm>>) dst(%arg9 : memref<80x128xf32, #tpu.memory_space<vmem>>)
      "tpu.region"() ({
        %run_scoped3A_47 = tpu.sem_alloc : memref<!tpu.dma_semaphore, #tpu.memory_space<semaphore_mem>>
        %dma_start3A_48 = arith.constant 0 : i32
        %dma_start3A_49 = tpu.memref_slice %arg8[%scan3A_36, %dma_start3A_48] : memref<47x80xi32, #tpu.memory_space<vmem>> -> memref<1x80xi32, #tpu.memory_space<vmem>>
        %dma_start3A_50 = tpu.memref_squeeze %dma_start3A_49 : memref<1x80xi32, #tpu.memory_space<vmem>> -> memref<80xi32, #tpu.memory_space<vmem>>
        %dma_start3A_51 = arith.constant 0 : i32
        %dma_start3A_52 = arith.constant 0 : i32
        %dma_start3A_53 = tpu.memref_slice %arg10[%dma_start3A_51, %dma_start3A_52] : memref<10240x128xf32, #tpu.memory_space<vmem_shared>> -> memref<10240x128xf32, #tpu.memory_space<vmem_shared>>
        tpu.enqueue_indirect_dma source(%arg9 : memref<80x128xf32, #tpu.memory_space<vmem>>) target(%dma_start3A_53 : memref<10240x128xf32, #tpu.memory_space<vmem_shared>>) offsets(%dma_start3A_50 : memref<80xi32, #tpu.memory_space<vmem>>) semaphore(%run_scoped3A_47 : memref<!tpu.dma_semaphore, #tpu.memory_space<semaphore_mem>>) {add = true}
        %dma_wait3A_54 = arith.constant 0 : i32
        %dma_wait3A_55 = tpu.memref_slice %arg8[%scan3A_36, %dma_wait3A_54] : memref<47x80xi32, #tpu.memory_space<vmem>> -> memref<1x80xi32, #tpu.memory_space<vmem>>
        %dma_wait3A_56 = tpu.memref_squeeze %dma_wait3A_55 : memref<1x80xi32, #tpu.memory_space<vmem>> -> memref<80xi32, #tpu.memory_space<vmem>>
        %dma_wait3A_57 = arith.constant 0 : i32
        %dma_wait3A_58 = arith.constant 0 : i32
        %dma_wait3A_59 = tpu.memref_slice %arg10[%dma_wait3A_57, %dma_wait3A_58] : memref<10240x128xf32, #tpu.memory_space<vmem_shared>> -> memref<10240x128xf32, #tpu.memory_space<vmem_shared>>
        tpu.wait_indirect_dma semaphore(%run_scoped3A_47 : memref<!tpu.dma_semaphore, #tpu.memory_space<semaphore_mem>>) src(%arg9 : memref<80x128xf32, #tpu.memory_space<vmem>>) dst(%dma_wait3A_59 : memref<10240x128xf32, #tpu.memory_space<vmem_shared>>)
        tpu.yield
      }) : () -> ()
    }
    %scan3A_9 = arith.constant 47 : i32
    %run_scoped3A_10 = arith.constant 1 : i32
    "tpu.region"() ({
      %run_scoped3A_36 = tpu.sem_alloc : memref<!tpu.dma_semaphore, #tpu.memory_space<semaphore_mem>>
      %dma_start3A = arith.constant 0 : i32
      %dma_start3A_37 = arith.constant 0 : i32
      %dma_start3A_38 = tpu.memref_slice %arg3[%add3A, %run_scoped3A_10, %dma_start3A, %dma_start3A_37] : memref<32x4x47x80xi32, #tpu.memory_space<hbm>> -> memref<1x1x47x80xi32, #tpu.memory_space<hbm>>
      %dma_start3A_39 = tpu.memref_squeeze %dma_start3A_38 : memref<1x1x47x80xi32, #tpu.memory_space<hbm>> -> memref<47x80xi32, #tpu.memory_space<hbm>>
      %dma_start3A_40 = arith.constant 0 : i32
      %dma_start3A_41 = arith.constant 0 : i32
      %dma_start3A_42 = tpu.memref_slice %arg3[%add3A, %run_scoped3A_10, %dma_start3A_40, %dma_start3A_41] : memref<32x4x47x80xi32, #tpu.memory_space<hbm>> -> memref<1x1x47x80xi32, #tpu.memory_space<hbm>>
      %dma_start3A_43 = tpu.memref_squeeze %dma_start3A_42 : memref<1x1x47x80xi32, #tpu.memory_space<hbm>> -> memref<47x80xi32, #tpu.memory_space<hbm>>
      tpu.enqueue_dma source(%dma_start3A_43 : memref<47x80xi32, #tpu.memory_space<hbm>>) target(%arg7 : memref<47x80xi32, #tpu.memory_space<vmem>>) target_semaphore(%run_scoped3A_36 : memref<!tpu.dma_semaphore, #tpu.memory_space<semaphore_mem>>)
      %dma_wait3A = arith.constant 0 : i32
      %dma_wait3A_44 = arith.constant 0 : i32
      %dma_wait3A_45 = tpu.memref_slice %arg3[%add3A, %run_scoped3A_10, %dma_wait3A, %dma_wait3A_44] : memref<32x4x47x80xi32, #tpu.memory_space<hbm>> -> memref<1x1x47x80xi32, #tpu.memory_space<hbm>>
      %dma_wait3A_46 = tpu.memref_squeeze %dma_wait3A_45 : memref<1x1x47x80xi32, #tpu.memory_space<hbm>> -> memref<47x80xi32, #tpu.memory_space<hbm>>
      %dma_wait3A_47 = arith.constant 0 : i32
      %dma_wait3A_48 = arith.constant 0 : i32
      %dma_wait3A_49 = tpu.memref_slice %arg3[%add3A, %run_scoped3A_10, %dma_wait3A_47, %dma_wait3A_48] : memref<32x4x47x80xi32, #tpu.memory_space<hbm>> -> memref<1x1x47x80xi32, #tpu.memory_space<hbm>>
      %dma_wait3A_50 = tpu.memref_squeeze %dma_wait3A_49 : memref<1x1x47x80xi32, #tpu.memory_space<hbm>> -> memref<47x80xi32, #tpu.memory_space<hbm>>
      tpu.wait_dma2 semaphore(%run_scoped3A_36 : memref<!tpu.dma_semaphore, #tpu.memory_space<semaphore_mem>>) src(%dma_wait3A_50 : memref<47x80xi32, #tpu.memory_space<hbm>>) dst(%arg7 : memref<47x80xi32, #tpu.memory_space<vmem>>)
      tpu.yield
    }) : () -> ()
    %run_scoped3A_11 = arith.constant 1 : i32
    "tpu.region"() ({
      %run_scoped3A_36 = tpu.sem_alloc : memref<!tpu.dma_semaphore, #tpu.memory_space<semaphore_mem>>
      %dma_start3A = arith.constant 0 : i32
      %dma_start3A_37 = arith.constant 0 : i32
      %dma_start3A_38 = tpu.memref_slice %arg4[%add3A, %run_scoped3A_11, %dma_start3A, %dma_start3A_37] : memref<32x4x47x80xi32, #tpu.memory_space<hbm>> -> memref<1x1x47x80xi32, #tpu.memory_space<hbm>>
      %dma_start3A_39 = tpu.memref_squeeze %dma_start3A_38 : memref<1x1x47x80xi32, #tpu.memory_space<hbm>> -> memref<47x80xi32, #tpu.memory_space<hbm>>
      %dma_start3A_40 = arith.constant 0 : i32
      %dma_start3A_41 = arith.constant 0 : i32
      %dma_start3A_42 = tpu.memref_slice %arg4[%add3A, %run_scoped3A_11, %dma_start3A_40, %dma_start3A_41] : memref<32x4x47x80xi32, #tpu.memory_space<hbm>> -> memref<1x1x47x80xi32, #tpu.memory_space<hbm>>
      %dma_start3A_43 = tpu.memref_squeeze %dma_start3A_42 : memref<1x1x47x80xi32, #tpu.memory_space<hbm>> -> memref<47x80xi32, #tpu.memory_space<hbm>>
      tpu.enqueue_dma source(%dma_start3A_43 : memref<47x80xi32, #tpu.memory_space<hbm>>) target(%arg8 : memref<47x80xi32, #tpu.memory_space<vmem>>) target_semaphore(%run_scoped3A_36 : memref<!tpu.dma_semaphore, #tpu.memory_space<semaphore_mem>>)
      %dma_wait3A = arith.constant 0 : i32
      %dma_wait3A_44 = arith.constant 0 : i32
      %dma_wait3A_45 = tpu.memref_slice %arg4[%add3A, %run_scoped3A_11, %dma_wait3A, %dma_wait3A_44] : memref<32x4x47x80xi32, #tpu.memory_space<hbm>> -> memref<1x1x47x80xi32, #tpu.memory_space<hbm>>
      %dma_wait3A_46 = tpu.memref_squeeze %dma_wait3A_45 : memref<1x1x47x80xi32, #tpu.memory_space<hbm>> -> memref<47x80xi32, #tpu.memory_space<hbm>>
      %dma_wait3A_47 = arith.constant 0 : i32
      %dma_wait3A_48 = arith.constant 0 : i32
      %dma_wait3A_49 = tpu.memref_slice %arg4[%add3A, %run_scoped3A_11, %dma_wait3A_47, %dma_wait3A_48] : memref<32x4x47x80xi32, #tpu.memory_space<hbm>> -> memref<1x1x47x80xi32, #tpu.memory_space<hbm>>
      %dma_wait3A_50 = tpu.memref_squeeze %dma_wait3A_49 : memref<1x1x47x80xi32, #tpu.memory_space<hbm>> -> memref<47x80xi32, #tpu.memory_space<hbm>>
      tpu.wait_dma2 semaphore(%run_scoped3A_36 : memref<!tpu.dma_semaphore, #tpu.memory_space<semaphore_mem>>) src(%dma_wait3A_50 : memref<47x80xi32, #tpu.memory_space<hbm>>) dst(%arg8 : memref<47x80xi32, #tpu.memory_space<vmem>>)
      tpu.yield
    }) : () -> ()
    %scan3A_12 = arith.constant 0 : i32
    %scan3A_13 = arith.constant 47 : i32
    %scan3A_14 = arith.addi %scan3A_12, %scan3A_13 : i32
    %scan3A_15 = arith.constant 1 : i32
    scf.for %scan3A_36 = %scan3A_12 to %scan3A_14 step %scan3A_15  : i32 {
      %dma_start3A = arith.constant 0 : i32
      %dma_start3A_37 = tpu.memref_slice %arg7[%scan3A_36, %dma_start3A] : memref<47x80xi32, #tpu.memory_space<vmem>> -> memref<1x80xi32, #tpu.memory_space<vmem>>
      %dma_start3A_38 = tpu.memref_squeeze %dma_start3A_37 : memref<1x80xi32, #tpu.memory_space<vmem>> -> memref<80xi32, #tpu.memory_space<vmem>>
      %dma_start3A_39 = arith.constant 0 : i32
      %dma_start3A_40 = arith.constant 0 : i32
      %dma_start3A_41 = tpu.memref_slice %arg2[%dma_start3A_39, %dma_start3A_40] : memref<10000x128xf32, #tpu.memory_space<hbm>> -> memref<10000x128xf32, #tpu.memory_space<hbm>>
      tpu.enqueue_indirect_dma source(%dma_start3A_41 : memref<10000x128xf32, #tpu.memory_space<hbm>>) target(%arg9 : memref<80x128xf32, #tpu.memory_space<vmem>>) offsets(%dma_start3A_38 : memref<80xi32, #tpu.memory_space<vmem>>) semaphore(%arg11 : memref<!tpu.dma_semaphore, #tpu.memory_space<semaphore_mem>>)
      %dma_wait3A = arith.constant 0 : i32
      %dma_wait3A_42 = tpu.memref_slice %arg7[%scan3A_36, %dma_wait3A] : memref<47x80xi32, #tpu.memory_space<vmem>> -> memref<1x80xi32, #tpu.memory_space<vmem>>
      %dma_wait3A_43 = tpu.memref_squeeze %dma_wait3A_42 : memref<1x80xi32, #tpu.memory_space<vmem>> -> memref<80xi32, #tpu.memory_space<vmem>>
      %dma_wait3A_44 = arith.constant 0 : i32
      %dma_wait3A_45 = arith.constant 0 : i32
      %dma_wait3A_46 = tpu.memref_slice %arg2[%dma_wait3A_44, %dma_wait3A_45] : memref<10000x128xf32, #tpu.memory_space<hbm>> -> memref<10000x128xf32, #tpu.memory_space<hbm>>
      tpu.wait_indirect_dma semaphore(%arg11 : memref<!tpu.dma_semaphore, #tpu.memory_space<semaphore_mem>>) src(%dma_wait3A_46 : memref<10000x128xf32, #tpu.memory_space<hbm>>) dst(%arg9 : memref<80x128xf32, #tpu.memory_space<vmem>>)
      "tpu.region"() ({
        %run_scoped3A_47 = tpu.sem_alloc : memref<!tpu.dma_semaphore, #tpu.memory_space<semaphore_mem>>
        %dma_start3A_48 = arith.constant 0 : i32
        %dma_start3A_49 = tpu.memref_slice %arg8[%scan3A_36, %dma_start3A_48] : memref<47x80xi32, #tpu.memory_space<vmem>> -> memref<1x80xi32, #tpu.memory_space<vmem>>
        %dma_start3A_50 = tpu.memref_squeeze %dma_start3A_49 : memref<1x80xi32, #tpu.memory_space<vmem>> -> memref<80xi32, #tpu.memory_space<vmem>>
        %dma_start3A_51 = arith.constant 0 : i32
        %dma_start3A_52 = arith.constant 0 : i32
        %dma_start3A_53 = tpu.memref_slice %arg10[%dma_start3A_51, %dma_start3A_52] : memref<10240x128xf32, #tpu.memory_space<vmem_shared>> -> memref<10240x128xf32, #tpu.memory_space<vmem_shared>>
        tpu.enqueue_indirect_dma source(%arg9 : memref<80x128xf32, #tpu.memory_space<vmem>>) target(%dma_start3A_53 : memref<10240x128xf32, #tpu.memory_space<vmem_shared>>) offsets(%dma_start3A_50 : memref<80xi32, #tpu.memory_space<vmem>>) semaphore(%run_scoped3A_47 : memref<!tpu.dma_semaphore, #tpu.memory_space<semaphore_mem>>) {add = true}
        %dma_wait3A_54 = arith.constant 0 : i32
        %dma_wait3A_55 = tpu.memref_slice %arg8[%scan3A_36, %dma_wait3A_54] : memref<47x80xi32, #tpu.memory_space<vmem>> -> memref<1x80xi32, #tpu.memory_space<vmem>>
        %dma_wait3A_56 = tpu.memref_squeeze %dma_wait3A_55 : memref<1x80xi32, #tpu.memory_space<vmem>> -> memref<80xi32, #tpu.memory_space<vmem>>
        %dma_wait3A_57 = arith.constant 0 : i32
        %dma_wait3A_58 = arith.constant 0 : i32
        %dma_wait3A_59 = tpu.memref_slice %arg10[%dma_wait3A_57, %dma_wait3A_58] : memref<10240x128xf32, #tpu.memory_space<vmem_shared>> -> memref<10240x128xf32, #tpu.memory_space<vmem_shared>>
        tpu.wait_indirect_dma semaphore(%run_scoped3A_47 : memref<!tpu.dma_semaphore, #tpu.memory_space<semaphore_mem>>) src(%arg9 : memref<80x128xf32, #tpu.memory_space<vmem>>) dst(%dma_wait3A_59 : memref<10240x128xf32, #tpu.memory_space<vmem_shared>>)
        tpu.yield
      }) : () -> ()
    }
    %scan3A_16 = arith.constant 47 : i32
    %run_scoped3A_17 = arith.constant 2 : i32
    "tpu.region"() ({
      %run_scoped3A_36 = tpu.sem_alloc : memref<!tpu.dma_semaphore, #tpu.memory_space<semaphore_mem>>
      %dma_start3A = arith.constant 0 : i32
      %dma_start3A_37 = arith.constant 0 : i32
      %dma_start3A_38 = tpu.memref_slice %arg3[%add3A, %run_scoped3A_17, %dma_start3A, %dma_start3A_37] : memref<32x4x47x80xi32, #tpu.memory_space<hbm>> -> memref<1x1x47x80xi32, #tpu.memory_space<hbm>>
      %dma_start3A_39 = tpu.memref_squeeze %dma_start3A_38 : memref<1x1x47x80xi32, #tpu.memory_space<hbm>> -> memref<47x80xi32, #tpu.memory_space<hbm>>
      %dma_start3A_40 = arith.constant 0 : i32
      %dma_start3A_41 = arith.constant 0 : i32
      %dma_start3A_42 = tpu.memref_slice %arg3[%add3A, %run_scoped3A_17, %dma_start3A_40, %dma_start3A_41] : memref<32x4x47x80xi32, #tpu.memory_space<hbm>> -> memref<1x1x47x80xi32, #tpu.memory_space<hbm>>
      %dma_start3A_43 = tpu.memref_squeeze %dma_start3A_42 : memref<1x1x47x80xi32, #tpu.memory_space<hbm>> -> memref<47x80xi32, #tpu.memory_space<hbm>>
      tpu.enqueue_dma source(%dma_start3A_43 : memref<47x80xi32, #tpu.memory_space<hbm>>) target(%arg7 : memref<47x80xi32, #tpu.memory_space<vmem>>) target_semaphore(%run_scoped3A_36 : memref<!tpu.dma_semaphore, #tpu.memory_space<semaphore_mem>>)
      %dma_wait3A = arith.constant 0 : i32
      %dma_wait3A_44 = arith.constant 0 : i32
      %dma_wait3A_45 = tpu.memref_slice %arg3[%add3A, %run_scoped3A_17, %dma_wait3A, %dma_wait3A_44] : memref<32x4x47x80xi32, #tpu.memory_space<hbm>> -> memref<1x1x47x80xi32, #tpu.memory_space<hbm>>
      %dma_wait3A_46 = tpu.memref_squeeze %dma_wait3A_45 : memref<1x1x47x80xi32, #tpu.memory_space<hbm>> -> memref<47x80xi32, #tpu.memory_space<hbm>>
      %dma_wait3A_47 = arith.constant 0 : i32
      %dma_wait3A_48 = arith.constant 0 : i32
      %dma_wait3A_49 = tpu.memref_slice %arg3[%add3A, %run_scoped3A_17, %dma_wait3A_47, %dma_wait3A_48] : memref<32x4x47x80xi32, #tpu.memory_space<hbm>> -> memref<1x1x47x80xi32, #tpu.memory_space<hbm>>
      %dma_wait3A_50 = tpu.memref_squeeze %dma_wait3A_49 : memref<1x1x47x80xi32, #tpu.memory_space<hbm>> -> memref<47x80xi32, #tpu.memory_space<hbm>>
      tpu.wait_dma2 semaphore(%run_scoped3A_36 : memref<!tpu.dma_semaphore, #tpu.memory_space<semaphore_mem>>) src(%dma_wait3A_50 : memref<47x80xi32, #tpu.memory_space<hbm>>) dst(%arg7 : memref<47x80xi32, #tpu.memory_space<vmem>>)
      tpu.yield
    }) : () -> ()
    %run_scoped3A_18 = arith.constant 2 : i32
    "tpu.region"() ({
      %run_scoped3A_36 = tpu.sem_alloc : memref<!tpu.dma_semaphore, #tpu.memory_space<semaphore_mem>>
      %dma_start3A = arith.constant 0 : i32
      %dma_start3A_37 = arith.constant 0 : i32
      %dma_start3A_38 = tpu.memref_slice %arg4[%add3A, %run_scoped3A_18, %dma_start3A, %dma_start3A_37] : memref<32x4x47x80xi32, #tpu.memory_space<hbm>> -> memref<1x1x47x80xi32, #tpu.memory_space<hbm>>
      %dma_start3A_39 = tpu.memref_squeeze %dma_start3A_38 : memref<1x1x47x80xi32, #tpu.memory_space<hbm>> -> memref<47x80xi32, #tpu.memory_space<hbm>>
      %dma_start3A_40 = arith.constant 0 : i32
      %dma_start3A_41 = arith.constant 0 : i32
      %dma_start3A_42 = tpu.memref_slice %arg4[%add3A, %run_scoped3A_18, %dma_start3A_40, %dma_start3A_41] : memref<32x4x47x80xi32, #tpu.memory_space<hbm>> -> memref<1x1x47x80xi32, #tpu.memory_space<hbm>>
      %dma_start3A_43 = tpu.memref_squeeze %dma_start3A_42 : memref<1x1x47x80xi32, #tpu.memory_space<hbm>> -> memref<47x80xi32, #tpu.memory_space<hbm>>
      tpu.enqueue_dma source(%dma_start3A_43 : memref<47x80xi32, #tpu.memory_space<hbm>>) target(%arg8 : memref<47x80xi32, #tpu.memory_space<vmem>>) target_semaphore(%run_scoped3A_36 : memref<!tpu.dma_semaphore, #tpu.memory_space<semaphore_mem>>)
      %dma_wait3A = arith.constant 0 : i32
      %dma_wait3A_44 = arith.constant 0 : i32
      %dma_wait3A_45 = tpu.memref_slice %arg4[%add3A, %run_scoped3A_18, %dma_wait3A, %dma_wait3A_44] : memref<32x4x47x80xi32, #tpu.memory_space<hbm>> -> memref<1x1x47x80xi32, #tpu.memory_space<hbm>>
      %dma_wait3A_46 = tpu.memref_squeeze %dma_wait3A_45 : memref<1x1x47x80xi32, #tpu.memory_space<hbm>> -> memref<47x80xi32, #tpu.memory_space<hbm>>
      %dma_wait3A_47 = arith.constant 0 : i32
      %dma_wait3A_48 = arith.constant 0 : i32
      %dma_wait3A_49 = tpu.memref_slice %arg4[%add3A, %run_scoped3A_18, %dma_wait3A_47, %dma_wait3A_48] : memref<32x4x47x80xi32, #tpu.memory_space<hbm>> -> memref<1x1x47x80xi32, #tpu.memory_space<hbm>>
      %dma_wait3A_50 = tpu.memref_squeeze %dma_wait3A_49 : memref<1x1x47x80xi32, #tpu.memory_space<hbm>> -> memref<47x80xi32, #tpu.memory_space<hbm>>
      tpu.wait_dma2 semaphore(%run_scoped3A_36 : memref<!tpu.dma_semaphore, #tpu.memory_space<semaphore_mem>>) src(%dma_wait3A_50 : memref<47x80xi32, #tpu.memory_space<hbm>>) dst(%arg8 : memref<47x80xi32, #tpu.memory_space<vmem>>)
      tpu.yield
    }) : () -> ()
    %scan3A_19 = arith.constant 0 : i32
    %scan3A_20 = arith.constant 47 : i32
    %scan3A_21 = arith.addi %scan3A_19, %scan3A_20 : i32
    %scan3A_22 = arith.constant 1 : i32
    scf.for %scan3A_36 = %scan3A_19 to %scan3A_21 step %scan3A_22  : i32 {
      %dma_start3A = arith.constant 0 : i32
      %dma_start3A_37 = tpu.memref_slice %arg7[%scan3A_36, %dma_start3A] : memref<47x80xi32, #tpu.memory_space<vmem>> -> memref<1x80xi32, #tpu.memory_space<vmem>>
      %dma_start3A_38 = tpu.memref_squeeze %dma_start3A_37 : memref<1x80xi32, #tpu.memory_space<vmem>> -> memref<80xi32, #tpu.memory_space<vmem>>
      %dma_start3A_39 = arith.constant 0 : i32
      %dma_start3A_40 = arith.constant 0 : i32
      %dma_start3A_41 = tpu.memref_slice %arg2[%dma_start3A_39, %dma_start3A_40] : memref<10000x128xf32, #tpu.memory_space<hbm>> -> memref<10000x128xf32, #tpu.memory_space<hbm>>
      tpu.enqueue_indirect_dma source(%dma_start3A_41 : memref<10000x128xf32, #tpu.memory_space<hbm>>) target(%arg9 : memref<80x128xf32, #tpu.memory_space<vmem>>) offsets(%dma_start3A_38 : memref<80xi32, #tpu.memory_space<vmem>>) semaphore(%arg11 : memref<!tpu.dma_semaphore, #tpu.memory_space<semaphore_mem>>)
      %dma_wait3A = arith.constant 0 : i32
      %dma_wait3A_42 = tpu.memref_slice %arg7[%scan3A_36, %dma_wait3A] : memref<47x80xi32, #tpu.memory_space<vmem>> -> memref<1x80xi32, #tpu.memory_space<vmem>>
      %dma_wait3A_43 = tpu.memref_squeeze %dma_wait3A_42 : memref<1x80xi32, #tpu.memory_space<vmem>> -> memref<80xi32, #tpu.memory_space<vmem>>
      %dma_wait3A_44 = arith.constant 0 : i32
      %dma_wait3A_45 = arith.constant 0 : i32
      %dma_wait3A_46 = tpu.memref_slice %arg2[%dma_wait3A_44, %dma_wait3A_45] : memref<10000x128xf32, #tpu.memory_space<hbm>> -> memref<10000x128xf32, #tpu.memory_space<hbm>>
      tpu.wait_indirect_dma semaphore(%arg11 : memref<!tpu.dma_semaphore, #tpu.memory_space<semaphore_mem>>) src(%dma_wait3A_46 : memref<10000x128xf32, #tpu.memory_space<hbm>>) dst(%arg9 : memref<80x128xf32, #tpu.memory_space<vmem>>)
      "tpu.region"() ({
        %run_scoped3A_47 = tpu.sem_alloc : memref<!tpu.dma_semaphore, #tpu.memory_space<semaphore_mem>>
        %dma_start3A_48 = arith.constant 0 : i32
        %dma_start3A_49 = tpu.memref_slice %arg8[%scan3A_36, %dma_start3A_48] : memref<47x80xi32, #tpu.memory_space<vmem>> -> memref<1x80xi32, #tpu.memory_space<vmem>>
        %dma_start3A_50 = tpu.memref_squeeze %dma_start3A_49 : memref<1x80xi32, #tpu.memory_space<vmem>> -> memref<80xi32, #tpu.memory_space<vmem>>
        %dma_start3A_51 = arith.constant 0 : i32
        %dma_start3A_52 = arith.constant 0 : i32
        %dma_start3A_53 = tpu.memref_slice %arg10[%dma_start3A_51, %dma_start3A_52] : memref<10240x128xf32, #tpu.memory_space<vmem_shared>> -> memref<10240x128xf32, #tpu.memory_space<vmem_shared>>
        tpu.enqueue_indirect_dma source(%arg9 : memref<80x128xf32, #tpu.memory_space<vmem>>) target(%dma_start3A_53 : memref<10240x128xf32, #tpu.memory_space<vmem_shared>>) offsets(%dma_start3A_50 : memref<80xi32, #tpu.memory_space<vmem>>) semaphore(%run_scoped3A_47 : memref<!tpu.dma_semaphore, #tpu.memory_space<semaphore_mem>>) {add = true}
        %dma_wait3A_54 = arith.constant 0 : i32
        %dma_wait3A_55 = tpu.memref_slice %arg8[%scan3A_36, %dma_wait3A_54] : memref<47x80xi32, #tpu.memory_space<vmem>> -> memref<1x80xi32, #tpu.memory_space<vmem>>
        %dma_wait3A_56 = tpu.memref_squeeze %dma_wait3A_55 : memref<1x80xi32, #tpu.memory_space<vmem>> -> memref<80xi32, #tpu.memory_space<vmem>>
        %dma_wait3A_57 = arith.constant 0 : i32
        %dma_wait3A_58 = arith.constant 0 : i32
        %dma_wait3A_59 = tpu.memref_slice %arg10[%dma_wait3A_57, %dma_wait3A_58] : memref<10240x128xf32, #tpu.memory_space<vmem_shared>> -> memref<10240x128xf32, #tpu.memory_space<vmem_shared>>
        tpu.wait_indirect_dma semaphore(%run_scoped3A_47 : memref<!tpu.dma_semaphore, #tpu.memory_space<semaphore_mem>>) src(%arg9 : memref<80x128xf32, #tpu.memory_space<vmem>>) dst(%dma_wait3A_59 : memref<10240x128xf32, #tpu.memory_space<vmem_shared>>)
        tpu.yield
      }) : () -> ()
    }
    %scan3A_23 = arith.constant 47 : i32
    %run_scoped3A_24 = arith.constant 3 : i32
    "tpu.region"() ({
      %run_scoped3A_36 = tpu.sem_alloc : memref<!tpu.dma_semaphore, #tpu.memory_space<semaphore_mem>>
      %dma_start3A = arith.constant 0 : i32
      %dma_start3A_37 = arith.constant 0 : i32
      %dma_start3A_38 = tpu.memref_slice %arg3[%add3A, %run_scoped3A_24, %dma_start3A, %dma_start3A_37] : memref<32x4x47x80xi32, #tpu.memory_space<hbm>> -> memref<1x1x47x80xi32, #tpu.memory_space<hbm>>
      %dma_start3A_39 = tpu.memref_squeeze %dma_start3A_38 : memref<1x1x47x80xi32, #tpu.memory_space<hbm>> -> memref<47x80xi32, #tpu.memory_space<hbm>>
      %dma_start3A_40 = arith.constant 0 : i32
      %dma_start3A_41 = arith.constant 0 : i32
      %dma_start3A_42 = tpu.memref_slice %arg3[%add3A, %run_scoped3A_24, %dma_start3A_40, %dma_start3A_41] : memref<32x4x47x80xi32, #tpu.memory_space<hbm>> -> memref<1x1x47x80xi32, #tpu.memory_space<hbm>>
      %dma_start3A_43 = tpu.memref_squeeze %dma_start3A_42 : memref<1x1x47x80xi32, #tpu.memory_space<hbm>> -> memref<47x80xi32, #tpu.memory_space<hbm>>
      tpu.enqueue_dma source(%dma_start3A_43 : memref<47x80xi32, #tpu.memory_space<hbm>>) target(%arg7 : memref<47x80xi32, #tpu.memory_space<vmem>>) target_semaphore(%run_scoped3A_36 : memref<!tpu.dma_semaphore, #tpu.memory_space<semaphore_mem>>)
      %dma_wait3A = arith.constant 0 : i32
      %dma_wait3A_44 = arith.constant 0 : i32
      %dma_wait3A_45 = tpu.memref_slice %arg3[%add3A, %run_scoped3A_24, %dma_wait3A, %dma_wait3A_44] : memref<32x4x47x80xi32, #tpu.memory_space<hbm>> -> memref<1x1x47x80xi32, #tpu.memory_space<hbm>>
      %dma_wait3A_46 = tpu.memref_squeeze %dma_wait3A_45 : memref<1x1x47x80xi32, #tpu.memory_space<hbm>> -> memref<47x80xi32, #tpu.memory_space<hbm>>
      %dma_wait3A_47 = arith.constant 0 : i32
      %dma_wait3A_48 = arith.constant 0 : i32
      %dma_wait3A_49 = tpu.memref_slice %arg3[%add3A, %run_scoped3A_24, %dma_wait3A_47, %dma_wait3A_48] : memref<32x4x47x80xi32, #tpu.memory_space<hbm>> -> memref<1x1x47x80xi32, #tpu.memory_space<hbm>>
      %dma_wait3A_50 = tpu.memref_squeeze %dma_wait3A_49 : memref<1x1x47x80xi32, #tpu.memory_space<hbm>> -> memref<47x80xi32, #tpu.memory_space<hbm>>
      tpu.wait_dma2 semaphore(%run_scoped3A_36 : memref<!tpu.dma_semaphore, #tpu.memory_space<semaphore_mem>>) src(%dma_wait3A_50 : memref<47x80xi32, #tpu.memory_space<hbm>>) dst(%arg7 : memref<47x80xi32, #tpu.memory_space<vmem>>)
      tpu.yield
    }) : () -> ()
    %run_scoped3A_25 = arith.constant 3 : i32
    "tpu.region"() ({
      %run_scoped3A_36 = tpu.sem_alloc : memref<!tpu.dma_semaphore, #tpu.memory_space<semaphore_mem>>
      %dma_start3A = arith.constant 0 : i32
      %dma_start3A_37 = arith.constant 0 : i32
      %dma_start3A_38 = tpu.memref_slice %arg4[%add3A, %run_scoped3A_25, %dma_start3A, %dma_start3A_37] : memref<32x4x47x80xi32, #tpu.memory_space<hbm>> -> memref<1x1x47x80xi32, #tpu.memory_space<hbm>>
      %dma_start3A_39 = tpu.memref_squeeze %dma_start3A_38 : memref<1x1x47x80xi32, #tpu.memory_space<hbm>> -> memref<47x80xi32, #tpu.memory_space<hbm>>
      %dma_start3A_40 = arith.constant 0 : i32
      %dma_start3A_41 = arith.constant 0 : i32
      %dma_start3A_42 = tpu.memref_slice %arg4[%add3A, %run_scoped3A_25, %dma_start3A_40, %dma_start3A_41] : memref<32x4x47x80xi32, #tpu.memory_space<hbm>> -> memref<1x1x47x80xi32, #tpu.memory_space<hbm>>
      %dma_start3A_43 = tpu.memref_squeeze %dma_start3A_42 : memref<1x1x47x80xi32, #tpu.memory_space<hbm>> -> memref<47x80xi32, #tpu.memory_space<hbm>>
      tpu.enqueue_dma source(%dma_start3A_43 : memref<47x80xi32, #tpu.memory_space<hbm>>) target(%arg8 : memref<47x80xi32, #tpu.memory_space<vmem>>) target_semaphore(%run_scoped3A_36 : memref<!tpu.dma_semaphore, #tpu.memory_space<semaphore_mem>>)
      %dma_wait3A = arith.constant 0 : i32
      %dma_wait3A_44 = arith.constant 0 : i32
      %dma_wait3A_45 = tpu.memref_slice %arg4[%add3A, %run_scoped3A_25, %dma_wait3A, %dma_wait3A_44] : memref<32x4x47x80xi32, #tpu.memory_space<hbm>> -> memref<1x1x47x80xi32, #tpu.memory_space<hbm>>
      %dma_wait3A_46 = tpu.memref_squeeze %dma_wait3A_45 : memref<1x1x47x80xi32, #tpu.memory_space<hbm>> -> memref<47x80xi32, #tpu.memory_space<hbm>>
      %dma_wait3A_47 = arith.constant 0 : i32
      %dma_wait3A_48 = arith.constant 0 : i32
      %dma_wait3A_49 = tpu.memref_slice %arg4[%add3A, %run_scoped3A_25, %dma_wait3A_47, %dma_wait3A_48] : memref<32x4x47x80xi32, #tpu.memory_space<hbm>> -> memref<1x1x47x80xi32, #tpu.memory_space<hbm>>
      %dma_wait3A_50 = tpu.memref_squeeze %dma_wait3A_49 : memref<1x1x47x80xi32, #tpu.memory_space<hbm>> -> memref<47x80xi32, #tpu.memory_space<hbm>>
      tpu.wait_dma2 semaphore(%run_scoped3A_36 : memref<!tpu.dma_semaphore, #tpu.memory_space<semaphore_mem>>) src(%dma_wait3A_50 : memref<47x80xi32, #tpu.memory_space<hbm>>) dst(%arg8 : memref<47x80xi32, #tpu.memory_space<vmem>>)
      tpu.yield
    }) : () -> ()
    %scan3A_26 = arith.constant 0 : i32
    %scan3A_27 = arith.constant 47 : i32
    %scan3A_28 = arith.addi %scan3A_26, %scan3A_27 : i32
    %scan3A_29 = arith.constant 1 : i32
    scf.for %scan3A_36 = %scan3A_26 to %scan3A_28 step %scan3A_29  : i32 {
      %dma_start3A = arith.constant 0 : i32
      %dma_start3A_37 = tpu.memref_slice %arg7[%scan3A_36, %dma_start3A] : memref<47x80xi32, #tpu.memory_space<vmem>> -> memref<1x80xi32, #tpu.memory_space<vmem>>
      %dma_start3A_38 = tpu.memref_squeeze %dma_start3A_37 : memref<1x80xi32, #tpu.memory_space<vmem>> -> memref<80xi32, #tpu.memory_space<vmem>>
      %dma_start3A_39 = arith.constant 0 : i32
      %dma_start3A_40 = arith.constant 0 : i32
      %dma_start3A_41 = tpu.memref_slice %arg2[%dma_start3A_39, %dma_start3A_40] : memref<10000x128xf32, #tpu.memory_space<hbm>> -> memref<10000x128xf32, #tpu.memory_space<hbm>>
      tpu.enqueue_indirect_dma source(%dma_start3A_41 : memref<10000x128xf32, #tpu.memory_space<hbm>>) target(%arg9 : memref<80x128xf32, #tpu.memory_space<vmem>>) offsets(%dma_start3A_38 : memref<80xi32, #tpu.memory_space<vmem>>) semaphore(%arg11 : memref<!tpu.dma_semaphore, #tpu.memory_space<semaphore_mem>>)
      %dma_wait3A = arith.constant 0 : i32
      %dma_wait3A_42 = tpu.memref_slice %arg7[%scan3A_36, %dma_wait3A] : memref<47x80xi32, #tpu.memory_space<vmem>> -> memref<1x80xi32, #tpu.memory_space<vmem>>
      %dma_wait3A_43 = tpu.memref_squeeze %dma_wait3A_42 : memref<1x80xi32, #tpu.memory_space<vmem>> -> memref<80xi32, #tpu.memory_space<vmem>>
      %dma_wait3A_44 = arith.constant 0 : i32
      %dma_wait3A_45 = arith.constant 0 : i32
      %dma_wait3A_46 = tpu.memref_slice %arg2[%dma_wait3A_44, %dma_wait3A_45] : memref<10000x128xf32, #tpu.memory_space<hbm>> -> memref<10000x128xf32, #tpu.memory_space<hbm>>
      tpu.wait_indirect_dma semaphore(%arg11 : memref<!tpu.dma_semaphore, #tpu.memory_space<semaphore_mem>>) src(%dma_wait3A_46 : memref<10000x128xf32, #tpu.memory_space<hbm>>) dst(%arg9 : memref<80x128xf32, #tpu.memory_space<vmem>>)
      "tpu.region"() ({
        %run_scoped3A_47 = tpu.sem_alloc : memref<!tpu.dma_semaphore, #tpu.memory_space<semaphore_mem>>
        %dma_start3A_48 = arith.constant 0 : i32
        %dma_start3A_49 = tpu.memref_slice %arg8[%scan3A_36, %dma_start3A_48] : memref<47x80xi32, #tpu.memory_space<vmem>> -> memref<1x80xi32, #tpu.memory_space<vmem>>
        %dma_start3A_50 = tpu.memref_squeeze %dma_start3A_49 : memref<1x80xi32, #tpu.memory_space<vmem>> -> memref<80xi32, #tpu.memory_space<vmem>>
        %dma_start3A_51 = arith.constant 0 : i32
        %dma_start3A_52 = arith.constant 0 : i32
        %dma_start3A_53 = tpu.memref_slice %arg10[%dma_start3A_51, %dma_start3A_52] : memref<10240x128xf32, #tpu.memory_space<vmem_shared>> -> memref<10240x128xf32, #tpu.memory_space<vmem_shared>>
        tpu.enqueue_indirect_dma source(%arg9 : memref<80x128xf32, #tpu.memory_space<vmem>>) target(%dma_start3A_53 : memref<10240x128xf32, #tpu.memory_space<vmem_shared>>) offsets(%dma_start3A_50 : memref<80xi32, #tpu.memory_space<vmem>>) semaphore(%run_scoped3A_47 : memref<!tpu.dma_semaphore, #tpu.memory_space<semaphore_mem>>) {add = true}
        %dma_wait3A_54 = arith.constant 0 : i32
        %dma_wait3A_55 = tpu.memref_slice %arg8[%scan3A_36, %dma_wait3A_54] : memref<47x80xi32, #tpu.memory_space<vmem>> -> memref<1x80xi32, #tpu.memory_space<vmem>>
        %dma_wait3A_56 = tpu.memref_squeeze %dma_wait3A_55 : memref<1x80xi32, #tpu.memory_space<vmem>> -> memref<80xi32, #tpu.memory_space<vmem>>
        %dma_wait3A_57 = arith.constant 0 : i32
        %dma_wait3A_58 = arith.constant 0 : i32
        %dma_wait3A_59 = tpu.memref_slice %arg10[%dma_wait3A_57, %dma_wait3A_58] : memref<10240x128xf32, #tpu.memory_space<vmem_shared>> -> memref<10240x128xf32, #tpu.memory_space<vmem_shared>>
        tpu.wait_indirect_dma semaphore(%run_scoped3A_47 : memref<!tpu.dma_semaphore, #tpu.memory_space<semaphore_mem>>) src(%arg9 : memref<80x128xf32, #tpu.memory_space<vmem>>) dst(%dma_wait3A_59 : memref<10240x128xf32, #tpu.memory_space<vmem_shared>>)
        tpu.yield
      }) : () -> ()
    }
    %scan3A_30 = arith.constant 47 : i32
    %barrier3A_31 = arith.constant 0 : index
    tpu.barrier barrier_id(%barrier3A_31)
    %mul3A_32 = arith.constant 640 : i32
    %mul3A_33 = arith.muli %arg1, %mul3A_32 : i32
    %mul3A_34 = arith.constant 640 : i32
    %mul3A_35 = arith.muli %arg1, %mul3A_34 : i32
    "tpu.region"() ({
      %run_scoped3A_36 = tpu.sem_alloc : memref<!tpu.dma_semaphore, #tpu.memory_space<semaphore_mem>>
      %dma_start3A = arith.constant 0 : i32
      %dma_start3A_37 = tpu.memref_slice %arg6[%arg0, %mul3A_35, %dma_start3A] : memref<2x10240x128xf32, #tpu.memory_space<hbm>> -> memref<1x640x128xf32, #tpu.memory_space<hbm>>
      %dma_start3A_38 = tpu.memref_squeeze %dma_start3A_37 : memref<1x640x128xf32, #tpu.memory_space<hbm>> -> memref<640x128xf32, #tpu.memory_space<hbm>>
      %dma_start3A_39 = arith.constant 0 : i32
      %dma_start3A_40 = tpu.memref_slice %arg10[%mul3A_33, %dma_start3A_39] : memref<10240x128xf32, #tpu.memory_space<vmem_shared>> -> memref<640x128xf32, #tpu.memory_space<vmem_shared>>
      tpu.enqueue_dma source(%dma_start3A_40 : memref<640x128xf32, #tpu.memory_space<vmem_shared>>) target(%dma_start3A_38 : memref<640x128xf32, #tpu.memory_space<hbm>>) target_semaphore(%run_scoped3A_36 : memref<!tpu.dma_semaphore, #tpu.memory_space<semaphore_mem>>)
      %dma_wait3A = arith.constant 0 : i32
      %dma_wait3A_41 = tpu.memref_slice %arg6[%arg0, %mul3A_35, %dma_wait3A] : memref<2x10240x128xf32, #tpu.memory_space<hbm>> -> memref<1x640x128xf32, #tpu.memory_space<hbm>>
      %dma_wait3A_42 = tpu.memref_squeeze %dma_wait3A_41 : memref<1x640x128xf32, #tpu.memory_space<hbm>> -> memref<640x128xf32, #tpu.memory_space<hbm>>
      %dma_wait3A_43 = arith.constant 0 : i32
      %dma_wait3A_44 = tpu.memref_slice %arg10[%mul3A_33, %dma_wait3A_43] : memref<10240x128xf32, #tpu.memory_space<vmem_shared>> -> memref<640x128xf32, #tpu.memory_space<vmem_shared>>
      tpu.wait_dma2 semaphore(%run_scoped3A_36 : memref<!tpu.dma_semaphore, #tpu.memory_space<semaphore_mem>>) src(%dma_wait3A_44 : memref<640x128xf32, #tpu.memory_space<vmem_shared>>) dst(%dma_wait3A_42 : memref<640x128xf32, #tpu.memory_space<hbm>>)
      tpu.yield
    }) : () -> ()
    return
  }
}

#map = affine_map<(d0, d1) -> (0, 0)>
#map1 = affine_map<(d0, d1) -> (0, 0, 0, 0)>
#map2 = affine_map<(d0, d1) -> (0, 0, 0)>
module attributes {stable_mosaic.version = 14 : i64} {
  func.func @_sc_scatter_body(%arg0: i32, %arg1: i32, %arg2: memref<10000x128xf32, #tpu.memory_space<hbm>>, %arg3: memref<32x4x47x80xi32, #tpu.memory_space<hbm>>, %arg4: memref<32x4x47x80xi32, #tpu.memory_space<hbm>>, %arg5: memref<10240x128xf32, #tpu.memory_space<hbm>>, %arg6: memref<2x10240x128xf32, #tpu.memory_space<hbm>>, %arg7: memref<47x80xi32, #tpu.memory_space<vmem>>, %arg8: memref<47x80xi32, #tpu.memory_space<vmem>>, %arg9: memref<80x128xf32, #tpu.memory_space<vmem>>, %arg10: memref<10240x128xf32, #tpu.memory_space<vmem_shared>>, %arg11: memref<!tpu.dma_semaphore, #tpu.memory_space<semaphore_mem>>) attributes {dimension_semantics = [#tpu.dimension_semantics<core_parallel>, #tpu.dimension_semantics<subcore_parallel>], iteration_bounds = array<i64: 2, 16>, scalar_prefetch = 0 : i64, scratch_operands = 5 : i64, tpu.core_type = #tpu.core_type<sc_vector_subcore>, window_params = [{transform_indices = #map}, {transform_indices = #map1}, {transform_indices = #map1}, {transform_indices = #map}, {transform_indices = #map2}]} {
    %mul3A = arith.constant 2 : i32
    %mul3A_0 = arith.muli %arg1, %mul3A : i32
    %add3A = arith.addi %mul3A_0, %arg0 : i32
    %mul3A_1 = arith.constant 640 : i32
    %mul3A_2 = arith.muli %arg1, %mul3A_1 : i32
    %mul3A_3 = arith.constant 640 : i32
    %mul3A_4 = arith.muli %arg1, %mul3A_3 : i32
    "tpu.region"() ({
      %run_scoped3A_36 = tpu.sem_alloc : memref<!tpu.dma_semaphore, #tpu.memory_space<semaphore_mem>>
      %dma_start3A = arith.constant 0 : i32
      %dma_start3A_37 = tpu.memref_slice %arg10[%mul3A_4, %dma_start3A] : memref<10240x128xf32, #tpu.memory_space<vmem_shared>> -> memref<640x128xf32, #tpu.memory_space<vmem_shared>>
      %dma_start3A_38 = arith.constant 0 : i32
      %dma_start3A_39 = tpu.memref_slice %arg5[%mul3A_2, %dma_start3A_38] : memref<10240x128xf32, #tpu.memory_space<hbm>> -> memref<640x128xf32, #tpu.memory_space<hbm>>
      tpu.enqueue_dma source(%dma_start3A_39 : memref<640x128xf32, #tpu.memory_space<hbm>>) target(%dma_start3A_37 : memref<640x128xf32, #tpu.memory_space<vmem_shared>>) target_semaphore(%run_scoped3A_36 : memref<!tpu.dma_semaphore, #tpu.memory_space<semaphore_mem>>)
      %dma_wait3A = arith.constant 0 : i32
      %dma_wait3A_40 = tpu.memref_slice %arg10[%mul3A_4, %dma_wait3A] : memref<10240x128xf32, #tpu.memory_space<vmem_shared>> -> memref<640x128xf32, #tpu.memory_space<vmem_shared>>
      %dma_wait3A_41 = arith.constant 0 : i32
      %dma_wait3A_42 = tpu.memref_slice %arg5[%mul3A_2, %dma_wait3A_41] : memref<10240x128xf32, #tpu.memory_space<hbm>> -> memref<640x128xf32, #tpu.memory_space<hbm>>
      tpu.wait_dma2 semaphore(%run_scoped3A_36 : memref<!tpu.dma_semaphore, #tpu.memory_space<semaphore_mem>>) src(%dma_wait3A_42 : memref<640x128xf32, #tpu.memory_space<hbm>>) dst(%dma_wait3A_40 : memref<640x128xf32, #tpu.memory_space<vmem_shared>>)
      tpu.yield
    }) : () -> ()
    %barrier3A = arith.constant 0 : index
    tpu.barrier barrier_id(%barrier3A)
    %run_scoped3A = arith.constant 0 : i32
    "tpu.region"() ({
      %run_scoped3A_36 = tpu.sem_alloc : memref<!tpu.dma_semaphore, #tpu.memory_space<semaphore_mem>>
      %dma_start3A = arith.constant 0 : i32
      %dma_start3A_37 = arith.constant 0 : i32
      %dma_start3A_38 = tpu.memref_slice %arg3[%add3A, %run_scoped3A, %dma_start3A, %dma_start3A_37] : memref<32x4x47x80xi32, #tpu.memory_space<hbm>> -> memref<1x1x47x80xi32, #tpu.memory_space<hbm>>
      %dma_start3A_39 = tpu.memref_squeeze %dma_start3A_38 : memref<1x1x47x80xi32, #tpu.memory_space<hbm>> -> memref<47x80xi32, #tpu.memory_space<hbm>>
      %dma_start3A_40 = arith.constant 0 : i32
      %dma_start3A_41 = arith.constant 0 : i32
      %dma_start3A_42 = tpu.memref_slice %arg3[%add3A, %run_scoped3A, %dma_start3A_40, %dma_start3A_41] : memref<32x4x47x80xi32, #tpu.memory_space<hbm>> -> memref<1x1x47x80xi32, #tpu.memory_space<hbm>>
      %dma_start3A_43 = tpu.memref_squeeze %dma_start3A_42 : memref<1x1x47x80xi32, #tpu.memory_space<hbm>> -> memref<47x80xi32, #tpu.memory_space<hbm>>
      tpu.enqueue_dma source(%dma_start3A_43 : memref<47x80xi32, #tpu.memory_space<hbm>>) target(%arg7 : memref<47x80xi32, #tpu.memory_space<vmem>>) target_semaphore(%run_scoped3A_36 : memref<!tpu.dma_semaphore, #tpu.memory_space<semaphore_mem>>)
      %dma_wait3A = arith.constant 0 : i32
      %dma_wait3A_44 = arith.constant 0 : i32
      %dma_wait3A_45 = tpu.memref_slice %arg3[%add3A, %run_scoped3A, %dma_wait3A, %dma_wait3A_44] : memref<32x4x47x80xi32, #tpu.memory_space<hbm>> -> memref<1x1x47x80xi32, #tpu.memory_space<hbm>>
      %dma_wait3A_46 = tpu.memref_squeeze %dma_wait3A_45 : memref<1x1x47x80xi32, #tpu.memory_space<hbm>> -> memref<47x80xi32, #tpu.memory_space<hbm>>
      %dma_wait3A_47 = arith.constant 0 : i32
      %dma_wait3A_48 = arith.constant 0 : i32
      %dma_wait3A_49 = tpu.memref_slice %arg3[%add3A, %run_scoped3A, %dma_wait3A_47, %dma_wait3A_48] : memref<32x4x47x80xi32, #tpu.memory_space<hbm>> -> memref<1x1x47x80xi32, #tpu.memory_space<hbm>>
      %dma_wait3A_50 = tpu.memref_squeeze %dma_wait3A_49 : memref<1x1x47x80xi32, #tpu.memory_space<hbm>> -> memref<47x80xi32, #tpu.memory_space<hbm>>
      tpu.wait_dma2 semaphore(%run_scoped3A_36 : memref<!tpu.dma_semaphore, #tpu.memory_space<semaphore_mem>>) src(%dma_wait3A_50 : memref<47x80xi32, #tpu.memory_space<hbm>>) dst(%arg7 : memref<47x80xi32, #tpu.memory_space<vmem>>)
      tpu.yield
    }) : () -> ()
    %run_scoped3A_5 = arith.constant 0 : i32
    "tpu.region"() ({
      %run_scoped3A_36 = tpu.sem_alloc : memref<!tpu.dma_semaphore, #tpu.memory_space<semaphore_mem>>
      %dma_start3A = arith.constant 0 : i32
      %dma_start3A_37 = arith.constant 0 : i32
      %dma_start3A_38 = tpu.memref_slice %arg4[%add3A, %run_scoped3A_5, %dma_start3A, %dma_start3A_37] : memref<32x4x47x80xi32, #tpu.memory_space<hbm>> -> memref<1x1x47x80xi32, #tpu.memory_space<hbm>>
      %dma_start3A_39 = tpu.memref_squeeze %dma_start3A_38 : memref<1x1x47x80xi32, #tpu.memory_space<hbm>> -> memref<47x80xi32, #tpu.memory_space<hbm>>
      %dma_start3A_40 = arith.constant 0 : i32
      %dma_start3A_41 = arith.constant 0 : i32
      %dma_start3A_42 = tpu.memref_slice %arg4[%add3A, %run_scoped3A_5, %dma_start3A_40, %dma_start3A_41] : memref<32x4x47x80xi32, #tpu.memory_space<hbm>> -> memref<1x1x47x80xi32, #tpu.memory_space<hbm>>
      %dma_start3A_43 = tpu.memref_squeeze %dma_start3A_42 : memref<1x1x47x80xi32, #tpu.memory_space<hbm>> -> memref<47x80xi32, #tpu.memory_space<hbm>>
      tpu.enqueue_dma source(%dma_start3A_43 : memref<47x80xi32, #tpu.memory_space<hbm>>) target(%arg8 : memref<47x80xi32, #tpu.memory_space<vmem>>) target_semaphore(%run_scoped3A_36 : memref<!tpu.dma_semaphore, #tpu.memory_space<semaphore_mem>>)
      %dma_wait3A = arith.constant 0 : i32
      %dma_wait3A_44 = arith.constant 0 : i32
      %dma_wait3A_45 = tpu.memref_slice %arg4[%add3A, %run_scoped3A_5, %dma_wait3A, %dma_wait3A_44] : memref<32x4x47x80xi32, #tpu.memory_space<hbm>> -> memref<1x1x47x80xi32, #tpu.memory_space<hbm>>
      %dma_wait3A_46 = tpu.memref_squeeze %dma_wait3A_45 : memref<1x1x47x80xi32, #tpu.memory_space<hbm>> -> memref<47x80xi32, #tpu.memory_space<hbm>>
      %dma_wait3A_47 = arith.constant 0 : i32
      %dma_wait3A_48 = arith.constant 0 : i32
      %dma_wait3A_49 = tpu.memref_slice %arg4[%add3A, %run_scoped3A_5, %dma_wait3A_47, %dma_wait3A_48] : memref<32x4x47x80xi32, #tpu.memory_space<hbm>> -> memref<1x1x47x80xi32, #tpu.memory_space<hbm>>
      %dma_wait3A_50 = tpu.memref_squeeze %dma_wait3A_49 : memref<1x1x47x80xi32, #tpu.memory_space<hbm>> -> memref<47x80xi32, #tpu.memory_space<hbm>>
      tpu.wait_dma2 semaphore(%run_scoped3A_36 : memref<!tpu.dma_semaphore, #tpu.memory_space<semaphore_mem>>) src(%dma_wait3A_50 : memref<47x80xi32, #tpu.memory_space<hbm>>) dst(%arg8 : memref<47x80xi32, #tpu.memory_space<vmem>>)
      tpu.yield
    }) : () -> ()
    %scan3A = arith.constant 0 : i32
    %scan3A_6 = arith.constant 47 : i32
    %scan3A_7 = arith.addi %scan3A, %scan3A_6 : i32
    %scan3A_8 = arith.constant 1 : i32
    scf.for %scan3A_36 = %scan3A to %scan3A_7 step %scan3A_8  : i32 {
      %dma_start3A = arith.constant 0 : i32
      %dma_start3A_37 = tpu.memref_slice %arg7[%scan3A_36, %dma_start3A] : memref<47x80xi32, #tpu.memory_space<vmem>> -> memref<1x80xi32, #tpu.memory_space<vmem>>
      %dma_start3A_38 = tpu.memref_squeeze %dma_start3A_37 : memref<1x80xi32, #tpu.memory_space<vmem>> -> memref<80xi32, #tpu.memory_space<vmem>>
      %dma_start3A_39 = arith.constant 0 : i32
      %dma_start3A_40 = arith.constant 0 : i32
      %dma_start3A_41 = tpu.memref_slice %arg2[%dma_start3A_39, %dma_start3A_40] : memref<10000x128xf32, #tpu.memory_space<hbm>> -> memref<10000x128xf32, #tpu.memory_space<hbm>>
      tpu.enqueue_indirect_dma source(%dma_start3A_41 : memref<10000x128xf32, #tpu.memory_space<hbm>>) target(%arg9 : memref<80x128xf32, #tpu.memory_space<vmem>>) offsets(%dma_start3A_38 : memref<80xi32, #tpu.memory_space<vmem>>) semaphore(%arg11 : memref<!tpu.dma_semaphore, #tpu.memory_space<semaphore_mem>>)
      %dma_wait3A = arith.constant 0 : i32
      %dma_wait3A_42 = tpu.memref_slice %arg7[%scan3A_36, %dma_wait3A] : memref<47x80xi32, #tpu.memory_space<vmem>> -> memref<1x80xi32, #tpu.memory_space<vmem>>
      %dma_wait3A_43 = tpu.memref_squeeze %dma_wait3A_42 : memref<1x80xi32, #tpu.memory_space<vmem>> -> memref<80xi32, #tpu.memory_space<vmem>>
      %dma_wait3A_44 = arith.constant 0 : i32
      %dma_wait3A_45 = arith.constant 0 : i32
      %dma_wait3A_46 = tpu.memref_slice %arg2[%dma_wait3A_44, %dma_wait3A_45] : memref<10000x128xf32, #tpu.memory_space<hbm>> -> memref<10000x128xf32, #tpu.memory_space<hbm>>
      tpu.wait_indirect_dma semaphore(%arg11 : memref<!tpu.dma_semaphore, #tpu.memory_space<semaphore_mem>>) src(%dma_wait3A_46 : memref<10000x128xf32, #tpu.memory_space<hbm>>) dst(%arg9 : memref<80x128xf32, #tpu.memory_space<vmem>>)
      "tpu.region"() ({
        %run_scoped3A_47 = tpu.sem_alloc : memref<!tpu.dma_semaphore, #tpu.memory_space<semaphore_mem>>
        %dma_start3A_48 = arith.constant 0 : i32
        %dma_start3A_49 = tpu.memref_slice %arg8[%scan3A_36, %dma_start3A_48] : memref<47x80xi32, #tpu.memory_space<vmem>> -> memref<1x80xi32, #tpu.memory_space<vmem>>
        %dma_start3A_50 = tpu.memref_squeeze %dma_start3A_49 : memref<1x80xi32, #tpu.memory_space<vmem>> -> memref<80xi32, #tpu.memory_space<vmem>>
        %dma_start3A_51 = arith.constant 0 : i32
        %dma_start3A_52 = arith.constant 0 : i32
        %dma_start3A_53 = tpu.memref_slice %arg10[%dma_start3A_51, %dma_start3A_52] : memref<10240x128xf32, #tpu.memory_space<vmem_shared>> -> memref<10240x128xf32, #tpu.memory_space<vmem_shared>>
        tpu.enqueue_indirect_dma source(%arg9 : memref<80x128xf32, #tpu.memory_space<vmem>>) target(%dma_start3A_53 : memref<10240x128xf32, #tpu.memory_space<vmem_shared>>) offsets(%dma_start3A_50 : memref<80xi32, #tpu.memory_space<vmem>>) semaphore(%run_scoped3A_47 : memref<!tpu.dma_semaphore, #tpu.memory_space<semaphore_mem>>) {add = true}
        %dma_wait3A_54 = arith.constant 0 : i32
        %dma_wait3A_55 = tpu.memref_slice %arg8[%scan3A_36, %dma_wait3A_54] : memref<47x80xi32, #tpu.memory_space<vmem>> -> memref<1x80xi32, #tpu.memory_space<vmem>>
        %dma_wait3A_56 = tpu.memref_squeeze %dma_wait3A_55 : memref<1x80xi32, #tpu.memory_space<vmem>> -> memref<80xi32, #tpu.memory_space<vmem>>
        %dma_wait3A_57 = arith.constant 0 : i32
        %dma_wait3A_58 = arith.constant 0 : i32
        %dma_wait3A_59 = tpu.memref_slice %arg10[%dma_wait3A_57, %dma_wait3A_58] : memref<10240x128xf32, #tpu.memory_space<vmem_shared>> -> memref<10240x128xf32, #tpu.memory_space<vmem_shared>>
        tpu.wait_indirect_dma semaphore(%run_scoped3A_47 : memref<!tpu.dma_semaphore, #tpu.memory_space<semaphore_mem>>) src(%arg9 : memref<80x128xf32, #tpu.memory_space<vmem>>) dst(%dma_wait3A_59 : memref<10240x128xf32, #tpu.memory_space<vmem_shared>>)
        tpu.yield
      }) : () -> ()
    }
    %scan3A_9 = arith.constant 47 : i32
    %run_scoped3A_10 = arith.constant 1 : i32
    "tpu.region"() ({
      %run_scoped3A_36 = tpu.sem_alloc : memref<!tpu.dma_semaphore, #tpu.memory_space<semaphore_mem>>
      %dma_start3A = arith.constant 0 : i32
      %dma_start3A_37 = arith.constant 0 : i32
      %dma_start3A_38 = tpu.memref_slice %arg3[%add3A, %run_scoped3A_10, %dma_start3A, %dma_start3A_37] : memref<32x4x47x80xi32, #tpu.memory_space<hbm>> -> memref<1x1x47x80xi32, #tpu.memory_space<hbm>>
      %dma_start3A_39 = tpu.memref_squeeze %dma_start3A_38 : memref<1x1x47x80xi32, #tpu.memory_space<hbm>> -> memref<47x80xi32, #tpu.memory_space<hbm>>
      %dma_start3A_40 = arith.constant 0 : i32
      %dma_start3A_41 = arith.constant 0 : i32
      %dma_start3A_42 = tpu.memref_slice %arg3[%add3A, %run_scoped3A_10, %dma_start3A_40, %dma_start3A_41] : memref<32x4x47x80xi32, #tpu.memory_space<hbm>> -> memref<1x1x47x80xi32, #tpu.memory_space<hbm>>
      %dma_start3A_43 = tpu.memref_squeeze %dma_start3A_42 : memref<1x1x47x80xi32, #tpu.memory_space<hbm>> -> memref<47x80xi32, #tpu.memory_space<hbm>>
      tpu.enqueue_dma source(%dma_start3A_43 : memref<47x80xi32, #tpu.memory_space<hbm>>) target(%arg7 : memref<47x80xi32, #tpu.memory_space<vmem>>) target_semaphore(%run_scoped3A_36 : memref<!tpu.dma_semaphore, #tpu.memory_space<semaphore_mem>>)
      %dma_wait3A = arith.constant 0 : i32
      %dma_wait3A_44 = arith.constant 0 : i32
      %dma_wait3A_45 = tpu.memref_slice %arg3[%add3A, %run_scoped3A_10, %dma_wait3A, %dma_wait3A_44] : memref<32x4x47x80xi32, #tpu.memory_space<hbm>> -> memref<1x1x47x80xi32, #tpu.memory_space<hbm>>
      %dma_wait3A_46 = tpu.memref_squeeze %dma_wait3A_45 : memref<1x1x47x80xi32, #tpu.memory_space<hbm>> -> memref<47x80xi32, #tpu.memory_space<hbm>>
      %dma_wait3A_47 = arith.constant 0 : i32
      %dma_wait3A_48 = arith.constant 0 : i32
      %dma_wait3A_49 = tpu.memref_slice %arg3[%add3A, %run_scoped3A_10, %dma_wait3A_47, %dma_wait3A_48] : memref<32x4x47x80xi32, #tpu.memory_space<hbm>> -> memref<1x1x47x80xi32, #tpu.memory_space<hbm>>
      %dma_wait3A_50 = tpu.memref_squeeze %dma_wait3A_49 : memref<1x1x47x80xi32, #tpu.memory_space<hbm>> -> memref<47x80xi32, #tpu.memory_space<hbm>>
      tpu.wait_dma2 semaphore(%run_scoped3A_36 : memref<!tpu.dma_semaphore, #tpu.memory_space<semaphore_mem>>) src(%dma_wait3A_50 : memref<47x80xi32, #tpu.memory_space<hbm>>) dst(%arg7 : memref<47x80xi32, #tpu.memory_space<vmem>>)
      tpu.yield
    }) : () -> ()
    %run_scoped3A_11 = arith.constant 1 : i32
    "tpu.region"() ({
      %run_scoped3A_36 = tpu.sem_alloc : memref<!tpu.dma_semaphore, #tpu.memory_space<semaphore_mem>>
      %dma_start3A = arith.constant 0 : i32
      %dma_start3A_37 = arith.constant 0 : i32
      %dma_start3A_38 = tpu.memref_slice %arg4[%add3A, %run_scoped3A_11, %dma_start3A, %dma_start3A_37] : memref<32x4x47x80xi32, #tpu.memory_space<hbm>> -> memref<1x1x47x80xi32, #tpu.memory_space<hbm>>
      %dma_start3A_39 = tpu.memref_squeeze %dma_start3A_38 : memref<1x1x47x80xi32, #tpu.memory_space<hbm>> -> memref<47x80xi32, #tpu.memory_space<hbm>>
      %dma_start3A_40 = arith.constant 0 : i32
      %dma_start3A_41 = arith.constant 0 : i32
      %dma_start3A_42 = tpu.memref_slice %arg4[%add3A, %run_scoped3A_11, %dma_start3A_40, %dma_start3A_41] : memref<32x4x47x80xi32, #tpu.memory_space<hbm>> -> memref<1x1x47x80xi32, #tpu.memory_space<hbm>>
      %dma_start3A_43 = tpu.memref_squeeze %dma_start3A_42 : memref<1x1x47x80xi32, #tpu.memory_space<hbm>> -> memref<47x80xi32, #tpu.memory_space<hbm>>
      tpu.enqueue_dma source(%dma_start3A_43 : memref<47x80xi32, #tpu.memory_space<hbm>>) target(%arg8 : memref<47x80xi32, #tpu.memory_space<vmem>>) target_semaphore(%run_scoped3A_36 : memref<!tpu.dma_semaphore, #tpu.memory_space<semaphore_mem>>)
      %dma_wait3A = arith.constant 0 : i32
      %dma_wait3A_44 = arith.constant 0 : i32
      %dma_wait3A_45 = tpu.memref_slice %arg4[%add3A, %run_scoped3A_11, %dma_wait3A, %dma_wait3A_44] : memref<32x4x47x80xi32, #tpu.memory_space<hbm>> -> memref<1x1x47x80xi32, #tpu.memory_space<hbm>>
      %dma_wait3A_46 = tpu.memref_squeeze %dma_wait3A_45 : memref<1x1x47x80xi32, #tpu.memory_space<hbm>> -> memref<47x80xi32, #tpu.memory_space<hbm>>
      %dma_wait3A_47 = arith.constant 0 : i32
      %dma_wait3A_48 = arith.constant 0 : i32
      %dma_wait3A_49 = tpu.memref_slice %arg4[%add3A, %run_scoped3A_11, %dma_wait3A_47, %dma_wait3A_48] : memref<32x4x47x80xi32, #tpu.memory_space<hbm>> -> memref<1x1x47x80xi32, #tpu.memory_space<hbm>>
      %dma_wait3A_50 = tpu.memref_squeeze %dma_wait3A_49 : memref<1x1x47x80xi32, #tpu.memory_space<hbm>> -> memref<47x80xi32, #tpu.memory_space<hbm>>
      tpu.wait_dma2 semaphore(%run_scoped3A_36 : memref<!tpu.dma_semaphore, #tpu.memory_space<semaphore_mem>>) src(%dma_wait3A_50 : memref<47x80xi32, #tpu.memory_space<hbm>>) dst(%arg8 : memref<47x80xi32, #tpu.memory_space<vmem>>)
      tpu.yield
    }) : () -> ()
    %scan3A_12 = arith.constant 0 : i32
    %scan3A_13 = arith.constant 47 : i32
    %scan3A_14 = arith.addi %scan3A_12, %scan3A_13 : i32
    %scan3A_15 = arith.constant 1 : i32
    scf.for %scan3A_36 = %scan3A_12 to %scan3A_14 step %scan3A_15  : i32 {
      %dma_start3A = arith.constant 0 : i32
      %dma_start3A_37 = tpu.memref_slice %arg7[%scan3A_36, %dma_start3A] : memref<47x80xi32, #tpu.memory_space<vmem>> -> memref<1x80xi32, #tpu.memory_space<vmem>>
      %dma_start3A_38 = tpu.memref_squeeze %dma_start3A_37 : memref<1x80xi32, #tpu.memory_space<vmem>> -> memref<80xi32, #tpu.memory_space<vmem>>
      %dma_start3A_39 = arith.constant 0 : i32
      %dma_start3A_40 = arith.constant 0 : i32
      %dma_start3A_41 = tpu.memref_slice %arg2[%dma_start3A_39, %dma_start3A_40] : memref<10000x128xf32, #tpu.memory_space<hbm>> -> memref<10000x128xf32, #tpu.memory_space<hbm>>
      tpu.enqueue_indirect_dma source(%dma_start3A_41 : memref<10000x128xf32, #tpu.memory_space<hbm>>) target(%arg9 : memref<80x128xf32, #tpu.memory_space<vmem>>) offsets(%dma_start3A_38 : memref<80xi32, #tpu.memory_space<vmem>>) semaphore(%arg11 : memref<!tpu.dma_semaphore, #tpu.memory_space<semaphore_mem>>)
      %dma_wait3A = arith.constant 0 : i32
      %dma_wait3A_42 = tpu.memref_slice %arg7[%scan3A_36, %dma_wait3A] : memref<47x80xi32, #tpu.memory_space<vmem>> -> memref<1x80xi32, #tpu.memory_space<vmem>>
      %dma_wait3A_43 = tpu.memref_squeeze %dma_wait3A_42 : memref<1x80xi32, #tpu.memory_space<vmem>> -> memref<80xi32, #tpu.memory_space<vmem>>
      %dma_wait3A_44 = arith.constant 0 : i32
      %dma_wait3A_45 = arith.constant 0 : i32
      %dma_wait3A_46 = tpu.memref_slice %arg2[%dma_wait3A_44, %dma_wait3A_45] : memref<10000x128xf32, #tpu.memory_space<hbm>> -> memref<10000x128xf32, #tpu.memory_space<hbm>>
      tpu.wait_indirect_dma semaphore(%arg11 : memref<!tpu.dma_semaphore, #tpu.memory_space<semaphore_mem>>) src(%dma_wait3A_46 : memref<10000x128xf32, #tpu.memory_space<hbm>>) dst(%arg9 : memref<80x128xf32, #tpu.memory_space<vmem>>)
      "tpu.region"() ({
        %run_scoped3A_47 = tpu.sem_alloc : memref<!tpu.dma_semaphore, #tpu.memory_space<semaphore_mem>>
        %dma_start3A_48 = arith.constant 0 : i32
        %dma_start3A_49 = tpu.memref_slice %arg8[%scan3A_36, %dma_start3A_48] : memref<47x80xi32, #tpu.memory_space<vmem>> -> memref<1x80xi32, #tpu.memory_space<vmem>>
        %dma_start3A_50 = tpu.memref_squeeze %dma_start3A_49 : memref<1x80xi32, #tpu.memory_space<vmem>> -> memref<80xi32, #tpu.memory_space<vmem>>
        %dma_start3A_51 = arith.constant 0 : i32
        %dma_start3A_52 = arith.constant 0 : i32
        %dma_start3A_53 = tpu.memref_slice %arg10[%dma_start3A_51, %dma_start3A_52] : memref<10240x128xf32, #tpu.memory_space<vmem_shared>> -> memref<10240x128xf32, #tpu.memory_space<vmem_shared>>
        tpu.enqueue_indirect_dma source(%arg9 : memref<80x128xf32, #tpu.memory_space<vmem>>) target(%dma_start3A_53 : memref<10240x128xf32, #tpu.memory_space<vmem_shared>>) offsets(%dma_start3A_50 : memref<80xi32, #tpu.memory_space<vmem>>) semaphore(%run_scoped3A_47 : memref<!tpu.dma_semaphore, #tpu.memory_space<semaphore_mem>>) {add = true}
        %dma_wait3A_54 = arith.constant 0 : i32
        %dma_wait3A_55 = tpu.memref_slice %arg8[%scan3A_36, %dma_wait3A_54] : memref<47x80xi32, #tpu.memory_space<vmem>> -> memref<1x80xi32, #tpu.memory_space<vmem>>
        %dma_wait3A_56 = tpu.memref_squeeze %dma_wait3A_55 : memref<1x80xi32, #tpu.memory_space<vmem>> -> memref<80xi32, #tpu.memory_space<vmem>>
        %dma_wait3A_57 = arith.constant 0 : i32
        %dma_wait3A_58 = arith.constant 0 : i32
        %dma_wait3A_59 = tpu.memref_slice %arg10[%dma_wait3A_57, %dma_wait3A_58] : memref<10240x128xf32, #tpu.memory_space<vmem_shared>> -> memref<10240x128xf32, #tpu.memory_space<vmem_shared>>
        tpu.wait_indirect_dma semaphore(%run_scoped3A_47 : memref<!tpu.dma_semaphore, #tpu.memory_space<semaphore_mem>>) src(%arg9 : memref<80x128xf32, #tpu.memory_space<vmem>>) dst(%dma_wait3A_59 : memref<10240x128xf32, #tpu.memory_space<vmem_shared>>)
        tpu.yield
      }) : () -> ()
    }
    %scan3A_16 = arith.constant 47 : i32
    %run_scoped3A_17 = arith.constant 2 : i32
    "tpu.region"() ({
      %run_scoped3A_36 = tpu.sem_alloc : memref<!tpu.dma_semaphore, #tpu.memory_space<semaphore_mem>>
      %dma_start3A = arith.constant 0 : i32
      %dma_start3A_37 = arith.constant 0 : i32
      %dma_start3A_38 = tpu.memref_slice %arg3[%add3A, %run_scoped3A_17, %dma_start3A, %dma_start3A_37] : memref<32x4x47x80xi32, #tpu.memory_space<hbm>> -> memref<1x1x47x80xi32, #tpu.memory_space<hbm>>
      %dma_start3A_39 = tpu.memref_squeeze %dma_start3A_38 : memref<1x1x47x80xi32, #tpu.memory_space<hbm>> -> memref<47x80xi32, #tpu.memory_space<hbm>>
      %dma_start3A_40 = arith.constant 0 : i32
      %dma_start3A_41 = arith.constant 0 : i32
      %dma_start3A_42 = tpu.memref_slice %arg3[%add3A, %run_scoped3A_17, %dma_start3A_40, %dma_start3A_41] : memref<32x4x47x80xi32, #tpu.memory_space<hbm>> -> memref<1x1x47x80xi32, #tpu.memory_space<hbm>>
      %dma_start3A_43 = tpu.memref_squeeze %dma_start3A_42 : memref<1x1x47x80xi32, #tpu.memory_space<hbm>> -> memref<47x80xi32, #tpu.memory_space<hbm>>
      tpu.enqueue_dma source(%dma_start3A_43 : memref<47x80xi32, #tpu.memory_space<hbm>>) target(%arg7 : memref<47x80xi32, #tpu.memory_space<vmem>>) target_semaphore(%run_scoped3A_36 : memref<!tpu.dma_semaphore, #tpu.memory_space<semaphore_mem>>)
      %dma_wait3A = arith.constant 0 : i32
      %dma_wait3A_44 = arith.constant 0 : i32
      %dma_wait3A_45 = tpu.memref_slice %arg3[%add3A, %run_scoped3A_17, %dma_wait3A, %dma_wait3A_44] : memref<32x4x47x80xi32, #tpu.memory_space<hbm>> -> memref<1x1x47x80xi32, #tpu.memory_space<hbm>>
      %dma_wait3A_46 = tpu.memref_squeeze %dma_wait3A_45 : memref<1x1x47x80xi32, #tpu.memory_space<hbm>> -> memref<47x80xi32, #tpu.memory_space<hbm>>
      %dma_wait3A_47 = arith.constant 0 : i32
      %dma_wait3A_48 = arith.constant 0 : i32
      %dma_wait3A_49 = tpu.memref_slice %arg3[%add3A, %run_scoped3A_17, %dma_wait3A_47, %dma_wait3A_48] : memref<32x4x47x80xi32, #tpu.memory_space<hbm>> -> memref<1x1x47x80xi32, #tpu.memory_space<hbm>>
      %dma_wait3A_50 = tpu.memref_squeeze %dma_wait3A_49 : memref<1x1x47x80xi32, #tpu.memory_space<hbm>> -> memref<47x80xi32, #tpu.memory_space<hbm>>
      tpu.wait_dma2 semaphore(%run_scoped3A_36 : memref<!tpu.dma_semaphore, #tpu.memory_space<semaphore_mem>>) src(%dma_wait3A_50 : memref<47x80xi32, #tpu.memory_space<hbm>>) dst(%arg7 : memref<47x80xi32, #tpu.memory_space<vmem>>)
      tpu.yield
    }) : () -> ()
    %run_scoped3A_18 = arith.constant 2 : i32
    "tpu.region"() ({
      %run_scoped3A_36 = tpu.sem_alloc : memref<!tpu.dma_semaphore, #tpu.memory_space<semaphore_mem>>
      %dma_start3A = arith.constant 0 : i32
      %dma_start3A_37 = arith.constant 0 : i32
      %dma_start3A_38 = tpu.memref_slice %arg4[%add3A, %run_scoped3A_18, %dma_start3A, %dma_start3A_37] : memref<32x4x47x80xi32, #tpu.memory_space<hbm>> -> memref<1x1x47x80xi32, #tpu.memory_space<hbm>>
      %dma_start3A_39 = tpu.memref_squeeze %dma_start3A_38 : memref<1x1x47x80xi32, #tpu.memory_space<hbm>> -> memref<47x80xi32, #tpu.memory_space<hbm>>
      %dma_start3A_40 = arith.constant 0 : i32
      %dma_start3A_41 = arith.constant 0 : i32
      %dma_start3A_42 = tpu.memref_slice %arg4[%add3A, %run_scoped3A_18, %dma_start3A_40, %dma_start3A_41] : memref<32x4x47x80xi32, #tpu.memory_space<hbm>> -> memref<1x1x47x80xi32, #tpu.memory_space<hbm>>
      %dma_start3A_43 = tpu.memref_squeeze %dma_start3A_42 : memref<1x1x47x80xi32, #tpu.memory_space<hbm>> -> memref<47x80xi32, #tpu.memory_space<hbm>>
      tpu.enqueue_dma source(%dma_start3A_43 : memref<47x80xi32, #tpu.memory_space<hbm>>) target(%arg8 : memref<47x80xi32, #tpu.memory_space<vmem>>) target_semaphore(%run_scoped3A_36 : memref<!tpu.dma_semaphore, #tpu.memory_space<semaphore_mem>>)
      %dma_wait3A = arith.constant 0 : i32
      %dma_wait3A_44 = arith.constant 0 : i32
      %dma_wait3A_45 = tpu.memref_slice %arg4[%add3A, %run_scoped3A_18, %dma_wait3A, %dma_wait3A_44] : memref<32x4x47x80xi32, #tpu.memory_space<hbm>> -> memref<1x1x47x80xi32, #tpu.memory_space<hbm>>
      %dma_wait3A_46 = tpu.memref_squeeze %dma_wait3A_45 : memref<1x1x47x80xi32, #tpu.memory_space<hbm>> -> memref<47x80xi32, #tpu.memory_space<hbm>>
      %dma_wait3A_47 = arith.constant 0 : i32
      %dma_wait3A_48 = arith.constant 0 : i32
      %dma_wait3A_49 = tpu.memref_slice %arg4[%add3A, %run_scoped3A_18, %dma_wait3A_47, %dma_wait3A_48] : memref<32x4x47x80xi32, #tpu.memory_space<hbm>> -> memref<1x1x47x80xi32, #tpu.memory_space<hbm>>
      %dma_wait3A_50 = tpu.memref_squeeze %dma_wait3A_49 : memref<1x1x47x80xi32, #tpu.memory_space<hbm>> -> memref<47x80xi32, #tpu.memory_space<hbm>>
      tpu.wait_dma2 semaphore(%run_scoped3A_36 : memref<!tpu.dma_semaphore, #tpu.memory_space<semaphore_mem>>) src(%dma_wait3A_50 : memref<47x80xi32, #tpu.memory_space<hbm>>) dst(%arg8 : memref<47x80xi32, #tpu.memory_space<vmem>>)
      tpu.yield
    }) : () -> ()
    %scan3A_19 = arith.constant 0 : i32
    %scan3A_20 = arith.constant 47 : i32
    %scan3A_21 = arith.addi %scan3A_19, %scan3A_20 : i32
    %scan3A_22 = arith.constant 1 : i32
    scf.for %scan3A_36 = %scan3A_19 to %scan3A_21 step %scan3A_22  : i32 {
      %dma_start3A = arith.constant 0 : i32
      %dma_start3A_37 = tpu.memref_slice %arg7[%scan3A_36, %dma_start3A] : memref<47x80xi32, #tpu.memory_space<vmem>> -> memref<1x80xi32, #tpu.memory_space<vmem>>
      %dma_start3A_38 = tpu.memref_squeeze %dma_start3A_37 : memref<1x80xi32, #tpu.memory_space<vmem>> -> memref<80xi32, #tpu.memory_space<vmem>>
      %dma_start3A_39 = arith.constant 0 : i32
      %dma_start3A_40 = arith.constant 0 : i32
      %dma_start3A_41 = tpu.memref_slice %arg2[%dma_start3A_39, %dma_start3A_40] : memref<10000x128xf32, #tpu.memory_space<hbm>> -> memref<10000x128xf32, #tpu.memory_space<hbm>>
      tpu.enqueue_indirect_dma source(%dma_start3A_41 : memref<10000x128xf32, #tpu.memory_space<hbm>>) target(%arg9 : memref<80x128xf32, #tpu.memory_space<vmem>>) offsets(%dma_start3A_38 : memref<80xi32, #tpu.memory_space<vmem>>) semaphore(%arg11 : memref<!tpu.dma_semaphore, #tpu.memory_space<semaphore_mem>>)
      %dma_wait3A = arith.constant 0 : i32
      %dma_wait3A_42 = tpu.memref_slice %arg7[%scan3A_36, %dma_wait3A] : memref<47x80xi32, #tpu.memory_space<vmem>> -> memref<1x80xi32, #tpu.memory_space<vmem>>
      %dma_wait3A_43 = tpu.memref_squeeze %dma_wait3A_42 : memref<1x80xi32, #tpu.memory_space<vmem>> -> memref<80xi32, #tpu.memory_space<vmem>>
      %dma_wait3A_44 = arith.constant 0 : i32
      %dma_wait3A_45 = arith.constant 0 : i32
      %dma_wait3A_46 = tpu.memref_slice %arg2[%dma_wait3A_44, %dma_wait3A_45] : memref<10000x128xf32, #tpu.memory_space<hbm>> -> memref<10000x128xf32, #tpu.memory_space<hbm>>
      tpu.wait_indirect_dma semaphore(%arg11 : memref<!tpu.dma_semaphore, #tpu.memory_space<semaphore_mem>>) src(%dma_wait3A_46 : memref<10000x128xf32, #tpu.memory_space<hbm>>) dst(%arg9 : memref<80x128xf32, #tpu.memory_space<vmem>>)
      "tpu.region"() ({
        %run_scoped3A_47 = tpu.sem_alloc : memref<!tpu.dma_semaphore, #tpu.memory_space<semaphore_mem>>
        %dma_start3A_48 = arith.constant 0 : i32
        %dma_start3A_49 = tpu.memref_slice %arg8[%scan3A_36, %dma_start3A_48] : memref<47x80xi32, #tpu.memory_space<vmem>> -> memref<1x80xi32, #tpu.memory_space<vmem>>
        %dma_start3A_50 = tpu.memref_squeeze %dma_start3A_49 : memref<1x80xi32, #tpu.memory_space<vmem>> -> memref<80xi32, #tpu.memory_space<vmem>>
        %dma_start3A_51 = arith.constant 0 : i32
        %dma_start3A_52 = arith.constant 0 : i32
        %dma_start3A_53 = tpu.memref_slice %arg10[%dma_start3A_51, %dma_start3A_52] : memref<10240x128xf32, #tpu.memory_space<vmem_shared>> -> memref<10240x128xf32, #tpu.memory_space<vmem_shared>>
        tpu.enqueue_indirect_dma source(%arg9 : memref<80x128xf32, #tpu.memory_space<vmem>>) target(%dma_start3A_53 : memref<10240x128xf32, #tpu.memory_space<vmem_shared>>) offsets(%dma_start3A_50 : memref<80xi32, #tpu.memory_space<vmem>>) semaphore(%run_scoped3A_47 : memref<!tpu.dma_semaphore, #tpu.memory_space<semaphore_mem>>) {add = true}
        %dma_wait3A_54 = arith.constant 0 : i32
        %dma_wait3A_55 = tpu.memref_slice %arg8[%scan3A_36, %dma_wait3A_54] : memref<47x80xi32, #tpu.memory_space<vmem>> -> memref<1x80xi32, #tpu.memory_space<vmem>>
        %dma_wait3A_56 = tpu.memref_squeeze %dma_wait3A_55 : memref<1x80xi32, #tpu.memory_space<vmem>> -> memref<80xi32, #tpu.memory_space<vmem>>
        %dma_wait3A_57 = arith.constant 0 : i32
        %dma_wait3A_58 = arith.constant 0 : i32
        %dma_wait3A_59 = tpu.memref_slice %arg10[%dma_wait3A_57, %dma_wait3A_58] : memref<10240x128xf32, #tpu.memory_space<vmem_shared>> -> memref<10240x128xf32, #tpu.memory_space<vmem_shared>>
        tpu.wait_indirect_dma semaphore(%run_scoped3A_47 : memref<!tpu.dma_semaphore, #tpu.memory_space<semaphore_mem>>) src(%arg9 : memref<80x128xf32, #tpu.memory_space<vmem>>) dst(%dma_wait3A_59 : memref<10240x128xf32, #tpu.memory_space<vmem_shared>>)
        tpu.yield
      }) : () -> ()
    }
    %scan3A_23 = arith.constant 47 : i32
    %run_scoped3A_24 = arith.constant 3 : i32
    "tpu.region"() ({
      %run_scoped3A_36 = tpu.sem_alloc : memref<!tpu.dma_semaphore, #tpu.memory_space<semaphore_mem>>
      %dma_start3A = arith.constant 0 : i32
      %dma_start3A_37 = arith.constant 0 : i32
      %dma_start3A_38 = tpu.memref_slice %arg3[%add3A, %run_scoped3A_24, %dma_start3A, %dma_start3A_37] : memref<32x4x47x80xi32, #tpu.memory_space<hbm>> -> memref<1x1x47x80xi32, #tpu.memory_space<hbm>>
      %dma_start3A_39 = tpu.memref_squeeze %dma_start3A_38 : memref<1x1x47x80xi32, #tpu.memory_space<hbm>> -> memref<47x80xi32, #tpu.memory_space<hbm>>
      %dma_start3A_40 = arith.constant 0 : i32
      %dma_start3A_41 = arith.constant 0 : i32
      %dma_start3A_42 = tpu.memref_slice %arg3[%add3A, %run_scoped3A_24, %dma_start3A_40, %dma_start3A_41] : memref<32x4x47x80xi32, #tpu.memory_space<hbm>> -> memref<1x1x47x80xi32, #tpu.memory_space<hbm>>
      %dma_start3A_43 = tpu.memref_squeeze %dma_start3A_42 : memref<1x1x47x80xi32, #tpu.memory_space<hbm>> -> memref<47x80xi32, #tpu.memory_space<hbm>>
      tpu.enqueue_dma source(%dma_start3A_43 : memref<47x80xi32, #tpu.memory_space<hbm>>) target(%arg7 : memref<47x80xi32, #tpu.memory_space<vmem>>) target_semaphore(%run_scoped3A_36 : memref<!tpu.dma_semaphore, #tpu.memory_space<semaphore_mem>>)
      %dma_wait3A = arith.constant 0 : i32
      %dma_wait3A_44 = arith.constant 0 : i32
      %dma_wait3A_45 = tpu.memref_slice %arg3[%add3A, %run_scoped3A_24, %dma_wait3A, %dma_wait3A_44] : memref<32x4x47x80xi32, #tpu.memory_space<hbm>> -> memref<1x1x47x80xi32, #tpu.memory_space<hbm>>
      %dma_wait3A_46 = tpu.memref_squeeze %dma_wait3A_45 : memref<1x1x47x80xi32, #tpu.memory_space<hbm>> -> memref<47x80xi32, #tpu.memory_space<hbm>>
      %dma_wait3A_47 = arith.constant 0 : i32
      %dma_wait3A_48 = arith.constant 0 : i32
      %dma_wait3A_49 = tpu.memref_slice %arg3[%add3A, %run_scoped3A_24, %dma_wait3A_47, %dma_wait3A_48] : memref<32x4x47x80xi32, #tpu.memory_space<hbm>> -> memref<1x1x47x80xi32, #tpu.memory_space<hbm>>
      %dma_wait3A_50 = tpu.memref_squeeze %dma_wait3A_49 : memref<1x1x47x80xi32, #tpu.memory_space<hbm>> -> memref<47x80xi32, #tpu.memory_space<hbm>>
      tpu.wait_dma2 semaphore(%run_scoped3A_36 : memref<!tpu.dma_semaphore, #tpu.memory_space<semaphore_mem>>) src(%dma_wait3A_50 : memref<47x80xi32, #tpu.memory_space<hbm>>) dst(%arg7 : memref<47x80xi32, #tpu.memory_space<vmem>>)
      tpu.yield
    }) : () -> ()
    %run_scoped3A_25 = arith.constant 3 : i32
    "tpu.region"() ({
      %run_scoped3A_36 = tpu.sem_alloc : memref<!tpu.dma_semaphore, #tpu.memory_space<semaphore_mem>>
      %dma_start3A = arith.constant 0 : i32
      %dma_start3A_37 = arith.constant 0 : i32
      %dma_start3A_38 = tpu.memref_slice %arg4[%add3A, %run_scoped3A_25, %dma_start3A, %dma_start3A_37] : memref<32x4x47x80xi32, #tpu.memory_space<hbm>> -> memref<1x1x47x80xi32, #tpu.memory_space<hbm>>
      %dma_start3A_39 = tpu.memref_squeeze %dma_start3A_38 : memref<1x1x47x80xi32, #tpu.memory_space<hbm>> -> memref<47x80xi32, #tpu.memory_space<hbm>>
      %dma_start3A_40 = arith.constant 0 : i32
      %dma_start3A_41 = arith.constant 0 : i32
      %dma_start3A_42 = tpu.memref_slice %arg4[%add3A, %run_scoped3A_25, %dma_start3A_40, %dma_start3A_41] : memref<32x4x47x80xi32, #tpu.memory_space<hbm>> -> memref<1x1x47x80xi32, #tpu.memory_space<hbm>>
      %dma_start3A_43 = tpu.memref_squeeze %dma_start3A_42 : memref<1x1x47x80xi32, #tpu.memory_space<hbm>> -> memref<47x80xi32, #tpu.memory_space<hbm>>
      tpu.enqueue_dma source(%dma_start3A_43 : memref<47x80xi32, #tpu.memory_space<hbm>>) target(%arg8 : memref<47x80xi32, #tpu.memory_space<vmem>>) target_semaphore(%run_scoped3A_36 : memref<!tpu.dma_semaphore, #tpu.memory_space<semaphore_mem>>)
      %dma_wait3A = arith.constant 0 : i32
      %dma_wait3A_44 = arith.constant 0 : i32
      %dma_wait3A_45 = tpu.memref_slice %arg4[%add3A, %run_scoped3A_25, %dma_wait3A, %dma_wait3A_44] : memref<32x4x47x80xi32, #tpu.memory_space<hbm>> -> memref<1x1x47x80xi32, #tpu.memory_space<hbm>>
      %dma_wait3A_46 = tpu.memref_squeeze %dma_wait3A_45 : memref<1x1x47x80xi32, #tpu.memory_space<hbm>> -> memref<47x80xi32, #tpu.memory_space<hbm>>
      %dma_wait3A_47 = arith.constant 0 : i32
      %dma_wait3A_48 = arith.constant 0 : i32
      %dma_wait3A_49 = tpu.memref_slice %arg4[%add3A, %run_scoped3A_25, %dma_wait3A_47, %dma_wait3A_48] : memref<32x4x47x80xi32, #tpu.memory_space<hbm>> -> memref<1x1x47x80xi32, #tpu.memory_space<hbm>>
      %dma_wait3A_50 = tpu.memref_squeeze %dma_wait3A_49 : memref<1x1x47x80xi32, #tpu.memory_space<hbm>> -> memref<47x80xi32, #tpu.memory_space<hbm>>
      tpu.wait_dma2 semaphore(%run_scoped3A_36 : memref<!tpu.dma_semaphore, #tpu.memory_space<semaphore_mem>>) src(%dma_wait3A_50 : memref<47x80xi32, #tpu.memory_space<hbm>>) dst(%arg8 : memref<47x80xi32, #tpu.memory_space<vmem>>)
      tpu.yield
    }) : () -> ()
    %scan3A_26 = arith.constant 0 : i32
    %scan3A_27 = arith.constant 47 : i32
    %scan3A_28 = arith.addi %scan3A_26, %scan3A_27 : i32
    %scan3A_29 = arith.constant 1 : i32
    scf.for %scan3A_36 = %scan3A_26 to %scan3A_28 step %scan3A_29  : i32 {
      %dma_start3A = arith.constant 0 : i32
      %dma_start3A_37 = tpu.memref_slice %arg7[%scan3A_36, %dma_start3A] : memref<47x80xi32, #tpu.memory_space<vmem>> -> memref<1x80xi32, #tpu.memory_space<vmem>>
      %dma_start3A_38 = tpu.memref_squeeze %dma_start3A_37 : memref<1x80xi32, #tpu.memory_space<vmem>> -> memref<80xi32, #tpu.memory_space<vmem>>
      %dma_start3A_39 = arith.constant 0 : i32
      %dma_start3A_40 = arith.constant 0 : i32
      %dma_start3A_41 = tpu.memref_slice %arg2[%dma_start3A_39, %dma_start3A_40] : memref<10000x128xf32, #tpu.memory_space<hbm>> -> memref<10000x128xf32, #tpu.memory_space<hbm>>
      tpu.enqueue_indirect_dma source(%dma_start3A_41 : memref<10000x128xf32, #tpu.memory_space<hbm>>) target(%arg9 : memref<80x128xf32, #tpu.memory_space<vmem>>) offsets(%dma_start3A_38 : memref<80xi32, #tpu.memory_space<vmem>>) semaphore(%arg11 : memref<!tpu.dma_semaphore, #tpu.memory_space<semaphore_mem>>)
      %dma_wait3A = arith.constant 0 : i32
      %dma_wait3A_42 = tpu.memref_slice %arg7[%scan3A_36, %dma_wait3A] : memref<47x80xi32, #tpu.memory_space<vmem>> -> memref<1x80xi32, #tpu.memory_space<vmem>>
      %dma_wait3A_43 = tpu.memref_squeeze %dma_wait3A_42 : memref<1x80xi32, #tpu.memory_space<vmem>> -> memref<80xi32, #tpu.memory_space<vmem>>
      %dma_wait3A_44 = arith.constant 0 : i32
      %dma_wait3A_45 = arith.constant 0 : i32
      %dma_wait3A_46 = tpu.memref_slice %arg2[%dma_wait3A_44, %dma_wait3A_45] : memref<10000x128xf32, #tpu.memory_space<hbm>> -> memref<10000x128xf32, #tpu.memory_space<hbm>>
      tpu.wait_indirect_dma semaphore(%arg11 : memref<!tpu.dma_semaphore, #tpu.memory_space<semaphore_mem>>) src(%dma_wait3A_46 : memref<10000x128xf32, #tpu.memory_space<hbm>>) dst(%arg9 : memref<80x128xf32, #tpu.memory_space<vmem>>)
      "tpu.region"() ({
        %run_scoped3A_47 = tpu.sem_alloc : memref<!tpu.dma_semaphore, #tpu.memory_space<semaphore_mem>>
        %dma_start3A_48 = arith.constant 0 : i32
        %dma_start3A_49 = tpu.memref_slice %arg8[%scan3A_36, %dma_start3A_48] : memref<47x80xi32, #tpu.memory_space<vmem>> -> memref<1x80xi32, #tpu.memory_space<vmem>>
        %dma_start3A_50 = tpu.memref_squeeze %dma_start3A_49 : memref<1x80xi32, #tpu.memory_space<vmem>> -> memref<80xi32, #tpu.memory_space<vmem>>
        %dma_start3A_51 = arith.constant 0 : i32
        %dma_start3A_52 = arith.constant 0 : i32
        %dma_start3A_53 = tpu.memref_slice %arg10[%dma_start3A_51, %dma_start3A_52] : memref<10240x128xf32, #tpu.memory_space<vmem_shared>> -> memref<10240x128xf32, #tpu.memory_space<vmem_shared>>
        tpu.enqueue_indirect_dma source(%arg9 : memref<80x128xf32, #tpu.memory_space<vmem>>) target(%dma_start3A_53 : memref<10240x128xf32, #tpu.memory_space<vmem_shared>>) offsets(%dma_start3A_50 : memref<80xi32, #tpu.memory_space<vmem>>) semaphore(%run_scoped3A_47 : memref<!tpu.dma_semaphore, #tpu.memory_space<semaphore_mem>>) {add = true}
        %dma_wait3A_54 = arith.constant 0 : i32
        %dma_wait3A_55 = tpu.memref_slice %arg8[%scan3A_36, %dma_wait3A_54] : memref<47x80xi32, #tpu.memory_space<vmem>> -> memref<1x80xi32, #tpu.memory_space<vmem>>
        %dma_wait3A_56 = tpu.memref_squeeze %dma_wait3A_55 : memref<1x80xi32, #tpu.memory_space<vmem>> -> memref<80xi32, #tpu.memory_space<vmem>>
        %dma_wait3A_57 = arith.constant 0 : i32
        %dma_wait3A_58 = arith.constant 0 : i32
        %dma_wait3A_59 = tpu.memref_slice %arg10[%dma_wait3A_57, %dma_wait3A_58] : memref<10240x128xf32, #tpu.memory_space<vmem_shared>> -> memref<10240x128xf32, #tpu.memory_space<vmem_shared>>
        tpu.wait_indirect_dma semaphore(%run_scoped3A_47 : memref<!tpu.dma_semaphore, #tpu.memory_space<semaphore_mem>>) src(%arg9 : memref<80x128xf32, #tpu.memory_space<vmem>>) dst(%dma_wait3A_59 : memref<10240x128xf32, #tpu.memory_space<vmem_shared>>)
        tpu.yield
      }) : () -> ()
    }
    %scan3A_30 = arith.constant 47 : i32
    %barrier3A_31 = arith.constant 0 : index
    tpu.barrier barrier_id(%barrier3A_31)
    %mul3A_32 = arith.constant 640 : i32
    %mul3A_33 = arith.muli %arg1, %mul3A_32 : i32
    %mul3A_34 = arith.constant 640 : i32
    %mul3A_35 = arith.muli %arg1, %mul3A_34 : i32
    "tpu.region"() ({
      %run_scoped3A_36 = tpu.sem_alloc : memref<!tpu.dma_semaphore, #tpu.memory_space<semaphore_mem>>
      %dma_start3A = arith.constant 0 : i32
      %dma_start3A_37 = tpu.memref_slice %arg6[%arg0, %mul3A_35, %dma_start3A] : memref<2x10240x128xf32, #tpu.memory_space<hbm>> -> memref<1x640x128xf32, #tpu.memory_space<hbm>>
      %dma_start3A_38 = tpu.memref_squeeze %dma_start3A_37 : memref<1x640x128xf32, #tpu.memory_space<hbm>> -> memref<640x128xf32, #tpu.memory_space<hbm>>
      %dma_start3A_39 = arith.constant 0 : i32
      %dma_start3A_40 = tpu.memref_slice %arg10[%mul3A_33, %dma_start3A_39] : memref<10240x128xf32, #tpu.memory_space<vmem_shared>> -> memref<640x128xf32, #tpu.memory_space<vmem_shared>>
      tpu.enqueue_dma source(%dma_start3A_40 : memref<640x128xf32, #tpu.memory_space<vmem_shared>>) target(%dma_start3A_38 : memref<640x128xf32, #tpu.memory_space<hbm>>) target_semaphore(%run_scoped3A_36 : memref<!tpu.dma_semaphore, #tpu.memory_space<semaphore_mem>>)
      %dma_wait3A = arith.constant 0 : i32
      %dma_wait3A_41 = tpu.memref_slice %arg6[%arg0, %mul3A_35, %dma_wait3A] : memref<2x10240x128xf32, #tpu.memory_space<hbm>> -> memref<1x640x128xf32, #tpu.memory_space<hbm>>
      %dma_wait3A_42 = tpu.memref_squeeze %dma_wait3A_41 : memref<1x640x128xf32, #tpu.memory_space<hbm>> -> memref<640x128xf32, #tpu.memory_space<hbm>>
      %dma_wait3A_43 = arith.constant 0 : i32
      %dma_wait3A_44 = tpu.memref_slice %arg10[%mul3A_33, %dma_wait3A_43] : memref<10240x128xf32, #tpu.memory_space<vmem_shared>> -> memref<640x128xf32, #tpu.memory_space<vmem_shared>>
      tpu.wait_dma2 semaphore(%run_scoped3A_36 : memref<!tpu.dma_semaphore, #tpu.memory_space<semaphore_mem>>) src(%dma_wait3A_44 : memref<640x128xf32, #tpu.memory_space<vmem_shared>>) dst(%dma_wait3A_42 : memref<640x128xf32, #tpu.memory_space<hbm>>)
      tpu.yield
    }) : () -> ()
    return
  }
}

#map = affine_map<(d0, d1) -> (0, 0)>
#map1 = affine_map<(d0, d1) -> (0, 0, 0, 0)>
#map2 = affine_map<(d0, d1) -> (0, 0, 0)>
module attributes {stable_mosaic.version = 14 : i64} {
  func.func @_sc_scatter_body(%arg0: i32, %arg1: i32, %arg2: memref<10000x128xf32, #tpu.memory_space<hbm>>, %arg3: memref<32x4x47x80xi32, #tpu.memory_space<hbm>>, %arg4: memref<32x4x47x80xi32, #tpu.memory_space<hbm>>, %arg5: memref<10240x128xf32, #tpu.memory_space<hbm>>, %arg6: memref<2x10240x128xf32, #tpu.memory_space<hbm>>, %arg7: memref<47x80xi32, #tpu.memory_space<vmem>>, %arg8: memref<47x80xi32, #tpu.memory_space<vmem>>, %arg9: memref<80x128xf32, #tpu.memory_space<vmem>>, %arg10: memref<10240x128xf32, #tpu.memory_space<vmem_shared>>, %arg11: memref<!tpu.dma_semaphore, #tpu.memory_space<semaphore_mem>>) attributes {dimension_semantics = [#tpu.dimension_semantics<core_parallel>, #tpu.dimension_semantics<subcore_parallel>], iteration_bounds = array<i64: 2, 16>, scalar_prefetch = 0 : i64, scratch_operands = 5 : i64, tpu.core_type = #tpu.core_type<sc_vector_subcore>, window_params = [{transform_indices = #map}, {transform_indices = #map1}, {transform_indices = #map1}, {transform_indices = #map}, {transform_indices = #map2}]} {
    %mul3A = arith.constant 2 : i32
    %mul3A_0 = arith.muli %arg1, %mul3A : i32
    %add3A = arith.addi %mul3A_0, %arg0 : i32
    %mul3A_1 = arith.constant 640 : i32
    %mul3A_2 = arith.muli %arg1, %mul3A_1 : i32
    %mul3A_3 = arith.constant 640 : i32
    %mul3A_4 = arith.muli %arg1, %mul3A_3 : i32
    "tpu.region"() ({
      %run_scoped3A_36 = tpu.sem_alloc : memref<!tpu.dma_semaphore, #tpu.memory_space<semaphore_mem>>
      %dma_start3A = arith.constant 0 : i32
      %dma_start3A_37 = tpu.memref_slice %arg10[%mul3A_4, %dma_start3A] : memref<10240x128xf32, #tpu.memory_space<vmem_shared>> -> memref<640x128xf32, #tpu.memory_space<vmem_shared>>
      %dma_start3A_38 = arith.constant 0 : i32
      %dma_start3A_39 = tpu.memref_slice %arg5[%mul3A_2, %dma_start3A_38] : memref<10240x128xf32, #tpu.memory_space<hbm>> -> memref<640x128xf32, #tpu.memory_space<hbm>>
      tpu.enqueue_dma source(%dma_start3A_39 : memref<640x128xf32, #tpu.memory_space<hbm>>) target(%dma_start3A_37 : memref<640x128xf32, #tpu.memory_space<vmem_shared>>) target_semaphore(%run_scoped3A_36 : memref<!tpu.dma_semaphore, #tpu.memory_space<semaphore_mem>>)
      %dma_wait3A = arith.constant 0 : i32
      %dma_wait3A_40 = tpu.memref_slice %arg10[%mul3A_4, %dma_wait3A] : memref<10240x128xf32, #tpu.memory_space<vmem_shared>> -> memref<640x128xf32, #tpu.memory_space<vmem_shared>>
      %dma_wait3A_41 = arith.constant 0 : i32
      %dma_wait3A_42 = tpu.memref_slice %arg5[%mul3A_2, %dma_wait3A_41] : memref<10240x128xf32, #tpu.memory_space<hbm>> -> memref<640x128xf32, #tpu.memory_space<hbm>>
      tpu.wait_dma2 semaphore(%run_scoped3A_36 : memref<!tpu.dma_semaphore, #tpu.memory_space<semaphore_mem>>) src(%dma_wait3A_42 : memref<640x128xf32, #tpu.memory_space<hbm>>) dst(%dma_wait3A_40 : memref<640x128xf32, #tpu.memory_space<vmem_shared>>)
      tpu.yield
    }) : () -> ()
    %barrier3A = arith.constant 0 : index
    tpu.barrier barrier_id(%barrier3A)
    %run_scoped3A = arith.constant 0 : i32
    "tpu.region"() ({
      %run_scoped3A_36 = tpu.sem_alloc : memref<!tpu.dma_semaphore, #tpu.memory_space<semaphore_mem>>
      %dma_start3A = arith.constant 0 : i32
      %dma_start3A_37 = arith.constant 0 : i32
      %dma_start3A_38 = tpu.memref_slice %arg3[%add3A, %run_scoped3A, %dma_start3A, %dma_start3A_37] : memref<32x4x47x80xi32, #tpu.memory_space<hbm>> -> memref<1x1x47x80xi32, #tpu.memory_space<hbm>>
      %dma_start3A_39 = tpu.memref_squeeze %dma_start3A_38 : memref<1x1x47x80xi32, #tpu.memory_space<hbm>> -> memref<47x80xi32, #tpu.memory_space<hbm>>
      %dma_start3A_40 = arith.constant 0 : i32
      %dma_start3A_41 = arith.constant 0 : i32
      %dma_start3A_42 = tpu.memref_slice %arg3[%add3A, %run_scoped3A, %dma_start3A_40, %dma_start3A_41] : memref<32x4x47x80xi32, #tpu.memory_space<hbm>> -> memref<1x1x47x80xi32, #tpu.memory_space<hbm>>
      %dma_start3A_43 = tpu.memref_squeeze %dma_start3A_42 : memref<1x1x47x80xi32, #tpu.memory_space<hbm>> -> memref<47x80xi32, #tpu.memory_space<hbm>>
      tpu.enqueue_dma source(%dma_start3A_43 : memref<47x80xi32, #tpu.memory_space<hbm>>) target(%arg7 : memref<47x80xi32, #tpu.memory_space<vmem>>) target_semaphore(%run_scoped3A_36 : memref<!tpu.dma_semaphore, #tpu.memory_space<semaphore_mem>>)
      %dma_wait3A = arith.constant 0 : i32
      %dma_wait3A_44 = arith.constant 0 : i32
      %dma_wait3A_45 = tpu.memref_slice %arg3[%add3A, %run_scoped3A, %dma_wait3A, %dma_wait3A_44] : memref<32x4x47x80xi32, #tpu.memory_space<hbm>> -> memref<1x1x47x80xi32, #tpu.memory_space<hbm>>
      %dma_wait3A_46 = tpu.memref_squeeze %dma_wait3A_45 : memref<1x1x47x80xi32, #tpu.memory_space<hbm>> -> memref<47x80xi32, #tpu.memory_space<hbm>>
      %dma_wait3A_47 = arith.constant 0 : i32
      %dma_wait3A_48 = arith.constant 0 : i32
      %dma_wait3A_49 = tpu.memref_slice %arg3[%add3A, %run_scoped3A, %dma_wait3A_47, %dma_wait3A_48] : memref<32x4x47x80xi32, #tpu.memory_space<hbm>> -> memref<1x1x47x80xi32, #tpu.memory_space<hbm>>
      %dma_wait3A_50 = tpu.memref_squeeze %dma_wait3A_49 : memref<1x1x47x80xi32, #tpu.memory_space<hbm>> -> memref<47x80xi32, #tpu.memory_space<hbm>>
      tpu.wait_dma2 semaphore(%run_scoped3A_36 : memref<!tpu.dma_semaphore, #tpu.memory_space<semaphore_mem>>) src(%dma_wait3A_50 : memref<47x80xi32, #tpu.memory_space<hbm>>) dst(%arg7 : memref<47x80xi32, #tpu.memory_space<vmem>>)
      tpu.yield
    }) : () -> ()
    %run_scoped3A_5 = arith.constant 0 : i32
    "tpu.region"() ({
      %run_scoped3A_36 = tpu.sem_alloc : memref<!tpu.dma_semaphore, #tpu.memory_space<semaphore_mem>>
      %dma_start3A = arith.constant 0 : i32
      %dma_start3A_37 = arith.constant 0 : i32
      %dma_start3A_38 = tpu.memref_slice %arg4[%add3A, %run_scoped3A_5, %dma_start3A, %dma_start3A_37] : memref<32x4x47x80xi32, #tpu.memory_space<hbm>> -> memref<1x1x47x80xi32, #tpu.memory_space<hbm>>
      %dma_start3A_39 = tpu.memref_squeeze %dma_start3A_38 : memref<1x1x47x80xi32, #tpu.memory_space<hbm>> -> memref<47x80xi32, #tpu.memory_space<hbm>>
      %dma_start3A_40 = arith.constant 0 : i32
      %dma_start3A_41 = arith.constant 0 : i32
      %dma_start3A_42 = tpu.memref_slice %arg4[%add3A, %run_scoped3A_5, %dma_start3A_40, %dma_start3A_41] : memref<32x4x47x80xi32, #tpu.memory_space<hbm>> -> memref<1x1x47x80xi32, #tpu.memory_space<hbm>>
      %dma_start3A_43 = tpu.memref_squeeze %dma_start3A_42 : memref<1x1x47x80xi32, #tpu.memory_space<hbm>> -> memref<47x80xi32, #tpu.memory_space<hbm>>
      tpu.enqueue_dma source(%dma_start3A_43 : memref<47x80xi32, #tpu.memory_space<hbm>>) target(%arg8 : memref<47x80xi32, #tpu.memory_space<vmem>>) target_semaphore(%run_scoped3A_36 : memref<!tpu.dma_semaphore, #tpu.memory_space<semaphore_mem>>)
      %dma_wait3A = arith.constant 0 : i32
      %dma_wait3A_44 = arith.constant 0 : i32
      %dma_wait3A_45 = tpu.memref_slice %arg4[%add3A, %run_scoped3A_5, %dma_wait3A, %dma_wait3A_44] : memref<32x4x47x80xi32, #tpu.memory_space<hbm>> -> memref<1x1x47x80xi32, #tpu.memory_space<hbm>>
      %dma_wait3A_46 = tpu.memref_squeeze %dma_wait3A_45 : memref<1x1x47x80xi32, #tpu.memory_space<hbm>> -> memref<47x80xi32, #tpu.memory_space<hbm>>
      %dma_wait3A_47 = arith.constant 0 : i32
      %dma_wait3A_48 = arith.constant 0 : i32
      %dma_wait3A_49 = tpu.memref_slice %arg4[%add3A, %run_scoped3A_5, %dma_wait3A_47, %dma_wait3A_48] : memref<32x4x47x80xi32, #tpu.memory_space<hbm>> -> memref<1x1x47x80xi32, #tpu.memory_space<hbm>>
      %dma_wait3A_50 = tpu.memref_squeeze %dma_wait3A_49 : memref<1x1x47x80xi32, #tpu.memory_space<hbm>> -> memref<47x80xi32, #tpu.memory_space<hbm>>
      tpu.wait_dma2 semaphore(%run_scoped3A_36 : memref<!tpu.dma_semaphore, #tpu.memory_space<semaphore_mem>>) src(%dma_wait3A_50 : memref<47x80xi32, #tpu.memory_space<hbm>>) dst(%arg8 : memref<47x80xi32, #tpu.memory_space<vmem>>)
      tpu.yield
    }) : () -> ()
    %scan3A = arith.constant 0 : i32
    %scan3A_6 = arith.constant 47 : i32
    %scan3A_7 = arith.addi %scan3A, %scan3A_6 : i32
    %scan3A_8 = arith.constant 1 : i32
    scf.for %scan3A_36 = %scan3A to %scan3A_7 step %scan3A_8  : i32 {
      %dma_start3A = arith.constant 0 : i32
      %dma_start3A_37 = tpu.memref_slice %arg7[%scan3A_36, %dma_start3A] : memref<47x80xi32, #tpu.memory_space<vmem>> -> memref<1x80xi32, #tpu.memory_space<vmem>>
      %dma_start3A_38 = tpu.memref_squeeze %dma_start3A_37 : memref<1x80xi32, #tpu.memory_space<vmem>> -> memref<80xi32, #tpu.memory_space<vmem>>
      %dma_start3A_39 = arith.constant 0 : i32
      %dma_start3A_40 = arith.constant 0 : i32
      %dma_start3A_41 = tpu.memref_slice %arg2[%dma_start3A_39, %dma_start3A_40] : memref<10000x128xf32, #tpu.memory_space<hbm>> -> memref<10000x128xf32, #tpu.memory_space<hbm>>
      tpu.enqueue_indirect_dma source(%dma_start3A_41 : memref<10000x128xf32, #tpu.memory_space<hbm>>) target(%arg9 : memref<80x128xf32, #tpu.memory_space<vmem>>) offsets(%dma_start3A_38 : memref<80xi32, #tpu.memory_space<vmem>>) semaphore(%arg11 : memref<!tpu.dma_semaphore, #tpu.memory_space<semaphore_mem>>)
      %dma_wait3A = arith.constant 0 : i32
      %dma_wait3A_42 = tpu.memref_slice %arg7[%scan3A_36, %dma_wait3A] : memref<47x80xi32, #tpu.memory_space<vmem>> -> memref<1x80xi32, #tpu.memory_space<vmem>>
      %dma_wait3A_43 = tpu.memref_squeeze %dma_wait3A_42 : memref<1x80xi32, #tpu.memory_space<vmem>> -> memref<80xi32, #tpu.memory_space<vmem>>
      %dma_wait3A_44 = arith.constant 0 : i32
      %dma_wait3A_45 = arith.constant 0 : i32
      %dma_wait3A_46 = tpu.memref_slice %arg2[%dma_wait3A_44, %dma_wait3A_45] : memref<10000x128xf32, #tpu.memory_space<hbm>> -> memref<10000x128xf32, #tpu.memory_space<hbm>>
      tpu.wait_indirect_dma semaphore(%arg11 : memref<!tpu.dma_semaphore, #tpu.memory_space<semaphore_mem>>) src(%dma_wait3A_46 : memref<10000x128xf32, #tpu.memory_space<hbm>>) dst(%arg9 : memref<80x128xf32, #tpu.memory_space<vmem>>)
      "tpu.region"() ({
        %run_scoped3A_47 = tpu.sem_alloc : memref<!tpu.dma_semaphore, #tpu.memory_space<semaphore_mem>>
        %dma_start3A_48 = arith.constant 0 : i32
        %dma_start3A_49 = tpu.memref_slice %arg8[%scan3A_36, %dma_start3A_48] : memref<47x80xi32, #tpu.memory_space<vmem>> -> memref<1x80xi32, #tpu.memory_space<vmem>>
        %dma_start3A_50 = tpu.memref_squeeze %dma_start3A_49 : memref<1x80xi32, #tpu.memory_space<vmem>> -> memref<80xi32, #tpu.memory_space<vmem>>
        %dma_start3A_51 = arith.constant 0 : i32
        %dma_start3A_52 = arith.constant 0 : i32
        %dma_start3A_53 = tpu.memref_slice %arg10[%dma_start3A_51, %dma_start3A_52] : memref<10240x128xf32, #tpu.memory_space<vmem_shared>> -> memref<10240x128xf32, #tpu.memory_space<vmem_shared>>
        tpu.enqueue_indirect_dma source(%arg9 : memref<80x128xf32, #tpu.memory_space<vmem>>) target(%dma_start3A_53 : memref<10240x128xf32, #tpu.memory_space<vmem_shared>>) offsets(%dma_start3A_50 : memref<80xi32, #tpu.memory_space<vmem>>) semaphore(%run_scoped3A_47 : memref<!tpu.dma_semaphore, #tpu.memory_space<semaphore_mem>>) {add = true}
        %dma_wait3A_54 = arith.constant 0 : i32
        %dma_wait3A_55 = tpu.memref_slice %arg8[%scan3A_36, %dma_wait3A_54] : memref<47x80xi32, #tpu.memory_space<vmem>> -> memref<1x80xi32, #tpu.memory_space<vmem>>
        %dma_wait3A_56 = tpu.memref_squeeze %dma_wait3A_55 : memref<1x80xi32, #tpu.memory_space<vmem>> -> memref<80xi32, #tpu.memory_space<vmem>>
        %dma_wait3A_57 = arith.constant 0 : i32
        %dma_wait3A_58 = arith.constant 0 : i32
        %dma_wait3A_59 = tpu.memref_slice %arg10[%dma_wait3A_57, %dma_wait3A_58] : memref<10240x128xf32, #tpu.memory_space<vmem_shared>> -> memref<10240x128xf32, #tpu.memory_space<vmem_shared>>
        tpu.wait_indirect_dma semaphore(%run_scoped3A_47 : memref<!tpu.dma_semaphore, #tpu.memory_space<semaphore_mem>>) src(%arg9 : memref<80x128xf32, #tpu.memory_space<vmem>>) dst(%dma_wait3A_59 : memref<10240x128xf32, #tpu.memory_space<vmem_shared>>)
        tpu.yield
      }) : () -> ()
    }
    %scan3A_9 = arith.constant 47 : i32
    %run_scoped3A_10 = arith.constant 1 : i32
    "tpu.region"() ({
      %run_scoped3A_36 = tpu.sem_alloc : memref<!tpu.dma_semaphore, #tpu.memory_space<semaphore_mem>>
      %dma_start3A = arith.constant 0 : i32
      %dma_start3A_37 = arith.constant 0 : i32
      %dma_start3A_38 = tpu.memref_slice %arg3[%add3A, %run_scoped3A_10, %dma_start3A, %dma_start3A_37] : memref<32x4x47x80xi32, #tpu.memory_space<hbm>> -> memref<1x1x47x80xi32, #tpu.memory_space<hbm>>
      %dma_start3A_39 = tpu.memref_squeeze %dma_start3A_38 : memref<1x1x47x80xi32, #tpu.memory_space<hbm>> -> memref<47x80xi32, #tpu.memory_space<hbm>>
      %dma_start3A_40 = arith.constant 0 : i32
      %dma_start3A_41 = arith.constant 0 : i32
      %dma_start3A_42 = tpu.memref_slice %arg3[%add3A, %run_scoped3A_10, %dma_start3A_40, %dma_start3A_41] : memref<32x4x47x80xi32, #tpu.memory_space<hbm>> -> memref<1x1x47x80xi32, #tpu.memory_space<hbm>>
      %dma_start3A_43 = tpu.memref_squeeze %dma_start3A_42 : memref<1x1x47x80xi32, #tpu.memory_space<hbm>> -> memref<47x80xi32, #tpu.memory_space<hbm>>
      tpu.enqueue_dma source(%dma_start3A_43 : memref<47x80xi32, #tpu.memory_space<hbm>>) target(%arg7 : memref<47x80xi32, #tpu.memory_space<vmem>>) target_semaphore(%run_scoped3A_36 : memref<!tpu.dma_semaphore, #tpu.memory_space<semaphore_mem>>)
      %dma_wait3A = arith.constant 0 : i32
      %dma_wait3A_44 = arith.constant 0 : i32
      %dma_wait3A_45 = tpu.memref_slice %arg3[%add3A, %run_scoped3A_10, %dma_wait3A, %dma_wait3A_44] : memref<32x4x47x80xi32, #tpu.memory_space<hbm>> -> memref<1x1x47x80xi32, #tpu.memory_space<hbm>>
      %dma_wait3A_46 = tpu.memref_squeeze %dma_wait3A_45 : memref<1x1x47x80xi32, #tpu.memory_space<hbm>> -> memref<47x80xi32, #tpu.memory_space<hbm>>
      %dma_wait3A_47 = arith.constant 0 : i32
      %dma_wait3A_48 = arith.constant 0 : i32
      %dma_wait3A_49 = tpu.memref_slice %arg3[%add3A, %run_scoped3A_10, %dma_wait3A_47, %dma_wait3A_48] : memref<32x4x47x80xi32, #tpu.memory_space<hbm>> -> memref<1x1x47x80xi32, #tpu.memory_space<hbm>>
      %dma_wait3A_50 = tpu.memref_squeeze %dma_wait3A_49 : memref<1x1x47x80xi32, #tpu.memory_space<hbm>> -> memref<47x80xi32, #tpu.memory_space<hbm>>
      tpu.wait_dma2 semaphore(%run_scoped3A_36 : memref<!tpu.dma_semaphore, #tpu.memory_space<semaphore_mem>>) src(%dma_wait3A_50 : memref<47x80xi32, #tpu.memory_space<hbm>>) dst(%arg7 : memref<47x80xi32, #tpu.memory_space<vmem>>)
      tpu.yield
    }) : () -> ()
    %run_scoped3A_11 = arith.constant 1 : i32
    "tpu.region"() ({
      %run_scoped3A_36 = tpu.sem_alloc : memref<!tpu.dma_semaphore, #tpu.memory_space<semaphore_mem>>
      %dma_start3A = arith.constant 0 : i32
      %dma_start3A_37 = arith.constant 0 : i32
      %dma_start3A_38 = tpu.memref_slice %arg4[%add3A, %run_scoped3A_11, %dma_start3A, %dma_start3A_37] : memref<32x4x47x80xi32, #tpu.memory_space<hbm>> -> memref<1x1x47x80xi32, #tpu.memory_space<hbm>>
      %dma_start3A_39 = tpu.memref_squeeze %dma_start3A_38 : memref<1x1x47x80xi32, #tpu.memory_space<hbm>> -> memref<47x80xi32, #tpu.memory_space<hbm>>
      %dma_start3A_40 = arith.constant 0 : i32
      %dma_start3A_41 = arith.constant 0 : i32
      %dma_start3A_42 = tpu.memref_slice %arg4[%add3A, %run_scoped3A_11, %dma_start3A_40, %dma_start3A_41] : memref<32x4x47x80xi32, #tpu.memory_space<hbm>> -> memref<1x1x47x80xi32, #tpu.memory_space<hbm>>
      %dma_start3A_43 = tpu.memref_squeeze %dma_start3A_42 : memref<1x1x47x80xi32, #tpu.memory_space<hbm>> -> memref<47x80xi32, #tpu.memory_space<hbm>>
      tpu.enqueue_dma source(%dma_start3A_43 : memref<47x80xi32, #tpu.memory_space<hbm>>) target(%arg8 : memref<47x80xi32, #tpu.memory_space<vmem>>) target_semaphore(%run_scoped3A_36 : memref<!tpu.dma_semaphore, #tpu.memory_space<semaphore_mem>>)
      %dma_wait3A = arith.constant 0 : i32
      %dma_wait3A_44 = arith.constant 0 : i32
      %dma_wait3A_45 = tpu.memref_slice %arg4[%add3A, %run_scoped3A_11, %dma_wait3A, %dma_wait3A_44] : memref<32x4x47x80xi32, #tpu.memory_space<hbm>> -> memref<1x1x47x80xi32, #tpu.memory_space<hbm>>
      %dma_wait3A_46 = tpu.memref_squeeze %dma_wait3A_45 : memref<1x1x47x80xi32, #tpu.memory_space<hbm>> -> memref<47x80xi32, #tpu.memory_space<hbm>>
      %dma_wait3A_47 = arith.constant 0 : i32
      %dma_wait3A_48 = arith.constant 0 : i32
      %dma_wait3A_49 = tpu.memref_slice %arg4[%add3A, %run_scoped3A_11, %dma_wait3A_47, %dma_wait3A_48] : memref<32x4x47x80xi32, #tpu.memory_space<hbm>> -> memref<1x1x47x80xi32, #tpu.memory_space<hbm>>
      %dma_wait3A_50 = tpu.memref_squeeze %dma_wait3A_49 : memref<1x1x47x80xi32, #tpu.memory_space<hbm>> -> memref<47x80xi32, #tpu.memory_space<hbm>>
      tpu.wait_dma2 semaphore(%run_scoped3A_36 : memref<!tpu.dma_semaphore, #tpu.memory_space<semaphore_mem>>) src(%dma_wait3A_50 : memref<47x80xi32, #tpu.memory_space<hbm>>) dst(%arg8 : memref<47x80xi32, #tpu.memory_space<vmem>>)
      tpu.yield
    }) : () -> ()
    %scan3A_12 = arith.constant 0 : i32
    %scan3A_13 = arith.constant 47 : i32
    %scan3A_14 = arith.addi %scan3A_12, %scan3A_13 : i32
    %scan3A_15 = arith.constant 1 : i32
    scf.for %scan3A_36 = %scan3A_12 to %scan3A_14 step %scan3A_15  : i32 {
      %dma_start3A = arith.constant 0 : i32
      %dma_start3A_37 = tpu.memref_slice %arg7[%scan3A_36, %dma_start3A] : memref<47x80xi32, #tpu.memory_space<vmem>> -> memref<1x80xi32, #tpu.memory_space<vmem>>
      %dma_start3A_38 = tpu.memref_squeeze %dma_start3A_37 : memref<1x80xi32, #tpu.memory_space<vmem>> -> memref<80xi32, #tpu.memory_space<vmem>>
      %dma_start3A_39 = arith.constant 0 : i32
      %dma_start3A_40 = arith.constant 0 : i32
      %dma_start3A_41 = tpu.memref_slice %arg2[%dma_start3A_39, %dma_start3A_40] : memref<10000x128xf32, #tpu.memory_space<hbm>> -> memref<10000x128xf32, #tpu.memory_space<hbm>>
      tpu.enqueue_indirect_dma source(%dma_start3A_41 : memref<10000x128xf32, #tpu.memory_space<hbm>>) target(%arg9 : memref<80x128xf32, #tpu.memory_space<vmem>>) offsets(%dma_start3A_38 : memref<80xi32, #tpu.memory_space<vmem>>) semaphore(%arg11 : memref<!tpu.dma_semaphore, #tpu.memory_space<semaphore_mem>>)
      %dma_wait3A = arith.constant 0 : i32
      %dma_wait3A_42 = tpu.memref_slice %arg7[%scan3A_36, %dma_wait3A] : memref<47x80xi32, #tpu.memory_space<vmem>> -> memref<1x80xi32, #tpu.memory_space<vmem>>
      %dma_wait3A_43 = tpu.memref_squeeze %dma_wait3A_42 : memref<1x80xi32, #tpu.memory_space<vmem>> -> memref<80xi32, #tpu.memory_space<vmem>>
      %dma_wait3A_44 = arith.constant 0 : i32
      %dma_wait3A_45 = arith.constant 0 : i32
      %dma_wait3A_46 = tpu.memref_slice %arg2[%dma_wait3A_44, %dma_wait3A_45] : memref<10000x128xf32, #tpu.memory_space<hbm>> -> memref<10000x128xf32, #tpu.memory_space<hbm>>
      tpu.wait_indirect_dma semaphore(%arg11 : memref<!tpu.dma_semaphore, #tpu.memory_space<semaphore_mem>>) src(%dma_wait3A_46 : memref<10000x128xf32, #tpu.memory_space<hbm>>) dst(%arg9 : memref<80x128xf32, #tpu.memory_space<vmem>>)
      "tpu.region"() ({
        %run_scoped3A_47 = tpu.sem_alloc : memref<!tpu.dma_semaphore, #tpu.memory_space<semaphore_mem>>
        %dma_start3A_48 = arith.constant 0 : i32
        %dma_start3A_49 = tpu.memref_slice %arg8[%scan3A_36, %dma_start3A_48] : memref<47x80xi32, #tpu.memory_space<vmem>> -> memref<1x80xi32, #tpu.memory_space<vmem>>
        %dma_start3A_50 = tpu.memref_squeeze %dma_start3A_49 : memref<1x80xi32, #tpu.memory_space<vmem>> -> memref<80xi32, #tpu.memory_space<vmem>>
        %dma_start3A_51 = arith.constant 0 : i32
        %dma_start3A_52 = arith.constant 0 : i32
        %dma_start3A_53 = tpu.memref_slice %arg10[%dma_start3A_51, %dma_start3A_52] : memref<10240x128xf32, #tpu.memory_space<vmem_shared>> -> memref<10240x128xf32, #tpu.memory_space<vmem_shared>>
        tpu.enqueue_indirect_dma source(%arg9 : memref<80x128xf32, #tpu.memory_space<vmem>>) target(%dma_start3A_53 : memref<10240x128xf32, #tpu.memory_space<vmem_shared>>) offsets(%dma_start3A_50 : memref<80xi32, #tpu.memory_space<vmem>>) semaphore(%run_scoped3A_47 : memref<!tpu.dma_semaphore, #tpu.memory_space<semaphore_mem>>) {add = true}
        %dma_wait3A_54 = arith.constant 0 : i32
        %dma_wait3A_55 = tpu.memref_slice %arg8[%scan3A_36, %dma_wait3A_54] : memref<47x80xi32, #tpu.memory_space<vmem>> -> memref<1x80xi32, #tpu.memory_space<vmem>>
        %dma_wait3A_56 = tpu.memref_squeeze %dma_wait3A_55 : memref<1x80xi32, #tpu.memory_space<vmem>> -> memref<80xi32, #tpu.memory_space<vmem>>
        %dma_wait3A_57 = arith.constant 0 : i32
        %dma_wait3A_58 = arith.constant 0 : i32
        %dma_wait3A_59 = tpu.memref_slice %arg10[%dma_wait3A_57, %dma_wait3A_58] : memref<10240x128xf32, #tpu.memory_space<vmem_shared>> -> memref<10240x128xf32, #tpu.memory_space<vmem_shared>>
        tpu.wait_indirect_dma semaphore(%run_scoped3A_47 : memref<!tpu.dma_semaphore, #tpu.memory_space<semaphore_mem>>) src(%arg9 : memref<80x128xf32, #tpu.memory_space<vmem>>) dst(%dma_wait3A_59 : memref<10240x128xf32, #tpu.memory_space<vmem_shared>>)
        tpu.yield
      }) : () -> ()
    }
    %scan3A_16 = arith.constant 47 : i32
    %run_scoped3A_17 = arith.constant 2 : i32
    "tpu.region"() ({
      %run_scoped3A_36 = tpu.sem_alloc : memref<!tpu.dma_semaphore, #tpu.memory_space<semaphore_mem>>
      %dma_start3A = arith.constant 0 : i32
      %dma_start3A_37 = arith.constant 0 : i32
      %dma_start3A_38 = tpu.memref_slice %arg3[%add3A, %run_scoped3A_17, %dma_start3A, %dma_start3A_37] : memref<32x4x47x80xi32, #tpu.memory_space<hbm>> -> memref<1x1x47x80xi32, #tpu.memory_space<hbm>>
      %dma_start3A_39 = tpu.memref_squeeze %dma_start3A_38 : memref<1x1x47x80xi32, #tpu.memory_space<hbm>> -> memref<47x80xi32, #tpu.memory_space<hbm>>
      %dma_start3A_40 = arith.constant 0 : i32
      %dma_start3A_41 = arith.constant 0 : i32
      %dma_start3A_42 = tpu.memref_slice %arg3[%add3A, %run_scoped3A_17, %dma_start3A_40, %dma_start3A_41] : memref<32x4x47x80xi32, #tpu.memory_space<hbm>> -> memref<1x1x47x80xi32, #tpu.memory_space<hbm>>
      %dma_start3A_43 = tpu.memref_squeeze %dma_start3A_42 : memref<1x1x47x80xi32, #tpu.memory_space<hbm>> -> memref<47x80xi32, #tpu.memory_space<hbm>>
      tpu.enqueue_dma source(%dma_start3A_43 : memref<47x80xi32, #tpu.memory_space<hbm>>) target(%arg7 : memref<47x80xi32, #tpu.memory_space<vmem>>) target_semaphore(%run_scoped3A_36 : memref<!tpu.dma_semaphore, #tpu.memory_space<semaphore_mem>>)
      %dma_wait3A = arith.constant 0 : i32
      %dma_wait3A_44 = arith.constant 0 : i32
      %dma_wait3A_45 = tpu.memref_slice %arg3[%add3A, %run_scoped3A_17, %dma_wait3A, %dma_wait3A_44] : memref<32x4x47x80xi32, #tpu.memory_space<hbm>> -> memref<1x1x47x80xi32, #tpu.memory_space<hbm>>
      %dma_wait3A_46 = tpu.memref_squeeze %dma_wait3A_45 : memref<1x1x47x80xi32, #tpu.memory_space<hbm>> -> memref<47x80xi32, #tpu.memory_space<hbm>>
      %dma_wait3A_47 = arith.constant 0 : i32
      %dma_wait3A_48 = arith.constant 0 : i32
      %dma_wait3A_49 = tpu.memref_slice %arg3[%add3A, %run_scoped3A_17, %dma_wait3A_47, %dma_wait3A_48] : memref<32x4x47x80xi32, #tpu.memory_space<hbm>> -> memref<1x1x47x80xi32, #tpu.memory_space<hbm>>
      %dma_wait3A_50 = tpu.memref_squeeze %dma_wait3A_49 : memref<1x1x47x80xi32, #tpu.memory_space<hbm>> -> memref<47x80xi32, #tpu.memory_space<hbm>>
      tpu.wait_dma2 semaphore(%run_scoped3A_36 : memref<!tpu.dma_semaphore, #tpu.memory_space<semaphore_mem>>) src(%dma_wait3A_50 : memref<47x80xi32, #tpu.memory_space<hbm>>) dst(%arg7 : memref<47x80xi32, #tpu.memory_space<vmem>>)
      tpu.yield
    }) : () -> ()
    %run_scoped3A_18 = arith.constant 2 : i32
    "tpu.region"() ({
      %run_scoped3A_36 = tpu.sem_alloc : memref<!tpu.dma_semaphore, #tpu.memory_space<semaphore_mem>>
      %dma_start3A = arith.constant 0 : i32
      %dma_start3A_37 = arith.constant 0 : i32
      %dma_start3A_38 = tpu.memref_slice %arg4[%add3A, %run_scoped3A_18, %dma_start3A, %dma_start3A_37] : memref<32x4x47x80xi32, #tpu.memory_space<hbm>> -> memref<1x1x47x80xi32, #tpu.memory_space<hbm>>
      %dma_start3A_39 = tpu.memref_squeeze %dma_start3A_38 : memref<1x1x47x80xi32, #tpu.memory_space<hbm>> -> memref<47x80xi32, #tpu.memory_space<hbm>>
      %dma_start3A_40 = arith.constant 0 : i32
      %dma_start3A_41 = arith.constant 0 : i32
      %dma_start3A_42 = tpu.memref_slice %arg4[%add3A, %run_scoped3A_18, %dma_start3A_40, %dma_start3A_41] : memref<32x4x47x80xi32, #tpu.memory_space<hbm>> -> memref<1x1x47x80xi32, #tpu.memory_space<hbm>>
      %dma_start3A_43 = tpu.memref_squeeze %dma_start3A_42 : memref<1x1x47x80xi32, #tpu.memory_space<hbm>> -> memref<47x80xi32, #tpu.memory_space<hbm>>
      tpu.enqueue_dma source(%dma_start3A_43 : memref<47x80xi32, #tpu.memory_space<hbm>>) target(%arg8 : memref<47x80xi32, #tpu.memory_space<vmem>>) target_semaphore(%run_scoped3A_36 : memref<!tpu.dma_semaphore, #tpu.memory_space<semaphore_mem>>)
      %dma_wait3A = arith.constant 0 : i32
      %dma_wait3A_44 = arith.constant 0 : i32
      %dma_wait3A_45 = tpu.memref_slice %arg4[%add3A, %run_scoped3A_18, %dma_wait3A, %dma_wait3A_44] : memref<32x4x47x80xi32, #tpu.memory_space<hbm>> -> memref<1x1x47x80xi32, #tpu.memory_space<hbm>>
      %dma_wait3A_46 = tpu.memref_squeeze %dma_wait3A_45 : memref<1x1x47x80xi32, #tpu.memory_space<hbm>> -> memref<47x80xi32, #tpu.memory_space<hbm>>
      %dma_wait3A_47 = arith.constant 0 : i32
      %dma_wait3A_48 = arith.constant 0 : i32
      %dma_wait3A_49 = tpu.memref_slice %arg4[%add3A, %run_scoped3A_18, %dma_wait3A_47, %dma_wait3A_48] : memref<32x4x47x80xi32, #tpu.memory_space<hbm>> -> memref<1x1x47x80xi32, #tpu.memory_space<hbm>>
      %dma_wait3A_50 = tpu.memref_squeeze %dma_wait3A_49 : memref<1x1x47x80xi32, #tpu.memory_space<hbm>> -> memref<47x80xi32, #tpu.memory_space<hbm>>
      tpu.wait_dma2 semaphore(%run_scoped3A_36 : memref<!tpu.dma_semaphore, #tpu.memory_space<semaphore_mem>>) src(%dma_wait3A_50 : memref<47x80xi32, #tpu.memory_space<hbm>>) dst(%arg8 : memref<47x80xi32, #tpu.memory_space<vmem>>)
      tpu.yield
    }) : () -> ()
    %scan3A_19 = arith.constant 0 : i32
    %scan3A_20 = arith.constant 47 : i32
    %scan3A_21 = arith.addi %scan3A_19, %scan3A_20 : i32
    %scan3A_22 = arith.constant 1 : i32
    scf.for %scan3A_36 = %scan3A_19 to %scan3A_21 step %scan3A_22  : i32 {
      %dma_start3A = arith.constant 0 : i32
      %dma_start3A_37 = tpu.memref_slice %arg7[%scan3A_36, %dma_start3A] : memref<47x80xi32, #tpu.memory_space<vmem>> -> memref<1x80xi32, #tpu.memory_space<vmem>>
      %dma_start3A_38 = tpu.memref_squeeze %dma_start3A_37 : memref<1x80xi32, #tpu.memory_space<vmem>> -> memref<80xi32, #tpu.memory_space<vmem>>
      %dma_start3A_39 = arith.constant 0 : i32
      %dma_start3A_40 = arith.constant 0 : i32
      %dma_start3A_41 = tpu.memref_slice %arg2[%dma_start3A_39, %dma_start3A_40] : memref<10000x128xf32, #tpu.memory_space<hbm>> -> memref<10000x128xf32, #tpu.memory_space<hbm>>
      tpu.enqueue_indirect_dma source(%dma_start3A_41 : memref<10000x128xf32, #tpu.memory_space<hbm>>) target(%arg9 : memref<80x128xf32, #tpu.memory_space<vmem>>) offsets(%dma_start3A_38 : memref<80xi32, #tpu.memory_space<vmem>>) semaphore(%arg11 : memref<!tpu.dma_semaphore, #tpu.memory_space<semaphore_mem>>)
      %dma_wait3A = arith.constant 0 : i32
      %dma_wait3A_42 = tpu.memref_slice %arg7[%scan3A_36, %dma_wait3A] : memref<47x80xi32, #tpu.memory_space<vmem>> -> memref<1x80xi32, #tpu.memory_space<vmem>>
      %dma_wait3A_43 = tpu.memref_squeeze %dma_wait3A_42 : memref<1x80xi32, #tpu.memory_space<vmem>> -> memref<80xi32, #tpu.memory_space<vmem>>
      %dma_wait3A_44 = arith.constant 0 : i32
      %dma_wait3A_45 = arith.constant 0 : i32
      %dma_wait3A_46 = tpu.memref_slice %arg2[%dma_wait3A_44, %dma_wait3A_45] : memref<10000x128xf32, #tpu.memory_space<hbm>> -> memref<10000x128xf32, #tpu.memory_space<hbm>>
      tpu.wait_indirect_dma semaphore(%arg11 : memref<!tpu.dma_semaphore, #tpu.memory_space<semaphore_mem>>) src(%dma_wait3A_46 : memref<10000x128xf32, #tpu.memory_space<hbm>>) dst(%arg9 : memref<80x128xf32, #tpu.memory_space<vmem>>)
      "tpu.region"() ({
        %run_scoped3A_47 = tpu.sem_alloc : memref<!tpu.dma_semaphore, #tpu.memory_space<semaphore_mem>>
        %dma_start3A_48 = arith.constant 0 : i32
        %dma_start3A_49 = tpu.memref_slice %arg8[%scan3A_36, %dma_start3A_48] : memref<47x80xi32, #tpu.memory_space<vmem>> -> memref<1x80xi32, #tpu.memory_space<vmem>>
        %dma_start3A_50 = tpu.memref_squeeze %dma_start3A_49 : memref<1x80xi32, #tpu.memory_space<vmem>> -> memref<80xi32, #tpu.memory_space<vmem>>
        %dma_start3A_51 = arith.constant 0 : i32
        %dma_start3A_52 = arith.constant 0 : i32
        %dma_start3A_53 = tpu.memref_slice %arg10[%dma_start3A_51, %dma_start3A_52] : memref<10240x128xf32, #tpu.memory_space<vmem_shared>> -> memref<10240x128xf32, #tpu.memory_space<vmem_shared>>
        tpu.enqueue_indirect_dma source(%arg9 : memref<80x128xf32, #tpu.memory_space<vmem>>) target(%dma_start3A_53 : memref<10240x128xf32, #tpu.memory_space<vmem_shared>>) offsets(%dma_start3A_50 : memref<80xi32, #tpu.memory_space<vmem>>) semaphore(%run_scoped3A_47 : memref<!tpu.dma_semaphore, #tpu.memory_space<semaphore_mem>>) {add = true}
        %dma_wait3A_54 = arith.constant 0 : i32
        %dma_wait3A_55 = tpu.memref_slice %arg8[%scan3A_36, %dma_wait3A_54] : memref<47x80xi32, #tpu.memory_space<vmem>> -> memref<1x80xi32, #tpu.memory_space<vmem>>
        %dma_wait3A_56 = tpu.memref_squeeze %dma_wait3A_55 : memref<1x80xi32, #tpu.memory_space<vmem>> -> memref<80xi32, #tpu.memory_space<vmem>>
        %dma_wait3A_57 = arith.constant 0 : i32
        %dma_wait3A_58 = arith.constant 0 : i32
        %dma_wait3A_59 = tpu.memref_slice %arg10[%dma_wait3A_57, %dma_wait3A_58] : memref<10240x128xf32, #tpu.memory_space<vmem_shared>> -> memref<10240x128xf32, #tpu.memory_space<vmem_shared>>
        tpu.wait_indirect_dma semaphore(%run_scoped3A_47 : memref<!tpu.dma_semaphore, #tpu.memory_space<semaphore_mem>>) src(%arg9 : memref<80x128xf32, #tpu.memory_space<vmem>>) dst(%dma_wait3A_59 : memref<10240x128xf32, #tpu.memory_space<vmem_shared>>)
        tpu.yield
      }) : () -> ()
    }
    %scan3A_23 = arith.constant 47 : i32
    %run_scoped3A_24 = arith.constant 3 : i32
    "tpu.region"() ({
      %run_scoped3A_36 = tpu.sem_alloc : memref<!tpu.dma_semaphore, #tpu.memory_space<semaphore_mem>>
      %dma_start3A = arith.constant 0 : i32
      %dma_start3A_37 = arith.constant 0 : i32
      %dma_start3A_38 = tpu.memref_slice %arg3[%add3A, %run_scoped3A_24, %dma_start3A, %dma_start3A_37] : memref<32x4x47x80xi32, #tpu.memory_space<hbm>> -> memref<1x1x47x80xi32, #tpu.memory_space<hbm>>
      %dma_start3A_39 = tpu.memref_squeeze %dma_start3A_38 : memref<1x1x47x80xi32, #tpu.memory_space<hbm>> -> memref<47x80xi32, #tpu.memory_space<hbm>>
      %dma_start3A_40 = arith.constant 0 : i32
      %dma_start3A_41 = arith.constant 0 : i32
      %dma_start3A_42 = tpu.memref_slice %arg3[%add3A, %run_scoped3A_24, %dma_start3A_40, %dma_start3A_41] : memref<32x4x47x80xi32, #tpu.memory_space<hbm>> -> memref<1x1x47x80xi32, #tpu.memory_space<hbm>>
      %dma_start3A_43 = tpu.memref_squeeze %dma_start3A_42 : memref<1x1x47x80xi32, #tpu.memory_space<hbm>> -> memref<47x80xi32, #tpu.memory_space<hbm>>
      tpu.enqueue_dma source(%dma_start3A_43 : memref<47x80xi32, #tpu.memory_space<hbm>>) target(%arg7 : memref<47x80xi32, #tpu.memory_space<vmem>>) target_semaphore(%run_scoped3A_36 : memref<!tpu.dma_semaphore, #tpu.memory_space<semaphore_mem>>)
      %dma_wait3A = arith.constant 0 : i32
      %dma_wait3A_44 = arith.constant 0 : i32
      %dma_wait3A_45 = tpu.memref_slice %arg3[%add3A, %run_scoped3A_24, %dma_wait3A, %dma_wait3A_44] : memref<32x4x47x80xi32, #tpu.memory_space<hbm>> -> memref<1x1x47x80xi32, #tpu.memory_space<hbm>>
      %dma_wait3A_46 = tpu.memref_squeeze %dma_wait3A_45 : memref<1x1x47x80xi32, #tpu.memory_space<hbm>> -> memref<47x80xi32, #tpu.memory_space<hbm>>
      %dma_wait3A_47 = arith.constant 0 : i32
      %dma_wait3A_48 = arith.constant 0 : i32
      %dma_wait3A_49 = tpu.memref_slice %arg3[%add3A, %run_scoped3A_24, %dma_wait3A_47, %dma_wait3A_48] : memref<32x4x47x80xi32, #tpu.memory_space<hbm>> -> memref<1x1x47x80xi32, #tpu.memory_space<hbm>>
      %dma_wait3A_50 = tpu.memref_squeeze %dma_wait3A_49 : memref<1x1x47x80xi32, #tpu.memory_space<hbm>> -> memref<47x80xi32, #tpu.memory_space<hbm>>
      tpu.wait_dma2 semaphore(%run_scoped3A_36 : memref<!tpu.dma_semaphore, #tpu.memory_space<semaphore_mem>>) src(%dma_wait3A_50 : memref<47x80xi32, #tpu.memory_space<hbm>>) dst(%arg7 : memref<47x80xi32, #tpu.memory_space<vmem>>)
      tpu.yield
    }) : () -> ()
    %run_scoped3A_25 = arith.constant 3 : i32
    "tpu.region"() ({
      %run_scoped3A_36 = tpu.sem_alloc : memref<!tpu.dma_semaphore, #tpu.memory_space<semaphore_mem>>
      %dma_start3A = arith.constant 0 : i32
      %dma_start3A_37 = arith.constant 0 : i32
      %dma_start3A_38 = tpu.memref_slice %arg4[%add3A, %run_scoped3A_25, %dma_start3A, %dma_start3A_37] : memref<32x4x47x80xi32, #tpu.memory_space<hbm>> -> memref<1x1x47x80xi32, #tpu.memory_space<hbm>>
      %dma_start3A_39 = tpu.memref_squeeze %dma_start3A_38 : memref<1x1x47x80xi32, #tpu.memory_space<hbm>> -> memref<47x80xi32, #tpu.memory_space<hbm>>
      %dma_start3A_40 = arith.constant 0 : i32
      %dma_start3A_41 = arith.constant 0 : i32
      %dma_start3A_42 = tpu.memref_slice %arg4[%add3A, %run_scoped3A_25, %dma_start3A_40, %dma_start3A_41] : memref<32x4x47x80xi32, #tpu.memory_space<hbm>> -> memref<1x1x47x80xi32, #tpu.memory_space<hbm>>
      %dma_start3A_43 = tpu.memref_squeeze %dma_start3A_42 : memref<1x1x47x80xi32, #tpu.memory_space<hbm>> -> memref<47x80xi32, #tpu.memory_space<hbm>>
      tpu.enqueue_dma source(%dma_start3A_43 : memref<47x80xi32, #tpu.memory_space<hbm>>) target(%arg8 : memref<47x80xi32, #tpu.memory_space<vmem>>) target_semaphore(%run_scoped3A_36 : memref<!tpu.dma_semaphore, #tpu.memory_space<semaphore_mem>>)
      %dma_wait3A = arith.constant 0 : i32
      %dma_wait3A_44 = arith.constant 0 : i32
      %dma_wait3A_45 = tpu.memref_slice %arg4[%add3A, %run_scoped3A_25, %dma_wait3A, %dma_wait3A_44] : memref<32x4x47x80xi32, #tpu.memory_space<hbm>> -> memref<1x1x47x80xi32, #tpu.memory_space<hbm>>
      %dma_wait3A_46 = tpu.memref_squeeze %dma_wait3A_45 : memref<1x1x47x80xi32, #tpu.memory_space<hbm>> -> memref<47x80xi32, #tpu.memory_space<hbm>>
      %dma_wait3A_47 = arith.constant 0 : i32
      %dma_wait3A_48 = arith.constant 0 : i32
      %dma_wait3A_49 = tpu.memref_slice %arg4[%add3A, %run_scoped3A_25, %dma_wait3A_47, %dma_wait3A_48] : memref<32x4x47x80xi32, #tpu.memory_space<hbm>> -> memref<1x1x47x80xi32, #tpu.memory_space<hbm>>
      %dma_wait3A_50 = tpu.memref_squeeze %dma_wait3A_49 : memref<1x1x47x80xi32, #tpu.memory_space<hbm>> -> memref<47x80xi32, #tpu.memory_space<hbm>>
      tpu.wait_dma2 semaphore(%run_scoped3A_36 : memref<!tpu.dma_semaphore, #tpu.memory_space<semaphore_mem>>) src(%dma_wait3A_50 : memref<47x80xi32, #tpu.memory_space<hbm>>) dst(%arg8 : memref<47x80xi32, #tpu.memory_space<vmem>>)
      tpu.yield
    }) : () -> ()
    %scan3A_26 = arith.constant 0 : i32
    %scan3A_27 = arith.constant 47 : i32
    %scan3A_28 = arith.addi %scan3A_26, %scan3A_27 : i32
    %scan3A_29 = arith.constant 1 : i32
    scf.for %scan3A_36 = %scan3A_26 to %scan3A_28 step %scan3A_29  : i32 {
      %dma_start3A = arith.constant 0 : i32
      %dma_start3A_37 = tpu.memref_slice %arg7[%scan3A_36, %dma_start3A] : memref<47x80xi32, #tpu.memory_space<vmem>> -> memref<1x80xi32, #tpu.memory_space<vmem>>
      %dma_start3A_38 = tpu.memref_squeeze %dma_start3A_37 : memref<1x80xi32, #tpu.memory_space<vmem>> -> memref<80xi32, #tpu.memory_space<vmem>>
      %dma_start3A_39 = arith.constant 0 : i32
      %dma_start3A_40 = arith.constant 0 : i32
      %dma_start3A_41 = tpu.memref_slice %arg2[%dma_start3A_39, %dma_start3A_40] : memref<10000x128xf32, #tpu.memory_space<hbm>> -> memref<10000x128xf32, #tpu.memory_space<hbm>>
      tpu.enqueue_indirect_dma source(%dma_start3A_41 : memref<10000x128xf32, #tpu.memory_space<hbm>>) target(%arg9 : memref<80x128xf32, #tpu.memory_space<vmem>>) offsets(%dma_start3A_38 : memref<80xi32, #tpu.memory_space<vmem>>) semaphore(%arg11 : memref<!tpu.dma_semaphore, #tpu.memory_space<semaphore_mem>>)
      %dma_wait3A = arith.constant 0 : i32
      %dma_wait3A_42 = tpu.memref_slice %arg7[%scan3A_36, %dma_wait3A] : memref<47x80xi32, #tpu.memory_space<vmem>> -> memref<1x80xi32, #tpu.memory_space<vmem>>
      %dma_wait3A_43 = tpu.memref_squeeze %dma_wait3A_42 : memref<1x80xi32, #tpu.memory_space<vmem>> -> memref<80xi32, #tpu.memory_space<vmem>>
      %dma_wait3A_44 = arith.constant 0 : i32
      %dma_wait3A_45 = arith.constant 0 : i32
      %dma_wait3A_46 = tpu.memref_slice %arg2[%dma_wait3A_44, %dma_wait3A_45] : memref<10000x128xf32, #tpu.memory_space<hbm>> -> memref<10000x128xf32, #tpu.memory_space<hbm>>
      tpu.wait_indirect_dma semaphore(%arg11 : memref<!tpu.dma_semaphore, #tpu.memory_space<semaphore_mem>>) src(%dma_wait3A_46 : memref<10000x128xf32, #tpu.memory_space<hbm>>) dst(%arg9 : memref<80x128xf32, #tpu.memory_space<vmem>>)
      "tpu.region"() ({
        %run_scoped3A_47 = tpu.sem_alloc : memref<!tpu.dma_semaphore, #tpu.memory_space<semaphore_mem>>
        %dma_start3A_48 = arith.constant 0 : i32
        %dma_start3A_49 = tpu.memref_slice %arg8[%scan3A_36, %dma_start3A_48] : memref<47x80xi32, #tpu.memory_space<vmem>> -> memref<1x80xi32, #tpu.memory_space<vmem>>
        %dma_start3A_50 = tpu.memref_squeeze %dma_start3A_49 : memref<1x80xi32, #tpu.memory_space<vmem>> -> memref<80xi32, #tpu.memory_space<vmem>>
        %dma_start3A_51 = arith.constant 0 : i32
        %dma_start3A_52 = arith.constant 0 : i32
        %dma_start3A_53 = tpu.memref_slice %arg10[%dma_start3A_51, %dma_start3A_52] : memref<10240x128xf32, #tpu.memory_space<vmem_shared>> -> memref<10240x128xf32, #tpu.memory_space<vmem_shared>>
        tpu.enqueue_indirect_dma source(%arg9 : memref<80x128xf32, #tpu.memory_space<vmem>>) target(%dma_start3A_53 : memref<10240x128xf32, #tpu.memory_space<vmem_shared>>) offsets(%dma_start3A_50 : memref<80xi32, #tpu.memory_space<vmem>>) semaphore(%run_scoped3A_47 : memref<!tpu.dma_semaphore, #tpu.memory_space<semaphore_mem>>) {add = true}
        %dma_wait3A_54 = arith.constant 0 : i32
        %dma_wait3A_55 = tpu.memref_slice %arg8[%scan3A_36, %dma_wait3A_54] : memref<47x80xi32, #tpu.memory_space<vmem>> -> memref<1x80xi32, #tpu.memory_space<vmem>>
        %dma_wait3A_56 = tpu.memref_squeeze %dma_wait3A_55 : memref<1x80xi32, #tpu.memory_space<vmem>> -> memref<80xi32, #tpu.memory_space<vmem>>
        %dma_wait3A_57 = arith.constant 0 : i32
        %dma_wait3A_58 = arith.constant 0 : i32
        %dma_wait3A_59 = tpu.memref_slice %arg10[%dma_wait3A_57, %dma_wait3A_58] : memref<10240x128xf32, #tpu.memory_space<vmem_shared>> -> memref<10240x128xf32, #tpu.memory_space<vmem_shared>>
        tpu.wait_indirect_dma semaphore(%run_scoped3A_47 : memref<!tpu.dma_semaphore, #tpu.memory_space<semaphore_mem>>) src(%arg9 : memref<80x128xf32, #tpu.memory_space<vmem>>) dst(%dma_wait3A_59 : memref<10240x128xf32, #tpu.memory_space<vmem_shared>>)
        tpu.yield
      }) : () -> ()
    }
    %scan3A_30 = arith.constant 47 : i32
    %barrier3A_31 = arith.constant 0 : index
    tpu.barrier barrier_id(%barrier3A_31)
    %mul3A_32 = arith.constant 640 : i32
    %mul3A_33 = arith.muli %arg1, %mul3A_32 : i32
    %mul3A_34 = arith.constant 640 : i32
    %mul3A_35 = arith.muli %arg1, %mul3A_34 : i32
    "tpu.region"() ({
      %run_scoped3A_36 = tpu.sem_alloc : memref<!tpu.dma_semaphore, #tpu.memory_space<semaphore_mem>>
      %dma_start3A = arith.constant 0 : i32
      %dma_start3A_37 = tpu.memref_slice %arg6[%arg0, %mul3A_35, %dma_start3A] : memref<2x10240x128xf32, #tpu.memory_space<hbm>> -> memref<1x640x128xf32, #tpu.memory_space<hbm>>
      %dma_start3A_38 = tpu.memref_squeeze %dma_start3A_37 : memref<1x640x128xf32, #tpu.memory_space<hbm>> -> memref<640x128xf32, #tpu.memory_space<hbm>>
      %dma_start3A_39 = arith.constant 0 : i32
      %dma_start3A_40 = tpu.memref_slice %arg10[%mul3A_33, %dma_start3A_39] : memref<10240x128xf32, #tpu.memory_space<vmem_shared>> -> memref<640x128xf32, #tpu.memory_space<vmem_shared>>
      tpu.enqueue_dma source(%dma_start3A_40 : memref<640x128xf32, #tpu.memory_space<vmem_shared>>) target(%dma_start3A_38 : memref<640x128xf32, #tpu.memory_space<hbm>>) target_semaphore(%run_scoped3A_36 : memref<!tpu.dma_semaphore, #tpu.memory_space<semaphore_mem>>)
      %dma_wait3A = arith.constant 0 : i32
      %dma_wait3A_41 = tpu.memref_slice %arg6[%arg0, %mul3A_35, %dma_wait3A] : memref<2x10240x128xf32, #tpu.memory_space<hbm>> -> memref<1x640x128xf32, #tpu.memory_space<hbm>>
      %dma_wait3A_42 = tpu.memref_squeeze %dma_wait3A_41 : memref<1x640x128xf32, #tpu.memory_space<hbm>> -> memref<640x128xf32, #tpu.memory_space<hbm>>
      %dma_wait3A_43 = arith.constant 0 : i32
      %dma_wait3A_44 = tpu.memref_slice %arg10[%mul3A_33, %dma_wait3A_43] : memref<10240x128xf32, #tpu.memory_space<vmem_shared>> -> memref<640x128xf32, #tpu.memory_space<vmem_shared>>
      tpu.wait_dma2 semaphore(%run_scoped3A_36 : memref<!tpu.dma_semaphore, #tpu.memory_space<semaphore_mem>>) src(%dma_wait3A_44 : memref<640x128xf32, #tpu.memory_space<vmem_shared>>) dst(%dma_wait3A_42 : memref<640x128xf32, #tpu.memory_space<hbm>>)
      tpu.yield
    }) : () -> ()
    return
  }
}

#map = affine_map<(d0, d1) -> (0, 0)>
#map1 = affine_map<(d0, d1) -> (0, 0, 0, 0)>
#map2 = affine_map<(d0, d1) -> (0, 0, 0)>
module attributes {stable_mosaic.version = 14 : i64} {
  func.func @_sc_scatter_body(%arg0: i32, %arg1: i32, %arg2: memref<10000x128xf32, #tpu.memory_space<hbm>>, %arg3: memref<32x4x47x80xi32, #tpu.memory_space<hbm>>, %arg4: memref<32x4x47x80xi32, #tpu.memory_space<hbm>>, %arg5: memref<10240x128xf32, #tpu.memory_space<hbm>>, %arg6: memref<2x10240x128xf32, #tpu.memory_space<hbm>>, %arg7: memref<47x80xi32, #tpu.memory_space<vmem>>, %arg8: memref<47x80xi32, #tpu.memory_space<vmem>>, %arg9: memref<80x128xf32, #tpu.memory_space<vmem>>, %arg10: memref<10240x128xf32, #tpu.memory_space<vmem_shared>>, %arg11: memref<!tpu.dma_semaphore, #tpu.memory_space<semaphore_mem>>) attributes {dimension_semantics = [#tpu.dimension_semantics<core_parallel>, #tpu.dimension_semantics<subcore_parallel>], iteration_bounds = array<i64: 2, 16>, scalar_prefetch = 0 : i64, scratch_operands = 5 : i64, tpu.core_type = #tpu.core_type<sc_vector_subcore>, window_params = [{transform_indices = #map}, {transform_indices = #map1}, {transform_indices = #map1}, {transform_indices = #map}, {transform_indices = #map2}]} {
    %mul3A = arith.constant 2 : i32
    %mul3A_0 = arith.muli %arg1, %mul3A : i32
    %add3A = arith.addi %mul3A_0, %arg0 : i32
    %mul3A_1 = arith.constant 640 : i32
    %mul3A_2 = arith.muli %arg1, %mul3A_1 : i32
    %mul3A_3 = arith.constant 640 : i32
    %mul3A_4 = arith.muli %arg1, %mul3A_3 : i32
    "tpu.region"() ({
      %run_scoped3A_36 = tpu.sem_alloc : memref<!tpu.dma_semaphore, #tpu.memory_space<semaphore_mem>>
      %dma_start3A = arith.constant 0 : i32
      %dma_start3A_37 = tpu.memref_slice %arg10[%mul3A_4, %dma_start3A] : memref<10240x128xf32, #tpu.memory_space<vmem_shared>> -> memref<640x128xf32, #tpu.memory_space<vmem_shared>>
      %dma_start3A_38 = arith.constant 0 : i32
      %dma_start3A_39 = tpu.memref_slice %arg5[%mul3A_2, %dma_start3A_38] : memref<10240x128xf32, #tpu.memory_space<hbm>> -> memref<640x128xf32, #tpu.memory_space<hbm>>
      tpu.enqueue_dma source(%dma_start3A_39 : memref<640x128xf32, #tpu.memory_space<hbm>>) target(%dma_start3A_37 : memref<640x128xf32, #tpu.memory_space<vmem_shared>>) target_semaphore(%run_scoped3A_36 : memref<!tpu.dma_semaphore, #tpu.memory_space<semaphore_mem>>)
      %dma_wait3A = arith.constant 0 : i32
      %dma_wait3A_40 = tpu.memref_slice %arg10[%mul3A_4, %dma_wait3A] : memref<10240x128xf32, #tpu.memory_space<vmem_shared>> -> memref<640x128xf32, #tpu.memory_space<vmem_shared>>
      %dma_wait3A_41 = arith.constant 0 : i32
      %dma_wait3A_42 = tpu.memref_slice %arg5[%mul3A_2, %dma_wait3A_41] : memref<10240x128xf32, #tpu.memory_space<hbm>> -> memref<640x128xf32, #tpu.memory_space<hbm>>
      tpu.wait_dma2 semaphore(%run_scoped3A_36 : memref<!tpu.dma_semaphore, #tpu.memory_space<semaphore_mem>>) src(%dma_wait3A_42 : memref<640x128xf32, #tpu.memory_space<hbm>>) dst(%dma_wait3A_40 : memref<640x128xf32, #tpu.memory_space<vmem_shared>>)
      tpu.yield
    }) : () -> ()
    %barrier3A = arith.constant 0 : index
    tpu.barrier barrier_id(%barrier3A)
    %run_scoped3A = arith.constant 0 : i32
    "tpu.region"() ({
      %run_scoped3A_36 = tpu.sem_alloc : memref<!tpu.dma_semaphore, #tpu.memory_space<semaphore_mem>>
      %dma_start3A = arith.constant 0 : i32
      %dma_start3A_37 = arith.constant 0 : i32
      %dma_start3A_38 = tpu.memref_slice %arg3[%add3A, %run_scoped3A, %dma_start3A, %dma_start3A_37] : memref<32x4x47x80xi32, #tpu.memory_space<hbm>> -> memref<1x1x47x80xi32, #tpu.memory_space<hbm>>
      %dma_start3A_39 = tpu.memref_squeeze %dma_start3A_38 : memref<1x1x47x80xi32, #tpu.memory_space<hbm>> -> memref<47x80xi32, #tpu.memory_space<hbm>>
      %dma_start3A_40 = arith.constant 0 : i32
      %dma_start3A_41 = arith.constant 0 : i32
      %dma_start3A_42 = tpu.memref_slice %arg3[%add3A, %run_scoped3A, %dma_start3A_40, %dma_start3A_41] : memref<32x4x47x80xi32, #tpu.memory_space<hbm>> -> memref<1x1x47x80xi32, #tpu.memory_space<hbm>>
      %dma_start3A_43 = tpu.memref_squeeze %dma_start3A_42 : memref<1x1x47x80xi32, #tpu.memory_space<hbm>> -> memref<47x80xi32, #tpu.memory_space<hbm>>
      tpu.enqueue_dma source(%dma_start3A_43 : memref<47x80xi32, #tpu.memory_space<hbm>>) target(%arg7 : memref<47x80xi32, #tpu.memory_space<vmem>>) target_semaphore(%run_scoped3A_36 : memref<!tpu.dma_semaphore, #tpu.memory_space<semaphore_mem>>)
      %dma_wait3A = arith.constant 0 : i32
      %dma_wait3A_44 = arith.constant 0 : i32
      %dma_wait3A_45 = tpu.memref_slice %arg3[%add3A, %run_scoped3A, %dma_wait3A, %dma_wait3A_44] : memref<32x4x47x80xi32, #tpu.memory_space<hbm>> -> memref<1x1x47x80xi32, #tpu.memory_space<hbm>>
      %dma_wait3A_46 = tpu.memref_squeeze %dma_wait3A_45 : memref<1x1x47x80xi32, #tpu.memory_space<hbm>> -> memref<47x80xi32, #tpu.memory_space<hbm>>
      %dma_wait3A_47 = arith.constant 0 : i32
      %dma_wait3A_48 = arith.constant 0 : i32
      %dma_wait3A_49 = tpu.memref_slice %arg3[%add3A, %run_scoped3A, %dma_wait3A_47, %dma_wait3A_48] : memref<32x4x47x80xi32, #tpu.memory_space<hbm>> -> memref<1x1x47x80xi32, #tpu.memory_space<hbm>>
      %dma_wait3A_50 = tpu.memref_squeeze %dma_wait3A_49 : memref<1x1x47x80xi32, #tpu.memory_space<hbm>> -> memref<47x80xi32, #tpu.memory_space<hbm>>
      tpu.wait_dma2 semaphore(%run_scoped3A_36 : memref<!tpu.dma_semaphore, #tpu.memory_space<semaphore_mem>>) src(%dma_wait3A_50 : memref<47x80xi32, #tpu.memory_space<hbm>>) dst(%arg7 : memref<47x80xi32, #tpu.memory_space<vmem>>)
      tpu.yield
    }) : () -> ()
    %run_scoped3A_5 = arith.constant 0 : i32
    "tpu.region"() ({
      %run_scoped3A_36 = tpu.sem_alloc : memref<!tpu.dma_semaphore, #tpu.memory_space<semaphore_mem>>
      %dma_start3A = arith.constant 0 : i32
      %dma_start3A_37 = arith.constant 0 : i32
      %dma_start3A_38 = tpu.memref_slice %arg4[%add3A, %run_scoped3A_5, %dma_start3A, %dma_start3A_37] : memref<32x4x47x80xi32, #tpu.memory_space<hbm>> -> memref<1x1x47x80xi32, #tpu.memory_space<hbm>>
      %dma_start3A_39 = tpu.memref_squeeze %dma_start3A_38 : memref<1x1x47x80xi32, #tpu.memory_space<hbm>> -> memref<47x80xi32, #tpu.memory_space<hbm>>
      %dma_start3A_40 = arith.constant 0 : i32
      %dma_start3A_41 = arith.constant 0 : i32
      %dma_start3A_42 = tpu.memref_slice %arg4[%add3A, %run_scoped3A_5, %dma_start3A_40, %dma_start3A_41] : memref<32x4x47x80xi32, #tpu.memory_space<hbm>> -> memref<1x1x47x80xi32, #tpu.memory_space<hbm>>
      %dma_start3A_43 = tpu.memref_squeeze %dma_start3A_42 : memref<1x1x47x80xi32, #tpu.memory_space<hbm>> -> memref<47x80xi32, #tpu.memory_space<hbm>>
      tpu.enqueue_dma source(%dma_start3A_43 : memref<47x80xi32, #tpu.memory_space<hbm>>) target(%arg8 : memref<47x80xi32, #tpu.memory_space<vmem>>) target_semaphore(%run_scoped3A_36 : memref<!tpu.dma_semaphore, #tpu.memory_space<semaphore_mem>>)
      %dma_wait3A = arith.constant 0 : i32
      %dma_wait3A_44 = arith.constant 0 : i32
      %dma_wait3A_45 = tpu.memref_slice %arg4[%add3A, %run_scoped3A_5, %dma_wait3A, %dma_wait3A_44] : memref<32x4x47x80xi32, #tpu.memory_space<hbm>> -> memref<1x1x47x80xi32, #tpu.memory_space<hbm>>
      %dma_wait3A_46 = tpu.memref_squeeze %dma_wait3A_45 : memref<1x1x47x80xi32, #tpu.memory_space<hbm>> -> memref<47x80xi32, #tpu.memory_space<hbm>>
      %dma_wait3A_47 = arith.constant 0 : i32
      %dma_wait3A_48 = arith.constant 0 : i32
      %dma_wait3A_49 = tpu.memref_slice %arg4[%add3A, %run_scoped3A_5, %dma_wait3A_47, %dma_wait3A_48] : memref<32x4x47x80xi32, #tpu.memory_space<hbm>> -> memref<1x1x47x80xi32, #tpu.memory_space<hbm>>
      %dma_wait3A_50 = tpu.memref_squeeze %dma_wait3A_49 : memref<1x1x47x80xi32, #tpu.memory_space<hbm>> -> memref<47x80xi32, #tpu.memory_space<hbm>>
      tpu.wait_dma2 semaphore(%run_scoped3A_36 : memref<!tpu.dma_semaphore, #tpu.memory_space<semaphore_mem>>) src(%dma_wait3A_50 : memref<47x80xi32, #tpu.memory_space<hbm>>) dst(%arg8 : memref<47x80xi32, #tpu.memory_space<vmem>>)
      tpu.yield
    }) : () -> ()
    %scan3A = arith.constant 0 : i32
    %scan3A_6 = arith.constant 47 : i32
    %scan3A_7 = arith.addi %scan3A, %scan3A_6 : i32
    %scan3A_8 = arith.constant 1 : i32
    scf.for %scan3A_36 = %scan3A to %scan3A_7 step %scan3A_8  : i32 {
      %dma_start3A = arith.constant 0 : i32
      %dma_start3A_37 = tpu.memref_slice %arg7[%scan3A_36, %dma_start3A] : memref<47x80xi32, #tpu.memory_space<vmem>> -> memref<1x80xi32, #tpu.memory_space<vmem>>
      %dma_start3A_38 = tpu.memref_squeeze %dma_start3A_37 : memref<1x80xi32, #tpu.memory_space<vmem>> -> memref<80xi32, #tpu.memory_space<vmem>>
      %dma_start3A_39 = arith.constant 0 : i32
      %dma_start3A_40 = arith.constant 0 : i32
      %dma_start3A_41 = tpu.memref_slice %arg2[%dma_start3A_39, %dma_start3A_40] : memref<10000x128xf32, #tpu.memory_space<hbm>> -> memref<10000x128xf32, #tpu.memory_space<hbm>>
      tpu.enqueue_indirect_dma source(%dma_start3A_41 : memref<10000x128xf32, #tpu.memory_space<hbm>>) target(%arg9 : memref<80x128xf32, #tpu.memory_space<vmem>>) offsets(%dma_start3A_38 : memref<80xi32, #tpu.memory_space<vmem>>) semaphore(%arg11 : memref<!tpu.dma_semaphore, #tpu.memory_space<semaphore_mem>>)
      %dma_wait3A = arith.constant 0 : i32
      %dma_wait3A_42 = tpu.memref_slice %arg7[%scan3A_36, %dma_wait3A] : memref<47x80xi32, #tpu.memory_space<vmem>> -> memref<1x80xi32, #tpu.memory_space<vmem>>
      %dma_wait3A_43 = tpu.memref_squeeze %dma_wait3A_42 : memref<1x80xi32, #tpu.memory_space<vmem>> -> memref<80xi32, #tpu.memory_space<vmem>>
      %dma_wait3A_44 = arith.constant 0 : i32
      %dma_wait3A_45 = arith.constant 0 : i32
      %dma_wait3A_46 = tpu.memref_slice %arg2[%dma_wait3A_44, %dma_wait3A_45] : memref<10000x128xf32, #tpu.memory_space<hbm>> -> memref<10000x128xf32, #tpu.memory_space<hbm>>
      tpu.wait_indirect_dma semaphore(%arg11 : memref<!tpu.dma_semaphore, #tpu.memory_space<semaphore_mem>>) src(%dma_wait3A_46 : memref<10000x128xf32, #tpu.memory_space<hbm>>) dst(%arg9 : memref<80x128xf32, #tpu.memory_space<vmem>>)
      "tpu.region"() ({
        %run_scoped3A_47 = tpu.sem_alloc : memref<!tpu.dma_semaphore, #tpu.memory_space<semaphore_mem>>
        %dma_start3A_48 = arith.constant 0 : i32
        %dma_start3A_49 = tpu.memref_slice %arg8[%scan3A_36, %dma_start3A_48] : memref<47x80xi32, #tpu.memory_space<vmem>> -> memref<1x80xi32, #tpu.memory_space<vmem>>
        %dma_start3A_50 = tpu.memref_squeeze %dma_start3A_49 : memref<1x80xi32, #tpu.memory_space<vmem>> -> memref<80xi32, #tpu.memory_space<vmem>>
        %dma_start3A_51 = arith.constant 0 : i32
        %dma_start3A_52 = arith.constant 0 : i32
        %dma_start3A_53 = tpu.memref_slice %arg10[%dma_start3A_51, %dma_start3A_52] : memref<10240x128xf32, #tpu.memory_space<vmem_shared>> -> memref<10240x128xf32, #tpu.memory_space<vmem_shared>>
        tpu.enqueue_indirect_dma source(%arg9 : memref<80x128xf32, #tpu.memory_space<vmem>>) target(%dma_start3A_53 : memref<10240x128xf32, #tpu.memory_space<vmem_shared>>) offsets(%dma_start3A_50 : memref<80xi32, #tpu.memory_space<vmem>>) semaphore(%run_scoped3A_47 : memref<!tpu.dma_semaphore, #tpu.memory_space<semaphore_mem>>) {add = true}
        %dma_wait3A_54 = arith.constant 0 : i32
        %dma_wait3A_55 = tpu.memref_slice %arg8[%scan3A_36, %dma_wait3A_54] : memref<47x80xi32, #tpu.memory_space<vmem>> -> memref<1x80xi32, #tpu.memory_space<vmem>>
        %dma_wait3A_56 = tpu.memref_squeeze %dma_wait3A_55 : memref<1x80xi32, #tpu.memory_space<vmem>> -> memref<80xi32, #tpu.memory_space<vmem>>
        %dma_wait3A_57 = arith.constant 0 : i32
        %dma_wait3A_58 = arith.constant 0 : i32
        %dma_wait3A_59 = tpu.memref_slice %arg10[%dma_wait3A_57, %dma_wait3A_58] : memref<10240x128xf32, #tpu.memory_space<vmem_shared>> -> memref<10240x128xf32, #tpu.memory_space<vmem_shared>>
        tpu.wait_indirect_dma semaphore(%run_scoped3A_47 : memref<!tpu.dma_semaphore, #tpu.memory_space<semaphore_mem>>) src(%arg9 : memref<80x128xf32, #tpu.memory_space<vmem>>) dst(%dma_wait3A_59 : memref<10240x128xf32, #tpu.memory_space<vmem_shared>>)
        tpu.yield
      }) : () -> ()
    }
    %scan3A_9 = arith.constant 47 : i32
    %run_scoped3A_10 = arith.constant 1 : i32
    "tpu.region"() ({
      %run_scoped3A_36 = tpu.sem_alloc : memref<!tpu.dma_semaphore, #tpu.memory_space<semaphore_mem>>
      %dma_start3A = arith.constant 0 : i32
      %dma_start3A_37 = arith.constant 0 : i32
      %dma_start3A_38 = tpu.memref_slice %arg3[%add3A, %run_scoped3A_10, %dma_start3A, %dma_start3A_37] : memref<32x4x47x80xi32, #tpu.memory_space<hbm>> -> memref<1x1x47x80xi32, #tpu.memory_space<hbm>>
      %dma_start3A_39 = tpu.memref_squeeze %dma_start3A_38 : memref<1x1x47x80xi32, #tpu.memory_space<hbm>> -> memref<47x80xi32, #tpu.memory_space<hbm>>
      %dma_start3A_40 = arith.constant 0 : i32
      %dma_start3A_41 = arith.constant 0 : i32
      %dma_start3A_42 = tpu.memref_slice %arg3[%add3A, %run_scoped3A_10, %dma_start3A_40, %dma_start3A_41] : memref<32x4x47x80xi32, #tpu.memory_space<hbm>> -> memref<1x1x47x80xi32, #tpu.memory_space<hbm>>
      %dma_start3A_43 = tpu.memref_squeeze %dma_start3A_42 : memref<1x1x47x80xi32, #tpu.memory_space<hbm>> -> memref<47x80xi32, #tpu.memory_space<hbm>>
      tpu.enqueue_dma source(%dma_start3A_43 : memref<47x80xi32, #tpu.memory_space<hbm>>) target(%arg7 : memref<47x80xi32, #tpu.memory_space<vmem>>) target_semaphore(%run_scoped3A_36 : memref<!tpu.dma_semaphore, #tpu.memory_space<semaphore_mem>>)
      %dma_wait3A = arith.constant 0 : i32
      %dma_wait3A_44 = arith.constant 0 : i32
      %dma_wait3A_45 = tpu.memref_slice %arg3[%add3A, %run_scoped3A_10, %dma_wait3A, %dma_wait3A_44] : memref<32x4x47x80xi32, #tpu.memory_space<hbm>> -> memref<1x1x47x80xi32, #tpu.memory_space<hbm>>
      %dma_wait3A_46 = tpu.memref_squeeze %dma_wait3A_45 : memref<1x1x47x80xi32, #tpu.memory_space<hbm>> -> memref<47x80xi32, #tpu.memory_space<hbm>>
      %dma_wait3A_47 = arith.constant 0 : i32
      %dma_wait3A_48 = arith.constant 0 : i32
      %dma_wait3A_49 = tpu.memref_slice %arg3[%add3A, %run_scoped3A_10, %dma_wait3A_47, %dma_wait3A_48] : memref<32x4x47x80xi32, #tpu.memory_space<hbm>> -> memref<1x1x47x80xi32, #tpu.memory_space<hbm>>
      %dma_wait3A_50 = tpu.memref_squeeze %dma_wait3A_49 : memref<1x1x47x80xi32, #tpu.memory_space<hbm>> -> memref<47x80xi32, #tpu.memory_space<hbm>>
      tpu.wait_dma2 semaphore(%run_scoped3A_36 : memref<!tpu.dma_semaphore, #tpu.memory_space<semaphore_mem>>) src(%dma_wait3A_50 : memref<47x80xi32, #tpu.memory_space<hbm>>) dst(%arg7 : memref<47x80xi32, #tpu.memory_space<vmem>>)
      tpu.yield
    }) : () -> ()
    %run_scoped3A_11 = arith.constant 1 : i32
    "tpu.region"() ({
      %run_scoped3A_36 = tpu.sem_alloc : memref<!tpu.dma_semaphore, #tpu.memory_space<semaphore_mem>>
      %dma_start3A = arith.constant 0 : i32
      %dma_start3A_37 = arith.constant 0 : i32
      %dma_start3A_38 = tpu.memref_slice %arg4[%add3A, %run_scoped3A_11, %dma_start3A, %dma_start3A_37] : memref<32x4x47x80xi32, #tpu.memory_space<hbm>> -> memref<1x1x47x80xi32, #tpu.memory_space<hbm>>
      %dma_start3A_39 = tpu.memref_squeeze %dma_start3A_38 : memref<1x1x47x80xi32, #tpu.memory_space<hbm>> -> memref<47x80xi32, #tpu.memory_space<hbm>>
      %dma_start3A_40 = arith.constant 0 : i32
      %dma_start3A_41 = arith.constant 0 : i32
      %dma_start3A_42 = tpu.memref_slice %arg4[%add3A, %run_scoped3A_11, %dma_start3A_40, %dma_start3A_41] : memref<32x4x47x80xi32, #tpu.memory_space<hbm>> -> memref<1x1x47x80xi32, #tpu.memory_space<hbm>>
      %dma_start3A_43 = tpu.memref_squeeze %dma_start3A_42 : memref<1x1x47x80xi32, #tpu.memory_space<hbm>> -> memref<47x80xi32, #tpu.memory_space<hbm>>
      tpu.enqueue_dma source(%dma_start3A_43 : memref<47x80xi32, #tpu.memory_space<hbm>>) target(%arg8 : memref<47x80xi32, #tpu.memory_space<vmem>>) target_semaphore(%run_scoped3A_36 : memref<!tpu.dma_semaphore, #tpu.memory_space<semaphore_mem>>)
      %dma_wait3A = arith.constant 0 : i32
      %dma_wait3A_44 = arith.constant 0 : i32
      %dma_wait3A_45 = tpu.memref_slice %arg4[%add3A, %run_scoped3A_11, %dma_wait3A, %dma_wait3A_44] : memref<32x4x47x80xi32, #tpu.memory_space<hbm>> -> memref<1x1x47x80xi32, #tpu.memory_space<hbm>>
      %dma_wait3A_46 = tpu.memref_squeeze %dma_wait3A_45 : memref<1x1x47x80xi32, #tpu.memory_space<hbm>> -> memref<47x80xi32, #tpu.memory_space<hbm>>
      %dma_wait3A_47 = arith.constant 0 : i32
      %dma_wait3A_48 = arith.constant 0 : i32
      %dma_wait3A_49 = tpu.memref_slice %arg4[%add3A, %run_scoped3A_11, %dma_wait3A_47, %dma_wait3A_48] : memref<32x4x47x80xi32, #tpu.memory_space<hbm>> -> memref<1x1x47x80xi32, #tpu.memory_space<hbm>>
      %dma_wait3A_50 = tpu.memref_squeeze %dma_wait3A_49 : memref<1x1x47x80xi32, #tpu.memory_space<hbm>> -> memref<47x80xi32, #tpu.memory_space<hbm>>
      tpu.wait_dma2 semaphore(%run_scoped3A_36 : memref<!tpu.dma_semaphore, #tpu.memory_space<semaphore_mem>>) src(%dma_wait3A_50 : memref<47x80xi32, #tpu.memory_space<hbm>>) dst(%arg8 : memref<47x80xi32, #tpu.memory_space<vmem>>)
      tpu.yield
    }) : () -> ()
    %scan3A_12 = arith.constant 0 : i32
    %scan3A_13 = arith.constant 47 : i32
    %scan3A_14 = arith.addi %scan3A_12, %scan3A_13 : i32
    %scan3A_15 = arith.constant 1 : i32
    scf.for %scan3A_36 = %scan3A_12 to %scan3A_14 step %scan3A_15  : i32 {
      %dma_start3A = arith.constant 0 : i32
      %dma_start3A_37 = tpu.memref_slice %arg7[%scan3A_36, %dma_start3A] : memref<47x80xi32, #tpu.memory_space<vmem>> -> memref<1x80xi32, #tpu.memory_space<vmem>>
      %dma_start3A_38 = tpu.memref_squeeze %dma_start3A_37 : memref<1x80xi32, #tpu.memory_space<vmem>> -> memref<80xi32, #tpu.memory_space<vmem>>
      %dma_start3A_39 = arith.constant 0 : i32
      %dma_start3A_40 = arith.constant 0 : i32
      %dma_start3A_41 = tpu.memref_slice %arg2[%dma_start3A_39, %dma_start3A_40] : memref<10000x128xf32, #tpu.memory_space<hbm>> -> memref<10000x128xf32, #tpu.memory_space<hbm>>
      tpu.enqueue_indirect_dma source(%dma_start3A_41 : memref<10000x128xf32, #tpu.memory_space<hbm>>) target(%arg9 : memref<80x128xf32, #tpu.memory_space<vmem>>) offsets(%dma_start3A_38 : memref<80xi32, #tpu.memory_space<vmem>>) semaphore(%arg11 : memref<!tpu.dma_semaphore, #tpu.memory_space<semaphore_mem>>)
      %dma_wait3A = arith.constant 0 : i32
      %dma_wait3A_42 = tpu.memref_slice %arg7[%scan3A_36, %dma_wait3A] : memref<47x80xi32, #tpu.memory_space<vmem>> -> memref<1x80xi32, #tpu.memory_space<vmem>>
      %dma_wait3A_43 = tpu.memref_squeeze %dma_wait3A_42 : memref<1x80xi32, #tpu.memory_space<vmem>> -> memref<80xi32, #tpu.memory_space<vmem>>
      %dma_wait3A_44 = arith.constant 0 : i32
      %dma_wait3A_45 = arith.constant 0 : i32
      %dma_wait3A_46 = tpu.memref_slice %arg2[%dma_wait3A_44, %dma_wait3A_45] : memref<10000x128xf32, #tpu.memory_space<hbm>> -> memref<10000x128xf32, #tpu.memory_space<hbm>>
      tpu.wait_indirect_dma semaphore(%arg11 : memref<!tpu.dma_semaphore, #tpu.memory_space<semaphore_mem>>) src(%dma_wait3A_46 : memref<10000x128xf32, #tpu.memory_space<hbm>>) dst(%arg9 : memref<80x128xf32, #tpu.memory_space<vmem>>)
      "tpu.region"() ({
        %run_scoped3A_47 = tpu.sem_alloc : memref<!tpu.dma_semaphore, #tpu.memory_space<semaphore_mem>>
        %dma_start3A_48 = arith.constant 0 : i32
        %dma_start3A_49 = tpu.memref_slice %arg8[%scan3A_36, %dma_start3A_48] : memref<47x80xi32, #tpu.memory_space<vmem>> -> memref<1x80xi32, #tpu.memory_space<vmem>>
        %dma_start3A_50 = tpu.memref_squeeze %dma_start3A_49 : memref<1x80xi32, #tpu.memory_space<vmem>> -> memref<80xi32, #tpu.memory_space<vmem>>
        %dma_start3A_51 = arith.constant 0 : i32
        %dma_start3A_52 = arith.constant 0 : i32
        %dma_start3A_53 = tpu.memref_slice %arg10[%dma_start3A_51, %dma_start3A_52] : memref<10240x128xf32, #tpu.memory_space<vmem_shared>> -> memref<10240x128xf32, #tpu.memory_space<vmem_shared>>
        tpu.enqueue_indirect_dma source(%arg9 : memref<80x128xf32, #tpu.memory_space<vmem>>) target(%dma_start3A_53 : memref<10240x128xf32, #tpu.memory_space<vmem_shared>>) offsets(%dma_start3A_50 : memref<80xi32, #tpu.memory_space<vmem>>) semaphore(%run_scoped3A_47 : memref<!tpu.dma_semaphore, #tpu.memory_space<semaphore_mem>>) {add = true}
        %dma_wait3A_54 = arith.constant 0 : i32
        %dma_wait3A_55 = tpu.memref_slice %arg8[%scan3A_36, %dma_wait3A_54] : memref<47x80xi32, #tpu.memory_space<vmem>> -> memref<1x80xi32, #tpu.memory_space<vmem>>
        %dma_wait3A_56 = tpu.memref_squeeze %dma_wait3A_55 : memref<1x80xi32, #tpu.memory_space<vmem>> -> memref<80xi32, #tpu.memory_space<vmem>>
        %dma_wait3A_57 = arith.constant 0 : i32
        %dma_wait3A_58 = arith.constant 0 : i32
        %dma_wait3A_59 = tpu.memref_slice %arg10[%dma_wait3A_57, %dma_wait3A_58] : memref<10240x128xf32, #tpu.memory_space<vmem_shared>> -> memref<10240x128xf32, #tpu.memory_space<vmem_shared>>
        tpu.wait_indirect_dma semaphore(%run_scoped3A_47 : memref<!tpu.dma_semaphore, #tpu.memory_space<semaphore_mem>>) src(%arg9 : memref<80x128xf32, #tpu.memory_space<vmem>>) dst(%dma_wait3A_59 : memref<10240x128xf32, #tpu.memory_space<vmem_shared>>)
        tpu.yield
      }) : () -> ()
    }
    %scan3A_16 = arith.constant 47 : i32
    %run_scoped3A_17 = arith.constant 2 : i32
    "tpu.region"() ({
      %run_scoped3A_36 = tpu.sem_alloc : memref<!tpu.dma_semaphore, #tpu.memory_space<semaphore_mem>>
      %dma_start3A = arith.constant 0 : i32
      %dma_start3A_37 = arith.constant 0 : i32
      %dma_start3A_38 = tpu.memref_slice %arg3[%add3A, %run_scoped3A_17, %dma_start3A, %dma_start3A_37] : memref<32x4x47x80xi32, #tpu.memory_space<hbm>> -> memref<1x1x47x80xi32, #tpu.memory_space<hbm>>
      %dma_start3A_39 = tpu.memref_squeeze %dma_start3A_38 : memref<1x1x47x80xi32, #tpu.memory_space<hbm>> -> memref<47x80xi32, #tpu.memory_space<hbm>>
      %dma_start3A_40 = arith.constant 0 : i32
      %dma_start3A_41 = arith.constant 0 : i32
      %dma_start3A_42 = tpu.memref_slice %arg3[%add3A, %run_scoped3A_17, %dma_start3A_40, %dma_start3A_41] : memref<32x4x47x80xi32, #tpu.memory_space<hbm>> -> memref<1x1x47x80xi32, #tpu.memory_space<hbm>>
      %dma_start3A_43 = tpu.memref_squeeze %dma_start3A_42 : memref<1x1x47x80xi32, #tpu.memory_space<hbm>> -> memref<47x80xi32, #tpu.memory_space<hbm>>
      tpu.enqueue_dma source(%dma_start3A_43 : memref<47x80xi32, #tpu.memory_space<hbm>>) target(%arg7 : memref<47x80xi32, #tpu.memory_space<vmem>>) target_semaphore(%run_scoped3A_36 : memref<!tpu.dma_semaphore, #tpu.memory_space<semaphore_mem>>)
      %dma_wait3A = arith.constant 0 : i32
      %dma_wait3A_44 = arith.constant 0 : i32
      %dma_wait3A_45 = tpu.memref_slice %arg3[%add3A, %run_scoped3A_17, %dma_wait3A, %dma_wait3A_44] : memref<32x4x47x80xi32, #tpu.memory_space<hbm>> -> memref<1x1x47x80xi32, #tpu.memory_space<hbm>>
      %dma_wait3A_46 = tpu.memref_squeeze %dma_wait3A_45 : memref<1x1x47x80xi32, #tpu.memory_space<hbm>> -> memref<47x80xi32, #tpu.memory_space<hbm>>
      %dma_wait3A_47 = arith.constant 0 : i32
      %dma_wait3A_48 = arith.constant 0 : i32
      %dma_wait3A_49 = tpu.memref_slice %arg3[%add3A, %run_scoped3A_17, %dma_wait3A_47, %dma_wait3A_48] : memref<32x4x47x80xi32, #tpu.memory_space<hbm>> -> memref<1x1x47x80xi32, #tpu.memory_space<hbm>>
      %dma_wait3A_50 = tpu.memref_squeeze %dma_wait3A_49 : memref<1x1x47x80xi32, #tpu.memory_space<hbm>> -> memref<47x80xi32, #tpu.memory_space<hbm>>
      tpu.wait_dma2 semaphore(%run_scoped3A_36 : memref<!tpu.dma_semaphore, #tpu.memory_space<semaphore_mem>>) src(%dma_wait3A_50 : memref<47x80xi32, #tpu.memory_space<hbm>>) dst(%arg7 : memref<47x80xi32, #tpu.memory_space<vmem>>)
      tpu.yield
    }) : () -> ()
    %run_scoped3A_18 = arith.constant 2 : i32
    "tpu.region"() ({
      %run_scoped3A_36 = tpu.sem_alloc : memref<!tpu.dma_semaphore, #tpu.memory_space<semaphore_mem>>
      %dma_start3A = arith.constant 0 : i32
      %dma_start3A_37 = arith.constant 0 : i32
      %dma_start3A_38 = tpu.memref_slice %arg4[%add3A, %run_scoped3A_18, %dma_start3A, %dma_start3A_37] : memref<32x4x47x80xi32, #tpu.memory_space<hbm>> -> memref<1x1x47x80xi32, #tpu.memory_space<hbm>>
      %dma_start3A_39 = tpu.memref_squeeze %dma_start3A_38 : memref<1x1x47x80xi32, #tpu.memory_space<hbm>> -> memref<47x80xi32, #tpu.memory_space<hbm>>
      %dma_start3A_40 = arith.constant 0 : i32
      %dma_start3A_41 = arith.constant 0 : i32
      %dma_start3A_42 = tpu.memref_slice %arg4[%add3A, %run_scoped3A_18, %dma_start3A_40, %dma_start3A_41] : memref<32x4x47x80xi32, #tpu.memory_space<hbm>> -> memref<1x1x47x80xi32, #tpu.memory_space<hbm>>
      %dma_start3A_43 = tpu.memref_squeeze %dma_start3A_42 : memref<1x1x47x80xi32, #tpu.memory_space<hbm>> -> memref<47x80xi32, #tpu.memory_space<hbm>>
      tpu.enqueue_dma source(%dma_start3A_43 : memref<47x80xi32, #tpu.memory_space<hbm>>) target(%arg8 : memref<47x80xi32, #tpu.memory_space<vmem>>) target_semaphore(%run_scoped3A_36 : memref<!tpu.dma_semaphore, #tpu.memory_space<semaphore_mem>>)
      %dma_wait3A = arith.constant 0 : i32
      %dma_wait3A_44 = arith.constant 0 : i32
      %dma_wait3A_45 = tpu.memref_slice %arg4[%add3A, %run_scoped3A_18, %dma_wait3A, %dma_wait3A_44] : memref<32x4x47x80xi32, #tpu.memory_space<hbm>> -> memref<1x1x47x80xi32, #tpu.memory_space<hbm>>
      %dma_wait3A_46 = tpu.memref_squeeze %dma_wait3A_45 : memref<1x1x47x80xi32, #tpu.memory_space<hbm>> -> memref<47x80xi32, #tpu.memory_space<hbm>>
      %dma_wait3A_47 = arith.constant 0 : i32
      %dma_wait3A_48 = arith.constant 0 : i32
      %dma_wait3A_49 = tpu.memref_slice %arg4[%add3A, %run_scoped3A_18, %dma_wait3A_47, %dma_wait3A_48] : memref<32x4x47x80xi32, #tpu.memory_space<hbm>> -> memref<1x1x47x80xi32, #tpu.memory_space<hbm>>
      %dma_wait3A_50 = tpu.memref_squeeze %dma_wait3A_49 : memref<1x1x47x80xi32, #tpu.memory_space<hbm>> -> memref<47x80xi32, #tpu.memory_space<hbm>>
      tpu.wait_dma2 semaphore(%run_scoped3A_36 : memref<!tpu.dma_semaphore, #tpu.memory_space<semaphore_mem>>) src(%dma_wait3A_50 : memref<47x80xi32, #tpu.memory_space<hbm>>) dst(%arg8 : memref<47x80xi32, #tpu.memory_space<vmem>>)
      tpu.yield
    }) : () -> ()
    %scan3A_19 = arith.constant 0 : i32
    %scan3A_20 = arith.constant 47 : i32
    %scan3A_21 = arith.addi %scan3A_19, %scan3A_20 : i32
    %scan3A_22 = arith.constant 1 : i32
    scf.for %scan3A_36 = %scan3A_19 to %scan3A_21 step %scan3A_22  : i32 {
      %dma_start3A = arith.constant 0 : i32
      %dma_start3A_37 = tpu.memref_slice %arg7[%scan3A_36, %dma_start3A] : memref<47x80xi32, #tpu.memory_space<vmem>> -> memref<1x80xi32, #tpu.memory_space<vmem>>
      %dma_start3A_38 = tpu.memref_squeeze %dma_start3A_37 : memref<1x80xi32, #tpu.memory_space<vmem>> -> memref<80xi32, #tpu.memory_space<vmem>>
      %dma_start3A_39 = arith.constant 0 : i32
      %dma_start3A_40 = arith.constant 0 : i32
      %dma_start3A_41 = tpu.memref_slice %arg2[%dma_start3A_39, %dma_start3A_40] : memref<10000x128xf32, #tpu.memory_space<hbm>> -> memref<10000x128xf32, #tpu.memory_space<hbm>>
      tpu.enqueue_indirect_dma source(%dma_start3A_41 : memref<10000x128xf32, #tpu.memory_space<hbm>>) target(%arg9 : memref<80x128xf32, #tpu.memory_space<vmem>>) offsets(%dma_start3A_38 : memref<80xi32, #tpu.memory_space<vmem>>) semaphore(%arg11 : memref<!tpu.dma_semaphore, #tpu.memory_space<semaphore_mem>>)
      %dma_wait3A = arith.constant 0 : i32
      %dma_wait3A_42 = tpu.memref_slice %arg7[%scan3A_36, %dma_wait3A] : memref<47x80xi32, #tpu.memory_space<vmem>> -> memref<1x80xi32, #tpu.memory_space<vmem>>
      %dma_wait3A_43 = tpu.memref_squeeze %dma_wait3A_42 : memref<1x80xi32, #tpu.memory_space<vmem>> -> memref<80xi32, #tpu.memory_space<vmem>>
      %dma_wait3A_44 = arith.constant 0 : i32
      %dma_wait3A_45 = arith.constant 0 : i32
      %dma_wait3A_46 = tpu.memref_slice %arg2[%dma_wait3A_44, %dma_wait3A_45] : memref<10000x128xf32, #tpu.memory_space<hbm>> -> memref<10000x128xf32, #tpu.memory_space<hbm>>
      tpu.wait_indirect_dma semaphore(%arg11 : memref<!tpu.dma_semaphore, #tpu.memory_space<semaphore_mem>>) src(%dma_wait3A_46 : memref<10000x128xf32, #tpu.memory_space<hbm>>) dst(%arg9 : memref<80x128xf32, #tpu.memory_space<vmem>>)
      "tpu.region"() ({
        %run_scoped3A_47 = tpu.sem_alloc : memref<!tpu.dma_semaphore, #tpu.memory_space<semaphore_mem>>
        %dma_start3A_48 = arith.constant 0 : i32
        %dma_start3A_49 = tpu.memref_slice %arg8[%scan3A_36, %dma_start3A_48] : memref<47x80xi32, #tpu.memory_space<vmem>> -> memref<1x80xi32, #tpu.memory_space<vmem>>
        %dma_start3A_50 = tpu.memref_squeeze %dma_start3A_49 : memref<1x80xi32, #tpu.memory_space<vmem>> -> memref<80xi32, #tpu.memory_space<vmem>>
        %dma_start3A_51 = arith.constant 0 : i32
        %dma_start3A_52 = arith.constant 0 : i32
        %dma_start3A_53 = tpu.memref_slice %arg10[%dma_start3A_51, %dma_start3A_52] : memref<10240x128xf32, #tpu.memory_space<vmem_shared>> -> memref<10240x128xf32, #tpu.memory_space<vmem_shared>>
        tpu.enqueue_indirect_dma source(%arg9 : memref<80x128xf32, #tpu.memory_space<vmem>>) target(%dma_start3A_53 : memref<10240x128xf32, #tpu.memory_space<vmem_shared>>) offsets(%dma_start3A_50 : memref<80xi32, #tpu.memory_space<vmem>>) semaphore(%run_scoped3A_47 : memref<!tpu.dma_semaphore, #tpu.memory_space<semaphore_mem>>) {add = true}
        %dma_wait3A_54 = arith.constant 0 : i32
        %dma_wait3A_55 = tpu.memref_slice %arg8[%scan3A_36, %dma_wait3A_54] : memref<47x80xi32, #tpu.memory_space<vmem>> -> memref<1x80xi32, #tpu.memory_space<vmem>>
        %dma_wait3A_56 = tpu.memref_squeeze %dma_wait3A_55 : memref<1x80xi32, #tpu.memory_space<vmem>> -> memref<80xi32, #tpu.memory_space<vmem>>
        %dma_wait3A_57 = arith.constant 0 : i32
        %dma_wait3A_58 = arith.constant 0 : i32
        %dma_wait3A_59 = tpu.memref_slice %arg10[%dma_wait3A_57, %dma_wait3A_58] : memref<10240x128xf32, #tpu.memory_space<vmem_shared>> -> memref<10240x128xf32, #tpu.memory_space<vmem_shared>>
        tpu.wait_indirect_dma semaphore(%run_scoped3A_47 : memref<!tpu.dma_semaphore, #tpu.memory_space<semaphore_mem>>) src(%arg9 : memref<80x128xf32, #tpu.memory_space<vmem>>) dst(%dma_wait3A_59 : memref<10240x128xf32, #tpu.memory_space<vmem_shared>>)
        tpu.yield
      }) : () -> ()
    }
    %scan3A_23 = arith.constant 47 : i32
    %run_scoped3A_24 = arith.constant 3 : i32
    "tpu.region"() ({
      %run_scoped3A_36 = tpu.sem_alloc : memref<!tpu.dma_semaphore, #tpu.memory_space<semaphore_mem>>
      %dma_start3A = arith.constant 0 : i32
      %dma_start3A_37 = arith.constant 0 : i32
      %dma_start3A_38 = tpu.memref_slice %arg3[%add3A, %run_scoped3A_24, %dma_start3A, %dma_start3A_37] : memref<32x4x47x80xi32, #tpu.memory_space<hbm>> -> memref<1x1x47x80xi32, #tpu.memory_space<hbm>>
      %dma_start3A_39 = tpu.memref_squeeze %dma_start3A_38 : memref<1x1x47x80xi32, #tpu.memory_space<hbm>> -> memref<47x80xi32, #tpu.memory_space<hbm>>
      %dma_start3A_40 = arith.constant 0 : i32
      %dma_start3A_41 = arith.constant 0 : i32
      %dma_start3A_42 = tpu.memref_slice %arg3[%add3A, %run_scoped3A_24, %dma_start3A_40, %dma_start3A_41] : memref<32x4x47x80xi32, #tpu.memory_space<hbm>> -> memref<1x1x47x80xi32, #tpu.memory_space<hbm>>
      %dma_start3A_43 = tpu.memref_squeeze %dma_start3A_42 : memref<1x1x47x80xi32, #tpu.memory_space<hbm>> -> memref<47x80xi32, #tpu.memory_space<hbm>>
      tpu.enqueue_dma source(%dma_start3A_43 : memref<47x80xi32, #tpu.memory_space<hbm>>) target(%arg7 : memref<47x80xi32, #tpu.memory_space<vmem>>) target_semaphore(%run_scoped3A_36 : memref<!tpu.dma_semaphore, #tpu.memory_space<semaphore_mem>>)
      %dma_wait3A = arith.constant 0 : i32
      %dma_wait3A_44 = arith.constant 0 : i32
      %dma_wait3A_45 = tpu.memref_slice %arg3[%add3A, %run_scoped3A_24, %dma_wait3A, %dma_wait3A_44] : memref<32x4x47x80xi32, #tpu.memory_space<hbm>> -> memref<1x1x47x80xi32, #tpu.memory_space<hbm>>
      %dma_wait3A_46 = tpu.memref_squeeze %dma_wait3A_45 : memref<1x1x47x80xi32, #tpu.memory_space<hbm>> -> memref<47x80xi32, #tpu.memory_space<hbm>>
      %dma_wait3A_47 = arith.constant 0 : i32
      %dma_wait3A_48 = arith.constant 0 : i32
      %dma_wait3A_49 = tpu.memref_slice %arg3[%add3A, %run_scoped3A_24, %dma_wait3A_47, %dma_wait3A_48] : memref<32x4x47x80xi32, #tpu.memory_space<hbm>> -> memref<1x1x47x80xi32, #tpu.memory_space<hbm>>
      %dma_wait3A_50 = tpu.memref_squeeze %dma_wait3A_49 : memref<1x1x47x80xi32, #tpu.memory_space<hbm>> -> memref<47x80xi32, #tpu.memory_space<hbm>>
      tpu.wait_dma2 semaphore(%run_scoped3A_36 : memref<!tpu.dma_semaphore, #tpu.memory_space<semaphore_mem>>) src(%dma_wait3A_50 : memref<47x80xi32, #tpu.memory_space<hbm>>) dst(%arg7 : memref<47x80xi32, #tpu.memory_space<vmem>>)
      tpu.yield
    }) : () -> ()
    %run_scoped3A_25 = arith.constant 3 : i32
    "tpu.region"() ({
      %run_scoped3A_36 = tpu.sem_alloc : memref<!tpu.dma_semaphore, #tpu.memory_space<semaphore_mem>>
      %dma_start3A = arith.constant 0 : i32
      %dma_start3A_37 = arith.constant 0 : i32
      %dma_start3A_38 = tpu.memref_slice %arg4[%add3A, %run_scoped3A_25, %dma_start3A, %dma_start3A_37] : memref<32x4x47x80xi32, #tpu.memory_space<hbm>> -> memref<1x1x47x80xi32, #tpu.memory_space<hbm>>
      %dma_start3A_39 = tpu.memref_squeeze %dma_start3A_38 : memref<1x1x47x80xi32, #tpu.memory_space<hbm>> -> memref<47x80xi32, #tpu.memory_space<hbm>>
      %dma_start3A_40 = arith.constant 0 : i32
      %dma_start3A_41 = arith.constant 0 : i32
      %dma_start3A_42 = tpu.memref_slice %arg4[%add3A, %run_scoped3A_25, %dma_start3A_40, %dma_start3A_41] : memref<32x4x47x80xi32, #tpu.memory_space<hbm>> -> memref<1x1x47x80xi32, #tpu.memory_space<hbm>>
      %dma_start3A_43 = tpu.memref_squeeze %dma_start3A_42 : memref<1x1x47x80xi32, #tpu.memory_space<hbm>> -> memref<47x80xi32, #tpu.memory_space<hbm>>
      tpu.enqueue_dma source(%dma_start3A_43 : memref<47x80xi32, #tpu.memory_space<hbm>>) target(%arg8 : memref<47x80xi32, #tpu.memory_space<vmem>>) target_semaphore(%run_scoped3A_36 : memref<!tpu.dma_semaphore, #tpu.memory_space<semaphore_mem>>)
      %dma_wait3A = arith.constant 0 : i32
      %dma_wait3A_44 = arith.constant 0 : i32
      %dma_wait3A_45 = tpu.memref_slice %arg4[%add3A, %run_scoped3A_25, %dma_wait3A, %dma_wait3A_44] : memref<32x4x47x80xi32, #tpu.memory_space<hbm>> -> memref<1x1x47x80xi32, #tpu.memory_space<hbm>>
      %dma_wait3A_46 = tpu.memref_squeeze %dma_wait3A_45 : memref<1x1x47x80xi32, #tpu.memory_space<hbm>> -> memref<47x80xi32, #tpu.memory_space<hbm>>
      %dma_wait3A_47 = arith.constant 0 : i32
      %dma_wait3A_48 = arith.constant 0 : i32
      %dma_wait3A_49 = tpu.memref_slice %arg4[%add3A, %run_scoped3A_25, %dma_wait3A_47, %dma_wait3A_48] : memref<32x4x47x80xi32, #tpu.memory_space<hbm>> -> memref<1x1x47x80xi32, #tpu.memory_space<hbm>>
      %dma_wait3A_50 = tpu.memref_squeeze %dma_wait3A_49 : memref<1x1x47x80xi32, #tpu.memory_space<hbm>> -> memref<47x80xi32, #tpu.memory_space<hbm>>
      tpu.wait_dma2 semaphore(%run_scoped3A_36 : memref<!tpu.dma_semaphore, #tpu.memory_space<semaphore_mem>>) src(%dma_wait3A_50 : memref<47x80xi32, #tpu.memory_space<hbm>>) dst(%arg8 : memref<47x80xi32, #tpu.memory_space<vmem>>)
      tpu.yield
    }) : () -> ()
    %scan3A_26 = arith.constant 0 : i32
    %scan3A_27 = arith.constant 47 : i32
    %scan3A_28 = arith.addi %scan3A_26, %scan3A_27 : i32
    %scan3A_29 = arith.constant 1 : i32
    scf.for %scan3A_36 = %scan3A_26 to %scan3A_28 step %scan3A_29  : i32 {
      %dma_start3A = arith.constant 0 : i32
      %dma_start3A_37 = tpu.memref_slice %arg7[%scan3A_36, %dma_start3A] : memref<47x80xi32, #tpu.memory_space<vmem>> -> memref<1x80xi32, #tpu.memory_space<vmem>>
      %dma_start3A_38 = tpu.memref_squeeze %dma_start3A_37 : memref<1x80xi32, #tpu.memory_space<vmem>> -> memref<80xi32, #tpu.memory_space<vmem>>
      %dma_start3A_39 = arith.constant 0 : i32
      %dma_start3A_40 = arith.constant 0 : i32
      %dma_start3A_41 = tpu.memref_slice %arg2[%dma_start3A_39, %dma_start3A_40] : memref<10000x128xf32, #tpu.memory_space<hbm>> -> memref<10000x128xf32, #tpu.memory_space<hbm>>
      tpu.enqueue_indirect_dma source(%dma_start3A_41 : memref<10000x128xf32, #tpu.memory_space<hbm>>) target(%arg9 : memref<80x128xf32, #tpu.memory_space<vmem>>) offsets(%dma_start3A_38 : memref<80xi32, #tpu.memory_space<vmem>>) semaphore(%arg11 : memref<!tpu.dma_semaphore, #tpu.memory_space<semaphore_mem>>)
      %dma_wait3A = arith.constant 0 : i32
      %dma_wait3A_42 = tpu.memref_slice %arg7[%scan3A_36, %dma_wait3A] : memref<47x80xi32, #tpu.memory_space<vmem>> -> memref<1x80xi32, #tpu.memory_space<vmem>>
      %dma_wait3A_43 = tpu.memref_squeeze %dma_wait3A_42 : memref<1x80xi32, #tpu.memory_space<vmem>> -> memref<80xi32, #tpu.memory_space<vmem>>
      %dma_wait3A_44 = arith.constant 0 : i32
      %dma_wait3A_45 = arith.constant 0 : i32
      %dma_wait3A_46 = tpu.memref_slice %arg2[%dma_wait3A_44, %dma_wait3A_45] : memref<10000x128xf32, #tpu.memory_space<hbm>> -> memref<10000x128xf32, #tpu.memory_space<hbm>>
      tpu.wait_indirect_dma semaphore(%arg11 : memref<!tpu.dma_semaphore, #tpu.memory_space<semaphore_mem>>) src(%dma_wait3A_46 : memref<10000x128xf32, #tpu.memory_space<hbm>>) dst(%arg9 : memref<80x128xf32, #tpu.memory_space<vmem>>)
      "tpu.region"() ({
        %run_scoped3A_47 = tpu.sem_alloc : memref<!tpu.dma_semaphore, #tpu.memory_space<semaphore_mem>>
        %dma_start3A_48 = arith.constant 0 : i32
        %dma_start3A_49 = tpu.memref_slice %arg8[%scan3A_36, %dma_start3A_48] : memref<47x80xi32, #tpu.memory_space<vmem>> -> memref<1x80xi32, #tpu.memory_space<vmem>>
        %dma_start3A_50 = tpu.memref_squeeze %dma_start3A_49 : memref<1x80xi32, #tpu.memory_space<vmem>> -> memref<80xi32, #tpu.memory_space<vmem>>
        %dma_start3A_51 = arith.constant 0 : i32
        %dma_start3A_52 = arith.constant 0 : i32
        %dma_start3A_53 = tpu.memref_slice %arg10[%dma_start3A_51, %dma_start3A_52] : memref<10240x128xf32, #tpu.memory_space<vmem_shared>> -> memref<10240x128xf32, #tpu.memory_space<vmem_shared>>
        tpu.enqueue_indirect_dma source(%arg9 : memref<80x128xf32, #tpu.memory_space<vmem>>) target(%dma_start3A_53 : memref<10240x128xf32, #tpu.memory_space<vmem_shared>>) offsets(%dma_start3A_50 : memref<80xi32, #tpu.memory_space<vmem>>) semaphore(%run_scoped3A_47 : memref<!tpu.dma_semaphore, #tpu.memory_space<semaphore_mem>>) {add = true}
        %dma_wait3A_54 = arith.constant 0 : i32
        %dma_wait3A_55 = tpu.memref_slice %arg8[%scan3A_36, %dma_wait3A_54] : memref<47x80xi32, #tpu.memory_space<vmem>> -> memref<1x80xi32, #tpu.memory_space<vmem>>
        %dma_wait3A_56 = tpu.memref_squeeze %dma_wait3A_55 : memref<1x80xi32, #tpu.memory_space<vmem>> -> memref<80xi32, #tpu.memory_space<vmem>>
        %dma_wait3A_57 = arith.constant 0 : i32
        %dma_wait3A_58 = arith.constant 0 : i32
        %dma_wait3A_59 = tpu.memref_slice %arg10[%dma_wait3A_57, %dma_wait3A_58] : memref<10240x128xf32, #tpu.memory_space<vmem_shared>> -> memref<10240x128xf32, #tpu.memory_space<vmem_shared>>
        tpu.wait_indirect_dma semaphore(%run_scoped3A_47 : memref<!tpu.dma_semaphore, #tpu.memory_space<semaphore_mem>>) src(%arg9 : memref<80x128xf32, #tpu.memory_space<vmem>>) dst(%dma_wait3A_59 : memref<10240x128xf32, #tpu.memory_space<vmem_shared>>)
        tpu.yield
      }) : () -> ()
    }
    %scan3A_30 = arith.constant 47 : i32
    %barrier3A_31 = arith.constant 0 : index
    tpu.barrier barrier_id(%barrier3A_31)
    %mul3A_32 = arith.constant 640 : i32
    %mul3A_33 = arith.muli %arg1, %mul3A_32 : i32
    %mul3A_34 = arith.constant 640 : i32
    %mul3A_35 = arith.muli %arg1, %mul3A_34 : i32
    "tpu.region"() ({
      %run_scoped3A_36 = tpu.sem_alloc : memref<!tpu.dma_semaphore, #tpu.memory_space<semaphore_mem>>
      %dma_start3A = arith.constant 0 : i32
      %dma_start3A_37 = tpu.memref_slice %arg6[%arg0, %mul3A_35, %dma_start3A] : memref<2x10240x128xf32, #tpu.memory_space<hbm>> -> memref<1x640x128xf32, #tpu.memory_space<hbm>>
      %dma_start3A_38 = tpu.memref_squeeze %dma_start3A_37 : memref<1x640x128xf32, #tpu.memory_space<hbm>> -> memref<640x128xf32, #tpu.memory_space<hbm>>
      %dma_start3A_39 = arith.constant 0 : i32
      %dma_start3A_40 = tpu.memref_slice %arg10[%mul3A_33, %dma_start3A_39] : memref<10240x128xf32, #tpu.memory_space<vmem_shared>> -> memref<640x128xf32, #tpu.memory_space<vmem_shared>>
      tpu.enqueue_dma source(%dma_start3A_40 : memref<640x128xf32, #tpu.memory_space<vmem_shared>>) target(%dma_start3A_38 : memref<640x128xf32, #tpu.memory_space<hbm>>) target_semaphore(%run_scoped3A_36 : memref<!tpu.dma_semaphore, #tpu.memory_space<semaphore_mem>>)
      %dma_wait3A = arith.constant 0 : i32
      %dma_wait3A_41 = tpu.memref_slice %arg6[%arg0, %mul3A_35, %dma_wait3A] : memref<2x10240x128xf32, #tpu.memory_space<hbm>> -> memref<1x640x128xf32, #tpu.memory_space<hbm>>
      %dma_wait3A_42 = tpu.memref_squeeze %dma_wait3A_41 : memref<1x640x128xf32, #tpu.memory_space<hbm>> -> memref<640x128xf32, #tpu.memory_space<hbm>>
      %dma_wait3A_43 = arith.constant 0 : i32
      %dma_wait3A_44 = tpu.memref_slice %arg10[%mul3A_33, %dma_wait3A_43] : memref<10240x128xf32, #tpu.memory_space<vmem_shared>> -> memref<640x128xf32, #tpu.memory_space<vmem_shared>>
      tpu.wait_dma2 semaphore(%run_scoped3A_36 : memref<!tpu.dma_semaphore, #tpu.memory_space<semaphore_mem>>) src(%dma_wait3A_44 : memref<640x128xf32, #tpu.memory_space<vmem_shared>>) dst(%dma_wait3A_42 : memref<640x128xf32, #tpu.memory_space<hbm>>)
      tpu.yield
    }) : () -> ()
    return
  }
}

module attributes {stable_mosaic.version = 14 : i64} {
  func.func @_tc_layer_body(%arg0: i32, %arg1: memref<2000x128xf32, #tpu.memory_space<vmem>>, %arg2: memref<1x2000x128xf32, #tpu.memory_space<vmem>>, %arg3: memref<1x2000x128xf32, #tpu.memory_space<vmem>>, %arg4: memref<128x128xf32, #tpu.memory_space<vmem>>, %arg5: memref<1x128xf32, #tpu.memory_space<vmem>>, %arg6: memref<128x128xf32, #tpu.memory_space<vmem>>, %arg7: memref<1x128xf32, #tpu.memory_space<vmem>>, %arg8: memref<2000x128xf32, #tpu.memory_space<vmem>>, %arg9: memref<8x128xf32, #tpu.memory_space<vmem>>) attributes {dimension_semantics = [#tpu.dimension_semantics<arbitrary>], iteration_bounds = array<i64: 5>, scalar_prefetch = 0 : i64, scratch_operands = 0 : i64, tpu.core_type = #tpu.core_type<tc>, window_params = [{transform_indices = @transform_0, window_bounds = array<i64: 2000, 128>}, {transform_indices = @transform_1, window_bounds = array<i64: 1, 2000, 128>}, {transform_indices = @transform_2, window_bounds = array<i64: 1, 2000, 128>}, {pipeline_mode = #tpu.pipeline_mode<synchronous>, transform_indices = @transform_3, window_bounds = array<i64: 128, 128>}, {pipeline_mode = #tpu.pipeline_mode<synchronous>, transform_indices = @transform_4, window_bounds = array<i64: 1, 128>}, {pipeline_mode = #tpu.pipeline_mode<synchronous>, transform_indices = @transform_5, window_bounds = array<i64: 128, 128>}, {pipeline_mode = #tpu.pipeline_mode<synchronous>, transform_indices = @transform_6, window_bounds = array<i64: 1, 128>}, {transform_indices = @transform_7, window_bounds = array<i64: 2000, 128>}, {pipeline_mode = #tpu.pipeline_mode<synchronous>, transform_indices = @transform_8, window_bounds = array<i64: 8, 128>}]} {
    %get3A = arith.constant 0 : index
    %get3A_0 = arith.constant 0 : index
    %get3A_1 = vector.load %arg1[%get3A, %get3A_0] : memref<2000x128xf32, #tpu.memory_space<vmem>>, vector<2000x128xf32>
    %get3A_2 = arith.constant 0 : index
    %get3A_3 = arith.constant 0 : index
    %get3A_4 = arith.constant 0 : index
    %get3A_5 = vector.load %arg2[%get3A_2, %get3A_3, %get3A_4] : memref<1x2000x128xf32, #tpu.memory_space<vmem>>, vector<1x2000x128xf32>
    %get3A_6 = vector.shape_cast %get3A_5 : vector<1x2000x128xf32> to vector<2000x128xf32>
    %get3A_7 = arith.constant 0 : index
    %get3A_8 = arith.constant 0 : index
    %get3A_9 = arith.constant 0 : index
    %get3A_10 = vector.load %arg3[%get3A_7, %get3A_8, %get3A_9] : memref<1x2000x128xf32, #tpu.memory_space<vmem>>, vector<1x2000x128xf32>
    %get3A_11 = vector.shape_cast %get3A_10 : vector<1x2000x128xf32> to vector<2000x128xf32>
    %add3A = arith.addf %get3A_6, %get3A_11 : vector<2000x128xf32>
    %add3A_12 = arith.addf %get3A_1, %add3A : vector<2000x128xf32>
    %get3A_13 = arith.constant 0 : index
    %get3A_14 = arith.constant 0 : index
    %get3A_15 = vector.load %arg4[%get3A_13, %get3A_14] : memref<128x128xf32, #tpu.memory_space<vmem>>, vector<128x128xf32>
    %dot_general3A = arith.constant dense<0.000000e+00> : vector<2000x128xf32>
    %dot_general3A_16 = tpu.matmul %add3A_12, %get3A_15, %dot_general3A {dimension_numbers = #tpu.dot_dimension_numbers<[1], [0], [0], [1], [0, 0, 1, 1], [], []>, transpose_lhs_hint = false} : vector<2000x128xf32>, vector<128x128xf32>, vector<2000x128xf32> -> vector<2000x128xf32>
    %get3A_17 = arith.constant 0 : index
    %get3A_18 = arith.constant 0 : index
    %get3A_19 = vector.load %arg5[%get3A_17, %get3A_18] : memref<1x128xf32, #tpu.memory_space<vmem>>, vector<1x128xf32>
    %add3A_20 = vector.broadcast %get3A_19 : vector<1x128xf32> to vector<2000x128xf32>
    %add3A_21 = arith.addf %dot_general3A_16, %add3A_20 : vector<2000x128xf32>
    %ge3A = arith.constant 0.000000e+00 : f32
    %ge3A_22 = vector.broadcast %ge3A : f32 to vector<2000x128xf32>
    %ge3A_23 = arith.cmpf oge, %add3A_21, %ge3A_22 : vector<2000x128xf32>
    %mul3A = arith.constant 1.000000e-01 : f32
    %mul3A_24 = vector.broadcast %mul3A : f32 to vector<2000x128xf32>
    %mul3A_25 = arith.mulf %mul3A_24, %add3A_21 : vector<2000x128xf32>
    %select_n3A = arith.select %ge3A_23, %add3A_21, %mul3A_25 : vector<2000x128xi1>, vector<2000x128xf32>
    %get3A_26 = arith.constant 0 : index
    %get3A_27 = arith.constant 0 : index
    %get3A_28 = vector.load %arg6[%get3A_26, %get3A_27] : memref<128x128xf32, #tpu.memory_space<vmem>>, vector<128x128xf32>
    %dot_general3A_29 = arith.constant dense<0.000000e+00> : vector<2000x128xf32>
    %dot_general3A_30 = tpu.matmul %select_n3A, %get3A_28, %dot_general3A_29 {dimension_numbers = #tpu.dot_dimension_numbers<[1], [0], [0], [1], [0, 0, 1, 1], [], []>, transpose_lhs_hint = false} : vector<2000x128xf32>, vector<128x128xf32>, vector<2000x128xf32> -> vector<2000x128xf32>
    %get3A_31 = arith.constant 0 : index
    %get3A_32 = arith.constant 0 : index
    %get3A_33 = vector.load %arg7[%get3A_31, %get3A_32] : memref<1x128xf32, #tpu.memory_space<vmem>>, vector<1x128xf32>
    %add3A_34 = vector.broadcast %get3A_33 : vector<1x128xf32> to vector<2000x128xf32>
    %add3A_35 = arith.addf %dot_general3A_30, %add3A_34 : vector<2000x128xf32>
    %ge3A_36 = arith.constant 0.000000e+00 : f32
    %ge3A_37 = vector.broadcast %ge3A_36 : f32 to vector<2000x128xf32>
    %ge3A_38 = arith.cmpf oge, %add3A_35, %ge3A_37 : vector<2000x128xf32>
    %mul3A_39 = arith.constant 1.000000e-01 : f32
    %mul3A_40 = vector.broadcast %mul3A_39 : f32 to vector<2000x128xf32>
    %mul3A_41 = arith.mulf %mul3A_40, %add3A_35 : vector<2000x128xf32>
    %select_n3A_42 = arith.select %ge3A_38, %add3A_35, %mul3A_41 : vector<2000x128xi1>, vector<2000x128xf32>
    %swap3A = arith.constant 0 : index
    %swap3A_43 = arith.constant 0 : index
    %swap3A_44 = vector.load %arg8[%swap3A, %swap3A_43] : memref<2000x128xf32, #tpu.memory_space<vmem>>, vector<2000x128xf32>
    tpu.vector_store %arg8[%swap3A, %swap3A_43], %select_n3A_42 {strides = array<i32>} : memref<2000x128xf32, #tpu.memory_space<vmem>>, vector<2000x128xf32>,
    %reduce_sum3A = arith.constant dense<0.000000e+00> : vector<128xf32>
    %reduce_sum3A_45 = vector.multi_reduction <add>, %select_n3A_42, %reduce_sum3A [0] : vector<2000x128xf32> to vector<128xf32>
    %broadcast_in_dim3A = vector.shape_cast %reduce_sum3A_45 : vector<128xf32> to vector<1x128xf32>
    %broadcast_in_dim3A_46 = arith.constant 0.000000e+00 : f32
    %broadcast_in_dim3A_47 = vector.broadcast %broadcast_in_dim3A_46 : f32 to vector<7x128xf32>
    %concatenate3A = tpu.concatenate %broadcast_in_dim3A, %broadcast_in_dim3A_47 in 0 : vector<1x128xf32>, vector<7x128xf32> -> vector<8x128xf32>
    %eq3A = arith.constant 0 : i32
    %eq3A_48 = arith.cmpi eq, %arg0, %eq3A : i32
    %convert_element_type3A = arith.extui %eq3A_48 : i1 to i32
    %cond3A = arith.constant 0 : i32
    %cond3A_49 = arith.cmpi ne, %convert_element_type3A, %cond3A : i32
    scf.if %cond3A_49 {
      %broadcast_in_dim3A_57 = arith.constant 0.000000e+00 : f32
      %broadcast_in_dim3A_58 = vector.broadcast %broadcast_in_dim3A_57 : f32 to vector<8x128xf32>
      %swap3A_59 = arith.constant 0 : index
      %swap3A_60 = arith.constant 0 : index
      %swap3A_61 = vector.load %arg9[%swap3A_59, %swap3A_60] : memref<8x128xf32, #tpu.memory_space<vmem>>, vector<8x128xf32>
      tpu.vector_store %arg9[%swap3A_59, %swap3A_60], %broadcast_in_dim3A_58 {strides = array<i32>} : memref<8x128xf32, #tpu.memory_space<vmem>>, vector<8x128xf32>,
    } else {
    }
    %get3A_50 = arith.constant 0 : index
    %get3A_51 = arith.constant 0 : index
    %get3A_52 = vector.load %arg9[%get3A_50, %get3A_51] : memref<8x128xf32, #tpu.memory_space<vmem>>, vector<8x128xf32>
    %add3A_53 = arith.addf %get3A_52, %concatenate3A : vector<8x128xf32>
    %swap3A_54 = arith.constant 0 : index
    %swap3A_55 = arith.constant 0 : index
    %swap3A_56 = vector.load %arg9[%swap3A_54, %swap3A_55] : memref<8x128xf32, #tpu.memory_space<vmem>>, vector<8x128xf32>
    tpu.vector_store %arg9[%swap3A_54, %swap3A_55], %add3A_53 {strides = array<i32>} : memref<8x128xf32, #tpu.memory_space<vmem>>, vector<8x128xf32>,
    return
  }
  func.func @transform_0(%arg0: i32) -> (i32, i32) {
    %c0_i32 = arith.constant 0 : i32
    %c0_i32_0 = arith.constant 0 : i32
    return %arg0, %c0_i32 : i32, i32
  }
  func.func @transform_1(%arg0: i32) -> (i32, i32, i32) {
    %c0_i32 = arith.constant 0 : i32
    %c0_i32_0 = arith.constant 0 : i32
    %c0_i32_1 = arith.constant 0 : i32
    return %c0_i32, %arg0, %c0_i32_0 : i32, i32, i32
  }
  func.func @transform_2(%arg0: i32) -> (i32, i32, i32) {
    %c1_i32 = arith.constant 1 : i32
    %c0_i32 = arith.constant 0 : i32
    %c0_i32_0 = arith.constant 0 : i32
    return %c1_i32, %arg0, %c0_i32 : i32, i32, i32
  }
  func.func @transform_3(%arg0: i32) -> (i32, i32) {
    %c0_i32 = arith.constant 0 : i32
    %c0_i32_0 = arith.constant 0 : i32
    %c0_i32_1 = arith.constant 0 : i32
    return %c0_i32, %c0_i32_0 : i32, i32
  }
  func.func @transform_4(%arg0: i32) -> (i32, i32) {
    %c0_i32 = arith.constant 0 : i32
    %c0_i32_0 = arith.constant 0 : i32
    %c0_i32_1 = arith.constant 0 : i32
    return %c0_i32, %c0_i32_0 : i32, i32
  }
  func.func @transform_5(%arg0: i32) -> (i32, i32) {
    %c0_i32 = arith.constant 0 : i32
    %c0_i32_0 = arith.constant 0 : i32
    %c0_i32_1 = arith.constant 0 : i32
    return %c0_i32, %c0_i32_0 : i32, i32
  }
  func.func @transform_6(%arg0: i32) -> (i32, i32) {
    %c0_i32 = arith.constant 0 : i32
    %c0_i32_0 = arith.constant 0 : i32
    %c0_i32_1 = arith.constant 0 : i32
    return %c0_i32, %c0_i32_0 : i32, i32
  }
  func.func @transform_7(%arg0: i32) -> (i32, i32) {
    %c0_i32 = arith.constant 0 : i32
    %c0_i32_0 = arith.constant 0 : i32
    return %arg0, %c0_i32 : i32, i32
  }
  func.func @transform_8(%arg0: i32) -> (i32, i32) {
    %c0_i32 = arith.constant 0 : i32
    %c0_i32_0 = arith.constant 0 : i32
    %c0_i32_1 = arith.constant 0 : i32
    return %c0_i32, %c0_i32_0 : i32, i32
  }
}

module attributes {stable_mosaic.version = 14 : i64} {
  func.func @_tc_var_body(%arg0: i32, %arg1: memref<2000x128xf32, #tpu.memory_space<vmem>>, %arg2: memref<8x128xf32, #tpu.memory_space<vmem>>, %arg3: memref<8x128xf32, #tpu.memory_space<vmem>>) attributes {dimension_semantics = [#tpu.dimension_semantics<arbitrary>], iteration_bounds = array<i64: 5>, scalar_prefetch = 0 : i64, scratch_operands = 0 : i64, tpu.core_type = #tpu.core_type<tc>, window_params = [{transform_indices = @transform_0, window_bounds = array<i64: 2000, 128>}, {pipeline_mode = #tpu.pipeline_mode<synchronous>, transform_indices = @transform_1, window_bounds = array<i64: 8, 128>}, {pipeline_mode = #tpu.pipeline_mode<synchronous>, transform_indices = @transform_2, window_bounds = array<i64: 8, 128>}]} {
    %get3A = arith.constant 0 : index
    %get3A_0 = arith.constant 0 : index
    %get3A_1 = vector.load %arg2[%get3A, %get3A_0] : memref<8x128xf32, #tpu.memory_space<vmem>>, vector<1x128xf32>
    %div3A = arith.constant 1.000000e+04 : f32
    %div3A_2 = vector.broadcast %div3A : f32 to vector<1x128xf32>
    %div3A_3 = arith.divf %get3A_1, %div3A_2 : vector<1x128xf32>
    %get3A_4 = arith.constant 0 : index
    %get3A_5 = arith.constant 0 : index
    %get3A_6 = vector.load %arg1[%get3A_4, %get3A_5] : memref<2000x128xf32, #tpu.memory_space<vmem>>, vector<2000x128xf32>
    %sub3A = vector.broadcast %div3A_3 : vector<1x128xf32> to vector<2000x128xf32>
    %sub3A_7 = arith.subf %get3A_6, %sub3A : vector<2000x128xf32>
    %mul3A = arith.mulf %sub3A_7, %sub3A_7 : vector<2000x128xf32>
    %reduce_sum3A = arith.constant dense<0.000000e+00> : vector<128xf32>
    %reduce_sum3A_8 = vector.multi_reduction <add>, %mul3A, %reduce_sum3A [0] : vector<2000x128xf32> to vector<128xf32>
    %broadcast_in_dim3A = vector.shape_cast %reduce_sum3A_8 : vector<128xf32> to vector<1x128xf32>
    %broadcast_in_dim3A_9 = arith.constant 0.000000e+00 : f32
    %broadcast_in_dim3A_10 = vector.broadcast %broadcast_in_dim3A_9 : f32 to vector<7x128xf32>
    %concatenate3A = tpu.concatenate %broadcast_in_dim3A, %broadcast_in_dim3A_10 in 0 : vector<1x128xf32>, vector<7x128xf32> -> vector<8x128xf32>
    %eq3A = arith.constant 0 : i32
    %eq3A_11 = arith.cmpi eq, %arg0, %eq3A : i32
    %convert_element_type3A = arith.extui %eq3A_11 : i1 to i32
    %cond3A = arith.constant 0 : i32
    %cond3A_12 = arith.cmpi ne, %convert_element_type3A, %cond3A : i32
    scf.if %cond3A_12 {
      %broadcast_in_dim3A_18 = arith.constant 0.000000e+00 : f32
      %broadcast_in_dim3A_19 = vector.broadcast %broadcast_in_dim3A_18 : f32 to vector<8x128xf32>
      %swap3A_20 = arith.constant 0 : index
      %swap3A_21 = arith.constant 0 : index
      %swap3A_22 = vector.load %arg3[%swap3A_20, %swap3A_21] : memref<8x128xf32, #tpu.memory_space<vmem>>, vector<8x128xf32>
      tpu.vector_store %arg3[%swap3A_20, %swap3A_21], %broadcast_in_dim3A_19 {strides = array<i32>} : memref<8x128xf32, #tpu.memory_space<vmem>>, vector<8x128xf32>,
    } else {
    }
    %get3A_13 = arith.constant 0 : index
    %get3A_14 = arith.constant 0 : index
    %get3A_15 = vector.load %arg3[%get3A_13, %get3A_14] : memref<8x128xf32, #tpu.memory_space<vmem>>, vector<8x128xf32>
    %add3A = arith.addf %get3A_15, %concatenate3A : vector<8x128xf32>
    %swap3A = arith.constant 0 : index
    %swap3A_16 = arith.constant 0 : index
    %swap3A_17 = vector.load %arg3[%swap3A, %swap3A_16] : memref<8x128xf32, #tpu.memory_space<vmem>>, vector<8x128xf32>
    tpu.vector_store %arg3[%swap3A, %swap3A_16], %add3A {strides = array<i32>} : memref<8x128xf32, #tpu.memory_space<vmem>>, vector<8x128xf32>,
    return
  }
  func.func @transform_0(%arg0: i32) -> (i32, i32) {
    %c0_i32 = arith.constant 0 : i32
    %c0_i32_0 = arith.constant 0 : i32
    return %arg0, %c0_i32 : i32, i32
  }
  func.func @transform_1(%arg0: i32) -> (i32, i32) {
    %c0_i32 = arith.constant 0 : i32
    %c0_i32_0 = arith.constant 0 : i32
    %c0_i32_1 = arith.constant 0 : i32
    return %c0_i32, %c0_i32_0 : i32, i32
  }
  func.func @transform_2(%arg0: i32) -> (i32, i32) {
    %c0_i32 = arith.constant 0 : i32
    %c0_i32_0 = arith.constant 0 : i32
    %c0_i32_1 = arith.constant 0 : i32
    return %c0_i32, %c0_i32_0 : i32, i32
  }
}

module attributes {stable_mosaic.version = 14 : i64} {
  func.func @_tc_norm_body(%arg0: i32, %arg1: memref<2000x128xf32, #tpu.memory_space<vmem>>, %arg2: memref<8x128xf32, #tpu.memory_space<vmem>>, %arg3: memref<8x128xf32, #tpu.memory_space<vmem>>, %arg4: memref<1x128xf32, #tpu.memory_space<vmem>>, %arg5: memref<1x128xf32, #tpu.memory_space<vmem>>, %arg6: memref<2000x128xf32, #tpu.memory_space<vmem>>) attributes {dimension_semantics = [#tpu.dimension_semantics<arbitrary>], iteration_bounds = array<i64: 5>, scalar_prefetch = 0 : i64, scratch_operands = 0 : i64, tpu.core_type = #tpu.core_type<tc>, window_params = [{transform_indices = @transform_0, window_bounds = array<i64: 2000, 128>}, {pipeline_mode = #tpu.pipeline_mode<synchronous>, transform_indices = @transform_1, window_bounds = array<i64: 8, 128>}, {pipeline_mode = #tpu.pipeline_mode<synchronous>, transform_indices = @transform_2, window_bounds = array<i64: 8, 128>}, {pipeline_mode = #tpu.pipeline_mode<synchronous>, transform_indices = @transform_3, window_bounds = array<i64: 1, 128>}, {pipeline_mode = #tpu.pipeline_mode<synchronous>, transform_indices = @transform_4, window_bounds = array<i64: 1, 128>}, {transform_indices = @transform_5, window_bounds = array<i64: 2000, 128>}]} {
    %get3A = arith.constant 0 : index
    %get3A_0 = arith.constant 0 : index
    %get3A_1 = vector.load %arg2[%get3A, %get3A_0] : memref<8x128xf32, #tpu.memory_space<vmem>>, vector<1x128xf32>
    %div3A = arith.constant 1.000000e+04 : f32
    %div3A_2 = vector.broadcast %div3A : f32 to vector<1x128xf32>
    %div3A_3 = arith.divf %get3A_1, %div3A_2 : vector<1x128xf32>
    %get3A_4 = arith.constant 0 : index
    %get3A_5 = arith.constant 0 : index
    %get3A_6 = vector.load %arg3[%get3A_4, %get3A_5] : memref<8x128xf32, #tpu.memory_space<vmem>>, vector<1x128xf32>
    %div3A_7 = arith.constant 1.000000e+04 : f32
    %div3A_8 = vector.broadcast %div3A_7 : f32 to vector<1x128xf32>
    %div3A_9 = arith.divf %get3A_6, %div3A_8 : vector<1x128xf32>
    %get3A_10 = arith.constant 0 : index
    %get3A_11 = arith.constant 0 : index
    %get3A_12 = vector.load %arg1[%get3A_10, %get3A_11] : memref<2000x128xf32, #tpu.memory_space<vmem>>, vector<2000x128xf32>
    %sub3A = vector.broadcast %div3A_3 : vector<1x128xf32> to vector<2000x128xf32>
    %sub3A_13 = arith.subf %get3A_12, %sub3A : vector<2000x128xf32>
    %add3A = arith.constant 9.99999974E-6 : f32
    %add3A_14 = vector.broadcast %add3A : f32 to vector<1x128xf32>
    %add3A_15 = arith.addf %div3A_9, %add3A_14 : vector<1x128xf32>
    %sqrt3A = math.sqrt %add3A_15 : vector<1x128xf32>
    %div3A_16 = vector.broadcast %sqrt3A : vector<1x128xf32> to vector<2000x128xf32>
    %div3A_17 = arith.divf %sub3A_13, %div3A_16 : vector<2000x128xf32>
    %get3A_18 = arith.constant 0 : index
    %get3A_19 = arith.constant 0 : index
    %get3A_20 = vector.load %arg4[%get3A_18, %get3A_19] : memref<1x128xf32, #tpu.memory_space<vmem>>, vector<1x128xf32>
    %mul3A = vector.broadcast %get3A_20 : vector<1x128xf32> to vector<2000x128xf32>
    %mul3A_21 = arith.mulf %div3A_17, %mul3A : vector<2000x128xf32>
    %get3A_22 = arith.constant 0 : index
    %get3A_23 = arith.constant 0 : index
    %get3A_24 = vector.load %arg5[%get3A_22, %get3A_23] : memref<1x128xf32, #tpu.memory_space<vmem>>, vector<1x128xf32>
    %add3A_25 = vector.broadcast %get3A_24 : vector<1x128xf32> to vector<2000x128xf32>
    %add3A_26 = arith.addf %mul3A_21, %add3A_25 : vector<2000x128xf32>
    %ge3A = arith.constant 0.000000e+00 : f32
    %ge3A_27 = vector.broadcast %ge3A : f32 to vector<2000x128xf32>
    %ge3A_28 = arith.cmpf oge, %add3A_26, %ge3A_27 : vector<2000x128xf32>
    %mul3A_29 = arith.constant 1.000000e-01 : f32
    %mul3A_30 = vector.broadcast %mul3A_29 : f32 to vector<2000x128xf32>
    %mul3A_31 = arith.mulf %mul3A_30, %add3A_26 : vector<2000x128xf32>
    %select_n3A = arith.select %ge3A_28, %add3A_26, %mul3A_31 : vector<2000x128xi1>, vector<2000x128xf32>
    %swap3A = arith.constant 0 : index
    %swap3A_32 = arith.constant 0 : index
    %swap3A_33 = vector.load %arg6[%swap3A, %swap3A_32] : memref<2000x128xf32, #tpu.memory_space<vmem>>, vector<2000x128xf32>
    tpu.vector_store %arg6[%swap3A, %swap3A_32], %select_n3A {strides = array<i32>} : memref<2000x128xf32, #tpu.memory_space<vmem>>, vector<2000x128xf32>,
    return
  }
  func.func @transform_0(%arg0: i32) -> (i32, i32) {
    %c0_i32 = arith.constant 0 : i32
    %c0_i32_0 = arith.constant 0 : i32
    return %arg0, %c0_i32 : i32, i32
  }
  func.func @transform_1(%arg0: i32) -> (i32, i32) {
    %c0_i32 = arith.constant 0 : i32
    %c0_i32_0 = arith.constant 0 : i32
    %c0_i32_1 = arith.constant 0 : i32
    return %c0_i32, %c0_i32_0 : i32, i32
  }
  func.func @transform_2(%arg0: i32) -> (i32, i32) {
    %c0_i32 = arith.constant 0 : i32
    %c0_i32_0 = arith.constant 0 : i32
    %c0_i32_1 = arith.constant 0 : i32
    return %c0_i32, %c0_i32_0 : i32, i32
  }
  func.func @transform_3(%arg0: i32) -> (i32, i32) {
    %c0_i32 = arith.constant 0 : i32
    %c0_i32_0 = arith.constant 0 : i32
    %c0_i32_1 = arith.constant 0 : i32
    return %c0_i32, %c0_i32_0 : i32, i32
  }
  func.func @transform_4(%arg0: i32) -> (i32, i32) {
    %c0_i32 = arith.constant 0 : i32
    %c0_i32_0 = arith.constant 0 : i32
    %c0_i32_1 = arith.constant 0 : i32
    return %c0_i32, %c0_i32_0 : i32, i32
  }
  func.func @transform_5(%arg0: i32) -> (i32, i32) {
    %c0_i32 = arith.constant 0 : i32
    %c0_i32_0 = arith.constant 0 : i32
    return %arg0, %c0_i32 : i32, i32
  }
}

module attributes {stable_mosaic.version = 14 : i64} {
  func.func @_tc_pool_body(%arg0: i32, %arg1: memref<2000x128xf32, #tpu.memory_space<vmem>>, %arg2: memref<8x128xf32, #tpu.memory_space<vmem>>, %arg3: memref<8x128xf32, #tpu.memory_space<vmem>>, %arg4: memref<1x128xf32, #tpu.memory_space<vmem>>, %arg5: memref<1x128xf32, #tpu.memory_space<vmem>>, %arg6: memref<1x1x2000xi32, #tpu.memory_space<vmem>>, %arg7: memref<128x128xf32, #tpu.memory_space<vmem>>, %arg8: memref<1x128xf32, #tpu.memory_space<vmem>>, %arg9: memref<1x128xf32, #tpu.memory_space<vmem>>, %arg10: memref<1x128xf32, #tpu.memory_space<vmem>>, %arg11: memref<128x16xf32, #tpu.memory_space<vmem>>, %arg12: memref<1x16xf32, #tpu.memory_space<vmem>>, %arg13: memref<64x16xf32, #tpu.memory_space<vmem>>, %arg14: memref<64x128xf32, #tpu.memory_space<vmem>>, %arg15: memref<64x128xf32, #tpu.memory_space<vmem>>) attributes {dimension_semantics = [#tpu.dimension_semantics<arbitrary>], iteration_bounds = array<i64: 5>, scalar_prefetch = 0 : i64, scratch_operands = 2 : i64, tpu.core_type = #tpu.core_type<tc>, window_params = [{transform_indices = @transform_0, window_bounds = array<i64: 2000, 128>}, {pipeline_mode = #tpu.pipeline_mode<synchronous>, transform_indices = @transform_1, window_bounds = array<i64: 8, 128>}, {pipeline_mode = #tpu.pipeline_mode<synchronous>, transform_indices = @transform_2, window_bounds = array<i64: 8, 128>}, {pipeline_mode = #tpu.pipeline_mode<synchronous>, transform_indices = @transform_3, window_bounds = array<i64: 1, 128>}, {pipeline_mode = #tpu.pipeline_mode<synchronous>, transform_indices = @transform_4, window_bounds = array<i64: 1, 128>}, {transform_indices = @transform_5, window_bounds = array<i64: 1, 1, 2000>}, {pipeline_mode = #tpu.pipeline_mode<synchronous>, transform_indices = @transform_6, window_bounds = array<i64: 128, 128>}, {pipeline_mode = #tpu.pipeline_mode<synchronous>, transform_indices = @transform_7, window_bounds = array<i64: 1, 128>}, {pipeline_mode = #tpu.pipeline_mode<synchronous>, transform_indices = @transform_8, window_bounds = array<i64: 1, 128>}, {pipeline_mode = #tpu.pipeline_mode<synchronous>, transform_indices = @transform_9, window_bounds = array<i64: 1, 128>}, {pipeline_mode = #tpu.pipeline_mode<synchronous>, transform_indices = @transform_10, window_bounds = array<i64: 128, 16>}, {pipeline_mode = #tpu.pipeline_mode<synchronous>, transform_indices = @transform_11, window_bounds = array<i64: 1, 16>}, {pipeline_mode = #tpu.pipeline_mode<synchronous>, transform_indices = @transform_12, window_bounds = array<i64: 64, 16>}]} {
    %get3A = arith.constant 0 : index
    %get3A_0 = arith.constant 0 : index
    %get3A_1 = vector.load %arg2[%get3A, %get3A_0] : memref<8x128xf32, #tpu.memory_space<vmem>>, vector<1x128xf32>
    %div3A = arith.constant 1.000000e+04 : f32
    %div3A_2 = vector.broadcast %div3A : f32 to vector<1x128xf32>
    %div3A_3 = arith.divf %get3A_1, %div3A_2 : vector<1x128xf32>
    %get3A_4 = arith.constant 0 : index
    %get3A_5 = arith.constant 0 : index
    %get3A_6 = vector.load %arg3[%get3A_4, %get3A_5] : memref<8x128xf32, #tpu.memory_space<vmem>>, vector<1x128xf32>
    %div3A_7 = arith.constant 1.000000e+04 : f32
    %div3A_8 = vector.broadcast %div3A_7 : f32 to vector<1x128xf32>
    %div3A_9 = arith.divf %get3A_6, %div3A_8 : vector<1x128xf32>
    %get3A_10 = arith.constant 0 : index
    %get3A_11 = arith.constant 0 : index
    %get3A_12 = vector.load %arg1[%get3A_10, %get3A_11] : memref<2000x128xf32, #tpu.memory_space<vmem>>, vector<2000x128xf32>
    %sub3A = vector.broadcast %div3A_3 : vector<1x128xf32> to vector<2000x128xf32>
    %sub3A_13 = arith.subf %get3A_12, %sub3A : vector<2000x128xf32>
    %add3A = arith.constant 9.99999974E-6 : f32
    %add3A_14 = vector.broadcast %add3A : f32 to vector<1x128xf32>
    %add3A_15 = arith.addf %div3A_9, %add3A_14 : vector<1x128xf32>
    %sqrt3A = math.sqrt %add3A_15 : vector<1x128xf32>
    %div3A_16 = vector.broadcast %sqrt3A : vector<1x128xf32> to vector<2000x128xf32>
    %div3A_17 = arith.divf %sub3A_13, %div3A_16 : vector<2000x128xf32>
    %get3A_18 = arith.constant 0 : index
    %get3A_19 = arith.constant 0 : index
    %get3A_20 = vector.load %arg4[%get3A_18, %get3A_19] : memref<1x128xf32, #tpu.memory_space<vmem>>, vector<1x128xf32>
    %mul3A = vector.broadcast %get3A_20 : vector<1x128xf32> to vector<2000x128xf32>
    %mul3A_21 = arith.mulf %div3A_17, %mul3A : vector<2000x128xf32>
    %get3A_22 = arith.constant 0 : index
    %get3A_23 = arith.constant 0 : index
    %get3A_24 = vector.load %arg5[%get3A_22, %get3A_23] : memref<1x128xf32, #tpu.memory_space<vmem>>, vector<1x128xf32>
    %add3A_25 = vector.broadcast %get3A_24 : vector<1x128xf32> to vector<2000x128xf32>
    %add3A_26 = arith.addf %mul3A_21, %add3A_25 : vector<2000x128xf32>
    %ge3A = arith.constant 0.000000e+00 : f32
    %ge3A_27 = vector.broadcast %ge3A : f32 to vector<2000x128xf32>
    %ge3A_28 = arith.cmpf oge, %add3A_26, %ge3A_27 : vector<2000x128xf32>
    %mul3A_29 = arith.constant 1.000000e-01 : f32
    %mul3A_30 = vector.broadcast %mul3A_29 : f32 to vector<2000x128xf32>
    %mul3A_31 = arith.mulf %mul3A_30, %add3A_26 : vector<2000x128xf32>
    %select_n3A = arith.select %ge3A_28, %add3A_26, %mul3A_31 : vector<2000x128xi1>, vector<2000x128xf32>
    %get3A_32 = arith.constant 0 : index
    %get3A_33 = arith.constant 0 : index
    %get3A_34 = arith.constant 0 : index
    %get3A_35 = vector.load %arg6[%get3A_32, %get3A_33, %get3A_34] : memref<1x1x2000xi32, #tpu.memory_space<vmem>>, vector<1x1x2000xi32>
    %get3A_36 = vector.shape_cast %get3A_35 : vector<1x1x2000xi32> to vector<2000xi32>
    %iota3A = tpu.iota {dimensions = array<i32: 1>} : vector<2000x64xi32>
    %broadcast_in_dim3A = vector.shape_cast %get3A_36 : vector<2000xi32> to vector<2000x1xi32>
    %eq3A = vector.broadcast %broadcast_in_dim3A : vector<2000x1xi32> to vector<2000x64xi32>
    %eq3A_37 = arith.cmpi eq, %eq3A, %iota3A : vector<2000x64xi32>
    %convert_element_type3A = arith.extui %eq3A_37 : vector<2000x64xi1> to vector<2000x64xi32>
    %convert_element_type3A_38 = arith.sitofp %convert_element_type3A : vector<2000x64xi32> to vector<2000x64xf32>
    %eq3A_39 = arith.constant 0 : i32
    %eq3A_40 = arith.cmpi eq, %arg0, %eq3A_39 : i32
    %convert_element_type3A_41 = arith.extui %eq3A_40 : i1 to i32
    %cond3A = arith.constant 0 : i32
    %cond3A_42 = arith.cmpi ne, %convert_element_type3A_41, %cond3A : i32
    scf.if %cond3A_42 {
      %broadcast_in_dim3A_66 = arith.constant 0.000000e+00 : f32
      %broadcast_in_dim3A_67 = vector.broadcast %broadcast_in_dim3A_66 : f32 to vector<64x128xf32>
      %swap3A_68 = arith.constant 0 : index
      %swap3A_69 = arith.constant 0 : index
      %swap3A_70 = vector.load %arg14[%swap3A_68, %swap3A_69] : memref<64x128xf32, #tpu.memory_space<vmem>>, vector<64x128xf32>
      tpu.vector_store %arg14[%swap3A_68, %swap3A_69], %broadcast_in_dim3A_67 {strides = array<i32>} : memref<64x128xf32, #tpu.memory_space<vmem>>, vector<64x128xf32>,
      %broadcast_in_dim3A_71 = arith.constant 0.000000e+00 : f32
      %broadcast_in_dim3A_72 = vector.broadcast %broadcast_in_dim3A_71 : f32 to vector<64x128xf32>
      %swap3A_73 = arith.constant 0 : index
      %swap3A_74 = arith.constant 0 : index
      %swap3A_75 = vector.load %arg15[%swap3A_73, %swap3A_74] : memref<64x128xf32, #tpu.memory_space<vmem>>, vector<64x128xf32>
      tpu.vector_store %arg15[%swap3A_73, %swap3A_74], %broadcast_in_dim3A_72 {strides = array<i32>} : memref<64x128xf32, #tpu.memory_space<vmem>>, vector<64x128xf32>,
    } else {
    }
    %get3A_43 = arith.constant 0 : index
    %get3A_44 = arith.constant 0 : index
    %get3A_45 = vector.load %arg14[%get3A_43, %get3A_44] : memref<64x128xf32, #tpu.memory_space<vmem>>, vector<64x128xf32>
    %dot_general3A = arith.constant dense<0.000000e+00> : vector<64x128xf32>
    %dot_general3A_46 = tpu.matmul %convert_element_type3A_38, %select_n3A, %dot_general3A {dimension_numbers = #tpu.dot_dimension_numbers<[0], [0], [1], [1], [0, 1, 1, 1], [], []>, precision = #tpu.contract_precision<fp32>, transpose_lhs_hint = false} : vector<2000x64xf32>, vector<2000x128xf32>, vector<64x128xf32> -> vector<64x128xf32>
    %add3A_47 = arith.addf %get3A_45, %dot_general3A_46 : vector<64x128xf32>
    %swap3A = arith.constant 0 : index
    %swap3A_48 = arith.constant 0 : index
    %swap3A_49 = vector.load %arg14[%swap3A, %swap3A_48] : memref<64x128xf32, #tpu.memory_space<vmem>>, vector<64x128xf32>
    tpu.vector_store %arg14[%swap3A, %swap3A_48], %add3A_47 {strides = array<i32>} : memref<64x128xf32, #tpu.memory_space<vmem>>, vector<64x128xf32>,
    %get3A_50 = arith.constant 0 : index
    %get3A_51 = arith.constant 0 : index
    %get3A_52 = vector.load %arg15[%get3A_50, %get3A_51] : memref<64x128xf32, #tpu.memory_space<vmem>>, vector<64x128xf32>
    %broadcast_in_dim3A_53 = arith.constant 1.000000e+00 : f32
    %broadcast_in_dim3A_54 = vector.broadcast %broadcast_in_dim3A_53 : f32 to vector<2000x128xf32>
    %dot_general3A_55 = arith.constant dense<0.000000e+00> : vector<64x128xf32>
    %dot_general3A_56 = tpu.matmul %convert_element_type3A_38, %broadcast_in_dim3A_54, %dot_general3A_55 {dimension_numbers = #tpu.dot_dimension_numbers<[0], [0], [1], [1], [0, 1, 1, 1], [], []>, precision = #tpu.contract_precision<fp32>, transpose_lhs_hint = false} : vector<2000x64xf32>, vector<2000x128xf32>, vector<64x128xf32> -> vector<64x128xf32>
    %add3A_57 = arith.addf %get3A_52, %dot_general3A_56 : vector<64x128xf32>
    %swap3A_58 = arith.constant 0 : index
    %swap3A_59 = arith.constant 0 : index
    %swap3A_60 = vector.load %arg15[%swap3A_58, %swap3A_59] : memref<64x128xf32, #tpu.memory_space<vmem>>, vector<64x128xf32>
    tpu.vector_store %arg15[%swap3A_58, %swap3A_59], %add3A_57 {strides = array<i32>} : memref<64x128xf32, #tpu.memory_space<vmem>>, vector<64x128xf32>,
    %eq3A_61 = arith.constant 4 : i32
    %eq3A_62 = arith.cmpi eq, %arg0, %eq3A_61 : i32
    %convert_element_type3A_63 = arith.extui %eq3A_62 : i1 to i32
    %cond3A_64 = arith.constant 0 : i32
    %cond3A_65 = arith.cmpi ne, %convert_element_type3A_63, %cond3A_64 : i32
    scf.if %cond3A_65 {
      %get3A_66 = arith.constant 0 : index
      %get3A_67 = arith.constant 0 : index
      %get3A_68 = vector.load %arg14[%get3A_66, %get3A_67] : memref<64x128xf32, #tpu.memory_space<vmem>>, vector<64x128xf32>
      %get3A_69 = arith.constant 0 : index
      %get3A_70 = arith.constant 0 : index
      %get3A_71 = vector.load %arg15[%get3A_69, %get3A_70] : memref<64x128xf32, #tpu.memory_space<vmem>>, vector<64x128xf32>
      %max3A = arith.constant 1.000000e+00 : f32
      %max3A_72 = vector.broadcast %max3A : f32 to vector<64x128xf32>
      %max3A_73 = arith.maximumf %get3A_71, %max3A_72 : vector<64x128xf32>
      %div3A_74 = arith.divf %get3A_68, %max3A_73 : vector<64x128xf32>
      %get3A_75 = arith.constant 0 : index
      %get3A_76 = arith.constant 0 : index
      %get3A_77 = vector.load %arg7[%get3A_75, %get3A_76] : memref<128x128xf32, #tpu.memory_space<vmem>>, vector<128x128xf32>
      %dot_general3A_78 = arith.constant dense<0.000000e+00> : vector<64x128xf32>
      %dot_general3A_79 = tpu.matmul %div3A_74, %get3A_77, %dot_general3A_78 {dimension_numbers = #tpu.dot_dimension_numbers<[1], [0], [0], [1], [0, 0, 1, 1], [], []>, transpose_lhs_hint = false} : vector<64x128xf32>, vector<128x128xf32>, vector<64x128xf32> -> vector<64x128xf32>
      %get3A_80 = arith.constant 0 : index
      %get3A_81 = arith.constant 0 : index
      %get3A_82 = vector.load %arg8[%get3A_80, %get3A_81] : memref<1x128xf32, #tpu.memory_space<vmem>>, vector<1x128xf32>
      %add3A_83 = vector.broadcast %get3A_82 : vector<1x128xf32> to vector<64x128xf32>
      %add3A_84 = arith.addf %dot_general3A_79, %add3A_83 : vector<64x128xf32>
      %reduce_sum3A = arith.constant dense<0.000000e+00> : vector<128xf32>
      %reduce_sum3A_85 = vector.multi_reduction <add>, %add3A_84, %reduce_sum3A [0] : vector<64x128xf32> to vector<128xf32>
      %broadcast_in_dim3A_86 = vector.shape_cast %reduce_sum3A_85 : vector<128xf32> to vector<1x128xf32>
      %div3A_87 = arith.constant 6.400000e+01 : f32
      %div3A_88 = vector.broadcast %div3A_87 : f32 to vector<1x128xf32>
      %div3A_89 = arith.divf %broadcast_in_dim3A_86, %div3A_88 : vector<1x128xf32>
      %sub3A_90 = vector.broadcast %div3A_89 : vector<1x128xf32> to vector<64x128xf32>
      %sub3A_91 = arith.subf %add3A_84, %sub3A_90 : vector<64x128xf32>
      %mul3A_92 = arith.mulf %sub3A_91, %sub3A_91 : vector<64x128xf32>
      %reduce_sum3A_93 = arith.constant dense<0.000000e+00> : vector<128xf32>
      %reduce_sum3A_94 = vector.multi_reduction <add>, %mul3A_92, %reduce_sum3A_93 [0] : vector<64x128xf32> to vector<128xf32>
      %broadcast_in_dim3A_95 = vector.shape_cast %reduce_sum3A_94 : vector<128xf32> to vector<1x128xf32>
      %div3A_96 = arith.constant 6.400000e+01 : f32
      %div3A_97 = vector.broadcast %div3A_96 : f32 to vector<1x128xf32>
      %div3A_98 = arith.divf %broadcast_in_dim3A_95, %div3A_97 : vector<1x128xf32>
      %add3A_99 = arith.constant 9.99999974E-6 : f32
      %add3A_100 = vector.broadcast %add3A_99 : f32 to vector<1x128xf32>
      %add3A_101 = arith.addf %div3A_98, %add3A_100 : vector<1x128xf32>
      %sqrt3A_102 = math.sqrt %add3A_101 : vector<1x128xf32>
      %div3A_103 = vector.broadcast %sqrt3A_102 : vector<1x128xf32> to vector<64x128xf32>
      %div3A_104 = arith.divf %sub3A_91, %div3A_103 : vector<64x128xf32>
      %get3A_105 = arith.constant 0 : index
      %get3A_106 = arith.constant 0 : index
      %get3A_107 = vector.load %arg9[%get3A_105, %get3A_106] : memref<1x128xf32, #tpu.memory_space<vmem>>, vector<1x128xf32>
      %mul3A_108 = vector.broadcast %get3A_107 : vector<1x128xf32> to vector<64x128xf32>
      %mul3A_109 = arith.mulf %div3A_104, %mul3A_108 : vector<64x128xf32>
      %get3A_110 = arith.constant 0 : index
      %get3A_111 = arith.constant 0 : index
      %get3A_112 = vector.load %arg10[%get3A_110, %get3A_111] : memref<1x128xf32, #tpu.memory_space<vmem>>, vector<1x128xf32>
      %add3A_113 = vector.broadcast %get3A_112 : vector<1x128xf32> to vector<64x128xf32>
      %add3A_114 = arith.addf %mul3A_109, %add3A_113 : vector<64x128xf32>
      %ge3A_115 = arith.constant 0.000000e+00 : f32
      %ge3A_116 = vector.broadcast %ge3A_115 : f32 to vector<64x128xf32>
      %ge3A_117 = arith.cmpf oge, %add3A_114, %ge3A_116 : vector<64x128xf32>
      %mul3A_118 = arith.constant 1.000000e-01 : f32
      %mul3A_119 = vector.broadcast %mul3A_118 : f32 to vector<64x128xf32>
      %mul3A_120 = arith.mulf %mul3A_119, %add3A_114 : vector<64x128xf32>
      %select_n3A_121 = arith.select %ge3A_117, %add3A_114, %mul3A_120 : vector<64x128xi1>, vector<64x128xf32>
      %get3A_122 = arith.constant 0 : index
      %get3A_123 = arith.constant 0 : index
      %get3A_124 = vector.load %arg11[%get3A_122, %get3A_123] : memref<128x16xf32, #tpu.memory_space<vmem>>, vector<128x16xf32>
      %dot_general3A_125 = arith.constant dense<0.000000e+00> : vector<64x16xf32>
      %dot_general3A_126 = tpu.matmul %select_n3A_121, %get3A_124, %dot_general3A_125 {dimension_numbers = #tpu.dot_dimension_numbers<[1], [0], [0], [1], [0, 0, 1, 1], [], []>, transpose_lhs_hint = false} : vector<64x128xf32>, vector<128x16xf32>, vector<64x16xf32> -> vector<64x16xf32>
      %get3A_127 = arith.constant 0 : index
      %get3A_128 = arith.constant 0 : index
      %get3A_129 = vector.load %arg12[%get3A_127, %get3A_128] : memref<1x16xf32, #tpu.memory_space<vmem>>, vector<1x16xf32>
      %add3A_130 = vector.broadcast %get3A_129 : vector<1x16xf32> to vector<64x16xf32>
      %add3A_131 = arith.addf %dot_general3A_126, %add3A_130 : vector<64x16xf32>
      %swap3A_132 = arith.constant 0 : index
      %swap3A_133 = arith.constant 0 : index
      %swap3A_134 = vector.load %arg13[%swap3A_132, %swap3A_133] : memref<64x16xf32, #tpu.memory_space<vmem>>, vector<64x16xf32>
      tpu.vector_store %arg13[%swap3A_132, %swap3A_133], %add3A_131 {strides = array<i32>} : memref<64x16xf32, #tpu.memory_space<vmem>>, vector<64x16xf32>,
    } else {
    }
    return
  }
  func.func @transform_0(%arg0: i32) -> (i32, i32) {
    %c0_i32 = arith.constant 0 : i32
    %c0_i32_0 = arith.constant 0 : i32
    return %arg0, %c0_i32 : i32, i32
  }
  func.func @transform_1(%arg0: i32) -> (i32, i32) {
    %c0_i32 = arith.constant 0 : i32
    %c0_i32_0 = arith.constant 0 : i32
    %c0_i32_1 = arith.constant 0 : i32
    return %c0_i32, %c0_i32_0 : i32, i32
  }
  func.func @transform_2(%arg0: i32) -> (i32, i32) {
    %c0_i32 = arith.constant 0 : i32
    %c0_i32_0 = arith.constant 0 : i32
    %c0_i32_1 = arith.constant 0 : i32
    return %c0_i32, %c0_i32_0 : i32, i32
  }
  func.func @transform_3(%arg0: i32) -> (i32, i32) {
    %c0_i32 = arith.constant 0 : i32
    %c0_i32_0 = arith.constant 0 : i32
    %c0_i32_1 = arith.constant 0 : i32
    return %c0_i32, %c0_i32_0 : i32, i32
  }
  func.func @transform_4(%arg0: i32) -> (i32, i32) {
    %c0_i32 = arith.constant 0 : i32
    %c0_i32_0 = arith.constant 0 : i32
    %c0_i32_1 = arith.constant 0 : i32
    return %c0_i32, %c0_i32_0 : i32, i32
  }
  func.func @transform_5(%arg0: i32) -> (i32, i32, i32) {
    %c0_i32 = arith.constant 0 : i32
    %c0_i32_0 = arith.constant 0 : i32
    %c0_i32_1 = arith.constant 0 : i32
    return %arg0, %c0_i32, %c0_i32_0 : i32, i32, i32
  }
  func.func @transform_6(%arg0: i32) -> (i32, i32) {
    %c0_i32 = arith.constant 0 : i32
    %c0_i32_0 = arith.constant 0 : i32
    %c0_i32_1 = arith.constant 0 : i32
    return %c0_i32, %c0_i32_0 : i32, i32
  }
  func.func @transform_7(%arg0: i32) -> (i32, i32) {
    %c0_i32 = arith.constant 0 : i32
    %c0_i32_0 = arith.constant 0 : i32
    %c0_i32_1 = arith.constant 0 : i32
    return %c0_i32, %c0_i32_0 : i32, i32
  }
  func.func @transform_8(%arg0: i32) -> (i32, i32) {
    %c0_i32 = arith.constant 0 : i32
    %c0_i32_0 = arith.constant 0 : i32
    %c0_i32_1 = arith.constant 0 : i32
    return %c0_i32, %c0_i32_0 : i32, i32
  }
  func.func @transform_9(%arg0: i32) -> (i32, i32) {
    %c0_i32 = arith.constant 0 : i32
    %c0_i32_0 = arith.constant 0 : i32
    %c0_i32_1 = arith.constant 0 : i32
    return %c0_i32, %c0_i32_0 : i32, i32
  }
  func.func @transform_10(%arg0: i32) -> (i32, i32) {
    %c0_i32 = arith.constant 0 : i32
    %c0_i32_0 = arith.constant 0 : i32
    %c0_i32_1 = arith.constant 0 : i32
    return %c0_i32, %c0_i32_0 : i32, i32
  }
  func.func @transform_11(%arg0: i32) -> (i32, i32) {
    %c0_i32 = arith.constant 0 : i32
    %c0_i32_0 = arith.constant 0 : i32
    %c0_i32_1 = arith.constant 0 : i32
    return %c0_i32, %c0_i32_0 : i32, i32
  }
  func.func @transform_12(%arg0: i32) -> (i32, i32) {
    %c0_i32 = arith.constant 0 : i32
    %c0_i32_0 = arith.constant 0 : i32
    %c0_i32_1 = arith.constant 0 : i32
    return %c0_i32, %c0_i32_0 : i32, i32
  }
}

</mosaic_0001>

<sc_bundles>
// kernel: gather_offload_async_start.1
scs
__scs_entry_jumppad:
0x0: {  	(pc) =	sbr.rel $0x88, $3  }
0x1: {  	(tag) =	ssettag $0x0;
	lr =	simm.s32 $0x1  }
0x2: {  	[smem:$0x3F80] =	sst lr;
	_ =	strace $0xD0000000  }
0x3: {  	_ = 	snop  }
0x4: {  	_ = 	snop  }
0x5: {  	_ = 	snop  }
0x6: {  	_ = 	snop  }
0x7: {  	_ = 	snop  }
__scs_overlays_trampoline_lowered:
0x8: {  	[smem:$0x3F8F] =	sst s0  }
0x9: {  	[smem:$0x3F90] =	sst s1  }
0xa: {  	[smem:$0x3F91] =	sst s2  }
0xb: {  	[smem:$0x3F92] =	sst s3  }
0xc: {  	[smem:$0x3F93] =	sst s4  }
0xd: {  	[smem:$0x3F94] =	sst s5  }
0xe: {  	[smem:$0x3F95] =	sst s6  }
0xf: {  	[smem:$0x3F96] =	sst s7  }
0x10: {  	[smem:$0x3F97] =	sst s8  }
0x11: {  	[smem:$0x3F98] =	sst s9;
	s0 =	simm.s32 @!p0 $0x0  }
0x12: {  	s1 =	sld [smem:$0x3F7E];
	s0 =	simm.s32 @p0 $0x1  }
0x13: {  	[smem:$0x3F99] =	sst s0;
	s0 =	simm.s32 @!p1 $0x0  }
0x14: {  	s2 =	sld [smem:$0x3F7D];
	s0 =	simm.s32 @p1 $0x1  }
0x15: {  	[smem:$0x3F9A] =	sst s0;
	s0 =	simm.s32 @!p2 $0x0  }
0x16: {  	s3 =	sld [smem:$0x3FDB];
	s0 =	simm.s32 @p2 $0x1  }
0x17: {  	s4 =	simm.s32 $0x1BF5;
	[smem:$0x3F9C] =	sst s0  }
0x18: {  	s0 =	sld [smem:$0x3F7F];
	_ =	swait.ge [sflag:s4], $0x0  }
0x19: {  	s7 =	sld [smem:$0x3F80]  }
0x1a: {  	s8 =	sadd.s32 $0xFFFFE003, lr  }
0x1b: {  	s9 =	sadd.s32 $0xFFFFFEF7, lr;
	s5 =	simm.s32 $0xFFFFFFFF;
	p2 =	slt.u32 s8, $0xFFFFF086  }
0x1c: {  	p1 =	slt.u32 s9, $0xF7A;
	s5 =	simm.s32 @!p2 $0x0  }
0x1d: {  	s5 =	simm.s32 @p1 $0x1;
	p0 =	seq.s32 s7, s2  }
0x1e: {  	s7 =	smul.u32 @!p0 $0xF7A, s2;
	p2 =	seq.s32 @!p0 s5, $0x0  }
0x1f: {  	s9 =	smul.u32 $0xF7A, s1;
	s8 =	simm.s32 @!p0 $0x1BF5;
	p2 =	por !p2, p0  }
0x20: {  	[sflag:s8] =	ssyncset.s32 @!p0 $0xFFFFF086;
	s6 =	sadd.s32 @!p0 s3, s7;
	s7 =	simm.s32 @!p0 $0x108  }
0x21: {  	s3 =	sadd.s32 s3, s9;
	s6 =	sadd.s32 @!p0 $0x88, s6;
	s7 =	simm.s32 @p2 $0x1082  }
0x22: {  	[simem:s7], [sflag:s8] =	dma.local @!p0 [hbm:s6], $0xF7A  }
0x23: {  	s9 =	sor.u32 $0xD0000000, s2;
	s6 =	simm.s32 $0x108;
	_ =	swait.ge @!p0 [sflag:s8], $0x0  }
0x24: {  	s3 =	sadd.s32 $0x88, s3;
	s6 =	simm.s32 @!p1 $0x1082;
	[sflag:s4] =	ssyncset.s32 $0xFFFFF086  }
0x25: {  	[simem:s6], [sflag:s4] =	dma.local [hbm:s3], $0xF7A  }
0x26: {  	[smem:$0x3F80] =	sst s1;
	(tag) =	ssettag s2;
	_ =	strace s9  }
0x27: {  	s1 =	sld [smem:$0x3F90]  }
0x28: {  	s2 =	sld [smem:$0x3F91]  }
0x29: {  	s4 =	sld [smem:$0x3F93]  }
0x2a: {  	p0 =	seq.s32 s5, $0x0;
	s5 =	sld [smem:$0x3F94]  }
0x2b: {  	s6 =	sld [smem:$0x3F95]  }
0x2c: {  	s7 =	sld [smem:$0x3F96]  }
0x2d: {  	s3 =	simm.s32 $0x108;
	s8 =	sld [smem:$0x3F97]  }
0x2e: {  	s3 =	simm.s32 @!p0 $0x1082;
	s9 =	sld [smem:$0x3F98]  }
0x2f: {  	lr =	sadd.s32 s0, s3;
	s0 =	sld [smem:$0x3F8F]  }
0x30: {  	s3 =	sld [smem:$0x3F92]  }
0x31: {  	[smem:$0x3F9B] =	sst s10  }
0x32: {  	s10 =	sld [smem:$0x3F99];
	_ =	sdelay $0x3  }
0x33: {  	p0 =	seq.s32 s10, $0x1;
	s10 =	sld [smem:$0x3F9B];
	_ =	sdelay $0x3  }
0x34: {  	[smem:$0x3F9B] =	sst s10  }
0x35: {  	s10 =	sld [smem:$0x3F9A];
	_ =	sdelay $0x3  }
0x36: {  	p1 =	seq.s32 s10, $0x1;
	s10 =	sld [smem:$0x3F9B];
	_ =	sdelay $0x3  }
0x37: {  	[smem:$0x3F9B] =	sst s10  }
0x38: {  	s10 =	sld [smem:$0x3F9C]  }
0x39: {  	_ = 	snop;
	(pc) =	sbr.ind lr, $3  }
0x3a: {  	_ = 	snop  }
0x3b: {  	_ = 	snop  }
0x3c: {  	p2 =	seq.s32 s10, $0x1;
	s10 =	sld [smem:$0x3F9B]  }
0x3d: {  	_ =	shalt  }
0x3e: {  	_ =	shalt  }
0x3f: {  	_ =	shalt  }
0x40: {  	_ =	shalt  }
0x41: {  	_ =	shalt  }
0x42: {  	_ =	shalt  }
0x43: {  	_ =	shalt  }
0x44: {  	_ =	shalt  }
0x45: {  	_ =	shalt  }
0x46: {  	_ =	shalt  }
0x47: {  	_ =	shalt  }
0x48: {  	_ =	shalt  }
0x49: {  	_ =	shalt  }
0x4a: {  	_ =	shalt  }
0x4b: {  	_ =	shalt  }
0x4c: {  	_ =	shalt  }
0x4d: {  	_ =	shalt  }
0x4e: {  	_ =	shalt  }
0x4f: {  	_ =	shalt  }
0x50: {  	_ =	shalt  }
0x51: {  	_ =	shalt  }
0x52: {  	_ =	shalt  }
0x53: {  	_ =	shalt  }
0x54: {  	_ =	shalt  }
0x55: {  	_ =	shalt  }
0x56: {  	_ =	shalt  }
0x57: {  	_ =	shalt  }
0x58: {  	_ =	shalt  }
0x59: {  	_ =	shalt  }
0x5a: {  	_ =	shalt  }
0x5b: {  	_ =	shalt  }
0x5c: {  	_ =	shalt  }
0x5d: {  	_ =	shalt  }
0x5e: {  	_ =	shalt  }
0x5f: {  	_ =	shalt  }
0x60: {  	_ =	shalt  }
0x61: {  	_ =	shalt  }
0x62: {  	_ =	shalt  }
0x63: {  	_ =	shalt  }
0x64: {  	_ =	shalt  }
0x65: {  	_ =	shalt  }
0x66: {  	_ =	shalt  }
0x67: {  	_ =	shalt  }
0x68: {  	_ =	shalt  }
0x69: {  	_ =	shalt  }
0x6a: {  	_ =	shalt  }
0x6b: {  	_ =	shalt  }
0x6c: {  	_ =	shalt  }
0x6d: {  	_ =	shalt  }
0x6e: {  	_ =	shalt  }
0x6f: {  	_ =	shalt  }
0x70: {  	_ =	shalt  }
0x71: {  	_ =	shalt  }
0x72: {  	_ =	shalt  }
0x73: {  	_ =	shalt  }
0x74: {  	_ =	shalt  }
0x75: {  	_ =	shalt  }
0x76: {  	_ =	shalt  }
0x77: {  	_ =	shalt  }
0x78: {  	_ =	shalt  }
0x79: {  	_ =	shalt  }
0x7a: {  	_ =	shalt  }
0x7b: {  	_ =	shalt  }
0x7c: {  	_ =	shalt  }
0x7d: {  	_ =	shalt  }
0x7e: {  	_ =	shalt  }
0x7f: {  	_ =	shalt  }
0x80: {  	_ =	shalt  }
0x81: {  	_ =	shalt  }
0x82: {  	_ =	shalt  }
0x83: {  	_ =	shalt  }
0x84: {  	_ =	shalt  }
0x85: {  	_ =	shalt  }
0x86: {  	_ =	shalt  }
0x87: {  	_ =	shalt  }
.Lfunc_end0:
.L_simem_size_0:
called_computation.1_lowered:
.L_overlay_start_0:
0x88: {  	s2 =	sld [smem:$0x3FD9]  }
0x89: {  	s3 =	sld [smem:$0x3FFE];
	_ =	sdelay $0x1  }
0x8a: {  	s1 =	srdreg.scid  }
0x8b: {  	s0 =	sand.u32 $0x1, s1  }
0x8c: {  	s16 =	sshll.u32 s0, $0xA;
	s2 =	sadd.s32 s3, s2  }
0x8d: {  	s2 =	sadd.s32 s2, s16  }
0x8e: {  	[smem:$0x3FA7] =	sst s2  }
0x8f: {  	_ = 	snop  }
0x90: {  	(tm) =	ssettm $0x1  }
0x91: {  	s17 =	sld [smem:$0x3FFB];
	_ =	sdelay $0x3  }
0x92: {  	_ =	strace s17  }
0x93: {  	s2 =	sld [smem:$0x3FFC];
	_ =	sdelay $0x3  }
0x94: {  	_ =	strace s2  }
0x95: {  	s2 =	sld [smem:$0x3FFD];
	_ =	sdelay $0x3  }
0x96: {  	_ =	strace s2  }
0x97: {  	_ =	strace $0x8FFFFFFF  }
0x98: {  	s18 =	sld [smem:$0x3FDB];
	_ =	sdelay $0x1  }
0x99: {  	s19 =	simm.s32 $_scs_section_size  }
0x9a: {  	s4 =	simm.s32 $_size__tile_overlayer_lowered;
	s5 =	simm.s32 $_tile_overlayer_lowered  }
0x9b: {  	s22 =	simm.s32 $0x1BFF;
	s21 =	sshll.u32 s5, $0x1;
	s2 =	sadd.s32 s19, s18  }
0x9c: {  	s6 =	simm.s32 $0x0;
	s20 =	sshll.u32 s4, $0x1;
	s4 =	sadd.s32 s21, s2  }
0x9d: {  	[timem:s6], [sflag:s22] =	dma.local [hbm:s4], s20  }
0x9e: {  	_ =	swait.ge [sflag:s22], s20  }
0x9f: {  	s3 =	ssub.s32 $0x0, s20;
	[sflag:s22] =	ssyncset.done $0x0  }
0xa0: {  	[sflag:s22] =	ssyncadd.s32 s3;
	_ =	sdelay $0x1  }
0xa1: {  	s23 =	simm.s32 $0x1B8B  }
0xa2: {  	_ =	swait.ge [sflag:s23], $0x1  }
0xa3: {  	[sflag:s23] =	ssyncset.done $0x0  }
0xa4: {  	s25 =	simm.s32 $0x1B8E;
	s24 =	sld [smem:$0x3FFE];
	[sflag:s23] =	ssyncadd.s32 $0xFFFFFFFF  }
0xa5: {  	s26 =	simm.s32 $execute0_lowered;
	[smem:$0x3FD2] =	sst s25  }
0xa6: {  	s4 =	sshll.u32 s26, $0x1;
	_ =	strace $0x8000004C;
	[dreg:$0x1] =	wrdreg $0xFFFFFFFF  }
0xa7: {  	s28 =	simm.s32 $_size_execute0_lowered;
	s2 =	sadd.s32 s2, s4;
	[dreg:$0x0] =	wrdreg $0x0  }
0xa8: {  	s4 =	sshll.u32 s28, $0x1;
	[dreg:$0x2] =	wrdreg s2  }
0xa9: {  	[dreg:$0x3] =	wrdreg s4  }
0xaa: {  	[dreg:$0x4] =	wrdreg $0xC0  }
0xab: {  	_ =	task [dreg:s6], $0x5FFFF  }
0xac: {  	[dreg:$0x1] =	wrdreg $0xFFFFFFFF  }
0xad: {  	[dreg:$0x0] =	wrdreg $0x60  }
0xae: {  	[dreg:$0x2] =	wrdreg s24  }
0xaf: {  	[dreg:$0x3] =	wrdreg $0x9  }
0xb0: {  	_ =	task.clear_ibuf [dreg:s6], $0x4FFFF;
	_ =	strace $0x9000004C  }
0xb1: {  	s29 =	simm.s32 $0x9;
	_ =	strace $0x8000004E  }
0xb2: {  	_ =	swait.ge [sflag:s29], $0x1  }
0xb3: {  	[sflag:s29] =	ssyncadd.s32 $0xFFFFFFFF  }
0xb4: {  	_ =	strace $0x9000004E  }
0xb5: {  	_ =	sfence  }
0xb6: {  	s30 =	sld [smem:$0x0];
	_ =	sdelay $0x2  }
0xb7: {  	s31 =	sshll.u32 s1, $0xD;
	s1 =	sshrl.u32 s1, $0x2  }
0xb8: {  	s3 =	sand.u32 $0x4000, s31;
	s1 =	sadd.s32 s1, s30  }
0xb9: {  	s0 =	sor.u32 s3, s0;
	s1 =	sshll.u32 s1, $0x11  }
0xba: {  	s0 =	sor.u32 s1, s0  }
0xbb: {  	s0 =	sadd.s32 $0x8F2B, s0  }
0xbc: {  	[sflag:s0] =	ssyncadd.remote.s32 $0x1  }
0xbd: {  	_ =	sfence.sel $0xFFFF  }
0xbe: {  	[dreg:$0x0] =	wrdreg $0xFFFFFFFF;
	(pc) =	sbr.abs _section_cstart, $3  }
0xbf: {  	[dreg:$0x1] =	wrdreg $0xFFFFFFFF  }
0xc0: {  	_ =	task.clear_ibuf [dreg:s6], $0x2FFFF;
	_ =	strace $0x9FFFFFFF  }
0xc1: {  	(tm) =	ssettm $0x7FFFFFFF  }
tec
execute0_lowered:
.L_overlay_start_1:
0x0: {  	(tag) =	ssettag $0x1  }
0x1: {  	s8 =	rddreg [dreg:$0x0]  }
0x2: {  	s0 =	rddreg [dreg:$0x1];
	_ =	strace $0x8000004D;
	s1 =	stileid.u32  }
0x3: {  	s3 =	srdreg.scid;
	s4 =	simm.s32 $0x1;
	s7 =	simm.s32 $0x1  }
0x4: {  	s9 =	simm.s32 $0x1;
	s10 =	simm.s32 $0x3;
	s13 =	simm.s32 $0x0  }
0x5: {  	s12 =	simm.s32 $0x0;
	s5 =	sand.u32 $0x1, s3;
	s6 =	sshll.u32 s1, $0x1  }
0x6: {  	s2 =	sadd.s32 $0x4C400, s8;
	s3 =	sadd.s32 $0x60000, s8;
	s5 =	sor.u32 s6, s5  }
.Ltmp0:
0x7: {  	[sflag:s4] =	ssyncpa.u1 $0x0;
	p0 =	slt.u32 s5, $0x9;
	(pc) =	sbr.rel .LBB2_1-.Ltmp0, $4  }
0x8: {  	s6 =	simm.s32 $0x2;
	s7 =	simm.s32 @!p0 $0x0;
	p0 =	sne.s32 s5, $0x8  }
0x9: {  	[sflag:s6] =	ssyncpa.u1 $0x0;
	s5 =	smul.u32 $0x1F40, s5;
	s9 =	simm.s32 @!p0 $0x0  }
0xa: {  	s8 =	sadd.s32 $0x56200, s8;
	[sflag:s10] =	ssyncpa.u1 $0x0;
	s7 =	sadd.s32 s9, s7  }
0xb: {  	vm0 =	vmmov $0xffff;
	s10 =	simm.s32 $0x0;
	s11 =	smov.u32 s5;
	s9 =	sadd.s32 $0x1, s7  }
.LBB2_4:
0xc: {  	v2 =	vnsel vm1, $0x0, v2  }
0xd: {  	vm1 =	vgt.s32 v0, $0x0;
	v2 =	vmin.u32 v2, $0x4E1FF  }
0xe: {  	v0 =	vnsel vm1, $0x0, v0  }
0xf: {  	v0 =	vmin.u32 v0, $0x4E1FF  }
0x10: {  	[tilespmem:s18], [sflag:$0x1] =	stream.indirect_vreg.gather [hbm4b:s2+s10], $0x1, v1, vm0, $0x4038;
	[tilespmem:$0x7D00] =	vst v63  }
0x11: {  	(ifvalue) =	ssetifvalue $0x7FFFFFFF  }
0x12: {  	[tilespmem:s15], [sflag:$0x1] =	stream.indirect_vreg.gather [hbm4b:s2+s10], $0x1, v2, vm0, $0x4038;
	[tilespmem:$0x7D00] =	vst v63  }
0x13: {  	s29 =	sadd.s32 $0x10, s15;
	(ifvalue) =	ssetifvalue $0x7FFFFFFF  }
0x14: {  	[tilespmem:s29], [sflag:$0x1] =	stream.indirect_vreg.gather [hbm4b:s2+s10], $0x1, v0, vm0, $0x4038;
	[tilespmem:$0x7D00] =	vst v63  }
0x15: {  	_ =	swait.ge [sflag:s4], $0x1F40  }
0x16: {  	s30 =	sshrl.u32 s13, $0x3;
	[sflag:s4] =	ssyncset.done $0x0  }
0x17: {  	s31 =	sand.u32 $0x7, s13;
	s15 =	sadd.s32 s8, s30;
	[sflag:s4] =	ssyncadd.s32 $0xFFFFE0C0  }
0x18: {  	[hbm4b:s15+s31] =	stream.linear.scatter [tilespmem:s14], [sflag:$0x3], $0x1F40, $0x38;
	[tilespmem:$0x7D00] =	vst v63  }
.LBB2_5:
0x19: {  	s15 =	sadd.s32 $0x3E800, s11  }
0x1a: {  	p1 =	sgt.s32 s15, $0x4E1FF  }
0x1b: {  	s15 =	smov.u32 @p1 s5;
	p1 =	sne.s32 s12, s9  }
.Ltmp1:
0x1c: {  	p0 =	slt.u32 s12, $0x2;
	(pc) =	sbr.rel @!p1 .LBB2_6-.Ltmp1, $4  }
0x1d: {  	s14 =	simm.s32 @!p0 $0x3  }
0x1e: {  	_ =	swait.ge @!p0 [sflag:s14], $0x1F40  }
0x1f: {  	s16 =	sadd.s32 $0x1, s12;
	s13 =	smov.u32 s11;
	[sflag:s14] =	ssyncset.done @!p0 $0x0  }
0x20: {  	s12 =	smov.u32 s16;
	s11 =	smov.u32 s15;
	[sflag:s14] =	ssyncadd.s32 @!p0 $0xFFFFE0C0  }
.LBB2_1:
0x21: {  	p0 =	sge.u32 s12, s7  }
0x22: {  	s14 =	sxor.u32 @!p0 $0x1, s12  }
0x23: {  	s14 =	smul.u32 @!p0 $0x7D00, s14  }
0x24: {  	s31 =	sadd.s32 $0xFFFFFFFF, s12;
	s15 =	sshrl.u32 @!p0 s11, $0x3  }
0x25: {  	s16 =	sand.u32 @!p0 $0x7, s11;
	s15 =	sadd.s32 @!p0 s3, s15;
	s14 =	sshra.s32 @!p0 s14, $0x2  }
0x26: {  	[tilespmem:s14], [sflag:$0x2] =	stream.linear.gather @!p0 [hbm4b:s15+s16], $0x1F40, $0x38;
	[tilespmem:$0x7D00] =	vst v63  }
0x27: {  	p0 =	sge.u32 s31, s7  }
.Ltmp2:
0x28: {  	_ = 	snop;
	(pc) =	sbr.rel @p0 .LBB2_5-.Ltmp2, $1  }
0x29: {  	_ =	sdelay $0x3  }
0x2a: {  	s14 =	sand.u32 $0x1, s12  }
0x2b: {  	_ =	swait.ge [sflag:s6], $0x1F40;
	p0 =	seq.s32 s14, $0x1;
	s14 =	simm.s32 $0x1F40  }
0x2c: {  	[sflag:s6] =	ssyncset.done $0x0;
	s14 =	simm.s32 @!p0 $0x0  }
0x2d: {  	[sflag:s6] =	ssyncadd.s32 $0xFFFFE0C0;
	(ifvalue) =	ssetifvalue $0x7FFFFFFF;
	v0 =	vld.msk [tilespmem:s14+$0x0 ss:$0x1], $0xffff;
	_ =	sdelay $0x4  }
0x2e: {  	s15 =	sadd.s32 $0x10, s14;
	vm1 =	vgt.s32 v0, $0x0  }
0x2f: {  	v2 =	vld.msk [tilespmem:s15+$0x0 ss:$0x1], $0xffff;
	v1 =	vnsel vm1, $0x0, v0  }
0x30: {  	v1 =	vmin.u32 v1, $0x4E1FF;
	_ =	sdelay $0x2  }
0x31: {  	s17 =	simm.s32 $0x20;
	s14 =	sadd.s32 $0x3E80, s14;
	s16 =	sadd.s32 $0x10, s15  }
0x32: {  	s15 =	sadd.s32 $0x10, s14;
	s18 =	smov.u32 s14;
	v0 =	vld.msk [tilespmem:s16+$0x0 ss:$0x1], $0xffff;
	vm1 =	vgt.s32 v2, $0x0;
	(ifvalue) =	ssetifvalue $0x7FFFFFFF  }
.LBB2_3:
0x33: {  	[tilespmem:s18], [sflag:$0x1] =	stream.indirect_vreg.gather [hbm4b:s2+s10], $0x1, v1, vm0, $0x4038;
	[tilespmem:$0x7D00] =	vst v63  }
0x34: {  	s17 =	sadd.s32 $0x10, s17  }
0x35: {  	v2 =	vnsel vm1, $0x0, v2;
	p0 =	slt.u32 s17, $0x1F30  }
.Ltmp3:
0x36: {  	s18 =	smov.u32 s15;
	v1 =	vmin.u32 v2, $0x4E1FF;
	(pc) =	sbr.rel @p0 .LBB2_3-.Ltmp3, $3  }
0x37: {  	_ =	sdelay $0x1  }
0x38: {  	s16 =	sadd.s32 $0x10, s16  }
0x39: {  	vm1 =	vgt.s32 v0, $0x0;
	s15 =	sadd.s32 $0x10, s15;
	v2 =	vmov v0;
	(ifvalue) =	ssetifvalue $0x7FFFFFFF;
	v0 =	vld.msk [tilespmem:s16+$0x0 ss:$0x1], $0xffff  }
.Ltmp4:
0x3a: {  	_ = 	snop;
	(pc) =	sbr.rel .LBB2_4-.Ltmp4, $1  }
0x3b: {  	_ =	sdelay $0x3  }
.LBB2_6:
0x3c: {  	_ =	sfence.sel $0x180000  }
0x3d: {  	s2 =	simm.s32 $0x2;
	[bflag:$0x0] =	sbarrier.arrive $0xFFFF  }
0x3e: {  	s30 =	simm.s32 $0x3;
	[sflag:s2] =	ssyncpa.u1 $0x1  }
0x3f: {  	s31 =	simm.s32 $0x1;
	[sflag:s30] =	ssyncpa.u1 $0x1  }
0x40: {  	[sflag:s31] =	ssyncpa.u1 $0x1  }
0x41: {  	p0 =	sne.s32 s1, $0x0;
	_ =	strace $0x9000004D  }
0x42: {  	s0 =	sadd.s32 @!p0 $0x100000, s0;
	[bflag:$0x2] =	sbarrier.arrive $0xFFFF  }
0x43: {  	[sflag:s0] =	ssyncadd.tile.s32 @!p0 $0x1;
	_ =	shalt  }
.Lfunc_end2:
_tile_overlayer_lowered:
.L_overlay_start_2:
0x44: {  	(tag) =	ssettag $0x2  }
0x45: {  	s0 =	rddreg [dreg:$0x0];
	s2 =	stileid.u32  }
0x46: {  	s1 =	rddreg [dreg:$0x1];
	p0 =	sne.s32 s2, $0x0  }
0x47: {  	s3 =	rddreg [dreg:$0x2];
	[bflag:$0x3] =	sbarrier.arrive $0xFFFF;
	s2 =	simm.s32 @!p0 $0x1C01  }
0x48: {  	[timem:s3], [sflag:s2] =	dma.local @!p0 [hbm:s0], s1  }
0x49: {  	s0 =	simm.s32 @!p0 $0x1  }
0x4a: {  	_ =	swait.ge @!p0 [sflag:s0], s1  }
0x4b: {  	s1 =	ssub.s32 @!p0 $0x0, s1;
	[sflag:s0] =	ssyncset.done @!p0 $0x0  }
0x4c: {  	[sflag:s0] =	ssyncadd.s32 @!p0 s1  }
0x4d: {  	[bflag:$0x3] =	sbarrier.arrive $0xFFFF  }
0x4e: {  	_ =	shalt  }

// kernel: gather_offload_async_start.2
scs
__scs_entry_jumppad:
0x0: {  	(pc) =	sbr.rel $0x88, $3  }
0x1: {  	(tag) =	ssettag $0x0;
	lr =	simm.s32 $0x1  }
0x2: {  	[smem:$0x3F80] =	sst lr;
	_ =	strace $0xD0000000  }
0x3: {  	_ = 	snop  }
0x4: {  	_ = 	snop  }
0x5: {  	_ = 	snop  }
0x6: {  	_ = 	snop  }
0x7: {  	_ = 	snop  }
__scs_overlays_trampoline_lowered:
0x8: {  	[smem:$0x3F8F] =	sst s0  }
0x9: {  	[smem:$0x3F90] =	sst s1  }
0xa: {  	[smem:$0x3F91] =	sst s2  }
0xb: {  	[smem:$0x3F92] =	sst s3  }
0xc: {  	[smem:$0x3F93] =	sst s4  }
0xd: {  	[smem:$0x3F94] =	sst s5  }
0xe: {  	[smem:$0x3F95] =	sst s6  }
0xf: {  	[smem:$0x3F96] =	sst s7  }
0x10: {  	[smem:$0x3F97] =	sst s8  }
0x11: {  	[smem:$0x3F98] =	sst s9;
	s0 =	simm.s32 @!p0 $0x0  }
0x12: {  	s1 =	sld [smem:$0x3F7E];
	s0 =	simm.s32 @p0 $0x1  }
0x13: {  	[smem:$0x3F99] =	sst s0;
	s0 =	simm.s32 @!p1 $0x0  }
0x14: {  	s2 =	sld [smem:$0x3F7D];
	s0 =	simm.s32 @p1 $0x1  }
0x15: {  	[smem:$0x3F9A] =	sst s0;
	s0 =	simm.s32 @!p2 $0x0  }
0x16: {  	s3 =	sld [smem:$0x3FDB];
	s0 =	simm.s32 @p2 $0x1  }
0x17: {  	s4 =	simm.s32 $0x1BF5;
	[smem:$0x3F9C] =	sst s0  }
0x18: {  	s0 =	sld [smem:$0x3F7F];
	_ =	swait.ge [sflag:s4], $0x0  }
0x19: {  	s7 =	sld [smem:$0x3F80]  }
0x1a: {  	s8 =	sadd.s32 $0xFFFFE003, lr  }
0x1b: {  	s9 =	sadd.s32 $0xFFFFFEF7, lr;
	s5 =	simm.s32 $0xFFFFFFFF;
	p2 =	slt.u32 s8, $0xFFFFF086  }
0x1c: {  	p1 =	slt.u32 s9, $0xF7A;
	s5 =	simm.s32 @!p2 $0x0  }
0x1d: {  	s5 =	simm.s32 @p1 $0x1;
	p0 =	seq.s32 s7, s2  }
0x1e: {  	s7 =	smul.u32 @!p0 $0xF7A, s2;
	p2 =	seq.s32 @!p0 s5, $0x0  }
0x1f: {  	s9 =	smul.u32 $0xF7A, s1;
	s8 =	simm.s32 @!p0 $0x1BF5;
	p2 =	por !p2, p0  }
0x20: {  	[sflag:s8] =	ssyncset.s32 @!p0 $0xFFFFF086;
	s6 =	sadd.s32 @!p0 s3, s7;
	s7 =	simm.s32 @!p0 $0x108  }
0x21: {  	s3 =	sadd.s32 s3, s9;
	s6 =	sadd.s32 @!p0 $0x88, s6;
	s7 =	simm.s32 @p2 $0x1082  }
0x22: {  	[simem:s7], [sflag:s8] =	dma.local @!p0 [hbm:s6], $0xF7A  }
0x23: {  	s9 =	sor.u32 $0xD0000000, s2;
	s6 =	simm.s32 $0x108;
	_ =	swait.ge @!p0 [sflag:s8], $0x0  }
0x24: {  	s3 =	sadd.s32 $0x88, s3;
	s6 =	simm.s32 @!p1 $0x1082;
	[sflag:s4] =	ssyncset.s32 $0xFFFFF086  }
0x25: {  	[simem:s6], [sflag:s4] =	dma.local [hbm:s3], $0xF7A  }
0x26: {  	[smem:$0x3F80] =	sst s1;
	(tag) =	ssettag s2;
	_ =	strace s9  }
0x27: {  	s1 =	sld [smem:$0x3F90]  }
0x28: {  	s2 =	sld [smem:$0x3F91]  }
0x29: {  	s4 =	sld [smem:$0x3F93]  }
0x2a: {  	p0 =	seq.s32 s5, $0x0;
	s5 =	sld [smem:$0x3F94]  }
0x2b: {  	s6 =	sld [smem:$0x3F95]  }
0x2c: {  	s7 =	sld [smem:$0x3F96]  }
0x2d: {  	s3 =	simm.s32 $0x108;
	s8 =	sld [smem:$0x3F97]  }
0x2e: {  	s3 =	simm.s32 @!p0 $0x1082;
	s9 =	sld [smem:$0x3F98]  }
0x2f: {  	lr =	sadd.s32 s0, s3;
	s0 =	sld [smem:$0x3F8F]  }
0x30: {  	s3 =	sld [smem:$0x3F92]  }
0x31: {  	[smem:$0x3F9B] =	sst s10  }
0x32: {  	s10 =	sld [smem:$0x3F99];
	_ =	sdelay $0x3  }
0x33: {  	p0 =	seq.s32 s10, $0x1;
	s10 =	sld [smem:$0x3F9B];
	_ =	sdelay $0x3  }
0x34: {  	[smem:$0x3F9B] =	sst s10  }
0x35: {  	s10 =	sld [smem:$0x3F9A];
	_ =	sdelay $0x3  }
0x36: {  	p1 =	seq.s32 s10, $0x1;
	s10 =	sld [smem:$0x3F9B];
	_ =	sdelay $0x3  }
0x37: {  	[smem:$0x3F9B] =	sst s10  }
0x38: {  	s10 =	sld [smem:$0x3F9C]  }
0x39: {  	_ = 	snop;
	(pc) =	sbr.ind lr, $3  }
0x3a: {  	_ = 	snop  }
0x3b: {  	_ = 	snop  }
0x3c: {  	p2 =	seq.s32 s10, $0x1;
	s10 =	sld [smem:$0x3F9B]  }
0x3d: {  	_ =	shalt  }
0x3e: {  	_ =	shalt  }
0x3f: {  	_ =	shalt  }
0x40: {  	_ =	shalt  }
0x41: {  	_ =	shalt  }
0x42: {  	_ =	shalt  }
0x43: {  	_ =	shalt  }
0x44: {  	_ =	shalt  }
0x45: {  	_ =	shalt  }
0x46: {  	_ =	shalt  }
0x47: {  	_ =	shalt  }
0x48: {  	_ =	shalt  }
0x49: {  	_ =	shalt  }
0x4a: {  	_ =	shalt  }
0x4b: {  	_ =	shalt  }
0x4c: {  	_ =	shalt  }
0x4d: {  	_ =	shalt  }
0x4e: {  	_ =	shalt  }
0x4f: {  	_ =	shalt  }
0x50: {  	_ =	shalt  }
0x51: {  	_ =	shalt  }
0x52: {  	_ =	shalt  }
0x53: {  	_ =	shalt  }
0x54: {  	_ =	shalt  }
0x55: {  	_ =	shalt  }
0x56: {  	_ =	shalt  }
0x57: {  	_ =	shalt  }
0x58: {  	_ =	shalt  }
0x59: {  	_ =	shalt  }
0x5a: {  	_ =	shalt  }
0x5b: {  	_ =	shalt  }
0x5c: {  	_ =	shalt  }
0x5d: {  	_ =	shalt  }
0x5e: {  	_ =	shalt  }
0x5f: {  	_ =	shalt  }
0x60: {  	_ =	shalt  }
0x61: {  	_ =	shalt  }
0x62: {  	_ =	shalt  }
0x63: {  	_ =	shalt  }
0x64: {  	_ =	shalt  }
0x65: {  	_ =	shalt  }
0x66: {  	_ =	shalt  }
0x67: {  	_ =	shalt  }
0x68: {  	_ =	shalt  }
0x69: {  	_ =	shalt  }
0x6a: {  	_ =	shalt  }
0x6b: {  	_ =	shalt  }
0x6c: {  	_ =	shalt  }
0x6d: {  	_ =	shalt  }
0x6e: {  	_ =	shalt  }
0x6f: {  	_ =	shalt  }
0x70: {  	_ =	shalt  }
0x71: {  	_ =	shalt  }
0x72: {  	_ =	shalt  }
0x73: {  	_ =	shalt  }
0x74: {  	_ =	shalt  }
0x75: {  	_ =	shalt  }
0x76: {  	_ =	shalt  }
0x77: {  	_ =	shalt  }
0x78: {  	_ =	shalt  }
0x79: {  	_ =	shalt  }
0x7a: {  	_ =	shalt  }
0x7b: {  	_ =	shalt  }
0x7c: {  	_ =	shalt  }
0x7d: {  	_ =	shalt  }
0x7e: {  	_ =	shalt  }
0x7f: {  	_ =	shalt  }
0x80: {  	_ =	shalt  }
0x81: {  	_ =	shalt  }
0x82: {  	_ =	shalt  }
0x83: {  	_ =	shalt  }
0x84: {  	_ =	shalt  }
0x85: {  	_ =	shalt  }
0x86: {  	_ =	shalt  }
0x87: {  	_ =	shalt  }
.Lfunc_end0:
.L_simem_size_0:
called_computation.2_lowered:
.L_overlay_start_0:
0x88: {  	s2 =	sld [smem:$0x3FD9]  }
0x89: {  	s3 =	sld [smem:$0x3FFE];
	_ =	sdelay $0x1  }
0x8a: {  	s1 =	srdreg.scid  }
0x8b: {  	s0 =	sand.u32 $0x1, s1  }
0x8c: {  	s16 =	sshll.u32 s0, $0xA;
	s2 =	sadd.s32 s3, s2  }
0x8d: {  	s2 =	sadd.s32 s2, s16  }
0x8e: {  	[smem:$0x3FA7] =	sst s2  }
0x8f: {  	_ = 	snop  }
0x90: {  	(tm) =	ssettm $0x1  }
0x91: {  	s17 =	sld [smem:$0x3FFB];
	_ =	sdelay $0x3  }
0x92: {  	_ =	strace s17  }
0x93: {  	s2 =	sld [smem:$0x3FFC];
	_ =	sdelay $0x3  }
0x94: {  	_ =	strace s2  }
0x95: {  	s2 =	sld [smem:$0x3FFD];
	_ =	sdelay $0x3  }
0x96: {  	_ =	strace s2  }
0x97: {  	_ =	strace $0x8FFFFFFF  }
0x98: {  	s18 =	sld [smem:$0x3FDB];
	_ =	sdelay $0x1  }
0x99: {  	s19 =	simm.s32 $_scs_section_size  }
0x9a: {  	s4 =	simm.s32 $_size__tile_overlayer_lowered;
	s5 =	simm.s32 $_tile_overlayer_lowered  }
0x9b: {  	s22 =	simm.s32 $0x1BFF;
	s21 =	sshll.u32 s5, $0x1;
	s2 =	sadd.s32 s19, s18  }
0x9c: {  	s6 =	simm.s32 $0x0;
	s20 =	sshll.u32 s4, $0x1;
	s4 =	sadd.s32 s21, s2  }
0x9d: {  	[timem:s6], [sflag:s22] =	dma.local [hbm:s4], s20  }
0x9e: {  	_ =	swait.ge [sflag:s22], s20  }
0x9f: {  	s3 =	ssub.s32 $0x0, s20;
	[sflag:s22] =	ssyncset.done $0x0  }
0xa0: {  	[sflag:s22] =	ssyncadd.s32 s3;
	_ =	sdelay $0x1  }
0xa1: {  	s23 =	simm.s32 $0x1B8B  }
0xa2: {  	_ =	swait.ge [sflag:s23], $0x1  }
0xa3: {  	[sflag:s23] =	ssyncset.done $0x0  }
0xa4: {  	s25 =	simm.s32 $0x1B8E;
	s24 =	sld [smem:$0x3FFE];
	[sflag:s23] =	ssyncadd.s32 $0xFFFFFFFF  }
0xa5: {  	s26 =	simm.s32 $execute0_lowered;
	[smem:$0x3FD2] =	sst s25  }
0xa6: {  	s4 =	sshll.u32 s26, $0x1;
	_ =	strace $0x80000046;
	[dreg:$0x1] =	wrdreg $0xFFFFFFFF  }
0xa7: {  	s28 =	simm.s32 $_size_execute0_lowered;
	s2 =	sadd.s32 s2, s4;
	[dreg:$0x0] =	wrdreg $0x0  }
0xa8: {  	s4 =	sshll.u32 s28, $0x1;
	[dreg:$0x2] =	wrdreg s2  }
0xa9: {  	[dreg:$0x3] =	wrdreg s4  }
0xaa: {  	[dreg:$0x4] =	wrdreg $0xC0  }
0xab: {  	_ =	task [dreg:s6], $0x5FFFF  }
0xac: {  	[dreg:$0x1] =	wrdreg $0xFFFFFFFF  }
0xad: {  	[dreg:$0x0] =	wrdreg $0x60  }
0xae: {  	[dreg:$0x2] =	wrdreg s24  }
0xaf: {  	[dreg:$0x3] =	wrdreg $0x9  }
0xb0: {  	_ =	task.clear_ibuf [dreg:s6], $0x4FFFF;
	_ =	strace $0x90000046  }
0xb1: {  	s29 =	simm.s32 $0x9;
	_ =	strace $0x80000048  }
0xb2: {  	_ =	swait.ge [sflag:s29], $0x1  }
0xb3: {  	[sflag:s29] =	ssyncadd.s32 $0xFFFFFFFF  }
0xb4: {  	_ =	strace $0x90000048  }
0xb5: {  	_ =	sfence  }
0xb6: {  	s30 =	sld [smem:$0x0];
	_ =	sdelay $0x2  }
0xb7: {  	s31 =	sshll.u32 s1, $0xD;
	s1 =	sshrl.u32 s1, $0x2  }
0xb8: {  	s3 =	sand.u32 $0x4000, s31;
	s1 =	sadd.s32 s1, s30  }
0xb9: {  	s0 =	sor.u32 s3, s0;
	s1 =	sshll.u32 s1, $0x11  }
0xba: {  	s0 =	sor.u32 s1, s0  }
0xbb: {  	s0 =	sadd.s32 $0x8F2B, s0  }
0xbc: {  	[sflag:s0] =	ssyncadd.remote.s32 $0x1  }
0xbd: {  	_ =	sfence.sel $0xFFFF  }
0xbe: {  	[dreg:$0x0] =	wrdreg $0xFFFFFFFF;
	(pc) =	sbr.abs _section_cstart, $3  }
0xbf: {  	[dreg:$0x1] =	wrdreg $0xFFFFFFFF  }
0xc0: {  	_ =	task.clear_ibuf [dreg:s6], $0x2FFFF;
	_ =	strace $0x9FFFFFFF  }
0xc1: {  	(tm) =	ssettm $0x7FFFFFFF  }
tec
execute0_lowered:
.L_overlay_start_1:
0x0: {  	(tag) =	ssettag $0x1  }
0x1: {  	s8 =	rddreg [dreg:$0x0]  }
0x2: {  	s0 =	rddreg [dreg:$0x1];
	_ =	strace $0x80000047;
	s1 =	stileid.u32  }
0x3: {  	s3 =	srdreg.scid;
	s4 =	simm.s32 $0x1;
	s7 =	simm.s32 $0x1  }
0x4: {  	s9 =	simm.s32 $0x1;
	s10 =	simm.s32 $0x3;
	s13 =	simm.s32 $0x0  }
0x5: {  	s12 =	simm.s32 $0x0;
	s5 =	sand.u32 $0x1, s3;
	s6 =	sshll.u32 s1, $0x1  }
0x6: {  	s2 =	sadd.s32 $0x56200, s8;
	s3 =	sadd.s32 $0x60000, s8;
	s5 =	sor.u32 s6, s5  }
.Ltmp0:
0x7: {  	[sflag:s4] =	ssyncpa.u1 $0x0;
	p0 =	slt.u32 s5, $0x9;
	(pc) =	sbr.rel .LBB2_1-.Ltmp0, $4  }
0x8: {  	s6 =	simm.s32 $0x2;
	s7 =	simm.s32 @!p0 $0x0;
	p0 =	sne.s32 s5, $0x8  }
0x9: {  	[sflag:s6] =	ssyncpa.u1 $0x0;
	s5 =	smul.u32 $0x1F40, s5;
	s9 =	simm.s32 @!p0 $0x0  }
0xa: {  	s8 =	sadd.s32 $0x78A00, s8;
	[sflag:s10] =	ssyncpa.u1 $0x0;
	s7 =	sadd.s32 s9, s7  }
0xb: {  	vm0 =	vmmov $0xffff;
	s10 =	simm.s32 $0x0;
	s11 =	smov.u32 s5;
	s9 =	sadd.s32 $0x1, s7  }
.LBB2_4:
0xc: {  	v2 =	vnsel vm1, $0x0, v2  }
0xd: {  	vm1 =	vgt.s32 v0, $0x0;
	v2 =	vmin.u32 v2, $0x4E1FF  }
0xe: {  	v0 =	vnsel vm1, $0x0, v0  }
0xf: {  	v0 =	vmin.u32 v0, $0x4E1FF  }
0x10: {  	[tilespmem:s18], [sflag:$0x1] =	stream.indirect_vreg.gather [hbm4b:s2+s10], $0x1, v1, vm0, $0x4038;
	[tilespmem:$0x7D00] =	vst v63  }
0x11: {  	(ifvalue) =	ssetifvalue $0x7FFFFFFF  }
0x12: {  	[tilespmem:s15], [sflag:$0x1] =	stream.indirect_vreg.gather [hbm4b:s2+s10], $0x1, v2, vm0, $0x4038;
	[tilespmem:$0x7D00] =	vst v63  }
0x13: {  	s29 =	sadd.s32 $0x10, s15;
	(ifvalue) =	ssetifvalue $0x7FFFFFFF  }
0x14: {  	[tilespmem:s29], [sflag:$0x1] =	stream.indirect_vreg.gather [hbm4b:s2+s10], $0x1, v0, vm0, $0x4038;
	[tilespmem:$0x7D00] =	vst v63  }
0x15: {  	_ =	swait.ge [sflag:s4], $0x1F40  }
0x16: {  	s30 =	sshrl.u32 s13, $0x3;
	[sflag:s4] =	ssyncset.done $0x0  }
0x17: {  	s31 =	sand.u32 $0x7, s13;
	s15 =	sadd.s32 s8, s30;
	[sflag:s4] =	ssyncadd.s32 $0xFFFFE0C0  }
0x18: {  	[hbm4b:s15+s31] =	stream.linear.scatter [tilespmem:s14], [sflag:$0x3], $0x1F40, $0x38;
	[tilespmem:$0x7D00] =	vst v63  }
.LBB2_5:
0x19: {  	s15 =	sadd.s32 $0x3E800, s11  }
0x1a: {  	p1 =	sgt.s32 s15, $0x4E1FF  }
0x1b: {  	s15 =	smov.u32 @p1 s5;
	p1 =	sne.s32 s12, s9  }
.Ltmp1:
0x1c: {  	p0 =	slt.u32 s12, $0x2;
	(pc) =	sbr.rel @!p1 .LBB2_6-.Ltmp1, $4  }
0x1d: {  	s14 =	simm.s32 @!p0 $0x3  }
0x1e: {  	_ =	swait.ge @!p0 [sflag:s14], $0x1F40  }
0x1f: {  	s16 =	sadd.s32 $0x1, s12;
	s13 =	smov.u32 s11;
	[sflag:s14] =	ssyncset.done @!p0 $0x0  }
0x20: {  	s12 =	smov.u32 s16;
	s11 =	smov.u32 s15;
	[sflag:s14] =	ssyncadd.s32 @!p0 $0xFFFFE0C0  }
.LBB2_1:
0x21: {  	p0 =	sge.u32 s12, s7  }
0x22: {  	s14 =	sxor.u32 @!p0 $0x1, s12  }
0x23: {  	s14 =	smul.u32 @!p0 $0x7D00, s14  }
0x24: {  	s31 =	sadd.s32 $0xFFFFFFFF, s12;
	s15 =	sshrl.u32 @!p0 s11, $0x3  }
0x25: {  	s16 =	sand.u32 @!p0 $0x7, s11;
	s15 =	sadd.s32 @!p0 s3, s15;
	s14 =	sshra.s32 @!p0 s14, $0x2  }
0x26: {  	[tilespmem:s14], [sflag:$0x2] =	stream.linear.gather @!p0 [hbm4b:s15+s16], $0x1F40, $0x38;
	[tilespmem:$0x7D00] =	vst v63  }
0x27: {  	p0 =	sge.u32 s31, s7  }
.Ltmp2:
0x28: {  	_ = 	snop;
	(pc) =	sbr.rel @p0 .LBB2_5-.Ltmp2, $1  }
0x29: {  	_ =	sdelay $0x3  }
0x2a: {  	s14 =	sand.u32 $0x1, s12  }
0x2b: {  	_ =	swait.ge [sflag:s6], $0x1F40;
	p0 =	seq.s32 s14, $0x1;
	s14 =	simm.s32 $0x1F40  }
0x2c: {  	[sflag:s6] =	ssyncset.done $0x0;
	s14 =	simm.s32 @!p0 $0x0  }
0x2d: {  	[sflag:s6] =	ssyncadd.s32 $0xFFFFE0C0;
	(ifvalue) =	ssetifvalue $0x7FFFFFFF;
	v0 =	vld.msk [tilespmem:s14+$0x0 ss:$0x1], $0xffff;
	_ =	sdelay $0x4  }
0x2e: {  	s15 =	sadd.s32 $0x10, s14;
	vm1 =	vgt.s32 v0, $0x0  }
0x2f: {  	v2 =	vld.msk [tilespmem:s15+$0x0 ss:$0x1], $0xffff;
	v1 =	vnsel vm1, $0x0, v0  }
0x30: {  	v1 =	vmin.u32 v1, $0x4E1FF;
	_ =	sdelay $0x2  }
0x31: {  	s17 =	simm.s32 $0x20;
	s14 =	sadd.s32 $0x3E80, s14;
	s16 =	sadd.s32 $0x10, s15  }
0x32: {  	s15 =	sadd.s32 $0x10, s14;
	s18 =	smov.u32 s14;
	v0 =	vld.msk [tilespmem:s16+$0x0 ss:$0x1], $0xffff;
	vm1 =	vgt.s32 v2, $0x0;
	(ifvalue) =	ssetifvalue $0x7FFFFFFF  }
.LBB2_3:
0x33: {  	[tilespmem:s18], [sflag:$0x1] =	stream.indirect_vreg.gather [hbm4b:s2+s10], $0x1, v1, vm0, $0x4038;
	[tilespmem:$0x7D00] =	vst v63  }
0x34: {  	s17 =	sadd.s32 $0x10, s17  }
0x35: {  	v2 =	vnsel vm1, $0x0, v2;
	p0 =	slt.u32 s17, $0x1F30  }
.Ltmp3:
0x36: {  	s18 =	smov.u32 s15;
	v1 =	vmin.u32 v2, $0x4E1FF;
	(pc) =	sbr.rel @p0 .LBB2_3-.Ltmp3, $3  }
0x37: {  	_ =	sdelay $0x1  }
0x38: {  	s16 =	sadd.s32 $0x10, s16  }
0x39: {  	vm1 =	vgt.s32 v0, $0x0;
	s15 =	sadd.s32 $0x10, s15;
	v2 =	vmov v0;
	(ifvalue) =	ssetifvalue $0x7FFFFFFF;
	v0 =	vld.msk [tilespmem:s16+$0x0 ss:$0x1], $0xffff  }
.Ltmp4:
0x3a: {  	_ = 	snop;
	(pc) =	sbr.rel .LBB2_4-.Ltmp4, $1  }
0x3b: {  	_ =	sdelay $0x3  }
.LBB2_6:
0x3c: {  	_ =	sfence.sel $0x180000  }
0x3d: {  	s2 =	simm.s32 $0x2;
	[bflag:$0x0] =	sbarrier.arrive $0xFFFF  }
0x3e: {  	s30 =	simm.s32 $0x3;
	[sflag:s2] =	ssyncpa.u1 $0x1  }
0x3f: {  	s31 =	simm.s32 $0x1;
	[sflag:s30] =	ssyncpa.u1 $0x1  }
0x40: {  	[sflag:s31] =	ssyncpa.u1 $0x1  }
0x41: {  	p0 =	sne.s32 s1, $0x0;
	_ =	strace $0x90000047  }
0x42: {  	s0 =	sadd.s32 @!p0 $0x100000, s0;
	[bflag:$0x2] =	sbarrier.arrive $0xFFFF  }
0x43: {  	[sflag:s0] =	ssyncadd.tile.s32 @!p0 $0x1;
	_ =	shalt  }
.Lfunc_end2:
_tile_overlayer_lowered:
.L_overlay_start_2:
0x44: {  	(tag) =	ssettag $0x2  }
0x45: {  	s0 =	rddreg [dreg:$0x0];
	s2 =	stileid.u32  }
0x46: {  	s1 =	rddreg [dreg:$0x1];
	p0 =	sne.s32 s2, $0x0  }
0x47: {  	s3 =	rddreg [dreg:$0x2];
	[bflag:$0x3] =	sbarrier.arrive $0xFFFF;
	s2 =	simm.s32 @!p0 $0x1C01  }
0x48: {  	[timem:s3], [sflag:s2] =	dma.local @!p0 [hbm:s0], s1  }
0x49: {  	s0 =	simm.s32 @!p0 $0x1  }
0x4a: {  	_ =	swait.ge @!p0 [sflag:s0], s1  }
0x4b: {  	s1 =	ssub.s32 @!p0 $0x0, s1;
	[sflag:s0] =	ssyncset.done @!p0 $0x0  }
0x4c: {  	[sflag:s0] =	ssyncadd.s32 @!p0 s1  }
0x4d: {  	[bflag:$0x3] =	sbarrier.arrive $0xFFFF  }
0x4e: {  	_ =	shalt  }

// kernel: gather_offload_async_start.3
scs
__scs_entry_jumppad:
0x0: {  	(pc) =	sbr.rel $0x88, $3  }
0x1: {  	(tag) =	ssettag $0x0;
	lr =	simm.s32 $0x1  }
0x2: {  	[smem:$0x3F80] =	sst lr;
	_ =	strace $0xD0000000  }
0x3: {  	_ = 	snop  }
0x4: {  	_ = 	snop  }
0x5: {  	_ = 	snop  }
0x6: {  	_ = 	snop  }
0x7: {  	_ = 	snop  }
__scs_overlays_trampoline_lowered:
0x8: {  	[smem:$0x3F8F] =	sst s0  }
0x9: {  	[smem:$0x3F90] =	sst s1  }
0xa: {  	[smem:$0x3F91] =	sst s2  }
0xb: {  	[smem:$0x3F92] =	sst s3  }
0xc: {  	[smem:$0x3F93] =	sst s4  }
0xd: {  	[smem:$0x3F94] =	sst s5  }
0xe: {  	[smem:$0x3F95] =	sst s6  }
0xf: {  	[smem:$0x3F96] =	sst s7  }
0x10: {  	[smem:$0x3F97] =	sst s8  }
0x11: {  	[smem:$0x3F98] =	sst s9;
	s0 =	simm.s32 @!p0 $0x0  }
0x12: {  	s1 =	sld [smem:$0x3F7E];
	s0 =	simm.s32 @p0 $0x1  }
0x13: {  	[smem:$0x3F99] =	sst s0;
	s0 =	simm.s32 @!p1 $0x0  }
0x14: {  	s2 =	sld [smem:$0x3F7D];
	s0 =	simm.s32 @p1 $0x1  }
0x15: {  	[smem:$0x3F9A] =	sst s0;
	s0 =	simm.s32 @!p2 $0x0  }
0x16: {  	s3 =	sld [smem:$0x3FDB];
	s0 =	simm.s32 @p2 $0x1  }
0x17: {  	s4 =	simm.s32 $0x1BF5;
	[smem:$0x3F9C] =	sst s0  }
0x18: {  	s0 =	sld [smem:$0x3F7F];
	_ =	swait.ge [sflag:s4], $0x0  }
0x19: {  	s7 =	sld [smem:$0x3F80]  }
0x1a: {  	s8 =	sadd.s32 $0xFFFFE003, lr  }
0x1b: {  	s9 =	sadd.s32 $0xFFFFFEF7, lr;
	s5 =	simm.s32 $0xFFFFFFFF;
	p2 =	slt.u32 s8, $0xFFFFF086  }
0x1c: {  	p1 =	slt.u32 s9, $0xF7A;
	s5 =	simm.s32 @!p2 $0x0  }
0x1d: {  	s5 =	simm.s32 @p1 $0x1;
	p0 =	seq.s32 s7, s2  }
0x1e: {  	s7 =	smul.u32 @!p0 $0xF7A, s2;
	p2 =	seq.s32 @!p0 s5, $0x0  }
0x1f: {  	s9 =	smul.u32 $0xF7A, s1;
	s8 =	simm.s32 @!p0 $0x1BF5;
	p2 =	por !p2, p0  }
0x20: {  	[sflag:s8] =	ssyncset.s32 @!p0 $0xFFFFF086;
	s6 =	sadd.s32 @!p0 s3, s7;
	s7 =	simm.s32 @!p0 $0x108  }
0x21: {  	s3 =	sadd.s32 s3, s9;
	s6 =	sadd.s32 @!p0 $0x88, s6;
	s7 =	simm.s32 @p2 $0x1082  }
0x22: {  	[simem:s7], [sflag:s8] =	dma.local @!p0 [hbm:s6], $0xF7A  }
0x23: {  	s9 =	sor.u32 $0xD0000000, s2;
	s6 =	simm.s32 $0x108;
	_ =	swait.ge @!p0 [sflag:s8], $0x0  }
0x24: {  	s3 =	sadd.s32 $0x88, s3;
	s6 =	simm.s32 @!p1 $0x1082;
	[sflag:s4] =	ssyncset.s32 $0xFFFFF086  }
0x25: {  	[simem:s6], [sflag:s4] =	dma.local [hbm:s3], $0xF7A  }
0x26: {  	[smem:$0x3F80] =	sst s1;
	(tag) =	ssettag s2;
	_ =	strace s9  }
0x27: {  	s1 =	sld [smem:$0x3F90]  }
0x28: {  	s2 =	sld [smem:$0x3F91]  }
0x29: {  	s4 =	sld [smem:$0x3F93]  }
0x2a: {  	p0 =	seq.s32 s5, $0x0;
	s5 =	sld [smem:$0x3F94]  }
0x2b: {  	s6 =	sld [smem:$0x3F95]  }
0x2c: {  	s7 =	sld [smem:$0x3F96]  }
0x2d: {  	s3 =	simm.s32 $0x108;
	s8 =	sld [smem:$0x3F97]  }
0x2e: {  	s3 =	simm.s32 @!p0 $0x1082;
	s9 =	sld [smem:$0x3F98]  }
0x2f: {  	lr =	sadd.s32 s0, s3;
	s0 =	sld [smem:$0x3F8F]  }
0x30: {  	s3 =	sld [smem:$0x3F92]  }
0x31: {  	[smem:$0x3F9B] =	sst s10  }
0x32: {  	s10 =	sld [smem:$0x3F99];
	_ =	sdelay $0x3  }
0x33: {  	p0 =	seq.s32 s10, $0x1;
	s10 =	sld [smem:$0x3F9B];
	_ =	sdelay $0x3  }
0x34: {  	[smem:$0x3F9B] =	sst s10  }
0x35: {  	s10 =	sld [smem:$0x3F9A];
	_ =	sdelay $0x3  }
0x36: {  	p1 =	seq.s32 s10, $0x1;
	s10 =	sld [smem:$0x3F9B];
	_ =	sdelay $0x3  }
0x37: {  	[smem:$0x3F9B] =	sst s10  }
0x38: {  	s10 =	sld [smem:$0x3F9C]  }
0x39: {  	_ = 	snop;
	(pc) =	sbr.ind lr, $3  }
0x3a: {  	_ = 	snop  }
0x3b: {  	_ = 	snop  }
0x3c: {  	p2 =	seq.s32 s10, $0x1;
	s10 =	sld [smem:$0x3F9B]  }
0x3d: {  	_ =	shalt  }
0x3e: {  	_ =	shalt  }
0x3f: {  	_ =	shalt  }
0x40: {  	_ =	shalt  }
0x41: {  	_ =	shalt  }
0x42: {  	_ =	shalt  }
0x43: {  	_ =	shalt  }
0x44: {  	_ =	shalt  }
0x45: {  	_ =	shalt  }
0x46: {  	_ =	shalt  }
0x47: {  	_ =	shalt  }
0x48: {  	_ =	shalt  }
0x49: {  	_ =	shalt  }
0x4a: {  	_ =	shalt  }
0x4b: {  	_ =	shalt  }
0x4c: {  	_ =	shalt  }
0x4d: {  	_ =	shalt  }
0x4e: {  	_ =	shalt  }
0x4f: {  	_ =	shalt  }
0x50: {  	_ =	shalt  }
0x51: {  	_ =	shalt  }
0x52: {  	_ =	shalt  }
0x53: {  	_ =	shalt  }
0x54: {  	_ =	shalt  }
0x55: {  	_ =	shalt  }
0x56: {  	_ =	shalt  }
0x57: {  	_ =	shalt  }
0x58: {  	_ =	shalt  }
0x59: {  	_ =	shalt  }
0x5a: {  	_ =	shalt  }
0x5b: {  	_ =	shalt  }
0x5c: {  	_ =	shalt  }
0x5d: {  	_ =	shalt  }
0x5e: {  	_ =	shalt  }
0x5f: {  	_ =	shalt  }
0x60: {  	_ =	shalt  }
0x61: {  	_ =	shalt  }
0x62: {  	_ =	shalt  }
0x63: {  	_ =	shalt  }
0x64: {  	_ =	shalt  }
0x65: {  	_ =	shalt  }
0x66: {  	_ =	shalt  }
0x67: {  	_ =	shalt  }
0x68: {  	_ =	shalt  }
0x69: {  	_ =	shalt  }
0x6a: {  	_ =	shalt  }
0x6b: {  	_ =	shalt  }
0x6c: {  	_ =	shalt  }
0x6d: {  	_ =	shalt  }
0x6e: {  	_ =	shalt  }
0x6f: {  	_ =	shalt  }
0x70: {  	_ =	shalt  }
0x71: {  	_ =	shalt  }
0x72: {  	_ =	shalt  }
0x73: {  	_ =	shalt  }
0x74: {  	_ =	shalt  }
0x75: {  	_ =	shalt  }
0x76: {  	_ =	shalt  }
0x77: {  	_ =	shalt  }
0x78: {  	_ =	shalt  }
0x79: {  	_ =	shalt  }
0x7a: {  	_ =	shalt  }
0x7b: {  	_ =	shalt  }
0x7c: {  	_ =	shalt  }
0x7d: {  	_ =	shalt  }
0x7e: {  	_ =	shalt  }
0x7f: {  	_ =	shalt  }
0x80: {  	_ =	shalt  }
0x81: {  	_ =	shalt  }
0x82: {  	_ =	shalt  }
0x83: {  	_ =	shalt  }
0x84: {  	_ =	shalt  }
0x85: {  	_ =	shalt  }
0x86: {  	_ =	shalt  }
0x87: {  	_ =	shalt  }
.Lfunc_end0:
.L_simem_size_0:
called_computation.3_lowered:
.L_overlay_start_0:
0x88: {  	s2 =	sld [smem:$0x3FD9]  }
0x89: {  	s3 =	sld [smem:$0x3FFE];
	_ =	sdelay $0x1  }
0x8a: {  	s1 =	srdreg.scid  }
0x8b: {  	s0 =	sand.u32 $0x1, s1  }
0x8c: {  	s16 =	sshll.u32 s0, $0xA;
	s2 =	sadd.s32 s3, s2  }
0x8d: {  	s2 =	sadd.s32 s2, s16  }
0x8e: {  	[smem:$0x3FA7] =	sst s2  }
0x8f: {  	_ = 	snop  }
0x90: {  	(tm) =	ssettm $0x1  }
0x91: {  	s17 =	sld [smem:$0x3FFB];
	_ =	sdelay $0x3  }
0x92: {  	_ =	strace s17  }
0x93: {  	s2 =	sld [smem:$0x3FFC];
	_ =	sdelay $0x3  }
0x94: {  	_ =	strace s2  }
0x95: {  	s2 =	sld [smem:$0x3FFD];
	_ =	sdelay $0x3  }
0x96: {  	_ =	strace s2  }
0x97: {  	_ =	strace $0x8FFFFFFF  }
0x98: {  	s18 =	sld [smem:$0x3FDB];
	_ =	sdelay $0x1  }
0x99: {  	s19 =	simm.s32 $_scs_section_size  }
0x9a: {  	s4 =	simm.s32 $_size__tile_overlayer_lowered;
	s5 =	simm.s32 $_tile_overlayer_lowered  }
0x9b: {  	s22 =	simm.s32 $0x1BFF;
	s21 =	sshll.u32 s5, $0x1;
	s2 =	sadd.s32 s19, s18  }
0x9c: {  	s6 =	simm.s32 $0x0;
	s20 =	sshll.u32 s4, $0x1;
	s4 =	sadd.s32 s21, s2  }
0x9d: {  	[timem:s6], [sflag:s22] =	dma.local [hbm:s4], s20  }
0x9e: {  	_ =	swait.ge [sflag:s22], s20  }
0x9f: {  	s3 =	ssub.s32 $0x0, s20;
	[sflag:s22] =	ssyncset.done $0x0  }
0xa0: {  	[sflag:s22] =	ssyncadd.s32 s3;
	_ =	sdelay $0x1  }
0xa1: {  	s23 =	simm.s32 $0x1B8B  }
0xa2: {  	_ =	swait.ge [sflag:s23], $0x1  }
0xa3: {  	[sflag:s23] =	ssyncset.done $0x0  }
0xa4: {  	s25 =	simm.s32 $0x1B8E;
	s24 =	sld [smem:$0x3FFE];
	[sflag:s23] =	ssyncadd.s32 $0xFFFFFFFF  }
0xa5: {  	s26 =	simm.s32 $execute0_lowered;
	[smem:$0x3FD2] =	sst s25  }
0xa6: {  	s4 =	sshll.u32 s26, $0x1;
	_ =	strace $0x80000049;
	[dreg:$0x1] =	wrdreg $0xFFFFFFFF  }
0xa7: {  	s28 =	simm.s32 $_size_execute0_lowered;
	s2 =	sadd.s32 s2, s4;
	[dreg:$0x0] =	wrdreg $0x0  }
0xa8: {  	s4 =	sshll.u32 s28, $0x1;
	[dreg:$0x2] =	wrdreg s2  }
0xa9: {  	[dreg:$0x3] =	wrdreg s4  }
0xaa: {  	[dreg:$0x4] =	wrdreg $0xC0  }
0xab: {  	_ =	task [dreg:s6], $0x5FFFF  }
0xac: {  	[dreg:$0x1] =	wrdreg $0xFFFFFFFF  }
0xad: {  	[dreg:$0x0] =	wrdreg $0x60  }
0xae: {  	[dreg:$0x2] =	wrdreg s24  }
0xaf: {  	[dreg:$0x3] =	wrdreg $0x9  }
0xb0: {  	_ =	task.clear_ibuf [dreg:s6], $0x4FFFF;
	_ =	strace $0x90000049  }
0xb1: {  	s29 =	simm.s32 $0x9;
	_ =	strace $0x8000004B  }
0xb2: {  	_ =	swait.ge [sflag:s29], $0x1  }
0xb3: {  	[sflag:s29] =	ssyncadd.s32 $0xFFFFFFFF  }
0xb4: {  	_ =	strace $0x9000004B  }
0xb5: {  	_ =	sfence  }
0xb6: {  	s30 =	sld [smem:$0x0];
	_ =	sdelay $0x2  }
0xb7: {  	s31 =	sshll.u32 s1, $0xD;
	s1 =	sshrl.u32 s1, $0x2  }
0xb8: {  	s3 =	sand.u32 $0x4000, s31;
	s1 =	sadd.s32 s1, s30  }
0xb9: {  	s0 =	sor.u32 s3, s0;
	s1 =	sshll.u32 s1, $0x11  }
0xba: {  	s0 =	sor.u32 s1, s0  }
0xbb: {  	s0 =	sadd.s32 $0x8F2B, s0  }
0xbc: {  	[sflag:s0] =	ssyncadd.remote.s32 $0x1  }
0xbd: {  	_ =	sfence.sel $0xFFFF  }
0xbe: {  	[dreg:$0x0] =	wrdreg $0xFFFFFFFF;
	(pc) =	sbr.abs _section_cstart, $3  }
0xbf: {  	[dreg:$0x1] =	wrdreg $0xFFFFFFFF  }
0xc0: {  	_ =	task.clear_ibuf [dreg:s6], $0x2FFFF;
	_ =	strace $0x9FFFFFFF  }
0xc1: {  	(tm) =	ssettm $0x7FFFFFFF  }
tec
execute0_lowered:
.L_overlay_start_1:
0x0: {  	(tag) =	ssettag $0x1  }
0x1: {  	s0 =	srdreg.scid;
	s5 =	rddreg [dreg:$0x0]  }
0x2: {  	s1 =	stileid.u32;
	s6 =	simm.s32 $0x1;
	s9 =	simm.s32 $0x1  }
0x3: {  	s10 =	simm.s32 $0x3;
	s13 =	simm.s32 $0x0;
	s2 =	sshll.u32 s0, $0x6  }
0x4: {  	s12 =	simm.s32 $0x0;
	s3 =	sshll.u32 s1, $0x7;
	s2 =	sand.u32 $0x40, s2  }
0x5: {  	s0 =	rddreg [dreg:$0x1];
	_ =	strace $0x8000004A;
	s2 =	sor.u32 s3, s2  }
0x6: {  	s4 =	sadd.s32 $0xB200, s5;
	[sflag:s6] =	ssyncpa.u1 $0x0;
	s8 =	ssub.s32 $0xA00, s2  }
.Ltmp0:
0x7: {  	s3 =	sadd.s32 $0xB400, s5;
	s7 =	sand.u32 $0x7C0, s8;
	(pc) =	sbr.rel .LBB2_1-.Ltmp0, $4  }
0x8: {  	s5 =	sadd.s32 $0xBA00, s5;
	s11 =	smov.u32 s2;
	p0 =	sne.s32 s7, $0x0  }
0x9: {  	s8 =	sshrl.u32 s8, $0xB;
	s7 =	simm.s32 $0x2;
	s9 =	simm.s32 @!p0 $0x0  }
0xa: {  	[sflag:s7] =	ssyncpa.u1 $0x0;
	p0 =	por $0x0, $0x0;
	s8 =	sadd.s32 s9, s8  }
0xb: {  	vm0 =	vmmov $0xffff;
	[sflag:s10] =	ssyncpa.u1 $0x0;
	s10 =	simm.s32 $0x0;
	s9 =	sadd.s32 $0x1, s8  }
.LBB2_4:
0xc: {  	v2 =	vnsel vm1, $0x0, v2  }
0xd: {  	vm1 =	vgt.s32 v0, $0x0;
	v2 =	vmin.u32 v2, $0x272F  }
0xe: {  	v0 =	vnsel vm1, $0x0, v0  }
0xf: {  	v0 =	vmin.u32 v0, $0x272F  }
0x10: {  	[tilespmem:s15], [sflag:$0x1] =	stream.indirect_vreg.gather [hbm4b:s3+s10], $0x1, v1, vm0, $0x4038;
	[tilespmem:$0x100] =	vst v63  }
0x11: {  	(ifvalue) =	ssetifvalue $0x7FFFFFFF  }
0x12: {  	[tilespmem:s16], [sflag:$0x1] =	stream.indirect_vreg.gather [hbm4b:s3+s10], $0x1, v2, vm0, $0x4038;
	[tilespmem:$0x100] =	vst v63  }
0x13: {  	s29 =	sadd.s32 $0x10, s16;
	(ifvalue) =	ssetifvalue $0x7FFFFFFF  }
0x14: {  	[tilespmem:s29], [sflag:$0x1] =	stream.indirect_vreg.gather [hbm4b:s3+s10], $0x1, v0, vm0, $0x4038;
	[tilespmem:$0x100] =	vst v63  }
0x15: {  	_ =	swait.ge [sflag:s6], $0x40  }
0x16: {  	s30 =	sshrl.u32 s13, $0x3;
	[sflag:s6] =	ssyncset.done $0x0  }
0x17: {  	s31 =	sand.u32 $0x7, s13;
	s15 =	sadd.s32 s5, s30;
	[sflag:s6] =	ssyncadd.s32 $0xFFFFFFC0  }
0x18: {  	[hbm4b:s15+s31] =	stream.linear.scatter [tilespmem:s14], [sflag:$0x3], $0x40, $0x38;
	[tilespmem:$0x100] =	vst v63  }
.LBB2_5:
0x19: {  	s15 =	sadd.s32 $0x800, s11  }
0x1a: {  	p2 =	sgt.s32 s15, $0x9FF  }
0x1b: {  	s15 =	smov.u32 @p2 s2;
	p2 =	sne.s32 s12, s9  }
.Ltmp1:
0x1c: {  	p1 =	slt.u32 s12, $0x2;
	(pc) =	sbr.rel @!p2 .LBB2_6-.Ltmp1, $4  }
0x1d: {  	s14 =	simm.s32 @!p1 $0x3  }
0x1e: {  	s16 =	sadd.s32 $0x1, s12;
	_ =	swait.ge @!p1 [sflag:s14], $0x40  }
0x1f: {  	s13 =	smov.u32 s11;
	p0 =	por !p0, !p0;
	[sflag:s14] =	ssyncset.done @!p1 $0x0  }
0x20: {  	s12 =	smov.u32 s16;
	s11 =	smov.u32 s15;
	[sflag:s14] =	ssyncadd.s32 @!p1 $0xFFFFFFC0  }
.LBB2_1:
0x21: {  	p1 =	sge.u32 s12, s8  }
0x22: {  	s14 =	sxor.u32 @!p1 $0xFFFFFFFF, s12  }
0x23: {  	s31 =	sadd.s32 $0xFFFFFFFF, s12;
	s15 =	sshrl.u32 @!p1 s11, $0x3;
	s14 =	sshll.u32 @!p1 s14, $0x6  }
0x24: {  	s16 =	sand.u32 @!p1 $0x7, s11;
	s15 =	sadd.s32 @!p1 s4, s15;
	s14 =	sand.u32 @!p1 $0x40, s14  }
0x25: {  	[tilespmem:s14], [sflag:$0x2] =	stream.linear.gather @!p1 [hbm4b:s15+s16], $0x40, $0x38;
	[tilespmem:$0x100] =	vst v63  }
0x26: {  	p1 =	sge.u32 s31, s8  }
.Ltmp2:
0x27: {  	_ = 	snop;
	(pc) =	sbr.rel @p1 .LBB2_5-.Ltmp2, $1  }
0x28: {  	_ =	sdelay $0x3  }
0x29: {  	s14 =	simm.s32 $0x1  }
0x2a: {  	_ =	swait.ge [sflag:s7], $0x40;
	s14 =	simm.s32 @!p0 $0x0  }
0x2b: {  	[sflag:s7] =	ssyncset.done $0x0;
	s14 =	sshll.u32 s14, $0x6  }
0x2c: {  	[sflag:s7] =	ssyncadd.s32 $0xFFFFFFC0;
	(ifvalue) =	ssetifvalue $0x7FFFFFFF;
	v0 =	vld.msk [tilespmem:s14+$0x0 ss:$0x1], $0xffff;
	_ =	sdelay $0x4  }
0x2d: {  	s15 =	sadd.s32 $0x10, s14;
	vm1 =	vgt.s32 v0, $0x0  }
0x2e: {  	v2 =	vld.msk [tilespmem:s15+$0x0 ss:$0x1], $0xffff;
	v1 =	vnsel vm1, $0x0, v0  }
0x2f: {  	v1 =	vmin.u32 v1, $0x272F;
	_ =	sdelay $0x1  }
0x30: {  	s16 =	sshll.u32 s12, $0x6;
	s18 =	simm.s32 $0x20  }
0x31: {  	s16 =	sand.u32 $0x40, s16;
	s17 =	sadd.s32 $0x10, s15;
	s15 =	sor.u32 $0x80, s14  }
0x32: {  	s14 =	sor.u32 $0x80, s16;
	s16 =	sadd.s32 $0x10, s15;
	v0 =	vld.msk [tilespmem:s17+$0x0 ss:$0x1], $0xffff;
	vm1 =	vgt.s32 v2, $0x0;
	(ifvalue) =	ssetifvalue $0x7FFFFFFF  }
.LBB2_3:
0x33: {  	[tilespmem:s15], [sflag:$0x1] =	stream.indirect_vreg.gather [hbm4b:s3+s10], $0x1, v1, vm0, $0x4038;
	[tilespmem:$0x100] =	vst v63  }
0x34: {  	s18 =	sadd.s32 $0x10, s18  }
0x35: {  	v2 =	vnsel vm1, $0x0, v2;
	p1 =	slt.u32 s18, $0x30  }
.Ltmp3:
0x36: {  	s15 =	smov.u32 s16;
	v1 =	vmin.u32 v2, $0x272F;
	(pc) =	sbr.rel @p1 .LBB2_3-.Ltmp3, $3  }
0x37: {  	_ =	sdelay $0x1  }
0x38: {  	s17 =	sadd.s32 $0x10, s17  }
0x39: {  	vm1 =	vgt.s32 v0, $0x0;
	s16 =	sadd.s32 $0x10, s16;
	v2 =	vmov v0;
	(ifvalue) =	ssetifvalue $0x7FFFFFFF;
	v0 =	vld.msk [tilespmem:s17+$0x0 ss:$0x1], $0xffff  }
.Ltmp4:
0x3a: {  	_ = 	snop;
	(pc) =	sbr.rel .LBB2_4-.Ltmp4, $1  }
0x3b: {  	_ =	sdelay $0x3  }
.LBB2_6:
0x3c: {  	_ =	sfence.sel $0x180000  }
0x3d: {  	s2 =	simm.s32 $0x2;
	[bflag:$0x0] =	sbarrier.arrive $0xFFFF  }
0x3e: {  	s30 =	simm.s32 $0x3;
	[sflag:s2] =	ssyncpa.u1 $0x1  }
0x3f: {  	s31 =	simm.s32 $0x1;
	[sflag:s30] =	ssyncpa.u1 $0x1  }
0x40: {  	[sflag:s31] =	ssyncpa.u1 $0x1  }
0x41: {  	p0 =	sne.s32 s1, $0x0;
	_ =	strace $0x9000004A  }
0x42: {  	s0 =	sadd.s32 @!p0 $0x100000, s0;
	[bflag:$0x2] =	sbarrier.arrive $0xFFFF  }
0x43: {  	[sflag:s0] =	ssyncadd.tile.s32 @!p0 $0x1;
	_ =	shalt  }
.Lfunc_end2:
_tile_overlayer_lowered:
.L_overlay_start_2:
0x44: {  	(tag) =	ssettag $0x2  }
0x45: {  	s0 =	rddreg [dreg:$0x0];
	s2 =	stileid.u32  }
0x46: {  	s1 =	rddreg [dreg:$0x1];
	p0 =	sne.s32 s2, $0x0  }
0x47: {  	s3 =	rddreg [dreg:$0x2];
	[bflag:$0x3] =	sbarrier.arrive $0xFFFF;
	s2 =	simm.s32 @!p0 $0x1C01  }
0x48: {  	[timem:s3], [sflag:s2] =	dma.local @!p0 [hbm:s0], s1  }
0x49: {  	s0 =	simm.s32 @!p0 $0x1  }
0x4a: {  	_ =	swait.ge @!p0 [sflag:s0], s1  }
0x4b: {  	s1 =	ssub.s32 @!p0 $0x0, s1;
	[sflag:s0] =	ssyncset.done @!p0 $0x0  }
0x4c: {  	[sflag:s0] =	ssyncadd.s32 @!p0 s1  }
0x4d: {  	[bflag:$0x3] =	sbarrier.arrive $0xFFFF  }
0x4e: {  	_ =	shalt  }

// kernel: gather_offload_async_start.4
scs
__scs_entry_jumppad:
0x0: {  	(pc) =	sbr.rel $0x88, $3  }
0x1: {  	(tag) =	ssettag $0x0;
	lr =	simm.s32 $0x1  }
0x2: {  	[smem:$0x3F80] =	sst lr;
	_ =	strace $0xD0000000  }
0x3: {  	_ = 	snop  }
0x4: {  	_ = 	snop  }
0x5: {  	_ = 	snop  }
0x6: {  	_ = 	snop  }
0x7: {  	_ = 	snop  }
__scs_overlays_trampoline_lowered:
0x8: {  	[smem:$0x3F8F] =	sst s0  }
0x9: {  	[smem:$0x3F90] =	sst s1  }
0xa: {  	[smem:$0x3F91] =	sst s2  }
0xb: {  	[smem:$0x3F92] =	sst s3  }
0xc: {  	[smem:$0x3F93] =	sst s4  }
0xd: {  	[smem:$0x3F94] =	sst s5  }
0xe: {  	[smem:$0x3F95] =	sst s6  }
0xf: {  	[smem:$0x3F96] =	sst s7  }
0x10: {  	[smem:$0x3F97] =	sst s8  }
0x11: {  	[smem:$0x3F98] =	sst s9;
	s0 =	simm.s32 @!p0 $0x0  }
0x12: {  	s1 =	sld [smem:$0x3F7E];
	s0 =	simm.s32 @p0 $0x1  }
0x13: {  	[smem:$0x3F99] =	sst s0;
	s0 =	simm.s32 @!p1 $0x0  }
0x14: {  	s2 =	sld [smem:$0x3F7D];
	s0 =	simm.s32 @p1 $0x1  }
0x15: {  	[smem:$0x3F9A] =	sst s0;
	s0 =	simm.s32 @!p2 $0x0  }
0x16: {  	s3 =	sld [smem:$0x3FDB];
	s0 =	simm.s32 @p2 $0x1  }
0x17: {  	s4 =	simm.s32 $0x1BF5;
	[smem:$0x3F9C] =	sst s0  }
0x18: {  	s0 =	sld [smem:$0x3F7F];
	_ =	swait.ge [sflag:s4], $0x0  }
0x19: {  	s7 =	sld [smem:$0x3F80]  }
0x1a: {  	s8 =	sadd.s32 $0xFFFFE003, lr  }
0x1b: {  	s9 =	sadd.s32 $0xFFFFFEF7, lr;
	s5 =	simm.s32 $0xFFFFFFFF;
	p2 =	slt.u32 s8, $0xFFFFF086  }
0x1c: {  	p1 =	slt.u32 s9, $0xF7A;
	s5 =	simm.s32 @!p2 $0x0  }
0x1d: {  	s5 =	simm.s32 @p1 $0x1;
	p0 =	seq.s32 s7, s2  }
0x1e: {  	s7 =	smul.u32 @!p0 $0xF7A, s2;
	p2 =	seq.s32 @!p0 s5, $0x0  }
0x1f: {  	s9 =	smul.u32 $0xF7A, s1;
	s8 =	simm.s32 @!p0 $0x1BF5;
	p2 =	por !p2, p0  }
0x20: {  	[sflag:s8] =	ssyncset.s32 @!p0 $0xFFFFF086;
	s6 =	sadd.s32 @!p0 s3, s7;
	s7 =	simm.s32 @!p0 $0x108  }
0x21: {  	s3 =	sadd.s32 s3, s9;
	s6 =	sadd.s32 @!p0 $0x88, s6;
	s7 =	simm.s32 @p2 $0x1082  }
0x22: {  	[simem:s7], [sflag:s8] =	dma.local @!p0 [hbm:s6], $0xF7A  }
0x23: {  	s9 =	sor.u32 $0xD0000000, s2;
	s6 =	simm.s32 $0x108;
	_ =	swait.ge @!p0 [sflag:s8], $0x0  }
0x24: {  	s3 =	sadd.s32 $0x88, s3;
	s6 =	simm.s32 @!p1 $0x1082;
	[sflag:s4] =	ssyncset.s32 $0xFFFFF086  }
0x25: {  	[simem:s6], [sflag:s4] =	dma.local [hbm:s3], $0xF7A  }
0x26: {  	[smem:$0x3F80] =	sst s1;
	(tag) =	ssettag s2;
	_ =	strace s9  }
0x27: {  	s1 =	sld [smem:$0x3F90]  }
0x28: {  	s2 =	sld [smem:$0x3F91]  }
0x29: {  	s4 =	sld [smem:$0x3F93]  }
0x2a: {  	p0 =	seq.s32 s5, $0x0;
	s5 =	sld [smem:$0x3F94]  }
0x2b: {  	s6 =	sld [smem:$0x3F95]  }
0x2c: {  	s7 =	sld [smem:$0x3F96]  }
0x2d: {  	s3 =	simm.s32 $0x108;
	s8 =	sld [smem:$0x3F97]  }
0x2e: {  	s3 =	simm.s32 @!p0 $0x1082;
	s9 =	sld [smem:$0x3F98]  }
0x2f: {  	lr =	sadd.s32 s0, s3;
	s0 =	sld [smem:$0x3F8F]  }
0x30: {  	s3 =	sld [smem:$0x3F92]  }
0x31: {  	[smem:$0x3F9B] =	sst s10  }
0x32: {  	s10 =	sld [smem:$0x3F99];
	_ =	sdelay $0x3  }
0x33: {  	p0 =	seq.s32 s10, $0x1;
	s10 =	sld [smem:$0x3F9B];
	_ =	sdelay $0x3  }
0x34: {  	[smem:$0x3F9B] =	sst s10  }
0x35: {  	s10 =	sld [smem:$0x3F9A];
	_ =	sdelay $0x3  }
0x36: {  	p1 =	seq.s32 s10, $0x1;
	s10 =	sld [smem:$0x3F9B];
	_ =	sdelay $0x3  }
0x37: {  	[smem:$0x3F9B] =	sst s10  }
0x38: {  	s10 =	sld [smem:$0x3F9C]  }
0x39: {  	_ = 	snop;
	(pc) =	sbr.ind lr, $3  }
0x3a: {  	_ = 	snop  }
0x3b: {  	_ = 	snop  }
0x3c: {  	p2 =	seq.s32 s10, $0x1;
	s10 =	sld [smem:$0x3F9B]  }
0x3d: {  	_ =	shalt  }
0x3e: {  	_ =	shalt  }
0x3f: {  	_ =	shalt  }
0x40: {  	_ =	shalt  }
0x41: {  	_ =	shalt  }
0x42: {  	_ =	shalt  }
0x43: {  	_ =	shalt  }
0x44: {  	_ =	shalt  }
0x45: {  	_ =	shalt  }
0x46: {  	_ =	shalt  }
0x47: {  	_ =	shalt  }
0x48: {  	_ =	shalt  }
0x49: {  	_ =	shalt  }
0x4a: {  	_ =	shalt  }
0x4b: {  	_ =	shalt  }
0x4c: {  	_ =	shalt  }
0x4d: {  	_ =	shalt  }
0x4e: {  	_ =	shalt  }
0x4f: {  	_ =	shalt  }
0x50: {  	_ =	shalt  }
0x51: {  	_ =	shalt  }
0x52: {  	_ =	shalt  }
0x53: {  	_ =	shalt  }
0x54: {  	_ =	shalt  }
0x55: {  	_ =	shalt  }
0x56: {  	_ =	shalt  }
0x57: {  	_ =	shalt  }
0x58: {  	_ =	shalt  }
0x59: {  	_ =	shalt  }
0x5a: {  	_ =	shalt  }
0x5b: {  	_ =	shalt  }
0x5c: {  	_ =	shalt  }
0x5d: {  	_ =	shalt  }
0x5e: {  	_ =	shalt  }
0x5f: {  	_ =	shalt  }
0x60: {  	_ =	shalt  }
0x61: {  	_ =	shalt  }
0x62: {  	_ =	shalt  }
0x63: {  	_ =	shalt  }
0x64: {  	_ =	shalt  }
0x65: {  	_ =	shalt  }
0x66: {  	_ =	shalt  }
0x67: {  	_ =	shalt  }
0x68: {  	_ =	shalt  }
0x69: {  	_ =	shalt  }
0x6a: {  	_ =	shalt  }
0x6b: {  	_ =	shalt  }
0x6c: {  	_ =	shalt  }
0x6d: {  	_ =	shalt  }
0x6e: {  	_ =	shalt  }
0x6f: {  	_ =	shalt  }
0x70: {  	_ =	shalt  }
0x71: {  	_ =	shalt  }
0x72: {  	_ =	shalt  }
0x73: {  	_ =	shalt  }
0x74: {  	_ =	shalt  }
0x75: {  	_ =	shalt  }
0x76: {  	_ =	shalt  }
0x77: {  	_ =	shalt  }
0x78: {  	_ =	shalt  }
0x79: {  	_ =	shalt  }
0x7a: {  	_ =	shalt  }
0x7b: {  	_ =	shalt  }
0x7c: {  	_ =	shalt  }
0x7d: {  	_ =	shalt  }
0x7e: {  	_ =	shalt  }
0x7f: {  	_ =	shalt  }
0x80: {  	_ =	shalt  }
0x81: {  	_ =	shalt  }
0x82: {  	_ =	shalt  }
0x83: {  	_ =	shalt  }
0x84: {  	_ =	shalt  }
0x85: {  	_ =	shalt  }
0x86: {  	_ =	shalt  }
0x87: {  	_ =	shalt  }
.Lfunc_end0:
.L_simem_size_0:
called_computation.4_lowered:
.L_overlay_start_0:
0x88: {  	s2 =	sld [smem:$0x3FD9]  }
0x89: {  	s3 =	sld [smem:$0x3FFE];
	_ =	sdelay $0x1  }
0x8a: {  	s1 =	srdreg.scid  }
0x8b: {  	s0 =	sand.u32 $0x1, s1  }
0x8c: {  	s17 =	sshll.u32 s0, $0xA;
	s2 =	sadd.s32 s3, s2  }
0x8d: {  	s2 =	sadd.s32 s2, s17  }
0x8e: {  	[smem:$0x3FA7] =	sst s2  }
0x8f: {  	_ = 	snop  }
0x90: {  	(tm) =	ssettm $0x1  }
0x91: {  	s18 =	sld [smem:$0x3FFB];
	_ =	sdelay $0x3  }
0x92: {  	_ =	strace s18  }
0x93: {  	s2 =	sld [smem:$0x3FFC];
	_ =	sdelay $0x3  }
0x94: {  	_ =	strace s2  }
0x95: {  	s2 =	sld [smem:$0x3FFD];
	_ =	sdelay $0x3  }
0x96: {  	_ =	strace s2  }
0x97: {  	_ =	strace $0x8FFFFFFF  }
0x98: {  	s19 =	sld [smem:$0x3FDB];
	_ =	sdelay $0x1  }
0x99: {  	s20 =	simm.s32 $_scs_section_size  }
0x9a: {  	s4 =	simm.s32 $_size__tile_overlayer_lowered;
	s5 =	simm.s32 $_tile_overlayer_lowered  }
0x9b: {  	s6 =	simm.s32 $0x1BFF;
	s21 =	sshll.u32 s5, $0x1;
	s3 =	sadd.s32 s20, s19  }
0x9c: {  	s22 =	simm.s32 $0x0;
	s4 =	sshll.u32 s4, $0x1;
	s5 =	sadd.s32 s21, s3  }
0x9d: {  	[timem:s22], [sflag:s6] =	dma.local [hbm:s5], s4  }
0x9e: {  	_ =	swait.ge [sflag:s6], s4  }
0x9f: {  	s4 =	ssub.s32 $0x0, s4;
	[sflag:s6] =	ssyncset.done $0x0  }
0xa0: {  	[sflag:s6] =	ssyncadd.s32 s4;
	_ =	sdelay $0x1  }
0xa1: {  	s23 =	simm.s32 $0x1B8B  }
0xa2: {  	_ =	swait.ge [sflag:s23], $0x1  }
0xa3: {  	[sflag:s23] =	ssyncset.done $0x0  }
0xa4: {  	[sflag:s23] =	ssyncadd.s32 $0xFFFFFFFF  }
0xa5: {  	s4 =	sld [smem:$0x0]  }
0xa6: {  	s5 =	sand.u32 $0xFFFFFFFE, s1  }
0xa7: {  	p0 =	sne.s32 s1, s5  }
0xa8: {  	s5 =	sshll.u32 @p0 s5, $0xE  }
0xa9: {  	s5 =	sadd.s32 @p0 $0x11B8D, s5;
	s6 =	sshll.u32 @p0 s4, $0x11  }
0xaa: {  	s5 =	sor.u32 @p0 s6, s5  }
0xab: {  	[sflag:s5] =	ssyncadd.remote.s32 @p0 $0x1;
	_ =	sdelay $0x1  }
0xac: {  	s5 =	simm.s32 @p0 $0x1B8D  }
0xad: {  	_ =	swait.eq @p0 [sflag:s5], $0x1  }
0xae: {  	[sflag:s5] =	ssyncadd.s32 @p0 $0xFFFFFFFF  }
0xaf: {  	s6 =	sshll.u32 @!p0 s1, $0xE  }
0xb0: {  	s6 =	sor.u32 @!p0 $0x4000, s6;
	s5 =	simm.s32 @!p0 $0x1B8D  }
0xb1: {  	s4 =	sshll.u32 @!p0 s4, $0x11;
	s6 =	sadd.s32 @!p0 $0x11B8D, s6;
	_ =	swait.eq @!p0 [sflag:s5], $0x1  }
0xb2: {  	s4 =	sor.u32 @!p0 s4, s6;
	[sflag:s5] =	ssyncadd.s32 @!p0 $0xFFFFFFFF  }
0xb3: {  	s25 =	simm.s32 $0x1B8E;
	s24 =	sld [smem:$0x3FFE];
	[sflag:s4] =	ssyncadd.remote.s32 @!p0 $0x1  }
0xb4: {  	s26 =	simm.s32 $execute0_lowered;
	[smem:$0x3FD2] =	sst s25  }
0xb5: {  	s5 =	sshll.u32 s26, $0x1;
	_ =	strace $0x80000055;
	[dreg:$0x1] =	wrdreg $0xFFFFFFFF  }
0xb6: {  	s28 =	simm.s32 $_size_execute0_lowered;
	s3 =	sadd.s32 s3, s5;
	[dreg:$0x0] =	wrdreg $0x0  }
0xb7: {  	s5 =	sshll.u32 s28, $0x1;
	[dreg:$0x2] =	wrdreg s3  }
0xb8: {  	[dreg:$0x3] =	wrdreg s5  }
0xb9: {  	[dreg:$0x4] =	wrdreg $0xC0  }
0xba: {  	_ =	task [dreg:s22], $0x5FFFF  }
0xbb: {  	[dreg:$0x1] =	wrdreg $0xFFFFFFFF  }
0xbc: {  	[dreg:$0x0] =	wrdreg $0x60  }
0xbd: {  	[dreg:$0x2] =	wrdreg s24  }
0xbe: {  	[dreg:$0x3] =	wrdreg $0xA  }
0xbf: {  	_ =	task.clear_ibuf [dreg:s22], $0x4FFFF;
	_ =	strace $0x90000055  }
0xc0: {  	s29 =	simm.s32 $0xA;
	_ =	strace $0x80000057  }
0xc1: {  	_ =	swait.ge [sflag:s29], $0x1  }
0xc2: {  	[sflag:s29] =	ssyncadd.s32 $0xFFFFFFFF  }
0xc3: {  	_ =	strace $0x90000057  }
0xc4: {  	_ =	sfence  }
0xc5: {  	s30 =	sld [smem:$0x0];
	_ =	sdelay $0x2  }
0xc6: {  	s31 =	sshll.u32 s1, $0xD;
	s1 =	sshrl.u32 s1, $0x2  }
0xc7: {  	s4 =	sand.u32 $0x4000, s31;
	s1 =	sadd.s32 s1, s30  }
0xc8: {  	s0 =	sor.u32 s4, s0;
	s1 =	sshll.u32 s1, $0x11  }
0xc9: {  	s0 =	sor.u32 s1, s0  }
0xca: {  	s0 =	sadd.s32 $0x8F2B, s0  }
0xcb: {  	[sflag:s0] =	ssyncadd.remote.s32 $0x1  }
0xcc: {  	_ =	sfence.sel $0xFFFF  }
0xcd: {  	[dreg:$0x0] =	wrdreg $0xFFFFFFFF;
	(pc) =	sbr.abs _section_cstart, $3  }
0xce: {  	[dreg:$0x1] =	wrdreg $0xFFFFFFFF  }
0xcf: {  	_ =	task.clear_ibuf [dreg:s22], $0x2FFFF;
	_ =	strace $0x9FFFFFFF  }
0xd0: {  	(tm) =	ssettm $0x7FFFFFFF  }
0xd1: {  	_ =	shalt  }
tec
execute0_lowered:
.L_overlay_start_1:
0x0: {  	(tag) =	ssettag $0x1  }
0x1: {  	s8 =	rddreg [dreg:$0x0];
	s1 =	stileid.u32  }
0x2: {  	s2 =	srdreg.scid;
	s0 =	rddreg [dreg:$0x1]  }
0x3: {  	_ =	strace $0x80000056;
	s5 =	simm.s32 $0x1;
	s9 =	simm.s32 $0x1  }
0x4: {  	s10 =	simm.s32 $0x3;
	s2 =	sand.u32 $0x1, s2;
	s3 =	sshll.u32 s1, $0x1  }
0x5: {  	s13 =	simm.s32 $0x0;
	s12 =	simm.s32 $0x0;
	s6 =	sor.u32 s3, s2  }
0x6: {  	[sflag:s5] =	ssyncpa.u1 $0x0;
	s2 =	sadd.s32 $0x78A00, s8;
	s4 =	smul.u32 $0x2F00, s6  }
0x7: {  	s3 =	sadd.s32 $0x69E00, s8;
	p0 =	slt.u32 s6, $0x9;
	s6 =	simm.s32 $0x5E000  }
.Ltmp0:
0x8: {  	s6 =	simm.s32 @!p0 $0x0;
	s7 =	ssub.s32 $0x75800, s4;
	(pc) =	sbr.rel .LBB2_1-.Ltmp0, $4  }
0x9: {  	s9 =	simm.s32 @!p0 $0x0;
	p0 =	sne.s32 s7, s6;
	s7 =	simm.s32 $0x1  }
0xa: {  	s8 =	sadd.s32 $0x23C00, s8;
	s6 =	simm.s32 $0x2;
	s7 =	simm.s32 @!p0 $0x0  }
0xb: {  	s11 =	smov.u32 s4;
	[sflag:s6] =	ssyncpa.u1 $0x0;
	s7 =	sadd.s32 s9, s7  }
0xc: {  	vm0 =	vmmov $0xffff;
	[sflag:s10] =	ssyncpa.u1 $0x0;
	s10 =	simm.s32 $0x0;
	s9 =	sadd.s32 $0x1, s7  }
.LBB2_4:
0xd: {  	v2 =	vnsel vm1, $0x0, v2  }
0xe: {  	vm1 =	vgt.s32 v0, $0x0;
	v2 =	vmin.u32 v2, $0x4E1FF  }
0xf: {  	v0 =	vnsel vm1, $0x0, v0  }
0x10: {  	v0 =	vmin.u32 v0, $0x4E1FF  }
0x11: {  	[tilespmem:s18], [sflag:$0x1] =	stream.indirect_vreg.gather [hbm4b:s2+s10], $0x1, v1, vm0, $0x4038;
	[tilespmem:$0xBC00] =	vst v63  }
0x12: {  	(ifvalue) =	ssetifvalue $0x7FFFFFFF  }
0x13: {  	[tilespmem:s15], [sflag:$0x1] =	stream.indirect_vreg.gather [hbm4b:s2+s10], $0x1, v2, vm0, $0x4038;
	[tilespmem:$0xBC00] =	vst v63  }
0x14: {  	s29 =	sadd.s32 $0x10, s15;
	(ifvalue) =	ssetifvalue $0x7FFFFFFF  }
0x15: {  	[tilespmem:s29], [sflag:$0x1] =	stream.indirect_vreg.gather [hbm4b:s2+s10], $0x1, v0, vm0, $0x4038;
	[tilespmem:$0xBC00] =	vst v63  }
0x16: {  	_ =	swait.ge [sflag:s5], $0x2F00  }
0x17: {  	s30 =	sshrl.u32 s13, $0x3;
	[sflag:s5] =	ssyncset.done $0x0  }
0x18: {  	s31 =	sand.u32 $0x7, s13;
	s15 =	sadd.s32 s8, s30;
	[sflag:s5] =	ssyncadd.s32 $0xFFFFD100  }
0x19: {  	[hbm4b:s15+s31] =	stream.linear.scatter [tilespmem:s14], [sflag:$0x3], $0x2F00, $0x38;
	[tilespmem:$0xBC00] =	vst v63  }
.LBB2_5:
0x1a: {  	s15 =	sadd.s32 $0x5E000, s11  }
0x1b: {  	p1 =	sgt.s32 s15, $0x757FF  }
0x1c: {  	s15 =	smov.u32 @p1 s4;
	p1 =	sne.s32 s12, s9  }
.Ltmp1:
0x1d: {  	p0 =	slt.u32 s12, $0x2;
	(pc) =	sbr.rel @!p1 .LBB2_6-.Ltmp1, $4  }
0x1e: {  	s14 =	simm.s32 @!p0 $0x3  }
0x1f: {  	_ =	swait.ge @!p0 [sflag:s14], $0x2F00  }
0x20: {  	s16 =	sadd.s32 $0x1, s12;
	s13 =	smov.u32 s11;
	[sflag:s14] =	ssyncset.done @!p0 $0x0  }
0x21: {  	s12 =	smov.u32 s16;
	s11 =	smov.u32 s15;
	[sflag:s14] =	ssyncadd.s32 @!p0 $0xFFFFD100  }
.LBB2_1:
0x22: {  	p0 =	sge.u32 s12, s7  }
0x23: {  	s14 =	sxor.u32 @!p0 $0x1, s12  }
0x24: {  	s14 =	smul.u32 @!p0 $0xBC00, s14  }
0x25: {  	s31 =	sadd.s32 $0xFFFFFFFF, s12;
	s15 =	sshrl.u32 @!p0 s11, $0x3  }
0x26: {  	s16 =	sand.u32 @!p0 $0x7, s11;
	s15 =	sadd.s32 @!p0 s3, s15;
	s14 =	sshra.s32 @!p0 s14, $0x2  }
0x27: {  	[tilespmem:s14], [sflag:$0x2] =	stream.linear.gather @!p0 [hbm4b:s15+s16], $0x2F00, $0x38;
	[tilespmem:$0xBC00] =	vst v63  }
0x28: {  	p0 =	sge.u32 s31, s7  }
.Ltmp2:
0x29: {  	_ = 	snop;
	(pc) =	sbr.rel @p0 .LBB2_5-.Ltmp2, $1  }
0x2a: {  	_ =	sdelay $0x3  }
0x2b: {  	s14 =	sand.u32 $0x1, s12  }
0x2c: {  	_ =	swait.ge [sflag:s6], $0x2F00;
	p0 =	seq.s32 s14, $0x1;
	s14 =	simm.s32 $0x2F00  }
0x2d: {  	[sflag:s6] =	ssyncset.done $0x0;
	s14 =	simm.s32 @!p0 $0x0  }
0x2e: {  	[sflag:s6] =	ssyncadd.s32 $0xFFFFD100;
	(ifvalue) =	ssetifvalue $0x7FFFFFFF;
	v0 =	vld.msk [tilespmem:s14+$0x0 ss:$0x1], $0xffff;
	_ =	sdelay $0x4  }
0x2f: {  	s15 =	sadd.s32 $0x10, s14;
	vm1 =	vgt.s32 v0, $0x0  }
0x30: {  	v2 =	vld.msk [tilespmem:s15+$0x0 ss:$0x1], $0xffff;
	v1 =	vnsel vm1, $0x0, v0  }
0x31: {  	v1 =	vmin.u32 v1, $0x4E1FF;
	_ =	sdelay $0x2  }
0x32: {  	s17 =	simm.s32 $0x20;
	s14 =	sadd.s32 $0x5E00, s14;
	s16 =	sadd.s32 $0x10, s15  }
0x33: {  	s15 =	sadd.s32 $0x10, s14;
	s18 =	smov.u32 s14;
	v0 =	vld.msk [tilespmem:s16+$0x0 ss:$0x1], $0xffff;
	vm1 =	vgt.s32 v2, $0x0;
	(ifvalue) =	ssetifvalue $0x7FFFFFFF  }
.LBB2_3:
0x34: {  	[tilespmem:s18], [sflag:$0x1] =	stream.indirect_vreg.gather [hbm4b:s2+s10], $0x1, v1, vm0, $0x4038;
	[tilespmem:$0xBC00] =	vst v63  }
0x35: {  	s17 =	sadd.s32 $0x10, s17  }
0x36: {  	v2 =	vnsel vm1, $0x0, v2;
	p0 =	slt.u32 s17, $0x2EF0  }
.Ltmp3:
0x37: {  	s18 =	smov.u32 s15;
	v1 =	vmin.u32 v2, $0x4E1FF;
	(pc) =	sbr.rel @p0 .LBB2_3-.Ltmp3, $3  }
0x38: {  	_ =	sdelay $0x1  }
0x39: {  	s16 =	sadd.s32 $0x10, s16  }
0x3a: {  	vm1 =	vgt.s32 v0, $0x0;
	s15 =	sadd.s32 $0x10, s15;
	v2 =	vmov v0;
	(ifvalue) =	ssetifvalue $0x7FFFFFFF;
	v0 =	vld.msk [tilespmem:s16+$0x0 ss:$0x1], $0xffff  }
.Ltmp4:
0x3b: {  	_ = 	snop;
	(pc) =	sbr.rel .LBB2_4-.Ltmp4, $1  }
0x3c: {  	_ =	sdelay $0x3  }
.LBB2_6:
0x3d: {  	_ =	sfence.sel $0x180000  }
0x3e: {  	s2 =	simm.s32 $0x2;
	[bflag:$0x0] =	sbarrier.arrive $0xFFFF  }
0x3f: {  	s30 =	simm.s32 $0x3;
	[sflag:s2] =	ssyncpa.u1 $0x1  }
0x40: {  	s31 =	simm.s32 $0x1;
	[sflag:s30] =	ssyncpa.u1 $0x1  }
0x41: {  	[sflag:s31] =	ssyncpa.u1 $0x1  }
0x42: {  	p0 =	sne.s32 s1, $0x0;
	_ =	strace $0x90000056  }
0x43: {  	s0 =	sadd.s32 @!p0 $0x100000, s0;
	[bflag:$0x2] =	sbarrier.arrive $0xFFFF  }
0x44: {  	[sflag:s0] =	ssyncadd.tile.s32 @!p0 $0x1;
	_ =	shalt  }
.Lfunc_end2:
_tile_overlayer_lowered:
.L_overlay_start_2:
0x45: {  	(tag) =	ssettag $0x2  }
0x46: {  	s0 =	rddreg [dreg:$0x0];
	s2 =	stileid.u32  }
0x47: {  	s1 =	rddreg [dreg:$0x1];
	p0 =	sne.s32 s2, $0x0  }
0x48: {  	s3 =	rddreg [dreg:$0x2];
	[bflag:$0x3] =	sbarrier.arrive $0xFFFF;
	s2 =	simm.s32 @!p0 $0x1C01  }
0x49: {  	[timem:s3], [sflag:s2] =	dma.local @!p0 [hbm:s0], s1  }
0x4a: {  	s0 =	simm.s32 @!p0 $0x1  }
0x4b: {  	_ =	swait.ge @!p0 [sflag:s0], s1  }
0x4c: {  	s1 =	ssub.s32 @!p0 $0x0, s1;
	[sflag:s0] =	ssyncset.done @!p0 $0x0  }
0x4d: {  	[sflag:s0] =	ssyncadd.s32 @!p0 s1  }
0x4e: {  	[bflag:$0x3] =	sbarrier.arrive $0xFFFF  }
0x4f: {  	_ =	shalt  }

// kernel: gather_offload_async_start.5
scs
__scs_entry_jumppad:
0x0: {  	(pc) =	sbr.rel $0x88, $3  }
0x1: {  	(tag) =	ssettag $0x0;
	lr =	simm.s32 $0x1  }
0x2: {  	[smem:$0x3F80] =	sst lr;
	_ =	strace $0xD0000000  }
0x3: {  	_ = 	snop  }
0x4: {  	_ = 	snop  }
0x5: {  	_ = 	snop  }
0x6: {  	_ = 	snop  }
0x7: {  	_ = 	snop  }
__scs_overlays_trampoline_lowered:
0x8: {  	[smem:$0x3F8F] =	sst s0  }
0x9: {  	[smem:$0x3F90] =	sst s1  }
0xa: {  	[smem:$0x3F91] =	sst s2  }
0xb: {  	[smem:$0x3F92] =	sst s3  }
0xc: {  	[smem:$0x3F93] =	sst s4  }
0xd: {  	[smem:$0x3F94] =	sst s5  }
0xe: {  	[smem:$0x3F95] =	sst s6  }
0xf: {  	[smem:$0x3F96] =	sst s7  }
0x10: {  	[smem:$0x3F97] =	sst s8  }
0x11: {  	[smem:$0x3F98] =	sst s9;
	s0 =	simm.s32 @!p0 $0x0  }
0x12: {  	s1 =	sld [smem:$0x3F7E];
	s0 =	simm.s32 @p0 $0x1  }
0x13: {  	[smem:$0x3F99] =	sst s0;
	s0 =	simm.s32 @!p1 $0x0  }
0x14: {  	s2 =	sld [smem:$0x3F7D];
	s0 =	simm.s32 @p1 $0x1  }
0x15: {  	[smem:$0x3F9A] =	sst s0;
	s0 =	simm.s32 @!p2 $0x0  }
0x16: {  	s3 =	sld [smem:$0x3FDB];
	s0 =	simm.s32 @p2 $0x1  }
0x17: {  	s4 =	simm.s32 $0x1BF5;
	[smem:$0x3F9C] =	sst s0  }
0x18: {  	s0 =	sld [smem:$0x3F7F];
	_ =	swait.ge [sflag:s4], $0x0  }
0x19: {  	s7 =	sld [smem:$0x3F80]  }
0x1a: {  	s8 =	sadd.s32 $0xFFFFE003, lr  }
0x1b: {  	s9 =	sadd.s32 $0xFFFFFEF7, lr;
	s5 =	simm.s32 $0xFFFFFFFF;
	p2 =	slt.u32 s8, $0xFFFFF086  }
0x1c: {  	p1 =	slt.u32 s9, $0xF7A;
	s5 =	simm.s32 @!p2 $0x0  }
0x1d: {  	s5 =	simm.s32 @p1 $0x1;
	p0 =	seq.s32 s7, s2  }
0x1e: {  	s7 =	smul.u32 @!p0 $0xF7A, s2;
	p2 =	seq.s32 @!p0 s5, $0x0  }
0x1f: {  	s9 =	smul.u32 $0xF7A, s1;
	s8 =	simm.s32 @!p0 $0x1BF5;
	p2 =	por !p2, p0  }
0x20: {  	[sflag:s8] =	ssyncset.s32 @!p0 $0xFFFFF086;
	s6 =	sadd.s32 @!p0 s3, s7;
	s7 =	simm.s32 @!p0 $0x108  }
0x21: {  	s3 =	sadd.s32 s3, s9;
	s6 =	sadd.s32 @!p0 $0x88, s6;
	s7 =	simm.s32 @p2 $0x1082  }
0x22: {  	[simem:s7], [sflag:s8] =	dma.local @!p0 [hbm:s6], $0xF7A  }
0x23: {  	s9 =	sor.u32 $0xD0000000, s2;
	s6 =	simm.s32 $0x108;
	_ =	swait.ge @!p0 [sflag:s8], $0x0  }
0x24: {  	s3 =	sadd.s32 $0x88, s3;
	s6 =	simm.s32 @!p1 $0x1082;
	[sflag:s4] =	ssyncset.s32 $0xFFFFF086  }
0x25: {  	[simem:s6], [sflag:s4] =	dma.local [hbm:s3], $0xF7A  }
0x26: {  	[smem:$0x3F80] =	sst s1;
	(tag) =	ssettag s2;
	_ =	strace s9  }
0x27: {  	s1 =	sld [smem:$0x3F90]  }
0x28: {  	s2 =	sld [smem:$0x3F91]  }
0x29: {  	s4 =	sld [smem:$0x3F93]  }
0x2a: {  	p0 =	seq.s32 s5, $0x0;
	s5 =	sld [smem:$0x3F94]  }
0x2b: {  	s6 =	sld [smem:$0x3F95]  }
0x2c: {  	s7 =	sld [smem:$0x3F96]  }
0x2d: {  	s3 =	simm.s32 $0x108;
	s8 =	sld [smem:$0x3F97]  }
0x2e: {  	s3 =	simm.s32 @!p0 $0x1082;
	s9 =	sld [smem:$0x3F98]  }
0x2f: {  	lr =	sadd.s32 s0, s3;
	s0 =	sld [smem:$0x3F8F]  }
0x30: {  	s3 =	sld [smem:$0x3F92]  }
0x31: {  	[smem:$0x3F9B] =	sst s10  }
0x32: {  	s10 =	sld [smem:$0x3F99];
	_ =	sdelay $0x3  }
0x33: {  	p0 =	seq.s32 s10, $0x1;
	s10 =	sld [smem:$0x3F9B];
	_ =	sdelay $0x3  }
0x34: {  	[smem:$0x3F9B] =	sst s10  }
0x35: {  	s10 =	sld [smem:$0x3F9A];
	_ =	sdelay $0x3  }
0x36: {  	p1 =	seq.s32 s10, $0x1;
	s10 =	sld [smem:$0x3F9B];
	_ =	sdelay $0x3  }
0x37: {  	[smem:$0x3F9B] =	sst s10  }
0x38: {  	s10 =	sld [smem:$0x3F9C]  }
0x39: {  	_ = 	snop;
	(pc) =	sbr.ind lr, $3  }
0x3a: {  	_ = 	snop  }
0x3b: {  	_ = 	snop  }
0x3c: {  	p2 =	seq.s32 s10, $0x1;
	s10 =	sld [smem:$0x3F9B]  }
0x3d: {  	_ =	shalt  }
0x3e: {  	_ =	shalt  }
0x3f: {  	_ =	shalt  }
0x40: {  	_ =	shalt  }
0x41: {  	_ =	shalt  }
0x42: {  	_ =	shalt  }
0x43: {  	_ =	shalt  }
0x44: {  	_ =	shalt  }
0x45: {  	_ =	shalt  }
0x46: {  	_ =	shalt  }
0x47: {  	_ =	shalt  }
0x48: {  	_ =	shalt  }
0x49: {  	_ =	shalt  }
0x4a: {  	_ =	shalt  }
0x4b: {  	_ =	shalt  }
0x4c: {  	_ =	shalt  }
0x4d: {  	_ =	shalt  }
0x4e: {  	_ =	shalt  }
0x4f: {  	_ =	shalt  }
0x50: {  	_ =	shalt  }
0x51: {  	_ =	shalt  }
0x52: {  	_ =	shalt  }
0x53: {  	_ =	shalt  }
0x54: {  	_ =	shalt  }
0x55: {  	_ =	shalt  }
0x56: {  	_ =	shalt  }
0x57: {  	_ =	shalt  }
0x58: {  	_ =	shalt  }
0x59: {  	_ =	shalt  }
0x5a: {  	_ =	shalt  }
0x5b: {  	_ =	shalt  }
0x5c: {  	_ =	shalt  }
0x5d: {  	_ =	shalt  }
0x5e: {  	_ =	shalt  }
0x5f: {  	_ =	shalt  }
0x60: {  	_ =	shalt  }
0x61: {  	_ =	shalt  }
0x62: {  	_ =	shalt  }
0x63: {  	_ =	shalt  }
0x64: {  	_ =	shalt  }
0x65: {  	_ =	shalt  }
0x66: {  	_ =	shalt  }
0x67: {  	_ =	shalt  }
0x68: {  	_ =	shalt  }
0x69: {  	_ =	shalt  }
0x6a: {  	_ =	shalt  }
0x6b: {  	_ =	shalt  }
0x6c: {  	_ =	shalt  }
0x6d: {  	_ =	shalt  }
0x6e: {  	_ =	shalt  }
0x6f: {  	_ =	shalt  }
0x70: {  	_ =	shalt  }
0x71: {  	_ =	shalt  }
0x72: {  	_ =	shalt  }
0x73: {  	_ =	shalt  }
0x74: {  	_ =	shalt  }
0x75: {  	_ =	shalt  }
0x76: {  	_ =	shalt  }
0x77: {  	_ =	shalt  }
0x78: {  	_ =	shalt  }
0x79: {  	_ =	shalt  }
0x7a: {  	_ =	shalt  }
0x7b: {  	_ =	shalt  }
0x7c: {  	_ =	shalt  }
0x7d: {  	_ =	shalt  }
0x7e: {  	_ =	shalt  }
0x7f: {  	_ =	shalt  }
0x80: {  	_ =	shalt  }
0x81: {  	_ =	shalt  }
0x82: {  	_ =	shalt  }
0x83: {  	_ =	shalt  }
0x84: {  	_ =	shalt  }
0x85: {  	_ =	shalt  }
0x86: {  	_ =	shalt  }
0x87: {  	_ =	shalt  }
.Lfunc_end0:
.L_simem_size_0:
called_computation.5_lowered:
.L_overlay_start_0:
0x88: {  	s2 =	sld [smem:$0x3FD9]  }
0x89: {  	s3 =	sld [smem:$0x3FFE];
	_ =	sdelay $0x1  }
0x8a: {  	s1 =	srdreg.scid  }
0x8b: {  	s0 =	sand.u32 $0x1, s1  }
0x8c: {  	s16 =	sshll.u32 s0, $0xA;
	s2 =	sadd.s32 s3, s2  }
0x8d: {  	s2 =	sadd.s32 s2, s16  }
0x8e: {  	[smem:$0x3FA7] =	sst s2  }
0x8f: {  	_ = 	snop  }
0x90: {  	(tm) =	ssettm $0x1  }
0x91: {  	s17 =	sld [smem:$0x3FFB];
	_ =	sdelay $0x3  }
0x92: {  	_ =	strace s17  }
0x93: {  	s2 =	sld [smem:$0x3FFC];
	_ =	sdelay $0x3  }
0x94: {  	_ =	strace s2  }
0x95: {  	s2 =	sld [smem:$0x3FFD];
	_ =	sdelay $0x3  }
0x96: {  	_ =	strace s2  }
0x97: {  	_ =	strace $0x8FFFFFFF  }
0x98: {  	s18 =	sld [smem:$0x3FDB];
	_ =	sdelay $0x1  }
0x99: {  	s19 =	simm.s32 $_scs_section_size  }
0x9a: {  	s4 =	simm.s32 $_size__tile_overlayer_lowered;
	s5 =	simm.s32 $_tile_overlayer_lowered  }
0x9b: {  	s22 =	simm.s32 $0x1BFF;
	s21 =	sshll.u32 s5, $0x1;
	s2 =	sadd.s32 s19, s18  }
0x9c: {  	s6 =	simm.s32 $0x0;
	s20 =	sshll.u32 s4, $0x1;
	s4 =	sadd.s32 s21, s2  }
0x9d: {  	[timem:s6], [sflag:s22] =	dma.local [hbm:s4], s20  }
0x9e: {  	_ =	swait.ge [sflag:s22], s20  }
0x9f: {  	s3 =	ssub.s32 $0x0, s20;
	[sflag:s22] =	ssyncset.done $0x0  }
0xa0: {  	[sflag:s22] =	ssyncadd.s32 s3;
	_ =	sdelay $0x1  }
0xa1: {  	s23 =	simm.s32 $0x1B8B  }
0xa2: {  	_ =	swait.ge [sflag:s23], $0x1  }
0xa3: {  	[sflag:s23] =	ssyncset.done $0x0  }
0xa4: {  	s25 =	simm.s32 $0x1B8E;
	s24 =	sld [smem:$0x3FFE];
	[sflag:s23] =	ssyncadd.s32 $0xFFFFFFFF  }
0xa5: {  	s26 =	simm.s32 $execute0_lowered;
	[smem:$0x3FD2] =	sst s25  }
0xa6: {  	s4 =	sshll.u32 s26, $0x1;
	_ =	strace $0x80000058;
	[dreg:$0x1] =	wrdreg $0xFFFFFFFF  }
0xa7: {  	s28 =	simm.s32 $_size_execute0_lowered;
	s2 =	sadd.s32 s2, s4;
	[dreg:$0x0] =	wrdreg $0x0  }
0xa8: {  	s4 =	sshll.u32 s28, $0x1;
	[dreg:$0x2] =	wrdreg s2  }
0xa9: {  	[dreg:$0x3] =	wrdreg s4  }
0xaa: {  	[dreg:$0x4] =	wrdreg $0xC0  }
0xab: {  	_ =	task [dreg:s6], $0x5FFFF  }
0xac: {  	[dreg:$0x1] =	wrdreg $0xFFFFFFFF  }
0xad: {  	[dreg:$0x0] =	wrdreg $0x60  }
0xae: {  	[dreg:$0x2] =	wrdreg s24  }
0xaf: {  	[dreg:$0x3] =	wrdreg $0x9  }
0xb0: {  	_ =	task.clear_ibuf [dreg:s6], $0x4FFFF;
	_ =	strace $0x90000058  }
0xb1: {  	s29 =	simm.s32 $0x9;
	_ =	strace $0x8000005A  }
0xb2: {  	_ =	swait.ge [sflag:s29], $0x1  }
0xb3: {  	[sflag:s29] =	ssyncadd.s32 $0xFFFFFFFF  }
0xb4: {  	_ =	strace $0x9000005A  }
0xb5: {  	_ =	sfence  }
0xb6: {  	s30 =	sld [smem:$0x0];
	_ =	sdelay $0x2  }
0xb7: {  	s31 =	sshll.u32 s1, $0xD;
	s1 =	sshrl.u32 s1, $0x2  }
0xb8: {  	s3 =	sand.u32 $0x4000, s31;
	s1 =	sadd.s32 s1, s30  }
0xb9: {  	s0 =	sor.u32 s3, s0;
	s1 =	sshll.u32 s1, $0x11  }
0xba: {  	s0 =	sor.u32 s1, s0  }
0xbb: {  	s0 =	sadd.s32 $0x8F2B, s0  }
0xbc: {  	[sflag:s0] =	ssyncadd.remote.s32 $0x1  }
0xbd: {  	_ =	sfence.sel $0xFFFF  }
0xbe: {  	[dreg:$0x0] =	wrdreg $0xFFFFFFFF;
	(pc) =	sbr.abs _section_cstart, $3  }
0xbf: {  	[dreg:$0x1] =	wrdreg $0xFFFFFFFF  }
0xc0: {  	_ =	task.clear_ibuf [dreg:s6], $0x2FFFF;
	_ =	strace $0x9FFFFFFF  }
0xc1: {  	(tm) =	ssettm $0x7FFFFFFF  }
tec
execute0_lowered:
.L_overlay_start_1:
0x0: {  	(tag) =	ssettag $0x1  }
0x1: {  	s8 =	rddreg [dreg:$0x0];
	s1 =	stileid.u32  }
0x2: {  	s2 =	srdreg.scid;
	s0 =	rddreg [dreg:$0x1]  }
0x3: {  	_ =	strace $0x80000059;
	s5 =	simm.s32 $0x1;
	s9 =	simm.s32 $0x1  }
0x4: {  	s10 =	simm.s32 $0x3;
	s2 =	sand.u32 $0x1, s2;
	s3 =	sshll.u32 s1, $0x1  }
0x5: {  	s13 =	simm.s32 $0x0;
	s12 =	simm.s32 $0x0;
	s6 =	sor.u32 s3, s2  }
0x6: {  	[sflag:s5] =	ssyncpa.u1 $0x0;
	s2 =	sadd.s32 $0x56200, s8;
	s4 =	smul.u32 $0x2F00, s6  }
0x7: {  	s3 =	sadd.s32 $0x69E00, s8;
	p0 =	slt.u32 s6, $0x9;
	s6 =	simm.s32 $0x5E000  }
.Ltmp0:
0x8: {  	s6 =	simm.s32 @!p0 $0x0;
	s7 =	ssub.s32 $0x75800, s4;
	(pc) =	sbr.rel .LBB2_1-.Ltmp0, $4  }
0x9: {  	s9 =	simm.s32 @!p0 $0x0;
	p0 =	sne.s32 s7, s6;
	s7 =	simm.s32 $0x1  }
0xa: {  	s8 =	sadd.s32 $0x23C00, s8;
	s6 =	simm.s32 $0x2;
	s7 =	simm.s32 @!p0 $0x0  }
0xb: {  	s11 =	smov.u32 s4;
	[sflag:s6] =	ssyncpa.u1 $0x0;
	s7 =	sadd.s32 s9, s7  }
0xc: {  	vm0 =	vmmov $0xffff;
	[sflag:s10] =	ssyncpa.u1 $0x0;
	s10 =	simm.s32 $0x0;
	s9 =	sadd.s32 $0x1, s7  }
.LBB2_4:
0xd: {  	v2 =	vnsel vm1, $0x0, v2  }
0xe: {  	vm1 =	vgt.s32 v0, $0x0;
	v2 =	vmin.u32 v2, $0x4E1FF  }
0xf: {  	v0 =	vnsel vm1, $0x0, v0  }
0x10: {  	v0 =	vmin.u32 v0, $0x4E1FF  }
0x11: {  	[tilespmem:s18], [sflag:$0x1] =	stream.indirect_vreg.gather [hbm4b:s2+s10], $0x1, v1, vm0, $0x4038;
	[tilespmem:$0xBC00] =	vst v63  }
0x12: {  	(ifvalue) =	ssetifvalue $0x7FFFFFFF  }
0x13: {  	[tilespmem:s15], [sflag:$0x1] =	stream.indirect_vreg.gather [hbm4b:s2+s10], $0x1, v2, vm0, $0x4038;
	[tilespmem:$0xBC00] =	vst v63  }
0x14: {  	s29 =	sadd.s32 $0x10, s15;
	(ifvalue) =	ssetifvalue $0x7FFFFFFF  }
0x15: {  	[tilespmem:s29], [sflag:$0x1] =	stream.indirect_vreg.gather [hbm4b:s2+s10], $0x1, v0, vm0, $0x4038;
	[tilespmem:$0xBC00] =	vst v63  }
0x16: {  	_ =	swait.ge [sflag:s5], $0x2F00  }
0x17: {  	s30 =	sshrl.u32 s13, $0x3;
	[sflag:s5] =	ssyncset.done $0x0  }
0x18: {  	s31 =	sand.u32 $0x7, s13;
	s15 =	sadd.s32 s8, s30;
	[sflag:s5] =	ssyncadd.s32 $0xFFFFD100  }
0x19: {  	[hbm4b:s15+s31] =	stream.linear.scatter [tilespmem:s14], [sflag:$0x3], $0x2F00, $0x38;
	[tilespmem:$0xBC00] =	vst v63  }
.LBB2_5:
0x1a: {  	s15 =	sadd.s32 $0x5E000, s11  }
0x1b: {  	p1 =	sgt.s32 s15, $0x757FF  }
0x1c: {  	s15 =	smov.u32 @p1 s4;
	p1 =	sne.s32 s12, s9  }
.Ltmp1:
0x1d: {  	p0 =	slt.u32 s12, $0x2;
	(pc) =	sbr.rel @!p1 .LBB2_6-.Ltmp1, $4  }
0x1e: {  	s14 =	simm.s32 @!p0 $0x3  }
0x1f: {  	_ =	swait.ge @!p0 [sflag:s14], $0x2F00  }
0x20: {  	s16 =	sadd.s32 $0x1, s12;
	s13 =	smov.u32 s11;
	[sflag:s14] =	ssyncset.done @!p0 $0x0  }
0x21: {  	s12 =	smov.u32 s16;
	s11 =	smov.u32 s15;
	[sflag:s14] =	ssyncadd.s32 @!p0 $0xFFFFD100  }
.LBB2_1:
0x22: {  	p0 =	sge.u32 s12, s7  }
0x23: {  	s14 =	sxor.u32 @!p0 $0x1, s12  }
0x24: {  	s14 =	smul.u32 @!p0 $0xBC00, s14  }
0x25: {  	s31 =	sadd.s32 $0xFFFFFFFF, s12;
	s15 =	sshrl.u32 @!p0 s11, $0x3  }
0x26: {  	s16 =	sand.u32 @!p0 $0x7, s11;
	s15 =	sadd.s32 @!p0 s3, s15;
	s14 =	sshra.s32 @!p0 s14, $0x2  }
0x27: {  	[tilespmem:s14], [sflag:$0x2] =	stream.linear.gather @!p0 [hbm4b:s15+s16], $0x2F00, $0x38;
	[tilespmem:$0xBC00] =	vst v63  }
0x28: {  	p0 =	sge.u32 s31, s7  }
.Ltmp2:
0x29: {  	_ = 	snop;
	(pc) =	sbr.rel @p0 .LBB2_5-.Ltmp2, $1  }
0x2a: {  	_ =	sdelay $0x3  }
0x2b: {  	s14 =	sand.u32 $0x1, s12  }
0x2c: {  	_ =	swait.ge [sflag:s6], $0x2F00;
	p0 =	seq.s32 s14, $0x1;
	s14 =	simm.s32 $0x2F00  }
0x2d: {  	[sflag:s6] =	ssyncset.done $0x0;
	s14 =	simm.s32 @!p0 $0x0  }
0x2e: {  	[sflag:s6] =	ssyncadd.s32 $0xFFFFD100;
	(ifvalue) =	ssetifvalue $0x7FFFFFFF;
	v0 =	vld.msk [tilespmem:s14+$0x0 ss:$0x1], $0xffff;
	_ =	sdelay $0x4  }
0x2f: {  	s15 =	sadd.s32 $0x10, s14;
	vm1 =	vgt.s32 v0, $0x0  }
0x30: {  	v2 =	vld.msk [tilespmem:s15+$0x0 ss:$0x1], $0xffff;
	v1 =	vnsel vm1, $0x0, v0  }
0x31: {  	v1 =	vmin.u32 v1, $0x4E1FF;
	_ =	sdelay $0x2  }
0x32: {  	s17 =	simm.s32 $0x20;
	s14 =	sadd.s32 $0x5E00, s14;
	s16 =	sadd.s32 $0x10, s15  }
0x33: {  	s15 =	sadd.s32 $0x10, s14;
	s18 =	smov.u32 s14;
	v0 =	vld.msk [tilespmem:s16+$0x0 ss:$0x1], $0xffff;
	vm1 =	vgt.s32 v2, $0x0;
	(ifvalue) =	ssetifvalue $0x7FFFFFFF  }
.LBB2_3:
0x34: {  	[tilespmem:s18], [sflag:$0x1] =	stream.indirect_vreg.gather [hbm4b:s2+s10], $0x1, v1, vm0, $0x4038;
	[tilespmem:$0xBC00] =	vst v63  }
0x35: {  	s17 =	sadd.s32 $0x10, s17  }
0x36: {  	v2 =	vnsel vm1, $0x0, v2;
	p0 =	slt.u32 s17, $0x2EF0  }
.Ltmp3:
0x37: {  	s18 =	smov.u32 s15;
	v1 =	vmin.u32 v2, $0x4E1FF;
	(pc) =	sbr.rel @p0 .LBB2_3-.Ltmp3, $3  }
0x38: {  	_ =	sdelay $0x1  }
0x39: {  	s16 =	sadd.s32 $0x10, s16  }
0x3a: {  	vm1 =	vgt.s32 v0, $0x0;
	s15 =	sadd.s32 $0x10, s15;
	v2 =	vmov v0;
	(ifvalue) =	ssetifvalue $0x7FFFFFFF;
	v0 =	vld.msk [tilespmem:s16+$0x0 ss:$0x1], $0xffff  }
.Ltmp4:
0x3b: {  	_ = 	snop;
	(pc) =	sbr.rel .LBB2_4-.Ltmp4, $1  }
0x3c: {  	_ =	sdelay $0x3  }
.LBB2_6:
0x3d: {  	_ =	sfence.sel $0x180000  }
0x3e: {  	s2 =	simm.s32 $0x2;
	[bflag:$0x0] =	sbarrier.arrive $0xFFFF  }
0x3f: {  	s30 =	simm.s32 $0x3;
	[sflag:s2] =	ssyncpa.u1 $0x1  }
0x40: {  	s31 =	simm.s32 $0x1;
	[sflag:s30] =	ssyncpa.u1 $0x1  }
0x41: {  	[sflag:s31] =	ssyncpa.u1 $0x1  }
0x42: {  	p0 =	sne.s32 s1, $0x0;
	_ =	strace $0x90000059  }
0x43: {  	s0 =	sadd.s32 @!p0 $0x100000, s0;
	[bflag:$0x2] =	sbarrier.arrive $0xFFFF  }
0x44: {  	[sflag:s0] =	ssyncadd.tile.s32 @!p0 $0x1;
	_ =	shalt  }
.Lfunc_end2:
_tile_overlayer_lowered:
.L_overlay_start_2:
0x45: {  	(tag) =	ssettag $0x2  }
0x46: {  	s0 =	rddreg [dreg:$0x0];
	s2 =	stileid.u32  }
0x47: {  	s1 =	rddreg [dreg:$0x1];
	p0 =	sne.s32 s2, $0x0  }
0x48: {  	s3 =	rddreg [dreg:$0x2];
	[bflag:$0x3] =	sbarrier.arrive $0xFFFF;
	s2 =	simm.s32 @!p0 $0x1C01  }
0x49: {  	[timem:s3], [sflag:s2] =	dma.local @!p0 [hbm:s0], s1  }
0x4a: {  	s0 =	simm.s32 @!p0 $0x1  }
0x4b: {  	_ =	swait.ge @!p0 [sflag:s0], s1  }
0x4c: {  	s1 =	ssub.s32 @!p0 $0x0, s1;
	[sflag:s0] =	ssyncset.done @!p0 $0x0  }
0x4d: {  	[sflag:s0] =	ssyncadd.s32 @!p0 s1  }
0x4e: {  	[bflag:$0x3] =	sbarrier.arrive $0xFFFF  }
0x4f: {  	_ =	shalt  }

// kernel: gather_offload_async_start.6
scs
__scs_entry_jumppad:
0x0: {  	(pc) =	sbr.rel $0x88, $3  }
0x1: {  	(tag) =	ssettag $0x0;
	lr =	simm.s32 $0x1  }
0x2: {  	[smem:$0x3F80] =	sst lr;
	_ =	strace $0xD0000000  }
0x3: {  	_ = 	snop  }
0x4: {  	_ = 	snop  }
0x5: {  	_ = 	snop  }
0x6: {  	_ = 	snop  }
0x7: {  	_ = 	snop  }
__scs_overlays_trampoline_lowered:
0x8: {  	[smem:$0x3F8F] =	sst s0  }
0x9: {  	[smem:$0x3F90] =	sst s1  }
0xa: {  	[smem:$0x3F91] =	sst s2  }
0xb: {  	[smem:$0x3F92] =	sst s3  }
0xc: {  	[smem:$0x3F93] =	sst s4  }
0xd: {  	[smem:$0x3F94] =	sst s5  }
0xe: {  	[smem:$0x3F95] =	sst s6  }
0xf: {  	[smem:$0x3F96] =	sst s7  }
0x10: {  	[smem:$0x3F97] =	sst s8  }
0x11: {  	[smem:$0x3F98] =	sst s9;
	s0 =	simm.s32 @!p0 $0x0  }
0x12: {  	s1 =	sld [smem:$0x3F7E];
	s0 =	simm.s32 @p0 $0x1  }
0x13: {  	[smem:$0x3F99] =	sst s0;
	s0 =	simm.s32 @!p1 $0x0  }
0x14: {  	s2 =	sld [smem:$0x3F7D];
	s0 =	simm.s32 @p1 $0x1  }
0x15: {  	[smem:$0x3F9A] =	sst s0;
	s0 =	simm.s32 @!p2 $0x0  }
0x16: {  	s3 =	sld [smem:$0x3FDB];
	s0 =	simm.s32 @p2 $0x1  }
0x17: {  	s4 =	simm.s32 $0x1BF5;
	[smem:$0x3F9C] =	sst s0  }
0x18: {  	s0 =	sld [smem:$0x3F7F];
	_ =	swait.ge [sflag:s4], $0x0  }
0x19: {  	s7 =	sld [smem:$0x3F80]  }
0x1a: {  	s8 =	sadd.s32 $0xFFFFE003, lr  }
0x1b: {  	s9 =	sadd.s32 $0xFFFFFEF7, lr;
	s5 =	simm.s32 $0xFFFFFFFF;
	p2 =	slt.u32 s8, $0xFFFFF086  }
0x1c: {  	p1 =	slt.u32 s9, $0xF7A;
	s5 =	simm.s32 @!p2 $0x0  }
0x1d: {  	s5 =	simm.s32 @p1 $0x1;
	p0 =	seq.s32 s7, s2  }
0x1e: {  	s7 =	smul.u32 @!p0 $0xF7A, s2;
	p2 =	seq.s32 @!p0 s5, $0x0  }
0x1f: {  	s9 =	smul.u32 $0xF7A, s1;
	s8 =	simm.s32 @!p0 $0x1BF5;
	p2 =	por !p2, p0  }
0x20: {  	[sflag:s8] =	ssyncset.s32 @!p0 $0xFFFFF086;
	s6 =	sadd.s32 @!p0 s3, s7;
	s7 =	simm.s32 @!p0 $0x108  }
0x21: {  	s3 =	sadd.s32 s3, s9;
	s6 =	sadd.s32 @!p0 $0x88, s6;
	s7 =	simm.s32 @p2 $0x1082  }
0x22: {  	[simem:s7], [sflag:s8] =	dma.local @!p0 [hbm:s6], $0xF7A  }
0x23: {  	s9 =	sor.u32 $0xD0000000, s2;
	s6 =	simm.s32 $0x108;
	_ =	swait.ge @!p0 [sflag:s8], $0x0  }
0x24: {  	s3 =	sadd.s32 $0x88, s3;
	s6 =	simm.s32 @!p1 $0x1082;
	[sflag:s4] =	ssyncset.s32 $0xFFFFF086  }
0x25: {  	[simem:s6], [sflag:s4] =	dma.local [hbm:s3], $0xF7A  }
0x26: {  	[smem:$0x3F80] =	sst s1;
	(tag) =	ssettag s2;
	_ =	strace s9  }
0x27: {  	s1 =	sld [smem:$0x3F90]  }
0x28: {  	s2 =	sld [smem:$0x3F91]  }
0x29: {  	s4 =	sld [smem:$0x3F93]  }
0x2a: {  	p0 =	seq.s32 s5, $0x0;
	s5 =	sld [smem:$0x3F94]  }
0x2b: {  	s6 =	sld [smem:$0x3F95]  }
0x2c: {  	s7 =	sld [smem:$0x3F96]  }
0x2d: {  	s3 =	simm.s32 $0x108;
	s8 =	sld [smem:$0x3F97]  }
0x2e: {  	s3 =	simm.s32 @!p0 $0x1082;
	s9 =	sld [smem:$0x3F98]  }
0x2f: {  	lr =	sadd.s32 s0, s3;
	s0 =	sld [smem:$0x3F8F]  }
0x30: {  	s3 =	sld [smem:$0x3F92]  }
0x31: {  	[smem:$0x3F9B] =	sst s10  }
0x32: {  	s10 =	sld [smem:$0x3F99];
	_ =	sdelay $0x3  }
0x33: {  	p0 =	seq.s32 s10, $0x1;
	s10 =	sld [smem:$0x3F9B];
	_ =	sdelay $0x3  }
0x34: {  	[smem:$0x3F9B] =	sst s10  }
0x35: {  	s10 =	sld [smem:$0x3F9A];
	_ =	sdelay $0x3  }
0x36: {  	p1 =	seq.s32 s10, $0x1;
	s10 =	sld [smem:$0x3F9B];
	_ =	sdelay $0x3  }
0x37: {  	[smem:$0x3F9B] =	sst s10  }
0x38: {  	s10 =	sld [smem:$0x3F9C]  }
0x39: {  	_ = 	snop;
	(pc) =	sbr.ind lr, $3  }
0x3a: {  	_ = 	snop  }
0x3b: {  	_ = 	snop  }
0x3c: {  	p2 =	seq.s32 s10, $0x1;
	s10 =	sld [smem:$0x3F9B]  }
0x3d: {  	_ =	shalt  }
0x3e: {  	_ =	shalt  }
0x3f: {  	_ =	shalt  }
0x40: {  	_ =	shalt  }
0x41: {  	_ =	shalt  }
0x42: {  	_ =	shalt  }
0x43: {  	_ =	shalt  }
0x44: {  	_ =	shalt  }
0x45: {  	_ =	shalt  }
0x46: {  	_ =	shalt  }
0x47: {  	_ =	shalt  }
0x48: {  	_ =	shalt  }
0x49: {  	_ =	shalt  }
0x4a: {  	_ =	shalt  }
0x4b: {  	_ =	shalt  }
0x4c: {  	_ =	shalt  }
0x4d: {  	_ =	shalt  }
0x4e: {  	_ =	shalt  }
0x4f: {  	_ =	shalt  }
0x50: {  	_ =	shalt  }
0x51: {  	_ =	shalt  }
0x52: {  	_ =	shalt  }
0x53: {  	_ =	shalt  }
0x54: {  	_ =	shalt  }
0x55: {  	_ =	shalt  }
0x56: {  	_ =	shalt  }
0x57: {  	_ =	shalt  }
0x58: {  	_ =	shalt  }
0x59: {  	_ =	shalt  }
0x5a: {  	_ =	shalt  }
0x5b: {  	_ =	shalt  }
0x5c: {  	_ =	shalt  }
0x5d: {  	_ =	shalt  }
0x5e: {  	_ =	shalt  }
0x5f: {  	_ =	shalt  }
0x60: {  	_ =	shalt  }
0x61: {  	_ =	shalt  }
0x62: {  	_ =	shalt  }
0x63: {  	_ =	shalt  }
0x64: {  	_ =	shalt  }
0x65: {  	_ =	shalt  }
0x66: {  	_ =	shalt  }
0x67: {  	_ =	shalt  }
0x68: {  	_ =	shalt  }
0x69: {  	_ =	shalt  }
0x6a: {  	_ =	shalt  }
0x6b: {  	_ =	shalt  }
0x6c: {  	_ =	shalt  }
0x6d: {  	_ =	shalt  }
0x6e: {  	_ =	shalt  }
0x6f: {  	_ =	shalt  }
0x70: {  	_ =	shalt  }
0x71: {  	_ =	shalt  }
0x72: {  	_ =	shalt  }
0x73: {  	_ =	shalt  }
0x74: {  	_ =	shalt  }
0x75: {  	_ =	shalt  }
0x76: {  	_ =	shalt  }
0x77: {  	_ =	shalt  }
0x78: {  	_ =	shalt  }
0x79: {  	_ =	shalt  }
0x7a: {  	_ =	shalt  }
0x7b: {  	_ =	shalt  }
0x7c: {  	_ =	shalt  }
0x7d: {  	_ =	shalt  }
0x7e: {  	_ =	shalt  }
0x7f: {  	_ =	shalt  }
0x80: {  	_ =	shalt  }
0x81: {  	_ =	shalt  }
0x82: {  	_ =	shalt  }
0x83: {  	_ =	shalt  }
0x84: {  	_ =	shalt  }
0x85: {  	_ =	shalt  }
0x86: {  	_ =	shalt  }
0x87: {  	_ =	shalt  }
.Lfunc_end0:
.L_simem_size_0:
called_computation.6_lowered:
.L_overlay_start_0:
0x88: {  	s2 =	sld [smem:$0x3FD9]  }
0x89: {  	s3 =	sld [smem:$0x3FFE];
	_ =	sdelay $0x1  }
0x8a: {  	s1 =	srdreg.scid  }
0x8b: {  	s0 =	sand.u32 $0x1, s1  }
0x8c: {  	s17 =	sshll.u32 s0, $0xA;
	s2 =	sadd.s32 s3, s2  }
0x8d: {  	s2 =	sadd.s32 s2, s17  }
0x8e: {  	[smem:$0x3FA7] =	sst s2  }
0x8f: {  	_ = 	snop  }
0x90: {  	(tm) =	ssettm $0x1  }
0x91: {  	s18 =	sld [smem:$0x3FFB];
	_ =	sdelay $0x3  }
0x92: {  	_ =	strace s18  }
0x93: {  	s2 =	sld [smem:$0x3FFC];
	_ =	sdelay $0x3  }
0x94: {  	_ =	strace s2  }
0x95: {  	s2 =	sld [smem:$0x3FFD];
	_ =	sdelay $0x3  }
0x96: {  	_ =	strace s2  }
0x97: {  	_ =	strace $0x8FFFFFFF  }
0x98: {  	s19 =	sld [smem:$0x3FDB];
	_ =	sdelay $0x1  }
0x99: {  	s20 =	simm.s32 $_scs_section_size  }
0x9a: {  	s4 =	simm.s32 $_size__tile_overlayer_lowered;
	s5 =	simm.s32 $_tile_overlayer_lowered  }
0x9b: {  	s6 =	simm.s32 $0x1BFF;
	s21 =	sshll.u32 s5, $0x1;
	s3 =	sadd.s32 s20, s19  }
0x9c: {  	s22 =	simm.s32 $0x0;
	s4 =	sshll.u32 s4, $0x1;
	s5 =	sadd.s32 s21, s3  }
0x9d: {  	[timem:s22], [sflag:s6] =	dma.local [hbm:s5], s4  }
0x9e: {  	_ =	swait.ge [sflag:s6], s4  }
0x9f: {  	s4 =	ssub.s32 $0x0, s4;
	[sflag:s6] =	ssyncset.done $0x0  }
0xa0: {  	[sflag:s6] =	ssyncadd.s32 s4;
	_ =	sdelay $0x1  }
0xa1: {  	s23 =	simm.s32 $0x1B8B  }
0xa2: {  	_ =	swait.ge [sflag:s23], $0x1  }
0xa3: {  	[sflag:s23] =	ssyncset.done $0x0  }
0xa4: {  	[sflag:s23] =	ssyncadd.s32 $0xFFFFFFFF  }
0xa5: {  	s4 =	sld [smem:$0x0]  }
0xa6: {  	s5 =	sand.u32 $0xFFFFFFFE, s1  }
0xa7: {  	p0 =	sne.s32 s1, s5  }
0xa8: {  	s5 =	sshll.u32 @p0 s5, $0xE  }
0xa9: {  	s5 =	sadd.s32 @p0 $0x11B8D, s5;
	s6 =	sshll.u32 @p0 s4, $0x11  }
0xaa: {  	s5 =	sor.u32 @p0 s6, s5  }
0xab: {  	[sflag:s5] =	ssyncadd.remote.s32 @p0 $0x1;
	_ =	sdelay $0x1  }
0xac: {  	s5 =	simm.s32 @p0 $0x1B8D  }
0xad: {  	_ =	swait.eq @p0 [sflag:s5], $0x1  }
0xae: {  	[sflag:s5] =	ssyncadd.s32 @p0 $0xFFFFFFFF  }
0xaf: {  	s6 =	sshll.u32 @!p0 s1, $0xE  }
0xb0: {  	s6 =	sor.u32 @!p0 $0x4000, s6;
	s5 =	simm.s32 @!p0 $0x1B8D  }
0xb1: {  	s4 =	sshll.u32 @!p0 s4, $0x11;
	s6 =	sadd.s32 @!p0 $0x11B8D, s6;
	_ =	swait.eq @!p0 [sflag:s5], $0x1  }
0xb2: {  	s4 =	sor.u32 @!p0 s4, s6;
	[sflag:s5] =	ssyncadd.s32 @!p0 $0xFFFFFFFF  }
0xb3: {  	s25 =	simm.s32 $0x1B8E;
	s24 =	sld [smem:$0x3FFE];
	[sflag:s4] =	ssyncadd.remote.s32 @!p0 $0x1  }
0xb4: {  	s26 =	simm.s32 $execute0_lowered;
	[smem:$0x3FD2] =	sst s25  }
0xb5: {  	s5 =	sshll.u32 s26, $0x1;
	_ =	strace $0x80000052;
	[dreg:$0x1] =	wrdreg $0xFFFFFFFF  }
0xb6: {  	s28 =	simm.s32 $_size_execute0_lowered;
	s3 =	sadd.s32 s3, s5;
	[dreg:$0x0] =	wrdreg $0x0  }
0xb7: {  	s5 =	sshll.u32 s28, $0x1;
	[dreg:$0x2] =	wrdreg s3  }
0xb8: {  	[dreg:$0x3] =	wrdreg s5  }
0xb9: {  	[dreg:$0x4] =	wrdreg $0xC0  }
0xba: {  	_ =	task [dreg:s22], $0x5FFFF  }
0xbb: {  	[dreg:$0x1] =	wrdreg $0xFFFFFFFF  }
0xbc: {  	[dreg:$0x0] =	wrdreg $0x60  }
0xbd: {  	[dreg:$0x2] =	wrdreg s24  }
0xbe: {  	[dreg:$0x3] =	wrdreg $0x9  }
0xbf: {  	_ =	task.clear_ibuf [dreg:s22], $0x4FFFF;
	_ =	strace $0x90000052  }
0xc0: {  	s29 =	simm.s32 $0x9;
	_ =	strace $0x80000054  }
0xc1: {  	_ =	swait.ge [sflag:s29], $0x1  }
0xc2: {  	[sflag:s29] =	ssyncadd.s32 $0xFFFFFFFF  }
0xc3: {  	_ =	strace $0x90000054  }
0xc4: {  	_ =	sfence  }
0xc5: {  	s30 =	sld [smem:$0x0];
	_ =	sdelay $0x2  }
0xc6: {  	s31 =	sshll.u32 s1, $0xD;
	s1 =	sshrl.u32 s1, $0x2  }
0xc7: {  	s4 =	sand.u32 $0x4000, s31;
	s1 =	sadd.s32 s1, s30  }
0xc8: {  	s0 =	sor.u32 s4, s0;
	s1 =	sshll.u32 s1, $0x11  }
0xc9: {  	s0 =	sor.u32 s1, s0  }
0xca: {  	s0 =	sadd.s32 $0x8F2B, s0  }
0xcb: {  	[sflag:s0] =	ssyncadd.remote.s32 $0x1  }
0xcc: {  	_ =	sfence.sel $0xFFFF  }
0xcd: {  	[dreg:$0x0] =	wrdreg $0xFFFFFFFF;
	(pc) =	sbr.abs _section_cstart, $3  }
0xce: {  	[dreg:$0x1] =	wrdreg $0xFFFFFFFF  }
0xcf: {  	_ =	task.clear_ibuf [dreg:s22], $0x2FFFF;
	_ =	strace $0x9FFFFFFF  }
0xd0: {  	(tm) =	ssettm $0x7FFFFFFF  }
0xd1: {  	_ =	shalt  }
tec
execute0_lowered:
.L_overlay_start_1:
0x0: {  	(tag) =	ssettag $0x1  }
0x1: {  	s8 =	rddreg [dreg:$0x0];
	s1 =	stileid.u32  }
0x2: {  	s2 =	srdreg.scid;
	s0 =	rddreg [dreg:$0x1]  }
0x3: {  	_ =	strace $0x80000053;
	s5 =	simm.s32 $0x1;
	s9 =	simm.s32 $0x1  }
0x4: {  	s10 =	simm.s32 $0x3;
	s2 =	sand.u32 $0x1, s2;
	s3 =	sshll.u32 s1, $0x1  }
0x5: {  	s13 =	simm.s32 $0x0;
	s12 =	simm.s32 $0x0;
	s6 =	sor.u32 s3, s2  }
0x6: {  	[sflag:s5] =	ssyncpa.u1 $0x0;
	s2 =	sadd.s32 $0x56200, s8;
	s4 =	smul.u32 $0x2F00, s6  }
0x7: {  	s3 =	sadd.s32 $0x3D800, s8;
	p0 =	slt.u32 s6, $0x9;
	s6 =	simm.s32 $0x5E000  }
.Ltmp0:
0x8: {  	s6 =	simm.s32 @!p0 $0x0;
	s7 =	ssub.s32 $0x75800, s4;
	(pc) =	sbr.rel .LBB2_1-.Ltmp0, $4  }
0x9: {  	s9 =	simm.s32 @!p0 $0x0;
	p0 =	sne.s32 s7, s6;
	s7 =	simm.s32 $0x1  }
0xa: {  	s8 =	sadd.s32 $0x9A800, s8;
	s6 =	simm.s32 $0x2;
	s7 =	simm.s32 @!p0 $0x0  }
0xb: {  	s11 =	smov.u32 s4;
	[sflag:s6] =	ssyncpa.u1 $0x0;
	s7 =	sadd.s32 s9, s7  }
0xc: {  	vm0 =	vmmov $0xffff;
	[sflag:s10] =	ssyncpa.u1 $0x0;
	s10 =	simm.s32 $0x0;
	s9 =	sadd.s32 $0x1, s7  }
.LBB2_4:
0xd: {  	v2 =	vnsel vm1, $0x0, v2  }
0xe: {  	vm1 =	vgt.s32 v0, $0x0;
	v2 =	vmin.u32 v2, $0x4E1FF  }
0xf: {  	v0 =	vnsel vm1, $0x0, v0  }
0x10: {  	v0 =	vmin.u32 v0, $0x4E1FF  }
0x11: {  	[tilespmem:s18], [sflag:$0x1] =	stream.indirect_vreg.gather [hbm4b:s2+s10], $0x1, v1, vm0, $0x4038;
	[tilespmem:$0xBC00] =	vst v63  }
0x12: {  	(ifvalue) =	ssetifvalue $0x7FFFFFFF  }
0x13: {  	[tilespmem:s15], [sflag:$0x1] =	stream.indirect_vreg.gather [hbm4b:s2+s10], $0x1, v2, vm0, $0x4038;
	[tilespmem:$0xBC00] =	vst v63  }
0x14: {  	s29 =	sadd.s32 $0x10, s15;
	(ifvalue) =	ssetifvalue $0x7FFFFFFF  }
0x15: {  	[tilespmem:s29], [sflag:$0x1] =	stream.indirect_vreg.gather [hbm4b:s2+s10], $0x1, v0, vm0, $0x4038;
	[tilespmem:$0xBC00] =	vst v63  }
0x16: {  	_ =	swait.ge [sflag:s5], $0x2F00  }
0x17: {  	s30 =	sshrl.u32 s13, $0x3;
	[sflag:s5] =	ssyncset.done $0x0  }
0x18: {  	s31 =	sand.u32 $0x7, s13;
	s15 =	sadd.s32 s8, s30;
	[sflag:s5] =	ssyncadd.s32 $0xFFFFD100  }
0x19: {  	[hbm4b:s15+s31] =	stream.linear.scatter [tilespmem:s14], [sflag:$0x3], $0x2F00, $0x38;
	[tilespmem:$0xBC00] =	vst v63  }
.LBB2_5:
0x1a: {  	s15 =	sadd.s32 $0x5E000, s11  }
0x1b: {  	p1 =	sgt.s32 s15, $0x757FF  }
0x1c: {  	s15 =	smov.u32 @p1 s4;
	p1 =	sne.s32 s12, s9  }
.Ltmp1:
0x1d: {  	p0 =	slt.u32 s12, $0x2;
	(pc) =	sbr.rel @!p1 .LBB2_6-.Ltmp1, $4  }
0x1e: {  	s14 =	simm.s32 @!p0 $0x3  }
0x1f: {  	_ =	swait.ge @!p0 [sflag:s14], $0x2F00  }
0x20: {  	s16 =	sadd.s32 $0x1, s12;
	s13 =	smov.u32 s11;
	[sflag:s14] =	ssyncset.done @!p0 $0x0  }
0x21: {  	s12 =	smov.u32 s16;
	s11 =	smov.u32 s15;
	[sflag:s14] =	ssyncadd.s32 @!p0 $0xFFFFD100  }
.LBB2_1:
0x22: {  	p0 =	sge.u32 s12, s7  }
0x23: {  	s14 =	sxor.u32 @!p0 $0x1, s12  }
0x24: {  	s14 =	smul.u32 @!p0 $0xBC00, s14  }
0x25: {  	s31 =	sadd.s32 $0xFFFFFFFF, s12;
	s15 =	sshrl.u32 @!p0 s11, $0x3  }
0x26: {  	s16 =	sand.u32 @!p0 $0x7, s11;
	s15 =	sadd.s32 @!p0 s3, s15;
	s14 =	sshra.s32 @!p0 s14, $0x2  }
0x27: {  	[tilespmem:s14], [sflag:$0x2] =	stream.linear.gather @!p0 [hbm4b:s15+s16], $0x2F00, $0x38;
	[tilespmem:$0xBC00] =	vst v63  }
0x28: {  	p0 =	sge.u32 s31, s7  }
.Ltmp2:
0x29: {  	_ = 	snop;
	(pc) =	sbr.rel @p0 .LBB2_5-.Ltmp2, $1  }
0x2a: {  	_ =	sdelay $0x3  }
0x2b: {  	s14 =	sand.u32 $0x1, s12  }
0x2c: {  	_ =	swait.ge [sflag:s6], $0x2F00;
	p0 =	seq.s32 s14, $0x1;
	s14 =	simm.s32 $0x2F00  }
0x2d: {  	[sflag:s6] =	ssyncset.done $0x0;
	s14 =	simm.s32 @!p0 $0x0  }
0x2e: {  	[sflag:s6] =	ssyncadd.s32 $0xFFFFD100;
	(ifvalue) =	ssetifvalue $0x7FFFFFFF;
	v0 =	vld.msk [tilespmem:s14+$0x0 ss:$0x1], $0xffff;
	_ =	sdelay $0x4  }
0x2f: {  	s15 =	sadd.s32 $0x10, s14;
	vm1 =	vgt.s32 v0, $0x0  }
0x30: {  	v2 =	vld.msk [tilespmem:s15+$0x0 ss:$0x1], $0xffff;
	v1 =	vnsel vm1, $0x0, v0  }
0x31: {  	v1 =	vmin.u32 v1, $0x4E1FF;
	_ =	sdelay $0x2  }
0x32: {  	s17 =	simm.s32 $0x20;
	s14 =	sadd.s32 $0x5E00, s14;
	s16 =	sadd.s32 $0x10, s15  }
0x33: {  	s15 =	sadd.s32 $0x10, s14;
	s18 =	smov.u32 s14;
	v0 =	vld.msk [tilespmem:s16+$0x0 ss:$0x1], $0xffff;
	vm1 =	vgt.s32 v2, $0x0;
	(ifvalue) =	ssetifvalue $0x7FFFFFFF  }
.LBB2_3:
0x34: {  	[tilespmem:s18], [sflag:$0x1] =	stream.indirect_vreg.gather [hbm4b:s2+s10], $0x1, v1, vm0, $0x4038;
	[tilespmem:$0xBC00] =	vst v63  }
0x35: {  	s17 =	sadd.s32 $0x10, s17  }
0x36: {  	v2 =	vnsel vm1, $0x0, v2;
	p0 =	slt.u32 s17, $0x2EF0  }
.Ltmp3:
0x37: {  	s18 =	smov.u32 s15;
	v1 =	vmin.u32 v2, $0x4E1FF;
	(pc) =	sbr.rel @p0 .LBB2_3-.Ltmp3, $3  }
0x38: {  	_ =	sdelay $0x1  }
0x39: {  	s16 =	sadd.s32 $0x10, s16  }
0x3a: {  	vm1 =	vgt.s32 v0, $0x0;
	s15 =	sadd.s32 $0x10, s15;
	v2 =	vmov v0;
	(ifvalue) =	ssetifvalue $0x7FFFFFFF;
	v0 =	vld.msk [tilespmem:s16+$0x0 ss:$0x1], $0xffff  }
.Ltmp4:
0x3b: {  	_ = 	snop;
	(pc) =	sbr.rel .LBB2_4-.Ltmp4, $1  }
0x3c: {  	_ =	sdelay $0x3  }
.LBB2_6:
0x3d: {  	_ =	sfence.sel $0x180000  }
0x3e: {  	s2 =	simm.s32 $0x2;
	[bflag:$0x0] =	sbarrier.arrive $0xFFFF  }
0x3f: {  	s30 =	simm.s32 $0x3;
	[sflag:s2] =	ssyncpa.u1 $0x1  }
0x40: {  	s31 =	simm.s32 $0x1;
	[sflag:s30] =	ssyncpa.u1 $0x1  }
0x41: {  	[sflag:s31] =	ssyncpa.u1 $0x1  }
0x42: {  	p0 =	sne.s32 s1, $0x0;
	_ =	strace $0x90000053  }
0x43: {  	s0 =	sadd.s32 @!p0 $0x100000, s0;
	[bflag:$0x2] =	sbarrier.arrive $0xFFFF  }
0x44: {  	[sflag:s0] =	ssyncadd.tile.s32 @!p0 $0x1;
	_ =	shalt  }
.Lfunc_end2:
_tile_overlayer_lowered:
.L_overlay_start_2:
0x45: {  	(tag) =	ssettag $0x2  }
0x46: {  	s0 =	rddreg [dreg:$0x0];
	s2 =	stileid.u32  }
0x47: {  	s1 =	rddreg [dreg:$0x1];
	p0 =	sne.s32 s2, $0x0  }
0x48: {  	s3 =	rddreg [dreg:$0x2];
	[bflag:$0x3] =	sbarrier.arrive $0xFFFF;
	s2 =	simm.s32 @!p0 $0x1C01  }
0x49: {  	[timem:s3], [sflag:s2] =	dma.local @!p0 [hbm:s0], s1  }
0x4a: {  	s0 =	simm.s32 @!p0 $0x1  }
0x4b: {  	_ =	swait.ge @!p0 [sflag:s0], s1  }
0x4c: {  	s1 =	ssub.s32 @!p0 $0x0, s1;
	[sflag:s0] =	ssyncset.done @!p0 $0x0  }
0x4d: {  	[sflag:s0] =	ssyncadd.s32 @!p0 s1  }
0x4e: {  	[bflag:$0x3] =	sbarrier.arrive $0xFFFF  }
0x4f: {  	_ =	shalt  }

// kernel: gather_offload_async_start.7
scs
__scs_entry_jumppad:
0x0: {  	(pc) =	sbr.rel $0x88, $3  }
0x1: {  	(tag) =	ssettag $0x0;
	lr =	simm.s32 $0x1  }
0x2: {  	[smem:$0x3F80] =	sst lr;
	_ =	strace $0xD0000000  }
0x3: {  	_ = 	snop  }
0x4: {  	_ = 	snop  }
0x5: {  	_ = 	snop  }
0x6: {  	_ = 	snop  }
0x7: {  	_ = 	snop  }
__scs_overlays_trampoline_lowered:
0x8: {  	[smem:$0x3F8F] =	sst s0  }
0x9: {  	[smem:$0x3F90] =	sst s1  }
0xa: {  	[smem:$0x3F91] =	sst s2  }
0xb: {  	[smem:$0x3F92] =	sst s3  }
0xc: {  	[smem:$0x3F93] =	sst s4  }
0xd: {  	[smem:$0x3F94] =	sst s5  }
0xe: {  	[smem:$0x3F95] =	sst s6  }
0xf: {  	[smem:$0x3F96] =	sst s7  }
0x10: {  	[smem:$0x3F97] =	sst s8  }
0x11: {  	[smem:$0x3F98] =	sst s9;
	s0 =	simm.s32 @!p0 $0x0  }
0x12: {  	s1 =	sld [smem:$0x3F7E];
	s0 =	simm.s32 @p0 $0x1  }
0x13: {  	[smem:$0x3F99] =	sst s0;
	s0 =	simm.s32 @!p1 $0x0  }
0x14: {  	s2 =	sld [smem:$0x3F7D];
	s0 =	simm.s32 @p1 $0x1  }
0x15: {  	[smem:$0x3F9A] =	sst s0;
	s0 =	simm.s32 @!p2 $0x0  }
0x16: {  	s3 =	sld [smem:$0x3FDB];
	s0 =	simm.s32 @p2 $0x1  }
0x17: {  	s4 =	simm.s32 $0x1BF5;
	[smem:$0x3F9C] =	sst s0  }
0x18: {  	s0 =	sld [smem:$0x3F7F];
	_ =	swait.ge [sflag:s4], $0x0  }
0x19: {  	s7 =	sld [smem:$0x3F80]  }
0x1a: {  	s8 =	sadd.s32 $0xFFFFE003, lr  }
0x1b: {  	s9 =	sadd.s32 $0xFFFFFEF7, lr;
	s5 =	simm.s32 $0xFFFFFFFF;
	p2 =	slt.u32 s8, $0xFFFFF086  }
0x1c: {  	p1 =	slt.u32 s9, $0xF7A;
	s5 =	simm.s32 @!p2 $0x0  }
0x1d: {  	s5 =	simm.s32 @p1 $0x1;
	p0 =	seq.s32 s7, s2  }
0x1e: {  	s7 =	smul.u32 @!p0 $0xF7A, s2;
	p2 =	seq.s32 @!p0 s5, $0x0  }
0x1f: {  	s9 =	smul.u32 $0xF7A, s1;
	s8 =	simm.s32 @!p0 $0x1BF5;
	p2 =	por !p2, p0  }
0x20: {  	[sflag:s8] =	ssyncset.s32 @!p0 $0xFFFFF086;
	s6 =	sadd.s32 @!p0 s3, s7;
	s7 =	simm.s32 @!p0 $0x108  }
0x21: {  	s3 =	sadd.s32 s3, s9;
	s6 =	sadd.s32 @!p0 $0x88, s6;
	s7 =	simm.s32 @p2 $0x1082  }
0x22: {  	[simem:s7], [sflag:s8] =	dma.local @!p0 [hbm:s6], $0xF7A  }
0x23: {  	s9 =	sor.u32 $0xD0000000, s2;
	s6 =	simm.s32 $0x108;
	_ =	swait.ge @!p0 [sflag:s8], $0x0  }
0x24: {  	s3 =	sadd.s32 $0x88, s3;
	s6 =	simm.s32 @!p1 $0x1082;
	[sflag:s4] =	ssyncset.s32 $0xFFFFF086  }
0x25: {  	[simem:s6], [sflag:s4] =	dma.local [hbm:s3], $0xF7A  }
0x26: {  	[smem:$0x3F80] =	sst s1;
	(tag) =	ssettag s2;
	_ =	strace s9  }
0x27: {  	s1 =	sld [smem:$0x3F90]  }
0x28: {  	s2 =	sld [smem:$0x3F91]  }
0x29: {  	s4 =	sld [smem:$0x3F93]  }
0x2a: {  	p0 =	seq.s32 s5, $0x0;
	s5 =	sld [smem:$0x3F94]  }
0x2b: {  	s6 =	sld [smem:$0x3F95]  }
0x2c: {  	s7 =	sld [smem:$0x3F96]  }
0x2d: {  	s3 =	simm.s32 $0x108;
	s8 =	sld [smem:$0x3F97]  }
0x2e: {  	s3 =	simm.s32 @!p0 $0x1082;
	s9 =	sld [smem:$0x3F98]  }
0x2f: {  	lr =	sadd.s32 s0, s3;
	s0 =	sld [smem:$0x3F8F]  }
0x30: {  	s3 =	sld [smem:$0x3F92]  }
0x31: {  	[smem:$0x3F9B] =	sst s10  }
0x32: {  	s10 =	sld [smem:$0x3F99];
	_ =	sdelay $0x3  }
0x33: {  	p0 =	seq.s32 s10, $0x1;
	s10 =	sld [smem:$0x3F9B];
	_ =	sdelay $0x3  }
0x34: {  	[smem:$0x3F9B] =	sst s10  }
0x35: {  	s10 =	sld [smem:$0x3F9A];
	_ =	sdelay $0x3  }
0x36: {  	p1 =	seq.s32 s10, $0x1;
	s10 =	sld [smem:$0x3F9B];
	_ =	sdelay $0x3  }
0x37: {  	[smem:$0x3F9B] =	sst s10  }
0x38: {  	s10 =	sld [smem:$0x3F9C]  }
0x39: {  	_ = 	snop;
	(pc) =	sbr.ind lr, $3  }
0x3a: {  	_ = 	snop  }
0x3b: {  	_ = 	snop  }
0x3c: {  	p2 =	seq.s32 s10, $0x1;
	s10 =	sld [smem:$0x3F9B]  }
0x3d: {  	_ =	shalt  }
0x3e: {  	_ =	shalt  }
0x3f: {  	_ =	shalt  }
0x40: {  	_ =	shalt  }
0x41: {  	_ =	shalt  }
0x42: {  	_ =	shalt  }
0x43: {  	_ =	shalt  }
0x44: {  	_ =	shalt  }
0x45: {  	_ =	shalt  }
0x46: {  	_ =	shalt  }
0x47: {  	_ =	shalt  }
0x48: {  	_ =	shalt  }
0x49: {  	_ =	shalt  }
0x4a: {  	_ =	shalt  }
0x4b: {  	_ =	shalt  }
0x4c: {  	_ =	shalt  }
0x4d: {  	_ =	shalt  }
0x4e: {  	_ =	shalt  }
0x4f: {  	_ =	shalt  }
0x50: {  	_ =	shalt  }
0x51: {  	_ =	shalt  }
0x52: {  	_ =	shalt  }
0x53: {  	_ =	shalt  }
0x54: {  	_ =	shalt  }
0x55: {  	_ =	shalt  }
0x56: {  	_ =	shalt  }
0x57: {  	_ =	shalt  }
0x58: {  	_ =	shalt  }
0x59: {  	_ =	shalt  }
0x5a: {  	_ =	shalt  }
0x5b: {  	_ =	shalt  }
0x5c: {  	_ =	shalt  }
0x5d: {  	_ =	shalt  }
0x5e: {  	_ =	shalt  }
0x5f: {  	_ =	shalt  }
0x60: {  	_ =	shalt  }
0x61: {  	_ =	shalt  }
0x62: {  	_ =	shalt  }
0x63: {  	_ =	shalt  }
0x64: {  	_ =	shalt  }
0x65: {  	_ =	shalt  }
0x66: {  	_ =	shalt  }
0x67: {  	_ =	shalt  }
0x68: {  	_ =	shalt  }
0x69: {  	_ =	shalt  }
0x6a: {  	_ =	shalt  }
0x6b: {  	_ =	shalt  }
0x6c: {  	_ =	shalt  }
0x6d: {  	_ =	shalt  }
0x6e: {  	_ =	shalt  }
0x6f: {  	_ =	shalt  }
0x70: {  	_ =	shalt  }
0x71: {  	_ =	shalt  }
0x72: {  	_ =	shalt  }
0x73: {  	_ =	shalt  }
0x74: {  	_ =	shalt  }
0x75: {  	_ =	shalt  }
0x76: {  	_ =	shalt  }
0x77: {  	_ =	shalt  }
0x78: {  	_ =	shalt  }
0x79: {  	_ =	shalt  }
0x7a: {  	_ =	shalt  }
0x7b: {  	_ =	shalt  }
0x7c: {  	_ =	shalt  }
0x7d: {  	_ =	shalt  }
0x7e: {  	_ =	shalt  }
0x7f: {  	_ =	shalt  }
0x80: {  	_ =	shalt  }
0x81: {  	_ =	shalt  }
0x82: {  	_ =	shalt  }
0x83: {  	_ =	shalt  }
0x84: {  	_ =	shalt  }
0x85: {  	_ =	shalt  }
0x86: {  	_ =	shalt  }
0x87: {  	_ =	shalt  }
.Lfunc_end0:
.L_simem_size_0:
called_computation.7_lowered:
.L_overlay_start_0:
0x88: {  	s2 =	sld [smem:$0x3FD9]  }
0x89: {  	s3 =	sld [smem:$0x3FFE];
	_ =	sdelay $0x1  }
0x8a: {  	s1 =	srdreg.scid  }
0x8b: {  	s0 =	sand.u32 $0x1, s1  }
0x8c: {  	s17 =	sshll.u32 s0, $0xA;
	s2 =	sadd.s32 s3, s2  }
0x8d: {  	s2 =	sadd.s32 s2, s17  }
0x8e: {  	[smem:$0x3FA7] =	sst s2  }
0x8f: {  	_ = 	snop  }
0x90: {  	(tm) =	ssettm $0x1  }
0x91: {  	s18 =	sld [smem:$0x3FFB];
	_ =	sdelay $0x3  }
0x92: {  	_ =	strace s18  }
0x93: {  	s2 =	sld [smem:$0x3FFC];
	_ =	sdelay $0x3  }
0x94: {  	_ =	strace s2  }
0x95: {  	s2 =	sld [smem:$0x3FFD];
	_ =	sdelay $0x3  }
0x96: {  	_ =	strace s2  }
0x97: {  	_ =	strace $0x8FFFFFFF  }
0x98: {  	s19 =	sld [smem:$0x3FDB];
	_ =	sdelay $0x1  }
0x99: {  	s20 =	simm.s32 $_scs_section_size  }
0x9a: {  	s4 =	simm.s32 $_size__tile_overlayer_lowered;
	s5 =	simm.s32 $_tile_overlayer_lowered  }
0x9b: {  	s6 =	simm.s32 $0x1BFF;
	s21 =	sshll.u32 s5, $0x1;
	s3 =	sadd.s32 s20, s19  }
0x9c: {  	s22 =	simm.s32 $0x0;
	s4 =	sshll.u32 s4, $0x1;
	s5 =	sadd.s32 s21, s3  }
0x9d: {  	[timem:s22], [sflag:s6] =	dma.local [hbm:s5], s4  }
0x9e: {  	_ =	swait.ge [sflag:s6], s4  }
0x9f: {  	s4 =	ssub.s32 $0x0, s4;
	[sflag:s6] =	ssyncset.done $0x0  }
0xa0: {  	[sflag:s6] =	ssyncadd.s32 s4;
	_ =	sdelay $0x1  }
0xa1: {  	s23 =	simm.s32 $0x1B8B  }
0xa2: {  	_ =	swait.ge [sflag:s23], $0x1  }
0xa3: {  	[sflag:s23] =	ssyncset.done $0x0  }
0xa4: {  	[sflag:s23] =	ssyncadd.s32 $0xFFFFFFFF  }
0xa5: {  	s4 =	sld [smem:$0x0]  }
0xa6: {  	s5 =	sand.u32 $0xFFFFFFFE, s1  }
0xa7: {  	p0 =	sne.s32 s1, s5  }
0xa8: {  	s5 =	sshll.u32 @p0 s5, $0xE  }
0xa9: {  	s5 =	sadd.s32 @p0 $0x11B8D, s5;
	s6 =	sshll.u32 @p0 s4, $0x11  }
0xaa: {  	s5 =	sor.u32 @p0 s6, s5  }
0xab: {  	[sflag:s5] =	ssyncadd.remote.s32 @p0 $0x1;
	_ =	sdelay $0x1  }
0xac: {  	s5 =	simm.s32 @p0 $0x1B8D  }
0xad: {  	_ =	swait.eq @p0 [sflag:s5], $0x1  }
0xae: {  	[sflag:s5] =	ssyncadd.s32 @p0 $0xFFFFFFFF  }
0xaf: {  	s6 =	sshll.u32 @!p0 s1, $0xE  }
0xb0: {  	s6 =	sor.u32 @!p0 $0x4000, s6;
	s5 =	simm.s32 @!p0 $0x1B8D  }
0xb1: {  	s4 =	sshll.u32 @!p0 s4, $0x11;
	s6 =	sadd.s32 @!p0 $0x11B8D, s6;
	_ =	swait.eq @!p0 [sflag:s5], $0x1  }
0xb2: {  	s4 =	sor.u32 @!p0 s4, s6;
	[sflag:s5] =	ssyncadd.s32 @!p0 $0xFFFFFFFF  }
0xb3: {  	s25 =	simm.s32 $0x1B8E;
	s24 =	sld [smem:$0x3FFE];
	[sflag:s4] =	ssyncadd.remote.s32 @!p0 $0x1  }
0xb4: {  	s26 =	simm.s32 $execute0_lowered;
	[smem:$0x3FD2] =	sst s25  }
0xb5: {  	s5 =	sshll.u32 s26, $0x1;
	_ =	strace $0x8000004F;
	[dreg:$0x1] =	wrdreg $0xFFFFFFFF  }
0xb6: {  	s28 =	simm.s32 $_size_execute0_lowered;
	s3 =	sadd.s32 s3, s5;
	[dreg:$0x0] =	wrdreg $0x0  }
0xb7: {  	s5 =	sshll.u32 s28, $0x1;
	[dreg:$0x2] =	wrdreg s3  }
0xb8: {  	[dreg:$0x3] =	wrdreg s5  }
0xb9: {  	[dreg:$0x4] =	wrdreg $0xC0  }
0xba: {  	_ =	task [dreg:s22], $0x5FFFF  }
0xbb: {  	[dreg:$0x1] =	wrdreg $0xFFFFFFFF  }
0xbc: {  	[dreg:$0x0] =	wrdreg $0x60  }
0xbd: {  	[dreg:$0x2] =	wrdreg s24  }
0xbe: {  	[dreg:$0x3] =	wrdreg $0xA  }
0xbf: {  	_ =	task.clear_ibuf [dreg:s22], $0x4FFFF;
	_ =	strace $0x9000004F  }
0xc0: {  	s29 =	simm.s32 $0xA;
	_ =	strace $0x80000051  }
0xc1: {  	_ =	swait.ge [sflag:s29], $0x1  }
0xc2: {  	[sflag:s29] =	ssyncadd.s32 $0xFFFFFFFF  }
0xc3: {  	_ =	strace $0x90000051  }
0xc4: {  	_ =	sfence  }
0xc5: {  	s30 =	sld [smem:$0x0];
	_ =	sdelay $0x2  }
0xc6: {  	s31 =	sshll.u32 s1, $0xD;
	s1 =	sshrl.u32 s1, $0x2  }
0xc7: {  	s4 =	sand.u32 $0x4000, s31;
	s1 =	sadd.s32 s1, s30  }
0xc8: {  	s0 =	sor.u32 s4, s0;
	s1 =	sshll.u32 s1, $0x11  }
0xc9: {  	s0 =	sor.u32 s1, s0  }
0xca: {  	s0 =	sadd.s32 $0x8F2B, s0  }
0xcb: {  	[sflag:s0] =	ssyncadd.remote.s32 $0x1  }
0xcc: {  	_ =	sfence.sel $0xFFFF  }
0xcd: {  	[dreg:$0x0] =	wrdreg $0xFFFFFFFF;
	(pc) =	sbr.abs _section_cstart, $3  }
0xce: {  	[dreg:$0x1] =	wrdreg $0xFFFFFFFF  }
0xcf: {  	_ =	task.clear_ibuf [dreg:s22], $0x2FFFF;
	_ =	strace $0x9FFFFFFF  }
0xd0: {  	(tm) =	ssettm $0x7FFFFFFF  }
0xd1: {  	_ =	shalt  }
tec
execute0_lowered:
.L_overlay_start_1:
0x0: {  	(tag) =	ssettag $0x1  }
0x1: {  	s8 =	rddreg [dreg:$0x0];
	s1 =	stileid.u32  }
0x2: {  	s2 =	srdreg.scid;
	s0 =	rddreg [dreg:$0x1]  }
0x3: {  	_ =	strace $0x80000050;
	s5 =	simm.s32 $0x1;
	s9 =	simm.s32 $0x1  }
0x4: {  	s10 =	simm.s32 $0x3;
	s2 =	sand.u32 $0x1, s2;
	s3 =	sshll.u32 s1, $0x1  }
0x5: {  	s13 =	simm.s32 $0x0;
	s12 =	simm.s32 $0x0;
	s6 =	sor.u32 s3, s2  }
0x6: {  	[sflag:s5] =	ssyncpa.u1 $0x0;
	s2 =	sadd.s32 $0x78A00, s8;
	s4 =	smul.u32 $0x2F00, s6  }
0x7: {  	s3 =	sadd.s32 $0x3D800, s8;
	p0 =	slt.u32 s6, $0x9;
	s6 =	simm.s32 $0x5E000  }
.Ltmp0:
0x8: {  	s6 =	simm.s32 @!p0 $0x0;
	s7 =	ssub.s32 $0x75800, s4;
	(pc) =	sbr.rel .LBB2_1-.Ltmp0, $4  }
0x9: {  	s9 =	simm.s32 @!p0 $0x0;
	p0 =	sne.s32 s7, s6;
	s7 =	simm.s32 $0x1  }
0xa: {  	s8 =	sadd.s32 $0x23C00, s8;
	s6 =	simm.s32 $0x2;
	s7 =	simm.s32 @!p0 $0x0  }
0xb: {  	s11 =	smov.u32 s4;
	[sflag:s6] =	ssyncpa.u1 $0x0;
	s7 =	sadd.s32 s9, s7  }
0xc: {  	vm0 =	vmmov $0xffff;
	[sflag:s10] =	ssyncpa.u1 $0x0;
	s10 =	simm.s32 $0x0;
	s9 =	sadd.s32 $0x1, s7  }
.LBB2_4:
0xd: {  	v2 =	vnsel vm1, $0x0, v2  }
0xe: {  	vm1 =	vgt.s32 v0, $0x0;
	v2 =	vmin.u32 v2, $0x4E1FF  }
0xf: {  	v0 =	vnsel vm1, $0x0, v0  }
0x10: {  	v0 =	vmin.u32 v0, $0x4E1FF  }
0x11: {  	[tilespmem:s18], [sflag:$0x1] =	stream.indirect_vreg.gather [hbm4b:s2+s10], $0x1, v1, vm0, $0x4038;
	[tilespmem:$0xBC00] =	vst v63  }
0x12: {  	(ifvalue) =	ssetifvalue $0x7FFFFFFF  }
0x13: {  	[tilespmem:s15], [sflag:$0x1] =	stream.indirect_vreg.gather [hbm4b:s2+s10], $0x1, v2, vm0, $0x4038;
	[tilespmem:$0xBC00] =	vst v63  }
0x14: {  	s29 =	sadd.s32 $0x10, s15;
	(ifvalue) =	ssetifvalue $0x7FFFFFFF  }
0x15: {  	[tilespmem:s29], [sflag:$0x1] =	stream.indirect_vreg.gather [hbm4b:s2+s10], $0x1, v0, vm0, $0x4038;
	[tilespmem:$0xBC00] =	vst v63  }
0x16: {  	_ =	swait.ge [sflag:s5], $0x2F00  }
0x17: {  	s30 =	sshrl.u32 s13, $0x3;
	[sflag:s5] =	ssyncset.done $0x0  }
0x18: {  	s31 =	sand.u32 $0x7, s13;
	s15 =	sadd.s32 s8, s30;
	[sflag:s5] =	ssyncadd.s32 $0xFFFFD100  }
0x19: {  	[hbm4b:s15+s31] =	stream.linear.scatter [tilespmem:s14], [sflag:$0x3], $0x2F00, $0x38;
	[tilespmem:$0xBC00] =	vst v63  }
.LBB2_5:
0x1a: {  	s15 =	sadd.s32 $0x5E000, s11  }
0x1b: {  	p1 =	sgt.s32 s15, $0x757FF  }
0x1c: {  	s15 =	smov.u32 @p1 s4;
	p1 =	sne.s32 s12, s9  }
.Ltmp1:
0x1d: {  	p0 =	slt.u32 s12, $0x2;
	(pc) =	sbr.rel @!p1 .LBB2_6-.Ltmp1, $4  }
0x1e: {  	s14 =	simm.s32 @!p0 $0x3  }
0x1f: {  	_ =	swait.ge @!p0 [sflag:s14], $0x2F00  }
0x20: {  	s16 =	sadd.s32 $0x1, s12;
	s13 =	smov.u32 s11;
	[sflag:s14] =	ssyncset.done @!p0 $0x0  }
0x21: {  	s12 =	smov.u32 s16;
	s11 =	smov.u32 s15;
	[sflag:s14] =	ssyncadd.s32 @!p0 $0xFFFFD100  }
.LBB2_1:
0x22: {  	p0 =	sge.u32 s12, s7  }
0x23: {  	s14 =	sxor.u32 @!p0 $0x1, s12  }
0x24: {  	s14 =	smul.u32 @!p0 $0xBC00, s14  }
0x25: {  	s31 =	sadd.s32 $0xFFFFFFFF, s12;
	s15 =	sshrl.u32 @!p0 s11, $0x3  }
0x26: {  	s16 =	sand.u32 @!p0 $0x7, s11;
	s15 =	sadd.s32 @!p0 s3, s15;
	s14 =	sshra.s32 @!p0 s14, $0x2  }
0x27: {  	[tilespmem:s14], [sflag:$0x2] =	stream.linear.gather @!p0 [hbm4b:s15+s16], $0x2F00, $0x38;
	[tilespmem:$0xBC00] =	vst v63  }
0x28: {  	p0 =	sge.u32 s31, s7  }
.Ltmp2:
0x29: {  	_ = 	snop;
	(pc) =	sbr.rel @p0 .LBB2_5-.Ltmp2, $1  }
0x2a: {  	_ =	sdelay $0x3  }
0x2b: {  	s14 =	sand.u32 $0x1, s12  }
0x2c: {  	_ =	swait.ge [sflag:s6], $0x2F00;
	p0 =	seq.s32 s14, $0x1;
	s14 =	simm.s32 $0x2F00  }
0x2d: {  	[sflag:s6] =	ssyncset.done $0x0;
	s14 =	simm.s32 @!p0 $0x0  }
0x2e: {  	[sflag:s6] =	ssyncadd.s32 $0xFFFFD100;
	(ifvalue) =	ssetifvalue $0x7FFFFFFF;
	v0 =	vld.msk [tilespmem:s14+$0x0 ss:$0x1], $0xffff;
	_ =	sdelay $0x4  }
0x2f: {  	s15 =	sadd.s32 $0x10, s14;
	vm1 =	vgt.s32 v0, $0x0  }
0x30: {  	v2 =	vld.msk [tilespmem:s15+$0x0 ss:$0x1], $0xffff;
	v1 =	vnsel vm1, $0x0, v0  }
0x31: {  	v1 =	vmin.u32 v1, $0x4E1FF;
	_ =	sdelay $0x2  }
0x32: {  	s17 =	simm.s32 $0x20;
	s14 =	sadd.s32 $0x5E00, s14;
	s16 =	sadd.s32 $0x10, s15  }
0x33: {  	s15 =	sadd.s32 $0x10, s14;
	s18 =	smov.u32 s14;
	v0 =	vld.msk [tilespmem:s16+$0x0 ss:$0x1], $0xffff;
	vm1 =	vgt.s32 v2, $0x0;
	(ifvalue) =	ssetifvalue $0x7FFFFFFF  }
.LBB2_3:
0x34: {  	[tilespmem:s18], [sflag:$0x1] =	stream.indirect_vreg.gather [hbm4b:s2+s10], $0x1, v1, vm0, $0x4038;
	[tilespmem:$0xBC00] =	vst v63  }
0x35: {  	s17 =	sadd.s32 $0x10, s17  }
0x36: {  	v2 =	vnsel vm1, $0x0, v2;
	p0 =	slt.u32 s17, $0x2EF0  }
.Ltmp3:
0x37: {  	s18 =	smov.u32 s15;
	v1 =	vmin.u32 v2, $0x4E1FF;
	(pc) =	sbr.rel @p0 .LBB2_3-.Ltmp3, $3  }
0x38: {  	_ =	sdelay $0x1  }
0x39: {  	s16 =	sadd.s32 $0x10, s16  }
0x3a: {  	vm1 =	vgt.s32 v0, $0x0;
	s15 =	sadd.s32 $0x10, s15;
	v2 =	vmov v0;
	(ifvalue) =	ssetifvalue $0x7FFFFFFF;
	v0 =	vld.msk [tilespmem:s16+$0x0 ss:$0x1], $0xffff  }
.Ltmp4:
0x3b: {  	_ = 	snop;
	(pc) =	sbr.rel .LBB2_4-.Ltmp4, $1  }
0x3c: {  	_ =	sdelay $0x3  }
.LBB2_6:
0x3d: {  	_ =	sfence.sel $0x180000  }
0x3e: {  	s2 =	simm.s32 $0x2;
	[bflag:$0x0] =	sbarrier.arrive $0xFFFF  }
0x3f: {  	s30 =	simm.s32 $0x3;
	[sflag:s2] =	ssyncpa.u1 $0x1  }
0x40: {  	s31 =	simm.s32 $0x1;
	[sflag:s30] =	ssyncpa.u1 $0x1  }
0x41: {  	[sflag:s31] =	ssyncpa.u1 $0x1  }
0x42: {  	p0 =	sne.s32 s1, $0x0;
	_ =	strace $0x90000050  }
0x43: {  	s0 =	sadd.s32 @!p0 $0x100000, s0;
	[bflag:$0x2] =	sbarrier.arrive $0xFFFF  }
0x44: {  	[sflag:s0] =	ssyncadd.tile.s32 @!p0 $0x1;
	_ =	shalt  }
.Lfunc_end2:
_tile_overlayer_lowered:
.L_overlay_start_2:
0x45: {  	(tag) =	ssettag $0x2  }
0x46: {  	s0 =	rddreg [dreg:$0x0];
	s2 =	stileid.u32  }
0x47: {  	s1 =	rddreg [dreg:$0x1];
	p0 =	sne.s32 s2, $0x0  }
0x48: {  	s3 =	rddreg [dreg:$0x2];
	[bflag:$0x3] =	sbarrier.arrive $0xFFFF;
	s2 =	simm.s32 @!p0 $0x1C01  }
0x49: {  	[timem:s3], [sflag:s2] =	dma.local @!p0 [hbm:s0], s1  }
0x4a: {  	s0 =	simm.s32 @!p0 $0x1  }
0x4b: {  	_ =	swait.ge @!p0 [sflag:s0], s1  }
0x4c: {  	s1 =	ssub.s32 @!p0 $0x0, s1;
	[sflag:s0] =	ssyncset.done @!p0 $0x0  }
0x4d: {  	[sflag:s0] =	ssyncadd.s32 @!p0 s1  }
0x4e: {  	[bflag:$0x3] =	sbarrier.arrive $0xFFFF  }
0x4f: {  	_ =	shalt  }

// kernel: gather_offload_async_start
scs
__scs_entry_jumppad:
0x0: {  	(pc) =	sbr.rel $0x88, $3  }
0x1: {  	(tag) =	ssettag $0x0;
	lr =	simm.s32 $0x1  }
0x2: {  	[smem:$0x3F80] =	sst lr;
	_ =	strace $0xD0000000  }
0x3: {  	_ = 	snop  }
0x4: {  	_ = 	snop  }
0x5: {  	_ = 	snop  }
0x6: {  	_ = 	snop  }
0x7: {  	_ = 	snop  }
__scs_overlays_trampoline_lowered:
0x8: {  	[smem:$0x3F8F] =	sst s0  }
0x9: {  	[smem:$0x3F90] =	sst s1  }
0xa: {  	[smem:$0x3F91] =	sst s2  }
0xb: {  	[smem:$0x3F92] =	sst s3  }
0xc: {  	[smem:$0x3F93] =	sst s4  }
0xd: {  	[smem:$0x3F94] =	sst s5  }
0xe: {  	[smem:$0x3F95] =	sst s6  }
0xf: {  	[smem:$0x3F96] =	sst s7  }
0x10: {  	[smem:$0x3F97] =	sst s8  }
0x11: {  	[smem:$0x3F98] =	sst s9;
	s0 =	simm.s32 @!p0 $0x0  }
0x12: {  	s1 =	sld [smem:$0x3F7E];
	s0 =	simm.s32 @p0 $0x1  }
0x13: {  	[smem:$0x3F99] =	sst s0;
	s0 =	simm.s32 @!p1 $0x0  }
0x14: {  	s2 =	sld [smem:$0x3F7D];
	s0 =	simm.s32 @p1 $0x1  }
0x15: {  	[smem:$0x3F9A] =	sst s0;
	s0 =	simm.s32 @!p2 $0x0  }
0x16: {  	s3 =	sld [smem:$0x3FDB];
	s0 =	simm.s32 @p2 $0x1  }
0x17: {  	s4 =	simm.s32 $0x1BF5;
	[smem:$0x3F9C] =	sst s0  }
0x18: {  	s0 =	sld [smem:$0x3F7F];
	_ =	swait.ge [sflag:s4], $0x0  }
0x19: {  	s7 =	sld [smem:$0x3F80]  }
0x1a: {  	s8 =	sadd.s32 $0xFFFFE003, lr  }
0x1b: {  	s9 =	sadd.s32 $0xFFFFFEF7, lr;
	s5 =	simm.s32 $0xFFFFFFFF;
	p2 =	slt.u32 s8, $0xFFFFF086  }
0x1c: {  	p1 =	slt.u32 s9, $0xF7A;
	s5 =	simm.s32 @!p2 $0x0  }
0x1d: {  	s5 =	simm.s32 @p1 $0x1;
	p0 =	seq.s32 s7, s2  }
0x1e: {  	s7 =	smul.u32 @!p0 $0xF7A, s2;
	p2 =	seq.s32 @!p0 s5, $0x0  }
0x1f: {  	s9 =	smul.u32 $0xF7A, s1;
	s8 =	simm.s32 @!p0 $0x1BF5;
	p2 =	por !p2, p0  }
0x20: {  	[sflag:s8] =	ssyncset.s32 @!p0 $0xFFFFF086;
	s6 =	sadd.s32 @!p0 s3, s7;
	s7 =	simm.s32 @!p0 $0x108  }
0x21: {  	s3 =	sadd.s32 s3, s9;
	s6 =	sadd.s32 @!p0 $0x88, s6;
	s7 =	simm.s32 @p2 $0x1082  }
0x22: {  	[simem:s7], [sflag:s8] =	dma.local @!p0 [hbm:s6], $0xF7A  }
0x23: {  	s9 =	sor.u32 $0xD0000000, s2;
	s6 =	simm.s32 $0x108;
	_ =	swait.ge @!p0 [sflag:s8], $0x0  }
0x24: {  	s3 =	sadd.s32 $0x88, s3;
	s6 =	simm.s32 @!p1 $0x1082;
	[sflag:s4] =	ssyncset.s32 $0xFFFFF086  }
0x25: {  	[simem:s6], [sflag:s4] =	dma.local [hbm:s3], $0xF7A  }
0x26: {  	[smem:$0x3F80] =	sst s1;
	(tag) =	ssettag s2;
	_ =	strace s9  }
0x27: {  	s1 =	sld [smem:$0x3F90]  }
0x28: {  	s2 =	sld [smem:$0x3F91]  }
0x29: {  	s4 =	sld [smem:$0x3F93]  }
0x2a: {  	p0 =	seq.s32 s5, $0x0;
	s5 =	sld [smem:$0x3F94]  }
0x2b: {  	s6 =	sld [smem:$0x3F95]  }
0x2c: {  	s7 =	sld [smem:$0x3F96]  }
0x2d: {  	s3 =	simm.s32 $0x108;
	s8 =	sld [smem:$0x3F97]  }
0x2e: {  	s3 =	simm.s32 @!p0 $0x1082;
	s9 =	sld [smem:$0x3F98]  }
0x2f: {  	lr =	sadd.s32 s0, s3;
	s0 =	sld [smem:$0x3F8F]  }
0x30: {  	s3 =	sld [smem:$0x3F92]  }
0x31: {  	[smem:$0x3F9B] =	sst s10  }
0x32: {  	s10 =	sld [smem:$0x3F99];
	_ =	sdelay $0x3  }
0x33: {  	p0 =	seq.s32 s10, $0x1;
	s10 =	sld [smem:$0x3F9B];
	_ =	sdelay $0x3  }
0x34: {  	[smem:$0x3F9B] =	sst s10  }
0x35: {  	s10 =	sld [smem:$0x3F9A];
	_ =	sdelay $0x3  }
0x36: {  	p1 =	seq.s32 s10, $0x1;
	s10 =	sld [smem:$0x3F9B];
	_ =	sdelay $0x3  }
0x37: {  	[smem:$0x3F9B] =	sst s10  }
0x38: {  	s10 =	sld [smem:$0x3F9C]  }
0x39: {  	_ = 	snop;
	(pc) =	sbr.ind lr, $3  }
0x3a: {  	_ = 	snop  }
0x3b: {  	_ = 	snop  }
0x3c: {  	p2 =	seq.s32 s10, $0x1;
	s10 =	sld [smem:$0x3F9B]  }
0x3d: {  	_ =	shalt  }
0x3e: {  	_ =	shalt  }
0x3f: {  	_ =	shalt  }
0x40: {  	_ =	shalt  }
0x41: {  	_ =	shalt  }
0x42: {  	_ =	shalt  }
0x43: {  	_ =	shalt  }
0x44: {  	_ =	shalt  }
0x45: {  	_ =	shalt  }
0x46: {  	_ =	shalt  }
0x47: {  	_ =	shalt  }
0x48: {  	_ =	shalt  }
0x49: {  	_ =	shalt  }
0x4a: {  	_ =	shalt  }
0x4b: {  	_ =	shalt  }
0x4c: {  	_ =	shalt  }
0x4d: {  	_ =	shalt  }
0x4e: {  	_ =	shalt  }
0x4f: {  	_ =	shalt  }
0x50: {  	_ =	shalt  }
0x51: {  	_ =	shalt  }
0x52: {  	_ =	shalt  }
0x53: {  	_ =	shalt  }
0x54: {  	_ =	shalt  }
0x55: {  	_ =	shalt  }
0x56: {  	_ =	shalt  }
0x57: {  	_ =	shalt  }
0x58: {  	_ =	shalt  }
0x59: {  	_ =	shalt  }
0x5a: {  	_ =	shalt  }
0x5b: {  	_ =	shalt  }
0x5c: {  	_ =	shalt  }
0x5d: {  	_ =	shalt  }
0x5e: {  	_ =	shalt  }
0x5f: {  	_ =	shalt  }
0x60: {  	_ =	shalt  }
0x61: {  	_ =	shalt  }
0x62: {  	_ =	shalt  }
0x63: {  	_ =	shalt  }
0x64: {  	_ =	shalt  }
0x65: {  	_ =	shalt  }
0x66: {  	_ =	shalt  }
0x67: {  	_ =	shalt  }
0x68: {  	_ =	shalt  }
0x69: {  	_ =	shalt  }
0x6a: {  	_ =	shalt  }
0x6b: {  	_ =	shalt  }
0x6c: {  	_ =	shalt  }
0x6d: {  	_ =	shalt  }
0x6e: {  	_ =	shalt  }
0x6f: {  	_ =	shalt  }
0x70: {  	_ =	shalt  }
0x71: {  	_ =	shalt  }
0x72: {  	_ =	shalt  }
0x73: {  	_ =	shalt  }
0x74: {  	_ =	shalt  }
0x75: {  	_ =	shalt  }
0x76: {  	_ =	shalt  }
0x77: {  	_ =	shalt  }
0x78: {  	_ =	shalt  }
0x79: {  	_ =	shalt  }
0x7a: {  	_ =	shalt  }
0x7b: {  	_ =	shalt  }
0x7c: {  	_ =	shalt  }
0x7d: {  	_ =	shalt  }
0x7e: {  	_ =	shalt  }
0x7f: {  	_ =	shalt  }
0x80: {  	_ =	shalt  }
0x81: {  	_ =	shalt  }
0x82: {  	_ =	shalt  }
0x83: {  	_ =	shalt  }
0x84: {  	_ =	shalt  }
0x85: {  	_ =	shalt  }
0x86: {  	_ =	shalt  }
0x87: {  	_ =	shalt  }
.Lfunc_end0:
.L_simem_size_0:
called_computation_lowered:
.L_overlay_start_0:
0x88: {  	s2 =	sld [smem:$0x3FD9]  }
0x89: {  	s3 =	sld [smem:$0x3FFE];
	_ =	sdelay $0x1  }
0x8a: {  	s1 =	srdreg.scid  }
0x8b: {  	s0 =	sand.u32 $0x1, s1  }
0x8c: {  	s16 =	sshll.u32 s0, $0xA;
	s2 =	sadd.s32 s3, s2  }
0x8d: {  	s2 =	sadd.s32 s2, s16  }
0x8e: {  	[smem:$0x3FA7] =	sst s2  }
0x8f: {  	_ = 	snop  }
0x90: {  	(tm) =	ssettm $0x1  }
0x91: {  	s17 =	sld [smem:$0x3FFB];
	_ =	sdelay $0x3  }
0x92: {  	_ =	strace s17  }
0x93: {  	s2 =	sld [smem:$0x3FFC];
	_ =	sdelay $0x3  }
0x94: {  	_ =	strace s2  }
0x95: {  	s2 =	sld [smem:$0x3FFD];
	_ =	sdelay $0x3  }
0x96: {  	_ =	strace s2  }
0x97: {  	_ =	strace $0x8FFFFFFF  }
0x98: {  	s18 =	sld [smem:$0x3FDB];
	_ =	sdelay $0x1  }
0x99: {  	s19 =	simm.s32 $_scs_section_size  }
0x9a: {  	s4 =	simm.s32 $_size__tile_overlayer_lowered;
	s5 =	simm.s32 $_tile_overlayer_lowered  }
0x9b: {  	s22 =	simm.s32 $0x1BFF;
	s21 =	sshll.u32 s5, $0x1;
	s2 =	sadd.s32 s19, s18  }
0x9c: {  	s6 =	simm.s32 $0x0;
	s20 =	sshll.u32 s4, $0x1;
	s4 =	sadd.s32 s21, s2  }
0x9d: {  	[timem:s6], [sflag:s22] =	dma.local [hbm:s4], s20  }
0x9e: {  	_ =	swait.ge [sflag:s22], s20  }
0x9f: {  	s3 =	ssub.s32 $0x0, s20;
	[sflag:s22] =	ssyncset.done $0x0  }
0xa0: {  	[sflag:s22] =	ssyncadd.s32 s3;
	_ =	sdelay $0x1  }
0xa1: {  	s23 =	simm.s32 $0x1B8B  }
0xa2: {  	_ =	swait.ge [sflag:s23], $0x1  }
0xa3: {  	[sflag:s23] =	ssyncset.done $0x0  }
0xa4: {  	s25 =	simm.s32 $0x1B8E;
	s24 =	sld [smem:$0x3FFE];
	[sflag:s23] =	ssyncadd.s32 $0xFFFFFFFF  }
0xa5: {  	s26 =	simm.s32 $execute0_lowered;
	[smem:$0x3FD2] =	sst s25  }
0xa6: {  	s4 =	sshll.u32 s26, $0x1;
	_ =	strace $0x80000067;
	[dreg:$0x1] =	wrdreg $0xFFFFFFFF  }
0xa7: {  	s28 =	simm.s32 $_size_execute0_lowered;
	s2 =	sadd.s32 s2, s4;
	[dreg:$0x0] =	wrdreg $0x0  }
0xa8: {  	s4 =	sshll.u32 s28, $0x1;
	[dreg:$0x2] =	wrdreg s2  }
0xa9: {  	[dreg:$0x3] =	wrdreg s4  }
0xaa: {  	[dreg:$0x4] =	wrdreg $0xC0  }
0xab: {  	_ =	task [dreg:s6], $0x5FFFF  }
0xac: {  	[dreg:$0x1] =	wrdreg $0xFFFFFFFF  }
0xad: {  	[dreg:$0x0] =	wrdreg $0x60  }
0xae: {  	[dreg:$0x2] =	wrdreg s24  }
0xaf: {  	[dreg:$0x3] =	wrdreg $0x9  }
0xb0: {  	_ =	task.clear_ibuf [dreg:s6], $0x4FFFF;
	_ =	strace $0x90000067  }
0xb1: {  	s29 =	simm.s32 $0x9;
	_ =	strace $0x80000069  }
0xb2: {  	_ =	swait.ge [sflag:s29], $0x1  }
0xb3: {  	[sflag:s29] =	ssyncadd.s32 $0xFFFFFFFF  }
0xb4: {  	_ =	strace $0x90000069  }
0xb5: {  	_ =	sfence  }
0xb6: {  	s30 =	sld [smem:$0x0];
	_ =	sdelay $0x2  }
0xb7: {  	s31 =	sshll.u32 s1, $0xD;
	s1 =	sshrl.u32 s1, $0x2  }
0xb8: {  	s3 =	sand.u32 $0x4000, s31;
	s1 =	sadd.s32 s1, s30  }
0xb9: {  	s0 =	sor.u32 s3, s0;
	s1 =	sshll.u32 s1, $0x11  }
0xba: {  	s0 =	sor.u32 s1, s0  }
0xbb: {  	s0 =	sadd.s32 $0x8F2B, s0  }
0xbc: {  	[sflag:s0] =	ssyncadd.remote.s32 $0x1  }
0xbd: {  	_ =	sfence.sel $0xFFFF  }
0xbe: {  	[dreg:$0x0] =	wrdreg $0xFFFFFFFF;
	(pc) =	sbr.abs _section_cstart, $3  }
0xbf: {  	[dreg:$0x1] =	wrdreg $0xFFFFFFFF  }
0xc0: {  	_ =	task.clear_ibuf [dreg:s6], $0x2FFFF;
	_ =	strace $0x9FFFFFFF  }
0xc1: {  	(tm) =	ssettm $0x7FFFFFFF  }
tec
execute0_lowered:
.L_overlay_start_1:
0x0: {  	(tag) =	ssettag $0x1  }
0x1: {  	s0 =	srdreg.scid;
	s5 =	rddreg [dreg:$0x0]  }
0x2: {  	s1 =	stileid.u32;
	s6 =	simm.s32 $0x1;
	s9 =	simm.s32 $0x1  }
0x3: {  	s10 =	simm.s32 $0x3;
	s13 =	simm.s32 $0x0;
	s2 =	sshll.u32 s0, $0x6  }
0x4: {  	s12 =	simm.s32 $0x0;
	s3 =	sshll.u32 s1, $0x7;
	s2 =	sand.u32 $0x40, s2  }
0x5: {  	s0 =	rddreg [dreg:$0x1];
	_ =	strace $0x80000068;
	s2 =	sor.u32 s3, s2  }
0x6: {  	s4 =	sadd.s32 $0xB200, s5;
	[sflag:s6] =	ssyncpa.u1 $0x0;
	s8 =	ssub.s32 $0xA00, s2  }
.Ltmp0:
0x7: {  	s3 =	sadd.s32 $0xAC00, s5;
	s7 =	sand.u32 $0x7C0, s8;
	(pc) =	sbr.rel .LBB2_1-.Ltmp0, $4  }
0x8: {  	s5 =	sadd.s32 $0xB400, s5;
	s11 =	smov.u32 s2;
	p0 =	sne.s32 s7, $0x0  }
0x9: {  	s8 =	sshrl.u32 s8, $0xB;
	s7 =	simm.s32 $0x2;
	s9 =	simm.s32 @!p0 $0x0  }
0xa: {  	[sflag:s7] =	ssyncpa.u1 $0x0;
	p0 =	por $0x0, $0x0;
	s8 =	sadd.s32 s9, s8  }
0xb: {  	vm0 =	vmmov $0xffff;
	[sflag:s10] =	ssyncpa.u1 $0x0;
	s10 =	simm.s32 $0x0;
	s9 =	sadd.s32 $0x1, s8  }
.LBB2_4:
0xc: {  	v2 =	vnsel vm1, $0x0, v2  }
0xd: {  	vm1 =	vgt.s32 v0, $0x0;
	v2 =	vmin.u32 v2, $0x272E  }
0xe: {  	v0 =	vnsel vm1, $0x0, v0  }
0xf: {  	v0 =	vmin.u32 v0, $0x272E  }
0x10: {  	[tilespmem:s15], [sflag:$0x1] =	stream.indirect_vreg.gather [hbm4b:s3+s10], $0x1, v1, vm0, $0x4038;
	[tilespmem:$0x100] =	vst v63  }
0x11: {  	(ifvalue) =	ssetifvalue $0x7FFFFFFF  }
0x12: {  	[tilespmem:s16], [sflag:$0x1] =	stream.indirect_vreg.gather [hbm4b:s3+s10], $0x1, v2, vm0, $0x4038;
	[tilespmem:$0x100] =	vst v63  }
0x13: {  	s29 =	sadd.s32 $0x10, s16;
	(ifvalue) =	ssetifvalue $0x7FFFFFFF  }
0x14: {  	[tilespmem:s29], [sflag:$0x1] =	stream.indirect_vreg.gather [hbm4b:s3+s10], $0x1, v0, vm0, $0x4038;
	[tilespmem:$0x100] =	vst v63  }
0x15: {  	_ =	swait.ge [sflag:s6], $0x40  }
0x16: {  	s30 =	sshrl.u32 s13, $0x3;
	[sflag:s6] =	ssyncset.done $0x0  }
0x17: {  	s31 =	sand.u32 $0x7, s13;
	s15 =	sadd.s32 s5, s30;
	[sflag:s6] =	ssyncadd.s32 $0xFFFFFFC0  }
0x18: {  	[hbm4b:s15+s31] =	stream.linear.scatter [tilespmem:s14], [sflag:$0x3], $0x40, $0x38;
	[tilespmem:$0x100] =	vst v63  }
.LBB2_5:
0x19: {  	s15 =	sadd.s32 $0x800, s11  }
0x1a: {  	p2 =	sgt.s32 s15, $0x9FF  }
0x1b: {  	s15 =	smov.u32 @p2 s2;
	p2 =	sne.s32 s12, s9  }
.Ltmp1:
0x1c: {  	p1 =	slt.u32 s12, $0x2;
	(pc) =	sbr.rel @!p2 .LBB2_6-.Ltmp1, $4  }
0x1d: {  	s14 =	simm.s32 @!p1 $0x3  }
0x1e: {  	s16 =	sadd.s32 $0x1, s12;
	_ =	swait.ge @!p1 [sflag:s14], $0x40  }
0x1f: {  	s13 =	smov.u32 s11;
	p0 =	por !p0, !p0;
	[sflag:s14] =	ssyncset.done @!p1 $0x0  }
0x20: {  	s12 =	smov.u32 s16;
	s11 =	smov.u32 s15;
	[sflag:s14] =	ssyncadd.s32 @!p1 $0xFFFFFFC0  }
.LBB2_1:
0x21: {  	p1 =	sge.u32 s12, s8  }
0x22: {  	s14 =	sxor.u32 @!p1 $0xFFFFFFFF, s12  }
0x23: {  	s31 =	sadd.s32 $0xFFFFFFFF, s12;
	s15 =	sshrl.u32 @!p1 s11, $0x3;
	s14 =	sshll.u32 @!p1 s14, $0x6  }
0x24: {  	s16 =	sand.u32 @!p1 $0x7, s11;
	s15 =	sadd.s32 @!p1 s4, s15;
	s14 =	sand.u32 @!p1 $0x40, s14  }
0x25: {  	[tilespmem:s14], [sflag:$0x2] =	stream.linear.gather @!p1 [hbm4b:s15+s16], $0x40, $0x38;
	[tilespmem:$0x100] =	vst v63  }
0x26: {  	p1 =	sge.u32 s31, s8  }
.Ltmp2:
0x27: {  	_ = 	snop;
	(pc) =	sbr.rel @p1 .LBB2_5-.Ltmp2, $1  }
0x28: {  	_ =	sdelay $0x3  }
0x29: {  	s14 =	simm.s32 $0x1  }
0x2a: {  	_ =	swait.ge [sflag:s7], $0x40;
	s14 =	simm.s32 @!p0 $0x0  }
0x2b: {  	[sflag:s7] =	ssyncset.done $0x0;
	s14 =	sshll.u32 s14, $0x6  }
0x2c: {  	[sflag:s7] =	ssyncadd.s32 $0xFFFFFFC0;
	(ifvalue) =	ssetifvalue $0x7FFFFFFF;
	v0 =	vld.msk [tilespmem:s14+$0x0 ss:$0x1], $0xffff;
	_ =	sdelay $0x4  }
0x2d: {  	s15 =	sadd.s32 $0x10, s14;
	vm1 =	vgt.s32 v0, $0x0  }
0x2e: {  	v2 =	vld.msk [tilespmem:s15+$0x0 ss:$0x1], $0xffff;
	v1 =	vnsel vm1, $0x0, v0  }
0x2f: {  	v1 =	vmin.u32 v1, $0x272E;
	_ =	sdelay $0x1  }
0x30: {  	s16 =	sshll.u32 s12, $0x6;
	s18 =	simm.s32 $0x20  }
0x31: {  	s16 =	sand.u32 $0x40, s16;
	s17 =	sadd.s32 $0x10, s15;
	s15 =	sor.u32 $0x80, s14  }
0x32: {  	s14 =	sor.u32 $0x80, s16;
	s16 =	sadd.s32 $0x10, s15;
	v0 =	vld.msk [tilespmem:s17+$0x0 ss:$0x1], $0xffff;
	vm1 =	vgt.s32 v2, $0x0;
	(ifvalue) =	ssetifvalue $0x7FFFFFFF  }
.LBB2_3:
0x33: {  	[tilespmem:s15], [sflag:$0x1] =	stream.indirect_vreg.gather [hbm4b:s3+s10], $0x1, v1, vm0, $0x4038;
	[tilespmem:$0x100] =	vst v63  }
0x34: {  	s18 =	sadd.s32 $0x10, s18  }
0x35: {  	v2 =	vnsel vm1, $0x0, v2;
	p1 =	slt.u32 s18, $0x30  }
.Ltmp3:
0x36: {  	s15 =	smov.u32 s16;
	v1 =	vmin.u32 v2, $0x272E;
	(pc) =	sbr.rel @p1 .LBB2_3-.Ltmp3, $3  }
0x37: {  	_ =	sdelay $0x1  }
0x38: {  	s17 =	sadd.s32 $0x10, s17  }
0x39: {  	vm1 =	vgt.s32 v0, $0x0;
	s16 =	sadd.s32 $0x10, s16;
	v2 =	vmov v0;
	(ifvalue) =	ssetifvalue $0x7FFFFFFF;
	v0 =	vld.msk [tilespmem:s17+$0x0 ss:$0x1], $0xffff  }
.Ltmp4:
0x3a: {  	_ = 	snop;
	(pc) =	sbr.rel .LBB2_4-.Ltmp4, $1  }
0x3b: {  	_ =	sdelay $0x3  }
.LBB2_6:
0x3c: {  	_ =	sfence.sel $0x180000  }
0x3d: {  	s2 =	simm.s32 $0x2;
	[bflag:$0x0] =	sbarrier.arrive $0xFFFF  }
0x3e: {  	s30 =	simm.s32 $0x3;
	[sflag:s2] =	ssyncpa.u1 $0x1  }
0x3f: {  	s31 =	simm.s32 $0x1;
	[sflag:s30] =	ssyncpa.u1 $0x1  }
0x40: {  	[sflag:s31] =	ssyncpa.u1 $0x1  }
0x41: {  	p0 =	sne.s32 s1, $0x0;
	_ =	strace $0x90000068  }
0x42: {  	s0 =	sadd.s32 @!p0 $0x100000, s0;
	[bflag:$0x2] =	sbarrier.arrive $0xFFFF  }
0x43: {  	[sflag:s0] =	ssyncadd.tile.s32 @!p0 $0x1;
	_ =	shalt  }
.Lfunc_end2:
_tile_overlayer_lowered:
.L_overlay_start_2:
0x44: {  	(tag) =	ssettag $0x2  }
0x45: {  	s0 =	rddreg [dreg:$0x0];
	s2 =	stileid.u32  }
0x46: {  	s1 =	rddreg [dreg:$0x1];
	p0 =	sne.s32 s2, $0x0  }
0x47: {  	s3 =	rddreg [dreg:$0x2];
	[bflag:$0x3] =	sbarrier.arrive $0xFFFF;
	s2 =	simm.s32 @!p0 $0x1C01  }
0x48: {  	[timem:s3], [sflag:s2] =	dma.local @!p0 [hbm:s0], s1  }
0x49: {  	s0 =	simm.s32 @!p0 $0x1  }
0x4a: {  	_ =	swait.ge @!p0 [sflag:s0], s1  }
0x4b: {  	s1 =	ssub.s32 @!p0 $0x0, s1;
	[sflag:s0] =	ssyncset.done @!p0 $0x0  }
0x4c: {  	[sflag:s0] =	ssyncadd.s32 @!p0 s1  }
0x4d: {  	[bflag:$0x3] =	sbarrier.arrive $0xFFFF  }
0x4e: {  	_ =	shalt  }

// kernel: kernel.18.cloned.1.call-start
scs
__scs_entry_jumppad:
0x0: {  	(pc) =	sbr.rel $0x88, $3  }
0x1: {  	(tag) =	ssettag $0x0;
	lr =	simm.s32 $0x1  }
0x2: {  	[smem:$0x3F80] =	sst lr;
	_ =	strace $0xD0000000  }
0x3: {  	_ = 	snop  }
0x4: {  	_ = 	snop  }
0x5: {  	_ = 	snop  }
0x6: {  	_ = 	snop  }
0x7: {  	_ = 	snop  }
__scs_overlays_trampoline_lowered:
0x8: {  	[smem:$0x3F8F] =	sst s0  }
0x9: {  	[smem:$0x3F90] =	sst s1  }
0xa: {  	[smem:$0x3F91] =	sst s2  }
0xb: {  	[smem:$0x3F92] =	sst s3  }
0xc: {  	[smem:$0x3F93] =	sst s4  }
0xd: {  	[smem:$0x3F94] =	sst s5  }
0xe: {  	[smem:$0x3F95] =	sst s6  }
0xf: {  	[smem:$0x3F96] =	sst s7  }
0x10: {  	[smem:$0x3F97] =	sst s8  }
0x11: {  	[smem:$0x3F98] =	sst s9;
	s0 =	simm.s32 @!p0 $0x0  }
0x12: {  	s1 =	sld [smem:$0x3F7E];
	s0 =	simm.s32 @p0 $0x1  }
0x13: {  	[smem:$0x3F99] =	sst s0;
	s0 =	simm.s32 @!p1 $0x0  }
0x14: {  	s2 =	sld [smem:$0x3F7D];
	s0 =	simm.s32 @p1 $0x1  }
0x15: {  	[smem:$0x3F9A] =	sst s0;
	s0 =	simm.s32 @!p2 $0x0  }
0x16: {  	s3 =	sld [smem:$0x3FDB];
	s0 =	simm.s32 @p2 $0x1  }
0x17: {  	s4 =	simm.s32 $0x1BF5;
	[smem:$0x3F9C] =	sst s0  }
0x18: {  	s0 =	sld [smem:$0x3F7F];
	_ =	swait.ge [sflag:s4], $0x0  }
0x19: {  	s7 =	sld [smem:$0x3F80]  }
0x1a: {  	s8 =	sadd.s32 $0xFFFFE003, lr  }
0x1b: {  	s9 =	sadd.s32 $0xFFFFFEF7, lr;
	s5 =	simm.s32 $0xFFFFFFFF;
	p2 =	slt.u32 s8, $0xFFFFF086  }
0x1c: {  	p1 =	slt.u32 s9, $0xF7A;
	s5 =	simm.s32 @!p2 $0x0  }
0x1d: {  	s5 =	simm.s32 @p1 $0x1;
	p0 =	seq.s32 s7, s2  }
0x1e: {  	s7 =	smul.u32 @!p0 $0xF7A, s2;
	p2 =	seq.s32 @!p0 s5, $0x0  }
0x1f: {  	s9 =	smul.u32 $0xF7A, s1;
	s8 =	simm.s32 @!p0 $0x1BF5;
	p2 =	por !p2, p0  }
0x20: {  	[sflag:s8] =	ssyncset.s32 @!p0 $0xFFFFF086;
	s6 =	sadd.s32 @!p0 s3, s7;
	s7 =	simm.s32 @!p0 $0x108  }
0x21: {  	s3 =	sadd.s32 s3, s9;
	s6 =	sadd.s32 @!p0 $0x88, s6;
	s7 =	simm.s32 @p2 $0x1082  }
0x22: {  	[simem:s7], [sflag:s8] =	dma.local @!p0 [hbm:s6], $0xF7A  }
0x23: {  	s9 =	sor.u32 $0xD0000000, s2;
	s6 =	simm.s32 $0x108;
	_ =	swait.ge @!p0 [sflag:s8], $0x0  }
0x24: {  	s3 =	sadd.s32 $0x88, s3;
	s6 =	simm.s32 @!p1 $0x1082;
	[sflag:s4] =	ssyncset.s32 $0xFFFFF086  }
0x25: {  	[simem:s6], [sflag:s4] =	dma.local [hbm:s3], $0xF7A  }
0x26: {  	[smem:$0x3F80] =	sst s1;
	(tag) =	ssettag s2;
	_ =	strace s9  }
0x27: {  	s1 =	sld [smem:$0x3F90]  }
0x28: {  	s2 =	sld [smem:$0x3F91]  }
0x29: {  	s4 =	sld [smem:$0x3F93]  }
0x2a: {  	p0 =	seq.s32 s5, $0x0;
	s5 =	sld [smem:$0x3F94]  }
0x2b: {  	s6 =	sld [smem:$0x3F95]  }
0x2c: {  	s7 =	sld [smem:$0x3F96]  }
0x2d: {  	s3 =	simm.s32 $0x108;
	s8 =	sld [smem:$0x3F97]  }
0x2e: {  	s3 =	simm.s32 @!p0 $0x1082;
	s9 =	sld [smem:$0x3F98]  }
0x2f: {  	lr =	sadd.s32 s0, s3;
	s0 =	sld [smem:$0x3F8F]  }
0x30: {  	s3 =	sld [smem:$0x3F92]  }
0x31: {  	[smem:$0x3F9B] =	sst s10  }
0x32: {  	s10 =	sld [smem:$0x3F99];
	_ =	sdelay $0x3  }
0x33: {  	p0 =	seq.s32 s10, $0x1;
	s10 =	sld [smem:$0x3F9B];
	_ =	sdelay $0x3  }
0x34: {  	[smem:$0x3F9B] =	sst s10  }
0x35: {  	s10 =	sld [smem:$0x3F9A];
	_ =	sdelay $0x3  }
0x36: {  	p1 =	seq.s32 s10, $0x1;
	s10 =	sld [smem:$0x3F9B];
	_ =	sdelay $0x3  }
0x37: {  	[smem:$0x3F9B] =	sst s10  }
0x38: {  	s10 =	sld [smem:$0x3F9C]  }
0x39: {  	_ = 	snop;
	(pc) =	sbr.ind lr, $3  }
0x3a: {  	_ = 	snop  }
0x3b: {  	_ = 	snop  }
0x3c: {  	p2 =	seq.s32 s10, $0x1;
	s10 =	sld [smem:$0x3F9B]  }
0x3d: {  	_ =	shalt  }
0x3e: {  	_ =	shalt  }
0x3f: {  	_ =	shalt  }
0x40: {  	_ =	shalt  }
0x41: {  	_ =	shalt  }
0x42: {  	_ =	shalt  }
0x43: {  	_ =	shalt  }
0x44: {  	_ =	shalt  }
0x45: {  	_ =	shalt  }
0x46: {  	_ =	shalt  }
0x47: {  	_ =	shalt  }
0x48: {  	_ =	shalt  }
0x49: {  	_ =	shalt  }
0x4a: {  	_ =	shalt  }
0x4b: {  	_ =	shalt  }
0x4c: {  	_ =	shalt  }
0x4d: {  	_ =	shalt  }
0x4e: {  	_ =	shalt  }
0x4f: {  	_ =	shalt  }
0x50: {  	_ =	shalt  }
0x51: {  	_ =	shalt  }
0x52: {  	_ =	shalt  }
0x53: {  	_ =	shalt  }
0x54: {  	_ =	shalt  }
0x55: {  	_ =	shalt  }
0x56: {  	_ =	shalt  }
0x57: {  	_ =	shalt  }
0x58: {  	_ =	shalt  }
0x59: {  	_ =	shalt  }
0x5a: {  	_ =	shalt  }
0x5b: {  	_ =	shalt  }
0x5c: {  	_ =	shalt  }
0x5d: {  	_ =	shalt  }
0x5e: {  	_ =	shalt  }
0x5f: {  	_ =	shalt  }
0x60: {  	_ =	shalt  }
0x61: {  	_ =	shalt  }
0x62: {  	_ =	shalt  }
0x63: {  	_ =	shalt  }
0x64: {  	_ =	shalt  }
0x65: {  	_ =	shalt  }
0x66: {  	_ =	shalt  }
0x67: {  	_ =	shalt  }
0x68: {  	_ =	shalt  }
0x69: {  	_ =	shalt  }
0x6a: {  	_ =	shalt  }
0x6b: {  	_ =	shalt  }
0x6c: {  	_ =	shalt  }
0x6d: {  	_ =	shalt  }
0x6e: {  	_ =	shalt  }
0x6f: {  	_ =	shalt  }
0x70: {  	_ =	shalt  }
0x71: {  	_ =	shalt  }
0x72: {  	_ =	shalt  }
0x73: {  	_ =	shalt  }
0x74: {  	_ =	shalt  }
0x75: {  	_ =	shalt  }
0x76: {  	_ =	shalt  }
0x77: {  	_ =	shalt  }
0x78: {  	_ =	shalt  }
0x79: {  	_ =	shalt  }
0x7a: {  	_ =	shalt  }
0x7b: {  	_ =	shalt  }
0x7c: {  	_ =	shalt  }
0x7d: {  	_ =	shalt  }
0x7e: {  	_ =	shalt  }
0x7f: {  	_ =	shalt  }
0x80: {  	_ =	shalt  }
0x81: {  	_ =	shalt  }
0x82: {  	_ =	shalt  }
0x83: {  	_ =	shalt  }
0x84: {  	_ =	shalt  }
0x85: {  	_ =	shalt  }
0x86: {  	_ =	shalt  }
0x87: {  	_ =	shalt  }
.Lfunc_end0:
.L_simem_size_0:
called_computation.8_lowered:
.L_overlay_start_0:
0x88: {  	s2 =	sld [smem:$0x3FD9]  }
0x89: {  	s3 =	sld [smem:$0x3FFE];
	_ =	sdelay $0x1  }
0x8a: {  	s1 =	srdreg.scid  }
0x8b: {  	s0 =	sand.u32 $0x1, s1  }
0x8c: {  	s17 =	sshll.u32 s0, $0xA;
	s2 =	sadd.s32 s3, s2  }
0x8d: {  	s2 =	sadd.s32 s2, s17  }
0x8e: {  	[smem:$0x3FA7] =	sst s2  }
0x8f: {  	_ = 	snop  }
0x90: {  	s2 =	sld [smem:$0x3FC9];
	(tm) =	ssettm $0x1  }
0x91: {  	s18 =	sld [smem:$0x3FFB];
	_ =	sdelay $0x3  }
0x92: {  	_ =	strace s18  }
0x93: {  	s3 =	sld [smem:$0x3FFC];
	_ =	sdelay $0x3  }
0x94: {  	_ =	strace s3  }
0x95: {  	s3 =	sld [smem:$0x3FFD];
	_ =	sdelay $0x3  }
0x96: {  	_ =	strace s3  }
0x97: {  	_ =	strace $0x8FFFFFFF  }
0x98: {  	s19 =	sld [smem:$0x3FDB];
	_ =	sdelay $0x1  }
0x99: {  	s4 =	simm.s32 $_scs_section_size  }
0x9a: {  	s5 =	simm.s32 $_size__tile_overlayer_lowered;
	s6 =	simm.s32 $_tile_overlayer_lowered  }
0x9b: {  	s22 =	simm.s32 $0x1BFF;
	s21 =	sshll.u32 s6, $0x1;
	s3 =	sadd.s32 s4, s19  }
0x9c: {  	s7 =	simm.s32 $0x0;
	s20 =	sshll.u32 s5, $0x1;
	s5 =	sadd.s32 s21, s3  }
0x9d: {  	[timem:s7], [sflag:s22] =	dma.local [hbm:s5], s20  }
0x9e: {  	_ =	swait.ge [sflag:s22], s20  }
0x9f: {  	s4 =	ssub.s32 $0x0, s20;
	[sflag:s22] =	ssyncset.done $0x0  }
0xa0: {  	[sflag:s22] =	ssyncadd.s32 s4;
	_ =	sdelay $0x1  }
0xa1: {  	s23 =	simm.s32 $0x1B8B  }
0xa2: {  	_ =	swait.ge [sflag:s23], $0x1  }
0xa3: {  	[sflag:s23] =	ssyncset.done $0x0  }
0xa4: {  	s25 =	simm.s32 $0x1B8E;
	s24 =	sld [smem:$0x3FFE];
	[sflag:s23] =	ssyncadd.s32 $0xFFFFFFFF  }
0xa5: {  	s26 =	simm.s32 $execute0_lowered;
	[smem:$0x3FD2] =	sst s25  }
0xa6: {  	s5 =	sshll.u32 s26, $0x1;
	_ =	strace $0x8000005B;
	[dreg:$0x1] =	wrdreg $0xFFFFFFFF  }
0xa7: {  	s28 =	simm.s32 $_size_execute0_lowered;
	s3 =	sadd.s32 s3, s5;
	[dreg:$0x0] =	wrdreg $0x0  }
0xa8: {  	s5 =	sshll.u32 s28, $0x1;
	[dreg:$0x2] =	wrdreg s3  }
0xa9: {  	[dreg:$0x3] =	wrdreg s5  }
0xaa: {  	[dreg:$0x4] =	wrdreg $0xC0  }
0xab: {  	_ =	task [dreg:s7], $0x5FFFF  }
0xac: {  	[dreg:$0x1] =	wrdreg $0xFFFFFFFF  }
0xad: {  	[dreg:$0x0] =	wrdreg $0x60  }
0xae: {  	[dreg:$0x2] =	wrdreg s2  }
0xaf: {  	[dreg:$0x3] =	wrdreg s24  }
0xb0: {  	[dreg:$0x4] =	wrdreg $0x58000  }
0xb1: {  	[dreg:$0x5] =	wrdreg $0x9  }
0xb2: {  	_ =	task.clear_ibuf [dreg:s7], $0x6FFFF;
	_ =	strace $0x9000005B  }
0xb3: {  	s29 =	simm.s32 $0x9;
	_ =	strace $0x8000005D  }
0xb4: {  	_ =	swait.ge [sflag:s29], $0x1  }
0xb5: {  	[sflag:s29] =	ssyncadd.s32 $0xFFFFFFFF  }
0xb6: {  	_ =	strace $0x9000005D  }
0xb7: {  	_ =	sfence  }
0xb8: {  	s30 =	sld [smem:$0x0];
	_ =	sdelay $0x2  }
0xb9: {  	s31 =	sshll.u32 s1, $0xD;
	s1 =	sshrl.u32 s1, $0x2  }
0xba: {  	s3 =	sand.u32 $0x4000, s31;
	s1 =	sadd.s32 s1, s30  }
0xbb: {  	s0 =	sor.u32 s3, s0;
	s1 =	sshll.u32 s1, $0x11  }
0xbc: {  	s0 =	sor.u32 s1, s0  }
0xbd: {  	s0 =	sadd.s32 $0x8F2B, s0  }
0xbe: {  	[sflag:s0] =	ssyncadd.remote.s32 $0x1  }
0xbf: {  	_ =	sfence.sel $0xFFFF  }
0xc0: {  	[dreg:$0x0] =	wrdreg $0xFFFFFFFF;
	(pc) =	sbr.abs _section_cstart, $3  }
0xc1: {  	[dreg:$0x1] =	wrdreg $0xFFFFFFFF  }
0xc2: {  	_ =	task.clear_ibuf [dreg:s7], $0x2FFFF;
	_ =	strace $0x9FFFFFFF  }
0xc3: {  	(tm) =	ssettm $0x7FFFFFFF  }
tec
execute0_lowered:
.L_overlay_start_1:
0x0: {  	(tag) =	ssettag $0x1  }
0x1: {  	s2 =	rddreg [dreg:$0x0]  }
0x2: {  	s5 =	rddreg [dreg:$0x1]  }
0x3: {  	s3 =	rddreg [dreg:$0x2]  }
0x4: {  	s0 =	rddreg [dreg:$0x3]  }
0x5: {  	s1 =	stileid.u32;
	s4 =	simm.s32 $0x0;
	s7 =	srdreg.scid  }
0x6: {  	s20 =	simm.s32 $0x50;
	s21 =	simm.s32 $0x3000;
	s22 =	simm.s32 $0x1  }
0x7: {  	s23 =	simm.s32 $0x0;
	s6 =	smul.u32 $0x14000, s1;
	[smem:$0x7FF] =	sst s4  }
0x8: {  	s7 =	sand.u32 $0x1, s7;
	s13 =	sadd.s32 $0xAC00, s5;
	s14 =	sadd.s32 $0xA9400, s5  }
0x9: {  	s28 =	smul.u32 $0x50000, s1;
	s10 =	sshll.u32 s1, $0x1;
	s30 =	sshll.u32 s1, $0x6  }
0xa: {  	_ =	strace $0x8000005C;
	s9 =	smul.u32 $0x140000, s7;
	s11 =	ssub.s32 $0x2, s7  }
0xb: {  	s7 =	sor.u32 s7, s10;
	s8 =	sshrl.u32 s6, $0x3;
	s29 =	sshrl.u32 s11, $0x1  }
0xc: {  	s7 =	smul.u32 $0x6000, s7;
	s8 =	sadd.s32 s8, s5;
	s6 =	sadd.s32 s6, s9  }
0xd: {  	s9 =	sshrl.u32 s28, $0x2;
	s16 =	ssub.s32 s11, s29;
	s6 =	sshrl.u32 s6, $0x3  }
0xe: {  	s17 =	sadd.s32 s9, s3;
	s12 =	sshrl.u32 s7, $0x3;
	s16 =	smax.u32 s16, $0x1  }
0xf: {  	s15 =	sadd.s32 s6, s5;
	s5 =	sadd.s32 $0x22C00, s8;
	s6 =	sor.u32 $0x1C02, s30  }
0x10: {  	s7 =	sadd.s32 s13, s12;
	s31 =	sor.u32 $0x300, s12;
	s8 =	sadd.s32 s14, s12  }
0x11: {  	s18 =	sadd.s32 $0x600, s12;
	s19 =	sadd.s32 $0x900, s12;
	s17 =	sshrl.u32 s17, $0x3  }
0x12: {  	s9 =	sadd.s32 s13, s31;
	s10 =	sadd.s32 s14, s31;
	s11 =	sadd.s32 s13, s18  }
0x13: {  	s12 =	sadd.s32 s14, s18;
	s13 =	sadd.s32 s13, s19;
	s14 =	sadd.s32 s14, s19  }
0x14: {  	s15 =	sadd.s32 $0x4AC00, s15;
	s18 =	simm.s32 $0x2;
	s19 =	simm.s32 $0x1800  }
.LBB2_1:
0x15: {  	[spmem:s17], [sflag:s6] =	dma.local [hbm:s5], $0x2800  }
0x16: {  	_ =	swait.ge [sflag:s18], $0x2800  }
0x17: {  	[sflag:s18] =	ssyncset.done $0x0  }
0x18: {  	[sflag:s18] =	ssyncadd.s32 $0xFFFFD800  }
0x19: {  	[bflag:$0x0] =	sbarrier.arrive $0xFFFF  }
0x1a: {  	[tilespmem:s4], [sflag:$0x2] =	stream.linear.gather [hbm4b:s7+s4], $0x1780, $0x38;
	[tilespmem:$0x19800] =	vst v63  }
0x1b: {  	_ =	swait.ge [sflag:s18], $0x1780  }
0x1c: {  	[sflag:s18] =	ssyncset.done $0x0  }
0x1d: {  	[sflag:s18] =	ssyncadd.s32 $0xFFFFE880  }
0x1e: {  	[tilespmem:s19], [sflag:$0x2] =	stream.linear.gather [hbm4b:s8+s4], $0x1780, $0x38;
	[tilespmem:$0x19800] =	vst v63  }
0x1f: {  	_ =	swait.ge [sflag:s18], $0x1780  }
0x20: {  	[sflag:s18] =	ssyncset.done $0x0  }
0x21: {  	s24 =	simm.s32 $0x0;
	[sflag:s18] =	ssyncadd.s32 $0xFFFFE880  }
0x22: {  	[tilespmem:s21], [sflag:$0x1] =	stream.indirect.gather [hbm4b:s2+s20], $0x80, s24, s20, $0xb8;
	[tilespmem:$0x19800] =	vst v63  }
0x23: {  	_ =	swait.ge [sflag:s22], $0x2800  }
0x24: {  	[sflag:s22] =	ssyncset.done $0x0  }
0x25: {  	s31 =	simm.s32 $0x1800;
	[sflag:s22] =	ssyncadd.s32 $0xFFFFD800  }
0x26: {  	[spmem:s3] =	stream.indirect.scatter.add.f32 [tilespmem:s21], [sflag:$0x2], $0x80, s31, s20, $0xb8;
	[tilespmem:$0x19800] =	vst v63  }
0x27: {  	_ =	swait.ge [sflag:s18], $0x2800  }
0x28: {  	s25 =	simm.s32 $0x400;
	s24 =	simm.s32 $0x200;
	[sflag:s18] =	ssyncset.done $0x0  }
.LBB2_2:
0x29: {  	s26 =	sshra.s32 s24, $0x2  }
0x2a: {  	[sflag:s18] =	ssyncadd.s32 $0xFFFFD800;
	s24 =	smov.u32 s25;
	s28 =	sadd.s32 $0x200, s25  }
0x2b: {  	[tilespmem:s21], [sflag:$0x1] =	stream.indirect.gather [hbm4b:s2+s20], $0x80, s26, s20, $0xb8;
	[tilespmem:$0x19800] =	vst v63  }
0x2c: {  	p0 =	sne.s32 s25, $0x5C00;
	_ =	swait.ge [sflag:s22], $0x2800  }
.Ltmp0:
0x2d: {  	[sflag:s22] =	ssyncset.done $0x0;
	(pc) =	sbr.rel @p0 .LBB2_2-.Ltmp0, $4  }
0x2e: {  	s25 =	sadd.s32 $0x1800, s26;
	[sflag:s22] =	ssyncadd.s32 $0xFFFFD800  }
0x2f: {  	[spmem:s3] =	stream.indirect.scatter.add.f32 [tilespmem:s21], [sflag:$0x2], $0x80, s25, s20, $0xb8;
	[tilespmem:$0x19800] =	vst v63  }
0x30: {  	_ =	swait.ge [sflag:s18], $0x2800  }
0x31: {  	s25 =	smov.u32 s28;
	[sflag:s18] =	ssyncset.done $0x0  }
0x32: {  	s24 =	sshra.s32 s24, $0x2;
	[sflag:s18] =	ssyncadd.s32 $0xFFFFD800  }
0x33: {  	[tilespmem:s21], [sflag:$0x1] =	stream.indirect.gather [hbm4b:s2+s20], $0x80, s24, s20, $0xb8;
	[tilespmem:$0x19800] =	vst v63  }
0x34: {  	_ =	swait.ge [sflag:s22], $0x2800  }
0x35: {  	[sflag:s22] =	ssyncset.done $0x0  }
0x36: {  	s24 =	sadd.s32 $0x1800, s24;
	[sflag:s22] =	ssyncadd.s32 $0xFFFFD800  }
0x37: {  	[spmem:s3] =	stream.indirect.scatter.add.f32 [tilespmem:s21], [sflag:$0x2], $0x80, s24, s20, $0xb8;
	[tilespmem:$0x19800] =	vst v63  }
0x38: {  	_ =	swait.ge [sflag:s18], $0x2800  }
0x39: {  	[sflag:s18] =	ssyncset.done $0x0  }
0x3a: {  	s29 =	simm.s32 $0x0;
	[sflag:s18] =	ssyncadd.s32 $0xFFFFD800  }
0x3b: {  	[tilespmem:s29], [sflag:$0x2] =	stream.linear.gather [hbm4b:s9+s29], $0x1780, $0x38;
	[tilespmem:$0x19800] =	vst v63  }
0x3c: {  	_ =	swait.ge [sflag:s18], $0x1780  }
0x3d: {  	[sflag:s18] =	ssyncset.done $0x0  }
0x3e: {  	[sflag:s18] =	ssyncadd.s32 $0xFFFFE880  }
0x3f: {  	[tilespmem:s19], [sflag:$0x2] =	stream.linear.gather [hbm4b:s10+s29], $0x1780, $0x38;
	[tilespmem:$0x19800] =	vst v63  }
0x40: {  	_ =	swait.ge [sflag:s18], $0x1780  }
0x41: {  	[sflag:s18] =	ssyncset.done $0x0  }
0x42: {  	s30 =	simm.s32 $0x0;
	[sflag:s18] =	ssyncadd.s32 $0xFFFFE880  }
0x43: {  	[tilespmem:s21], [sflag:$0x1] =	stream.indirect.gather [hbm4b:s2+s20], $0x80, s30, s20, $0xb8;
	[tilespmem:$0x19800] =	vst v63  }
0x44: {  	_ =	swait.ge [sflag:s22], $0x2800  }
0x45: {  	[sflag:s22] =	ssyncset.done $0x0  }
0x46: {  	s31 =	simm.s32 $0x1800;
	[sflag:s22] =	ssyncadd.s32 $0xFFFFD800  }
0x47: {  	[spmem:s3] =	stream.indirect.scatter.add.f32 [tilespmem:s21], [sflag:$0x2], $0x80, s31, s20, $0xb8;
	[tilespmem:$0x19800] =	vst v63  }
0x48: {  	_ =	swait.ge [sflag:s18], $0x2800  }
0x49: {  	s25 =	simm.s32 $0x400;
	s24 =	simm.s32 $0x200;
	[sflag:s18] =	ssyncset.done $0x0  }
.LBB2_4:
0x4a: {  	s26 =	sshra.s32 s24, $0x2  }
0x4b: {  	[sflag:s18] =	ssyncadd.s32 $0xFFFFD800;
	s24 =	smov.u32 s25;
	s28 =	sadd.s32 $0x200, s25  }
0x4c: {  	[tilespmem:s21], [sflag:$0x1] =	stream.indirect.gather [hbm4b:s2+s20], $0x80, s26, s20, $0xb8;
	[tilespmem:$0x19800] =	vst v63  }
0x4d: {  	p0 =	sne.s32 s25, $0x5C00;
	_ =	swait.ge [sflag:s22], $0x2800  }
.Ltmp1:
0x4e: {  	[sflag:s22] =	ssyncset.done $0x0;
	(pc) =	sbr.rel @p0 .LBB2_4-.Ltmp1, $4  }
0x4f: {  	s25 =	sadd.s32 $0x1800, s26;
	[sflag:s22] =	ssyncadd.s32 $0xFFFFD800  }
0x50: {  	[spmem:s3] =	stream.indirect.scatter.add.f32 [tilespmem:s21], [sflag:$0x2], $0x80, s25, s20, $0xb8;
	[tilespmem:$0x19800] =	vst v63  }
0x51: {  	_ =	swait.ge [sflag:s18], $0x2800  }
0x52: {  	s25 =	smov.u32 s28;
	[sflag:s18] =	ssyncset.done $0x0  }
0x53: {  	s24 =	sshra.s32 s24, $0x2;
	[sflag:s18] =	ssyncadd.s32 $0xFFFFD800  }
0x54: {  	[tilespmem:s21], [sflag:$0x1] =	stream.indirect.gather [hbm4b:s2+s20], $0x80, s24, s20, $0xb8;
	[tilespmem:$0x19800] =	vst v63  }
0x55: {  	_ =	swait.ge [sflag:s22], $0x2800  }
0x56: {  	[sflag:s22] =	ssyncset.done $0x0  }
0x57: {  	s24 =	sadd.s32 $0x1800, s24;
	[sflag:s22] =	ssyncadd.s32 $0xFFFFD800  }
0x58: {  	[spmem:s3] =	stream.indirect.scatter.add.f32 [tilespmem:s21], [sflag:$0x2], $0x80, s24, s20, $0xb8;
	[tilespmem:$0x19800] =	vst v63  }
0x59: {  	_ =	swait.ge [sflag:s18], $0x2800  }
0x5a: {  	[sflag:s18] =	ssyncset.done $0x0  }
0x5b: {  	s29 =	simm.s32 $0x0;
	[sflag:s18] =	ssyncadd.s32 $0xFFFFD800  }
0x5c: {  	[tilespmem:s29], [sflag:$0x2] =	stream.linear.gather [hbm4b:s11+s29], $0x1780, $0x38;
	[tilespmem:$0x19800] =	vst v63  }
0x5d: {  	_ =	swait.ge [sflag:s18], $0x1780  }
0x5e: {  	[sflag:s18] =	ssyncset.done $0x0  }
0x5f: {  	[sflag:s18] =	ssyncadd.s32 $0xFFFFE880  }
0x60: {  	[tilespmem:s19], [sflag:$0x2] =	stream.linear.gather [hbm4b:s12+s29], $0x1780, $0x38;
	[tilespmem:$0x19800] =	vst v63  }
0x61: {  	_ =	swait.ge [sflag:s18], $0x1780  }
0x62: {  	[sflag:s18] =	ssyncset.done $0x0  }
0x63: {  	s30 =	simm.s32 $0x0;
	[sflag:s18] =	ssyncadd.s32 $0xFFFFE880  }
0x64: {  	[tilespmem:s21], [sflag:$0x1] =	stream.indirect.gather [hbm4b:s2+s20], $0x80, s30, s20, $0xb8;
	[tilespmem:$0x19800] =	vst v63  }
0x65: {  	_ =	swait.ge [sflag:s22], $0x2800  }
0x66: {  	[sflag:s22] =	ssyncset.done $0x0  }
0x67: {  	s31 =	simm.s32 $0x1800;
	[sflag:s22] =	ssyncadd.s32 $0xFFFFD800  }
0x68: {  	[spmem:s3] =	stream.indirect.scatter.add.f32 [tilespmem:s21], [sflag:$0x2], $0x80, s31, s20, $0xb8;
	[tilespmem:$0x19800] =	vst v63  }
0x69: {  	_ =	swait.ge [sflag:s18], $0x2800  }
0x6a: {  	s25 =	simm.s32 $0x400;
	s24 =	simm.s32 $0x200;
	[sflag:s18] =	ssyncset.done $0x0  }
.LBB2_6:
0x6b: {  	s26 =	sshra.s32 s24, $0x2  }
0x6c: {  	[sflag:s18] =	ssyncadd.s32 $0xFFFFD800;
	s24 =	smov.u32 s25;
	s28 =	sadd.s32 $0x200, s25  }
0x6d: {  	[tilespmem:s21], [sflag:$0x1] =	stream.indirect.gather [hbm4b:s2+s20], $0x80, s26, s20, $0xb8;
	[tilespmem:$0x19800] =	vst v63  }
0x6e: {  	p0 =	sne.s32 s25, $0x5C00;
	_ =	swait.ge [sflag:s22], $0x2800  }
.Ltmp2:
0x6f: {  	[sflag:s22] =	ssyncset.done $0x0;
	(pc) =	sbr.rel @p0 .LBB2_6-.Ltmp2, $4  }
0x70: {  	s25 =	sadd.s32 $0x1800, s26;
	[sflag:s22] =	ssyncadd.s32 $0xFFFFD800  }
0x71: {  	[spmem:s3] =	stream.indirect.scatter.add.f32 [tilespmem:s21], [sflag:$0x2], $0x80, s25, s20, $0xb8;
	[tilespmem:$0x19800] =	vst v63  }
0x72: {  	_ =	swait.ge [sflag:s18], $0x2800  }
0x73: {  	s25 =	smov.u32 s28;
	[sflag:s18] =	ssyncset.done $0x0  }
0x74: {  	s24 =	sshra.s32 s24, $0x2;
	[sflag:s18] =	ssyncadd.s32 $0xFFFFD800  }
0x75: {  	[tilespmem:s21], [sflag:$0x1] =	stream.indirect.gather [hbm4b:s2+s20], $0x80, s24, s20, $0xb8;
	[tilespmem:$0x19800] =	vst v63  }
0x76: {  	_ =	swait.ge [sflag:s22], $0x2800  }
0x77: {  	[sflag:s22] =	ssyncset.done $0x0  }
0x78: {  	s24 =	sadd.s32 $0x1800, s24;
	[sflag:s22] =	ssyncadd.s32 $0xFFFFD800  }
0x79: {  	[spmem:s3] =	stream.indirect.scatter.add.f32 [tilespmem:s21], [sflag:$0x2], $0x80, s24, s20, $0xb8;
	[tilespmem:$0x19800] =	vst v63  }
0x7a: {  	_ =	swait.ge [sflag:s18], $0x2800  }
0x7b: {  	[sflag:s18] =	ssyncset.done $0x0  }
0x7c: {  	s29 =	simm.s32 $0x0;
	[sflag:s18] =	ssyncadd.s32 $0xFFFFD800  }
0x7d: {  	[tilespmem:s29], [sflag:$0x2] =	stream.linear.gather [hbm4b:s13+s29], $0x1780, $0x38;
	[tilespmem:$0x19800] =	vst v63  }
0x7e: {  	_ =	swait.ge [sflag:s18], $0x1780  }
0x7f: {  	[sflag:s18] =	ssyncset.done $0x0  }
0x80: {  	[sflag:s18] =	ssyncadd.s32 $0xFFFFE880  }
0x81: {  	[tilespmem:s19], [sflag:$0x2] =	stream.linear.gather [hbm4b:s14+s29], $0x1780, $0x38;
	[tilespmem:$0x19800] =	vst v63  }
0x82: {  	_ =	swait.ge [sflag:s18], $0x1780  }
0x83: {  	[sflag:s18] =	ssyncset.done $0x0  }
0x84: {  	s30 =	simm.s32 $0x0;
	[sflag:s18] =	ssyncadd.s32 $0xFFFFE880  }
0x85: {  	[tilespmem:s21], [sflag:$0x1] =	stream.indirect.gather [hbm4b:s2+s20], $0x80, s30, s20, $0xb8;
	[tilespmem:$0x19800] =	vst v63  }
0x86: {  	_ =	swait.ge [sflag:s22], $0x2800  }
0x87: {  	[sflag:s22] =	ssyncset.done $0x0  }
0x88: {  	s31 =	simm.s32 $0x1800;
	[sflag:s22] =	ssyncadd.s32 $0xFFFFD800  }
0x89: {  	[spmem:s3] =	stream.indirect.scatter.add.f32 [tilespmem:s21], [sflag:$0x2], $0x80, s31, s20, $0xb8;
	[tilespmem:$0x19800] =	vst v63  }
0x8a: {  	_ =	swait.ge [sflag:s18], $0x2800  }
0x8b: {  	s25 =	simm.s32 $0x400;
	s24 =	simm.s32 $0x200;
	[sflag:s18] =	ssyncset.done $0x0  }
.LBB2_8:
0x8c: {  	s26 =	sshra.s32 s24, $0x2  }
0x8d: {  	[sflag:s18] =	ssyncadd.s32 $0xFFFFD800;
	s24 =	smov.u32 s25;
	s28 =	sadd.s32 $0x200, s25  }
0x8e: {  	[tilespmem:s21], [sflag:$0x1] =	stream.indirect.gather [hbm4b:s2+s20], $0x80, s26, s20, $0xb8;
	[tilespmem:$0x19800] =	vst v63  }
0x8f: {  	p0 =	sne.s32 s25, $0x5C00;
	_ =	swait.ge [sflag:s22], $0x2800  }
.Ltmp3:
0x90: {  	[sflag:s22] =	ssyncset.done $0x0;
	(pc) =	sbr.rel @p0 .LBB2_8-.Ltmp3, $4  }
0x91: {  	s25 =	sadd.s32 $0x1800, s26;
	[sflag:s22] =	ssyncadd.s32 $0xFFFFD800  }
0x92: {  	[spmem:s3] =	stream.indirect.scatter.add.f32 [tilespmem:s21], [sflag:$0x2], $0x80, s25, s20, $0xb8;
	[tilespmem:$0x19800] =	vst v63  }
0x93: {  	_ =	swait.ge [sflag:s18], $0x2800  }
0x94: {  	s25 =	smov.u32 s28;
	[sflag:s18] =	ssyncset.done $0x0  }
0x95: {  	s24 =	sshra.s32 s24, $0x2;
	[sflag:s18] =	ssyncadd.s32 $0xFFFFD800  }
0x96: {  	[tilespmem:s21], [sflag:$0x1] =	stream.indirect.gather [hbm4b:s2+s20], $0x80, s24, s20, $0xb8;
	[tilespmem:$0x19800] =	vst v63  }
0x97: {  	_ =	swait.ge [sflag:s22], $0x2800  }
0x98: {  	[sflag:s22] =	ssyncset.done $0x0  }
0x99: {  	s24 =	sadd.s32 $0x1800, s24;
	[sflag:s22] =	ssyncadd.s32 $0xFFFFD800  }
0x9a: {  	[spmem:s3] =	stream.indirect.scatter.add.f32 [tilespmem:s21], [sflag:$0x2], $0x80, s24, s20, $0xb8;
	[tilespmem:$0x19800] =	vst v63  }
0x9b: {  	_ =	swait.ge [sflag:s18], $0x2800  }
0x9c: {  	s23 =	sadd.s32 $0x1, s23;
	[sflag:s18] =	ssyncset.done $0x0  }
0x9d: {  	p0 =	sne.s32 s23, s16;
	[sflag:s18] =	ssyncadd.s32 $0xFFFFD800  }
.Ltmp4:
0x9e: {  	[bflag:$0x0] =	sbarrier.arrive $0xFFFF;
	(pc) =	sbr.rel @p0 .LBB2_1-.Ltmp4, $4  }
0x9f: {  	[hbm:s15], [sflag:s6] =	dma.local [spmem:s17], $0x2800  }
0xa0: {  	_ =	swait.ge [sflag:s18], $0x2800  }
0xa1: {  	[sflag:s18] =	ssyncset.done $0x0  }
0xa2: {  	[sflag:s18] =	ssyncadd.s32 $0xFFFFD800  }
0xa3: {  	_ =	sfence.sel $0x180000  }
0xa4: {  	[bflag:$0x0] =	sbarrier.arrive $0xFFFF  }
0xa5: {  	p0 =	sne.s32 s1, $0x0;
	_ =	strace $0x9000005C  }
0xa6: {  	s0 =	sadd.s32 @!p0 $0x100000, s0;
	[bflag:$0x2] =	sbarrier.arrive $0xFFFF  }
0xa7: {  	[sflag:s0] =	ssyncadd.tile.s32 @!p0 $0x1;
	_ =	shalt  }
.Lfunc_end2:
_tile_overlayer_lowered:
.L_overlay_start_2:
0xa8: {  	(tag) =	ssettag $0x2  }
0xa9: {  	s0 =	rddreg [dreg:$0x0];
	s2 =	stileid.u32  }
0xaa: {  	s1 =	rddreg [dreg:$0x1];
	p0 =	sne.s32 s2, $0x0  }
0xab: {  	s3 =	rddreg [dreg:$0x2];
	[bflag:$0x3] =	sbarrier.arrive $0xFFFF;
	s2 =	simm.s32 @!p0 $0x1C02  }
0xac: {  	[timem:s3], [sflag:s2] =	dma.local @!p0 [hbm:s0], s1  }
0xad: {  	s0 =	simm.s32 @!p0 $0x2  }
0xae: {  	_ =	swait.ge @!p0 [sflag:s0], s1  }
0xaf: {  	s1 =	ssub.s32 @!p0 $0x0, s1;
	[sflag:s0] =	ssyncset.done @!p0 $0x0  }
0xb0: {  	[sflag:s0] =	ssyncadd.s32 @!p0 s1  }
0xb1: {  	[bflag:$0x3] =	sbarrier.arrive $0xFFFF  }
0xb2: {  	_ =	shalt  }

// kernel: kernel.21.cloned.1.call-start
scs
__scs_entry_jumppad:
0x0: {  	(pc) =	sbr.rel $0x88, $3  }
0x1: {  	(tag) =	ssettag $0x0;
	lr =	simm.s32 $0x1  }
0x2: {  	[smem:$0x3F80] =	sst lr;
	_ =	strace $0xD0000000  }
0x3: {  	_ = 	snop  }
0x4: {  	_ = 	snop  }
0x5: {  	_ = 	snop  }
0x6: {  	_ = 	snop  }
0x7: {  	_ = 	snop  }
__scs_overlays_trampoline_lowered:
0x8: {  	[smem:$0x3F8F] =	sst s0  }
0x9: {  	[smem:$0x3F90] =	sst s1  }
0xa: {  	[smem:$0x3F91] =	sst s2  }
0xb: {  	[smem:$0x3F92] =	sst s3  }
0xc: {  	[smem:$0x3F93] =	sst s4  }
0xd: {  	[smem:$0x3F94] =	sst s5  }
0xe: {  	[smem:$0x3F95] =	sst s6  }
0xf: {  	[smem:$0x3F96] =	sst s7  }
0x10: {  	[smem:$0x3F97] =	sst s8  }
0x11: {  	[smem:$0x3F98] =	sst s9;
	s0 =	simm.s32 @!p0 $0x0  }
0x12: {  	s1 =	sld [smem:$0x3F7E];
	s0 =	simm.s32 @p0 $0x1  }
0x13: {  	[smem:$0x3F99] =	sst s0;
	s0 =	simm.s32 @!p1 $0x0  }
0x14: {  	s2 =	sld [smem:$0x3F7D];
	s0 =	simm.s32 @p1 $0x1  }
0x15: {  	[smem:$0x3F9A] =	sst s0;
	s0 =	simm.s32 @!p2 $0x0  }
0x16: {  	s3 =	sld [smem:$0x3FDB];
	s0 =	simm.s32 @p2 $0x1  }
0x17: {  	s4 =	simm.s32 $0x1BF5;
	[smem:$0x3F9C] =	sst s0  }
0x18: {  	s0 =	sld [smem:$0x3F7F];
	_ =	swait.ge [sflag:s4], $0x0  }
0x19: {  	s7 =	sld [smem:$0x3F80]  }
0x1a: {  	s8 =	sadd.s32 $0xFFFFE003, lr  }
0x1b: {  	s9 =	sadd.s32 $0xFFFFFEF7, lr;
	s5 =	simm.s32 $0xFFFFFFFF;
	p2 =	slt.u32 s8, $0xFFFFF086  }
0x1c: {  	p1 =	slt.u32 s9, $0xF7A;
	s5 =	simm.s32 @!p2 $0x0  }
0x1d: {  	s5 =	simm.s32 @p1 $0x1;
	p0 =	seq.s32 s7, s2  }
0x1e: {  	s7 =	smul.u32 @!p0 $0xF7A, s2;
	p2 =	seq.s32 @!p0 s5, $0x0  }
0x1f: {  	s9 =	smul.u32 $0xF7A, s1;
	s8 =	simm.s32 @!p0 $0x1BF5;
	p2 =	por !p2, p0  }
0x20: {  	[sflag:s8] =	ssyncset.s32 @!p0 $0xFFFFF086;
	s6 =	sadd.s32 @!p0 s3, s7;
	s7 =	simm.s32 @!p0 $0x108  }
0x21: {  	s3 =	sadd.s32 s3, s9;
	s6 =	sadd.s32 @!p0 $0x88, s6;
	s7 =	simm.s32 @p2 $0x1082  }
0x22: {  	[simem:s7], [sflag:s8] =	dma.local @!p0 [hbm:s6], $0xF7A  }
0x23: {  	s9 =	sor.u32 $0xD0000000, s2;
	s6 =	simm.s32 $0x108;
	_ =	swait.ge @!p0 [sflag:s8], $0x0  }
0x24: {  	s3 =	sadd.s32 $0x88, s3;
	s6 =	simm.s32 @!p1 $0x1082;
	[sflag:s4] =	ssyncset.s32 $0xFFFFF086  }
0x25: {  	[simem:s6], [sflag:s4] =	dma.local [hbm:s3], $0xF7A  }
0x26: {  	[smem:$0x3F80] =	sst s1;
	(tag) =	ssettag s2;
	_ =	strace s9  }
0x27: {  	s1 =	sld [smem:$0x3F90]  }
0x28: {  	s2 =	sld [smem:$0x3F91]  }
0x29: {  	s4 =	sld [smem:$0x3F93]  }
0x2a: {  	p0 =	seq.s32 s5, $0x0;
	s5 =	sld [smem:$0x3F94]  }
0x2b: {  	s6 =	sld [smem:$0x3F95]  }
0x2c: {  	s7 =	sld [smem:$0x3F96]  }
0x2d: {  	s3 =	simm.s32 $0x108;
	s8 =	sld [smem:$0x3F97]  }
0x2e: {  	s3 =	simm.s32 @!p0 $0x1082;
	s9 =	sld [smem:$0x3F98]  }
0x2f: {  	lr =	sadd.s32 s0, s3;
	s0 =	sld [smem:$0x3F8F]  }
0x30: {  	s3 =	sld [smem:$0x3F92]  }
0x31: {  	[smem:$0x3F9B] =	sst s10  }
0x32: {  	s10 =	sld [smem:$0x3F99];
	_ =	sdelay $0x3  }
0x33: {  	p0 =	seq.s32 s10, $0x1;
	s10 =	sld [smem:$0x3F9B];
	_ =	sdelay $0x3  }
0x34: {  	[smem:$0x3F9B] =	sst s10  }
0x35: {  	s10 =	sld [smem:$0x3F9A];
	_ =	sdelay $0x3  }
0x36: {  	p1 =	seq.s32 s10, $0x1;
	s10 =	sld [smem:$0x3F9B];
	_ =	sdelay $0x3  }
0x37: {  	[smem:$0x3F9B] =	sst s10  }
0x38: {  	s10 =	sld [smem:$0x3F9C]  }
0x39: {  	_ = 	snop;
	(pc) =	sbr.ind lr, $3  }
0x3a: {  	_ = 	snop  }
0x3b: {  	_ = 	snop  }
0x3c: {  	p2 =	seq.s32 s10, $0x1;
	s10 =	sld [smem:$0x3F9B]  }
0x3d: {  	_ =	shalt  }
0x3e: {  	_ =	shalt  }
0x3f: {  	_ =	shalt  }
0x40: {  	_ =	shalt  }
0x41: {  	_ =	shalt  }
0x42: {  	_ =	shalt  }
0x43: {  	_ =	shalt  }
0x44: {  	_ =	shalt  }
0x45: {  	_ =	shalt  }
0x46: {  	_ =	shalt  }
0x47: {  	_ =	shalt  }
0x48: {  	_ =	shalt  }
0x49: {  	_ =	shalt  }
0x4a: {  	_ =	shalt  }
0x4b: {  	_ =	shalt  }
0x4c: {  	_ =	shalt  }
0x4d: {  	_ =	shalt  }
0x4e: {  	_ =	shalt  }
0x4f: {  	_ =	shalt  }
0x50: {  	_ =	shalt  }
0x51: {  	_ =	shalt  }
0x52: {  	_ =	shalt  }
0x53: {  	_ =	shalt  }
0x54: {  	_ =	shalt  }
0x55: {  	_ =	shalt  }
0x56: {  	_ =	shalt  }
0x57: {  	_ =	shalt  }
0x58: {  	_ =	shalt  }
0x59: {  	_ =	shalt  }
0x5a: {  	_ =	shalt  }
0x5b: {  	_ =	shalt  }
0x5c: {  	_ =	shalt  }
0x5d: {  	_ =	shalt  }
0x5e: {  	_ =	shalt  }
0x5f: {  	_ =	shalt  }
0x60: {  	_ =	shalt  }
0x61: {  	_ =	shalt  }
0x62: {  	_ =	shalt  }
0x63: {  	_ =	shalt  }
0x64: {  	_ =	shalt  }
0x65: {  	_ =	shalt  }
0x66: {  	_ =	shalt  }
0x67: {  	_ =	shalt  }
0x68: {  	_ =	shalt  }
0x69: {  	_ =	shalt  }
0x6a: {  	_ =	shalt  }
0x6b: {  	_ =	shalt  }
0x6c: {  	_ =	shalt  }
0x6d: {  	_ =	shalt  }
0x6e: {  	_ =	shalt  }
0x6f: {  	_ =	shalt  }
0x70: {  	_ =	shalt  }
0x71: {  	_ =	shalt  }
0x72: {  	_ =	shalt  }
0x73: {  	_ =	shalt  }
0x74: {  	_ =	shalt  }
0x75: {  	_ =	shalt  }
0x76: {  	_ =	shalt  }
0x77: {  	_ =	shalt  }
0x78: {  	_ =	shalt  }
0x79: {  	_ =	shalt  }
0x7a: {  	_ =	shalt  }
0x7b: {  	_ =	shalt  }
0x7c: {  	_ =	shalt  }
0x7d: {  	_ =	shalt  }
0x7e: {  	_ =	shalt  }
0x7f: {  	_ =	shalt  }
0x80: {  	_ =	shalt  }
0x81: {  	_ =	shalt  }
0x82: {  	_ =	shalt  }
0x83: {  	_ =	shalt  }
0x84: {  	_ =	shalt  }
0x85: {  	_ =	shalt  }
0x86: {  	_ =	shalt  }
0x87: {  	_ =	shalt  }
.Lfunc_end0:
.L_simem_size_0:
called_computation.9_lowered:
.L_overlay_start_0:
0x88: {  	s2 =	sld [smem:$0x3FD9]  }
0x89: {  	s3 =	sld [smem:$0x3FFE];
	_ =	sdelay $0x1  }
0x8a: {  	s1 =	srdreg.scid  }
0x8b: {  	s0 =	sand.u32 $0x1, s1  }
0x8c: {  	s16 =	sshll.u32 s0, $0xA;
	s2 =	sadd.s32 s3, s2  }
0x8d: {  	s2 =	sadd.s32 s2, s16  }
0x8e: {  	[smem:$0x3FA7] =	sst s2  }
0x8f: {  	_ = 	snop  }
0x90: {  	(tm) =	ssettm $0x1  }
0x91: {  	s17 =	sld [smem:$0x3FFB];
	_ =	sdelay $0x3  }
0x92: {  	_ =	strace s17  }
0x93: {  	s2 =	sld [smem:$0x3FFC];
	_ =	sdelay $0x3  }
0x94: {  	_ =	strace s2  }
0x95: {  	s2 =	sld [smem:$0x3FFD];
	_ =	sdelay $0x3  }
0x96: {  	_ =	strace s2  }
0x97: {  	_ =	strace $0x8FFFFFFF  }
0x98: {  	s18 =	sld [smem:$0x3FDB];
	_ =	sdelay $0x1  }
0x99: {  	s19 =	simm.s32 $_scs_section_size  }
0x9a: {  	s4 =	simm.s32 $_size__tile_overlayer_lowered;
	s5 =	simm.s32 $_tile_overlayer_lowered  }
0x9b: {  	s22 =	simm.s32 $0x1BFF;
	s21 =	sshll.u32 s5, $0x1;
	s2 =	sadd.s32 s19, s18  }
0x9c: {  	s6 =	simm.s32 $0x0;
	s20 =	sshll.u32 s4, $0x1;
	s4 =	sadd.s32 s21, s2  }
0x9d: {  	[timem:s6], [sflag:s22] =	dma.local [hbm:s4], s20  }
0x9e: {  	_ =	swait.ge [sflag:s22], s20  }
0x9f: {  	s3 =	ssub.s32 $0x0, s20;
	[sflag:s22] =	ssyncset.done $0x0  }
0xa0: {  	[sflag:s22] =	ssyncadd.s32 s3;
	_ =	sdelay $0x1  }
0xa1: {  	s23 =	simm.s32 $0x1B8B  }
0xa2: {  	_ =	swait.ge [sflag:s23], $0x1  }
0xa3: {  	[sflag:s23] =	ssyncset.done $0x0  }
0xa4: {  	s25 =	simm.s32 $0x1B8E;
	s24 =	sld [smem:$0x3FFE];
	[sflag:s23] =	ssyncadd.s32 $0xFFFFFFFF  }
0xa5: {  	s26 =	simm.s32 $execute0_lowered;
	[smem:$0x3FD2] =	sst s25  }
0xa6: {  	s4 =	sshll.u32 s26, $0x1;
	_ =	strace $0x8000005E;
	[dreg:$0x1] =	wrdreg $0xFFFFFFFF  }
0xa7: {  	s28 =	simm.s32 $_size_execute0_lowered;
	s2 =	sadd.s32 s2, s4;
	[dreg:$0x0] =	wrdreg $0x0  }
0xa8: {  	s4 =	sshll.u32 s28, $0x1;
	[dreg:$0x2] =	wrdreg s2  }
0xa9: {  	[dreg:$0x3] =	wrdreg s4  }
0xaa: {  	[dreg:$0x4] =	wrdreg $0xC0  }
0xab: {  	_ =	task [dreg:s6], $0x5FFFF  }
0xac: {  	[dreg:$0x1] =	wrdreg $0xFFFFFFFF  }
0xad: {  	[dreg:$0x0] =	wrdreg $0x60  }
0xae: {  	[dreg:$0x2] =	wrdreg s24  }
0xaf: {  	[dreg:$0x3] =	wrdreg $0x58000  }
0xb0: {  	[dreg:$0x4] =	wrdreg $0x9  }
0xb1: {  	_ =	task.clear_ibuf [dreg:s6], $0x5FFFF;
	_ =	strace $0x9000005E  }
0xb2: {  	s29 =	simm.s32 $0x9;
	_ =	strace $0x80000060  }
0xb3: {  	_ =	swait.ge [sflag:s29], $0x1  }
0xb4: {  	[sflag:s29] =	ssyncadd.s32 $0xFFFFFFFF  }
0xb5: {  	_ =	strace $0x90000060  }
0xb6: {  	_ =	sfence  }
0xb7: {  	s30 =	sld [smem:$0x0];
	_ =	sdelay $0x2  }
0xb8: {  	s31 =	sshll.u32 s1, $0xD;
	s1 =	sshrl.u32 s1, $0x2  }
0xb9: {  	s3 =	sand.u32 $0x4000, s31;
	s1 =	sadd.s32 s1, s30  }
0xba: {  	s0 =	sor.u32 s3, s0;
	s1 =	sshll.u32 s1, $0x11  }
0xbb: {  	s0 =	sor.u32 s1, s0  }
0xbc: {  	s0 =	sadd.s32 $0x8F2B, s0  }
0xbd: {  	[sflag:s0] =	ssyncadd.remote.s32 $0x1  }
0xbe: {  	_ =	sfence.sel $0xFFFF  }
0xbf: {  	[dreg:$0x0] =	wrdreg $0xFFFFFFFF;
	(pc) =	sbr.abs _section_cstart, $3  }
0xc0: {  	[dreg:$0x1] =	wrdreg $0xFFFFFFFF  }
0xc1: {  	_ =	task.clear_ibuf [dreg:s6], $0x2FFFF;
	_ =	strace $0x9FFFFFFF  }
0xc2: {  	(tm) =	ssettm $0x7FFFFFFF  }
0xc3: {  	_ =	shalt  }
tec
execute0_lowered:
.L_overlay_start_1:
0x0: {  	(tag) =	ssettag $0x1  }
0x1: {  	s5 =	rddreg [dreg:$0x0]  }
0x2: {  	s2 =	rddreg [dreg:$0x1]  }
0x3: {  	s0 =	rddreg [dreg:$0x2];
	s3 =	simm.s32 $0x0  }
0x4: {  	s1 =	stileid.u32;
	s4 =	srdreg.scid;
	s20 =	simm.s32 $0x50  }
0x5: {  	s21 =	simm.s32 $0x3000;
	s22 =	simm.s32 $0x1;
	s23 =	simm.s32 $0x0  }
0x6: {  	[smem:$0x7FF] =	sst s3;
	s6 =	smul.u32 $0x14000, s1;
	s7 =	sand.u32 $0x1, s4  }
0x7: {  	s4 =	sadd.s32 $0x4AC00, s5;
	s13 =	sadd.s32 $0xAC00, s5;
	s14 =	sadd.s32 $0xA9400, s5  }
0x8: {  	s28 =	smul.u32 $0x50000, s1;
	s10 =	sshll.u32 s1, $0x1;
	s30 =	sshll.u32 s1, $0x6  }
0x9: {  	_ =	strace $0x8000005F;
	s9 =	smul.u32 $0x140000, s7;
	s11 =	ssub.s32 $0x2, s7  }
0xa: {  	s7 =	sor.u32 s7, s10;
	s8 =	sshrl.u32 s6, $0x3;
	s29 =	sshrl.u32 s11, $0x1  }
0xb: {  	s7 =	smul.u32 $0x6000, s7;
	s8 =	sadd.s32 s8, s5;
	s6 =	sadd.s32 s6, s9  }
0xc: {  	s9 =	sshrl.u32 s28, $0x2;
	s16 =	ssub.s32 s11, s29;
	s6 =	sshrl.u32 s6, $0x3  }
0xd: {  	s17 =	sadd.s32 s9, s2;
	s12 =	sshrl.u32 s7, $0x3;
	s16 =	smax.u32 s16, $0x1  }
0xe: {  	s15 =	sadd.s32 s6, s5;
	s5 =	sadd.s32 $0x22C00, s8;
	s6 =	sor.u32 $0x1C02, s30  }
0xf: {  	s7 =	sadd.s32 s13, s12;
	s31 =	sor.u32 $0x300, s12;
	s8 =	sadd.s32 s14, s12  }
0x10: {  	s18 =	sadd.s32 $0x600, s12;
	s19 =	sadd.s32 $0x900, s12;
	s17 =	sshrl.u32 s17, $0x3  }
0x11: {  	s9 =	sadd.s32 s13, s31;
	s10 =	sadd.s32 s14, s31;
	s11 =	sadd.s32 s13, s18  }
0x12: {  	s12 =	sadd.s32 s14, s18;
	s13 =	sadd.s32 s13, s19;
	s14 =	sadd.s32 s14, s19  }
0x13: {  	s15 =	sadd.s32 $0xC1400, s15;
	s18 =	simm.s32 $0x2;
	s19 =	simm.s32 $0x1800  }
.LBB2_1:
0x14: {  	[spmem:s17], [sflag:s6] =	dma.local [hbm:s5], $0x2800  }
0x15: {  	_ =	swait.ge [sflag:s18], $0x2800  }
0x16: {  	[sflag:s18] =	ssyncset.done $0x0  }
0x17: {  	[sflag:s18] =	ssyncadd.s32 $0xFFFFD800  }
0x18: {  	[bflag:$0x0] =	sbarrier.arrive $0xFFFF  }
0x19: {  	[tilespmem:s3], [sflag:$0x2] =	stream.linear.gather [hbm4b:s7+s3], $0x1780, $0x38;
	[tilespmem:$0x19800] =	vst v63  }
0x1a: {  	_ =	swait.ge [sflag:s18], $0x1780  }
0x1b: {  	[sflag:s18] =	ssyncset.done $0x0  }
0x1c: {  	[sflag:s18] =	ssyncadd.s32 $0xFFFFE880  }
0x1d: {  	[tilespmem:s19], [sflag:$0x2] =	stream.linear.gather [hbm4b:s8+s3], $0x1780, $0x38;
	[tilespmem:$0x19800] =	vst v63  }
0x1e: {  	_ =	swait.ge [sflag:s18], $0x1780  }
0x1f: {  	[sflag:s18] =	ssyncset.done $0x0  }
0x20: {  	s24 =	simm.s32 $0x0;
	[sflag:s18] =	ssyncadd.s32 $0xFFFFE880  }
0x21: {  	[tilespmem:s21], [sflag:$0x1] =	stream.indirect.gather [hbm4b:s4+s20], $0x80, s24, s20, $0xb8;
	[tilespmem:$0x19800] =	vst v63  }
0x22: {  	_ =	swait.ge [sflag:s22], $0x2800  }
0x23: {  	[sflag:s22] =	ssyncset.done $0x0  }
0x24: {  	s31 =	simm.s32 $0x1800;
	[sflag:s22] =	ssyncadd.s32 $0xFFFFD800  }
0x25: {  	[spmem:s2] =	stream.indirect.scatter.add.f32 [tilespmem:s21], [sflag:$0x2], $0x80, s31, s20, $0xb8;
	[tilespmem:$0x19800] =	vst v63  }
0x26: {  	_ =	swait.ge [sflag:s18], $0x2800  }
0x27: {  	s25 =	simm.s32 $0x400;
	s24 =	simm.s32 $0x200;
	[sflag:s18] =	ssyncset.done $0x0  }
.LBB2_2:
0x28: {  	s26 =	sshra.s32 s24, $0x2  }
0x29: {  	[sflag:s18] =	ssyncadd.s32 $0xFFFFD800;
	s24 =	smov.u32 s25;
	s28 =	sadd.s32 $0x200, s25  }
0x2a: {  	[tilespmem:s21], [sflag:$0x1] =	stream.indirect.gather [hbm4b:s4+s20], $0x80, s26, s20, $0xb8;
	[tilespmem:$0x19800] =	vst v63  }
0x2b: {  	p0 =	sne.s32 s25, $0x5C00;
	_ =	swait.ge [sflag:s22], $0x2800  }
.Ltmp0:
0x2c: {  	[sflag:s22] =	ssyncset.done $0x0;
	(pc) =	sbr.rel @p0 .LBB2_2-.Ltmp0, $4  }
0x2d: {  	s25 =	sadd.s32 $0x1800, s26;
	[sflag:s22] =	ssyncadd.s32 $0xFFFFD800  }
0x2e: {  	[spmem:s2] =	stream.indirect.scatter.add.f32 [tilespmem:s21], [sflag:$0x2], $0x80, s25, s20, $0xb8;
	[tilespmem:$0x19800] =	vst v63  }
0x2f: {  	_ =	swait.ge [sflag:s18], $0x2800  }
0x30: {  	s25 =	smov.u32 s28;
	[sflag:s18] =	ssyncset.done $0x0  }
0x31: {  	s24 =	sshra.s32 s24, $0x2;
	[sflag:s18] =	ssyncadd.s32 $0xFFFFD800  }
0x32: {  	[tilespmem:s21], [sflag:$0x1] =	stream.indirect.gather [hbm4b:s4+s20], $0x80, s24, s20, $0xb8;
	[tilespmem:$0x19800] =	vst v63  }
0x33: {  	_ =	swait.ge [sflag:s22], $0x2800  }
0x34: {  	[sflag:s22] =	ssyncset.done $0x0  }
0x35: {  	s24 =	sadd.s32 $0x1800, s24;
	[sflag:s22] =	ssyncadd.s32 $0xFFFFD800  }
0x36: {  	[spmem:s2] =	stream.indirect.scatter.add.f32 [tilespmem:s21], [sflag:$0x2], $0x80, s24, s20, $0xb8;
	[tilespmem:$0x19800] =	vst v63  }
0x37: {  	_ =	swait.ge [sflag:s18], $0x2800  }
0x38: {  	[sflag:s18] =	ssyncset.done $0x0  }
0x39: {  	s29 =	simm.s32 $0x0;
	[sflag:s18] =	ssyncadd.s32 $0xFFFFD800  }
0x3a: {  	[tilespmem:s29], [sflag:$0x2] =	stream.linear.gather [hbm4b:s9+s29], $0x1780, $0x38;
	[tilespmem:$0x19800] =	vst v63  }
0x3b: {  	_ =	swait.ge [sflag:s18], $0x1780  }
0x3c: {  	[sflag:s18] =	ssyncset.done $0x0  }
0x3d: {  	[sflag:s18] =	ssyncadd.s32 $0xFFFFE880  }
0x3e: {  	[tilespmem:s19], [sflag:$0x2] =	stream.linear.gather [hbm4b:s10+s29], $0x1780, $0x38;
	[tilespmem:$0x19800] =	vst v63  }
0x3f: {  	_ =	swait.ge [sflag:s18], $0x1780  }
0x40: {  	[sflag:s18] =	ssyncset.done $0x0  }
0x41: {  	s30 =	simm.s32 $0x0;
	[sflag:s18] =	ssyncadd.s32 $0xFFFFE880  }
0x42: {  	[tilespmem:s21], [sflag:$0x1] =	stream.indirect.gather [hbm4b:s4+s20], $0x80, s30, s20, $0xb8;
	[tilespmem:$0x19800] =	vst v63  }
0x43: {  	_ =	swait.ge [sflag:s22], $0x2800  }
0x44: {  	[sflag:s22] =	ssyncset.done $0x0  }
0x45: {  	s31 =	simm.s32 $0x1800;
	[sflag:s22] =	ssyncadd.s32 $0xFFFFD800  }
0x46: {  	[spmem:s2] =	stream.indirect.scatter.add.f32 [tilespmem:s21], [sflag:$0x2], $0x80, s31, s20, $0xb8;
	[tilespmem:$0x19800] =	vst v63  }
0x47: {  	_ =	swait.ge [sflag:s18], $0x2800  }
0x48: {  	s25 =	simm.s32 $0x400;
	s24 =	simm.s32 $0x200;
	[sflag:s18] =	ssyncset.done $0x0  }
.LBB2_4:
0x49: {  	s26 =	sshra.s32 s24, $0x2  }
0x4a: {  	[sflag:s18] =	ssyncadd.s32 $0xFFFFD800;
	s24 =	smov.u32 s25;
	s28 =	sadd.s32 $0x200, s25  }
0x4b: {  	[tilespmem:s21], [sflag:$0x1] =	stream.indirect.gather [hbm4b:s4+s20], $0x80, s26, s20, $0xb8;
	[tilespmem:$0x19800] =	vst v63  }
0x4c: {  	p0 =	sne.s32 s25, $0x5C00;
	_ =	swait.ge [sflag:s22], $0x2800  }
.Ltmp1:
0x4d: {  	[sflag:s22] =	ssyncset.done $0x0;
	(pc) =	sbr.rel @p0 .LBB2_4-.Ltmp1, $4  }
0x4e: {  	s25 =	sadd.s32 $0x1800, s26;
	[sflag:s22] =	ssyncadd.s32 $0xFFFFD800  }
0x4f: {  	[spmem:s2] =	stream.indirect.scatter.add.f32 [tilespmem:s21], [sflag:$0x2], $0x80, s25, s20, $0xb8;
	[tilespmem:$0x19800] =	vst v63  }
0x50: {  	_ =	swait.ge [sflag:s18], $0x2800  }
0x51: {  	s25 =	smov.u32 s28;
	[sflag:s18] =	ssyncset.done $0x0  }
0x52: {  	s24 =	sshra.s32 s24, $0x2;
	[sflag:s18] =	ssyncadd.s32 $0xFFFFD800  }
0x53: {  	[tilespmem:s21], [sflag:$0x1] =	stream.indirect.gather [hbm4b:s4+s20], $0x80, s24, s20, $0xb8;
	[tilespmem:$0x19800] =	vst v63  }
0x54: {  	_ =	swait.ge [sflag:s22], $0x2800  }
0x55: {  	[sflag:s22] =	ssyncset.done $0x0  }
0x56: {  	s24 =	sadd.s32 $0x1800, s24;
	[sflag:s22] =	ssyncadd.s32 $0xFFFFD800  }
0x57: {  	[spmem:s2] =	stream.indirect.scatter.add.f32 [tilespmem:s21], [sflag:$0x2], $0x80, s24, s20, $0xb8;
	[tilespmem:$0x19800] =	vst v63  }
0x58: {  	_ =	swait.ge [sflag:s18], $0x2800  }
0x59: {  	[sflag:s18] =	ssyncset.done $0x0  }
0x5a: {  	s29 =	simm.s32 $0x0;
	[sflag:s18] =	ssyncadd.s32 $0xFFFFD800  }
0x5b: {  	[tilespmem:s29], [sflag:$0x2] =	stream.linear.gather [hbm4b:s11+s29], $0x1780, $0x38;
	[tilespmem:$0x19800] =	vst v63  }
0x5c: {  	_ =	swait.ge [sflag:s18], $0x1780  }
0x5d: {  	[sflag:s18] =	ssyncset.done $0x0  }
0x5e: {  	[sflag:s18] =	ssyncadd.s32 $0xFFFFE880  }
0x5f: {  	[tilespmem:s19], [sflag:$0x2] =	stream.linear.gather [hbm4b:s12+s29], $0x1780, $0x38;
	[tilespmem:$0x19800] =	vst v63  }
0x60: {  	_ =	swait.ge [sflag:s18], $0x1780  }
0x61: {  	[sflag:s18] =	ssyncset.done $0x0  }
0x62: {  	s30 =	simm.s32 $0x0;
	[sflag:s18] =	ssyncadd.s32 $0xFFFFE880  }
0x63: {  	[tilespmem:s21], [sflag:$0x1] =	stream.indirect.gather [hbm4b:s4+s20], $0x80, s30, s20, $0xb8;
	[tilespmem:$0x19800] =	vst v63  }
0x64: {  	_ =	swait.ge [sflag:s22], $0x2800  }
0x65: {  	[sflag:s22] =	ssyncset.done $0x0  }
0x66: {  	s31 =	simm.s32 $0x1800;
	[sflag:s22] =	ssyncadd.s32 $0xFFFFD800  }
0x67: {  	[spmem:s2] =	stream.indirect.scatter.add.f32 [tilespmem:s21], [sflag:$0x2], $0x80, s31, s20, $0xb8;
	[tilespmem:$0x19800] =	vst v63  }
0x68: {  	_ =	swait.ge [sflag:s18], $0x2800  }
0x69: {  	s25 =	simm.s32 $0x400;
	s24 =	simm.s32 $0x200;
	[sflag:s18] =	ssyncset.done $0x0  }
.LBB2_6:
0x6a: {  	s26 =	sshra.s32 s24, $0x2  }
0x6b: {  	[sflag:s18] =	ssyncadd.s32 $0xFFFFD800;
	s24 =	smov.u32 s25;
	s28 =	sadd.s32 $0x200, s25  }
0x6c: {  	[tilespmem:s21], [sflag:$0x1] =	stream.indirect.gather [hbm4b:s4+s20], $0x80, s26, s20, $0xb8;
	[tilespmem:$0x19800] =	vst v63  }
0x6d: {  	p0 =	sne.s32 s25, $0x5C00;
	_ =	swait.ge [sflag:s22], $0x2800  }
.Ltmp2:
0x6e: {  	[sflag:s22] =	ssyncset.done $0x0;
	(pc) =	sbr.rel @p0 .LBB2_6-.Ltmp2, $4  }
0x6f: {  	s25 =	sadd.s32 $0x1800, s26;
	[sflag:s22] =	ssyncadd.s32 $0xFFFFD800  }
0x70: {  	[spmem:s2] =	stream.indirect.scatter.add.f32 [tilespmem:s21], [sflag:$0x2], $0x80, s25, s20, $0xb8;
	[tilespmem:$0x19800] =	vst v63  }
0x71: {  	_ =	swait.ge [sflag:s18], $0x2800  }
0x72: {  	s25 =	smov.u32 s28;
	[sflag:s18] =	ssyncset.done $0x0  }
0x73: {  	s24 =	sshra.s32 s24, $0x2;
	[sflag:s18] =	ssyncadd.s32 $0xFFFFD800  }
0x74: {  	[tilespmem:s21], [sflag:$0x1] =	stream.indirect.gather [hbm4b:s4+s20], $0x80, s24, s20, $0xb8;
	[tilespmem:$0x19800] =	vst v63  }
0x75: {  	_ =	swait.ge [sflag:s22], $0x2800  }
0x76: {  	[sflag:s22] =	ssyncset.done $0x0  }
0x77: {  	s24 =	sadd.s32 $0x1800, s24;
	[sflag:s22] =	ssyncadd.s32 $0xFFFFD800  }
0x78: {  	[spmem:s2] =	stream.indirect.scatter.add.f32 [tilespmem:s21], [sflag:$0x2], $0x80, s24, s20, $0xb8;
	[tilespmem:$0x19800] =	vst v63  }
0x79: {  	_ =	swait.ge [sflag:s18], $0x2800  }
0x7a: {  	[sflag:s18] =	ssyncset.done $0x0  }
0x7b: {  	s29 =	simm.s32 $0x0;
	[sflag:s18] =	ssyncadd.s32 $0xFFFFD800  }
0x7c: {  	[tilespmem:s29], [sflag:$0x2] =	stream.linear.gather [hbm4b:s13+s29], $0x1780, $0x38;
	[tilespmem:$0x19800] =	vst v63  }
0x7d: {  	_ =	swait.ge [sflag:s18], $0x1780  }
0x7e: {  	[sflag:s18] =	ssyncset.done $0x0  }
0x7f: {  	[sflag:s18] =	ssyncadd.s32 $0xFFFFE880  }
0x80: {  	[tilespmem:s19], [sflag:$0x2] =	stream.linear.gather [hbm4b:s14+s29], $0x1780, $0x38;
	[tilespmem:$0x19800] =	vst v63  }
0x81: {  	_ =	swait.ge [sflag:s18], $0x1780  }
0x82: {  	[sflag:s18] =	ssyncset.done $0x0  }
0x83: {  	s30 =	simm.s32 $0x0;
	[sflag:s18] =	ssyncadd.s32 $0xFFFFE880  }
0x84: {  	[tilespmem:s21], [sflag:$0x1] =	stream.indirect.gather [hbm4b:s4+s20], $0x80, s30, s20, $0xb8;
	[tilespmem:$0x19800] =	vst v63  }
0x85: {  	_ =	swait.ge [sflag:s22], $0x2800  }
0x86: {  	[sflag:s22] =	ssyncset.done $0x0  }
0x87: {  	s31 =	simm.s32 $0x1800;
	[sflag:s22] =	ssyncadd.s32 $0xFFFFD800  }
0x88: {  	[spmem:s2] =	stream.indirect.scatter.add.f32 [tilespmem:s21], [sflag:$0x2], $0x80, s31, s20, $0xb8;
	[tilespmem:$0x19800] =	vst v63  }
0x89: {  	_ =	swait.ge [sflag:s18], $0x2800  }
0x8a: {  	s25 =	simm.s32 $0x400;
	s24 =	simm.s32 $0x200;
	[sflag:s18] =	ssyncset.done $0x0  }
.LBB2_8:
0x8b: {  	s26 =	sshra.s32 s24, $0x2  }
0x8c: {  	[sflag:s18] =	ssyncadd.s32 $0xFFFFD800;
	s24 =	smov.u32 s25;
	s28 =	sadd.s32 $0x200, s25  }
0x8d: {  	[tilespmem:s21], [sflag:$0x1] =	stream.indirect.gather [hbm4b:s4+s20], $0x80, s26, s20, $0xb8;
	[tilespmem:$0x19800] =	vst v63  }
0x8e: {  	p0 =	sne.s32 s25, $0x5C00;
	_ =	swait.ge [sflag:s22], $0x2800  }
.Ltmp3:
0x8f: {  	[sflag:s22] =	ssyncset.done $0x0;
	(pc) =	sbr.rel @p0 .LBB2_8-.Ltmp3, $4  }
0x90: {  	s25 =	sadd.s32 $0x1800, s26;
	[sflag:s22] =	ssyncadd.s32 $0xFFFFD800  }
0x91: {  	[spmem:s2] =	stream.indirect.scatter.add.f32 [tilespmem:s21], [sflag:$0x2], $0x80, s25, s20, $0xb8;
	[tilespmem:$0x19800] =	vst v63  }
0x92: {  	_ =	swait.ge [sflag:s18], $0x2800  }
0x93: {  	s25 =	smov.u32 s28;
	[sflag:s18] =	ssyncset.done $0x0  }
0x94: {  	s24 =	sshra.s32 s24, $0x2;
	[sflag:s18] =	ssyncadd.s32 $0xFFFFD800  }
0x95: {  	[tilespmem:s21], [sflag:$0x1] =	stream.indirect.gather [hbm4b:s4+s20], $0x80, s24, s20, $0xb8;
	[tilespmem:$0x19800] =	vst v63  }
0x96: {  	_ =	swait.ge [sflag:s22], $0x2800  }
0x97: {  	[sflag:s22] =	ssyncset.done $0x0  }
0x98: {  	s24 =	sadd.s32 $0x1800, s24;
	[sflag:s22] =	ssyncadd.s32 $0xFFFFD800  }
0x99: {  	[spmem:s2] =	stream.indirect.scatter.add.f32 [tilespmem:s21], [sflag:$0x2], $0x80, s24, s20, $0xb8;
	[tilespmem:$0x19800] =	vst v63  }
0x9a: {  	_ =	swait.ge [sflag:s18], $0x2800  }
0x9b: {  	s23 =	sadd.s32 $0x1, s23;
	[sflag:s18] =	ssyncset.done $0x0  }
0x9c: {  	p0 =	sne.s32 s23, s16;
	[sflag:s18] =	ssyncadd.s32 $0xFFFFD800  }
.Ltmp4:
0x9d: {  	[bflag:$0x0] =	sbarrier.arrive $0xFFFF;
	(pc) =	sbr.rel @p0 .LBB2_1-.Ltmp4, $4  }
0x9e: {  	[hbm:s15], [sflag:s6] =	dma.local [spmem:s17], $0x2800  }
0x9f: {  	_ =	swait.ge [sflag:s18], $0x2800  }
0xa0: {  	[sflag:s18] =	ssyncset.done $0x0  }
0xa1: {  	[sflag:s18] =	ssyncadd.s32 $0xFFFFD800  }
0xa2: {  	_ =	sfence.sel $0x180000  }
0xa3: {  	[bflag:$0x0] =	sbarrier.arrive $0xFFFF  }
0xa4: {  	p0 =	sne.s32 s1, $0x0;
	_ =	strace $0x9000005F  }
0xa5: {  	s0 =	sadd.s32 @!p0 $0x100000, s0;
	[bflag:$0x2] =	sbarrier.arrive $0xFFFF  }
0xa6: {  	[sflag:s0] =	ssyncadd.tile.s32 @!p0 $0x1;
	_ =	shalt  }
.Lfunc_end2:
_tile_overlayer_lowered:
.L_overlay_start_2:
0xa7: {  	(tag) =	ssettag $0x2  }
0xa8: {  	s0 =	rddreg [dreg:$0x0];
	s2 =	stileid.u32  }
0xa9: {  	s1 =	rddreg [dreg:$0x1];
	p0 =	sne.s32 s2, $0x0  }
0xaa: {  	s3 =	rddreg [dreg:$0x2];
	[bflag:$0x3] =	sbarrier.arrive $0xFFFF;
	s2 =	simm.s32 @!p0 $0x1C02  }
0xab: {  	[timem:s3], [sflag:s2] =	dma.local @!p0 [hbm:s0], s1  }
0xac: {  	s0 =	simm.s32 @!p0 $0x2  }
0xad: {  	_ =	swait.ge @!p0 [sflag:s0], s1  }
0xae: {  	s1 =	ssub.s32 @!p0 $0x0, s1;
	[sflag:s0] =	ssyncset.done @!p0 $0x0  }
0xaf: {  	[sflag:s0] =	ssyncadd.s32 @!p0 s1  }
0xb0: {  	[bflag:$0x3] =	sbarrier.arrive $0xFFFF  }
0xb1: {  	_ =	shalt  }

// kernel: kernel.24.cloned.1.call-start
scs
__scs_entry_jumppad:
0x0: {  	(pc) =	sbr.rel $0x88, $3  }
0x1: {  	(tag) =	ssettag $0x0;
	lr =	simm.s32 $0x1  }
0x2: {  	[smem:$0x3F80] =	sst lr;
	_ =	strace $0xD0000000  }
0x3: {  	_ = 	snop  }
0x4: {  	_ = 	snop  }
0x5: {  	_ = 	snop  }
0x6: {  	_ = 	snop  }
0x7: {  	_ = 	snop  }
__scs_overlays_trampoline_lowered:
0x8: {  	[smem:$0x3F8F] =	sst s0  }
0x9: {  	[smem:$0x3F90] =	sst s1  }
0xa: {  	[smem:$0x3F91] =	sst s2  }
0xb: {  	[smem:$0x3F92] =	sst s3  }
0xc: {  	[smem:$0x3F93] =	sst s4  }
0xd: {  	[smem:$0x3F94] =	sst s5  }
0xe: {  	[smem:$0x3F95] =	sst s6  }
0xf: {  	[smem:$0x3F96] =	sst s7  }
0x10: {  	[smem:$0x3F97] =	sst s8  }
0x11: {  	[smem:$0x3F98] =	sst s9;
	s0 =	simm.s32 @!p0 $0x0  }
0x12: {  	s1 =	sld [smem:$0x3F7E];
	s0 =	simm.s32 @p0 $0x1  }
0x13: {  	[smem:$0x3F99] =	sst s0;
	s0 =	simm.s32 @!p1 $0x0  }
0x14: {  	s2 =	sld [smem:$0x3F7D];
	s0 =	simm.s32 @p1 $0x1  }
0x15: {  	[smem:$0x3F9A] =	sst s0;
	s0 =	simm.s32 @!p2 $0x0  }
0x16: {  	s3 =	sld [smem:$0x3FDB];
	s0 =	simm.s32 @p2 $0x1  }
0x17: {  	s4 =	simm.s32 $0x1BF5;
	[smem:$0x3F9C] =	sst s0  }
0x18: {  	s0 =	sld [smem:$0x3F7F];
	_ =	swait.ge [sflag:s4], $0x0  }
0x19: {  	s7 =	sld [smem:$0x3F80]  }
0x1a: {  	s8 =	sadd.s32 $0xFFFFE003, lr  }
0x1b: {  	s9 =	sadd.s32 $0xFFFFFEF7, lr;
	s5 =	simm.s32 $0xFFFFFFFF;
	p2 =	slt.u32 s8, $0xFFFFF086  }
0x1c: {  	p1 =	slt.u32 s9, $0xF7A;
	s5 =	simm.s32 @!p2 $0x0  }
0x1d: {  	s5 =	simm.s32 @p1 $0x1;
	p0 =	seq.s32 s7, s2  }
0x1e: {  	s7 =	smul.u32 @!p0 $0xF7A, s2;
	p2 =	seq.s32 @!p0 s5, $0x0  }
0x1f: {  	s9 =	smul.u32 $0xF7A, s1;
	s8 =	simm.s32 @!p0 $0x1BF5;
	p2 =	por !p2, p0  }
0x20: {  	[sflag:s8] =	ssyncset.s32 @!p0 $0xFFFFF086;
	s6 =	sadd.s32 @!p0 s3, s7;
	s7 =	simm.s32 @!p0 $0x108  }
0x21: {  	s3 =	sadd.s32 s3, s9;
	s6 =	sadd.s32 @!p0 $0x88, s6;
	s7 =	simm.s32 @p2 $0x1082  }
0x22: {  	[simem:s7], [sflag:s8] =	dma.local @!p0 [hbm:s6], $0xF7A  }
0x23: {  	s9 =	sor.u32 $0xD0000000, s2;
	s6 =	simm.s32 $0x108;
	_ =	swait.ge @!p0 [sflag:s8], $0x0  }
0x24: {  	s3 =	sadd.s32 $0x88, s3;
	s6 =	simm.s32 @!p1 $0x1082;
	[sflag:s4] =	ssyncset.s32 $0xFFFFF086  }
0x25: {  	[simem:s6], [sflag:s4] =	dma.local [hbm:s3], $0xF7A  }
0x26: {  	[smem:$0x3F80] =	sst s1;
	(tag) =	ssettag s2;
	_ =	strace s9  }
0x27: {  	s1 =	sld [smem:$0x3F90]  }
0x28: {  	s2 =	sld [smem:$0x3F91]  }
0x29: {  	s4 =	sld [smem:$0x3F93]  }
0x2a: {  	p0 =	seq.s32 s5, $0x0;
	s5 =	sld [smem:$0x3F94]  }
0x2b: {  	s6 =	sld [smem:$0x3F95]  }
0x2c: {  	s7 =	sld [smem:$0x3F96]  }
0x2d: {  	s3 =	simm.s32 $0x108;
	s8 =	sld [smem:$0x3F97]  }
0x2e: {  	s3 =	simm.s32 @!p0 $0x1082;
	s9 =	sld [smem:$0x3F98]  }
0x2f: {  	lr =	sadd.s32 s0, s3;
	s0 =	sld [smem:$0x3F8F]  }
0x30: {  	s3 =	sld [smem:$0x3F92]  }
0x31: {  	[smem:$0x3F9B] =	sst s10  }
0x32: {  	s10 =	sld [smem:$0x3F99];
	_ =	sdelay $0x3  }
0x33: {  	p0 =	seq.s32 s10, $0x1;
	s10 =	sld [smem:$0x3F9B];
	_ =	sdelay $0x3  }
0x34: {  	[smem:$0x3F9B] =	sst s10  }
0x35: {  	s10 =	sld [smem:$0x3F9A];
	_ =	sdelay $0x3  }
0x36: {  	p1 =	seq.s32 s10, $0x1;
	s10 =	sld [smem:$0x3F9B];
	_ =	sdelay $0x3  }
0x37: {  	[smem:$0x3F9B] =	sst s10  }
0x38: {  	s10 =	sld [smem:$0x3F9C]  }
0x39: {  	_ = 	snop;
	(pc) =	sbr.ind lr, $3  }
0x3a: {  	_ = 	snop  }
0x3b: {  	_ = 	snop  }
0x3c: {  	p2 =	seq.s32 s10, $0x1;
	s10 =	sld [smem:$0x3F9B]  }
0x3d: {  	_ =	shalt  }
0x3e: {  	_ =	shalt  }
0x3f: {  	_ =	shalt  }
0x40: {  	_ =	shalt  }
0x41: {  	_ =	shalt  }
0x42: {  	_ =	shalt  }
0x43: {  	_ =	shalt  }
0x44: {  	_ =	shalt  }
0x45: {  	_ =	shalt  }
0x46: {  	_ =	shalt  }
0x47: {  	_ =	shalt  }
0x48: {  	_ =	shalt  }
0x49: {  	_ =	shalt  }
0x4a: {  	_ =	shalt  }
0x4b: {  	_ =	shalt  }
0x4c: {  	_ =	shalt  }
0x4d: {  	_ =	shalt  }
0x4e: {  	_ =	shalt  }
0x4f: {  	_ =	shalt  }
0x50: {  	_ =	shalt  }
0x51: {  	_ =	shalt  }
0x52: {  	_ =	shalt  }
0x53: {  	_ =	shalt  }
0x54: {  	_ =	shalt  }
0x55: {  	_ =	shalt  }
0x56: {  	_ =	shalt  }
0x57: {  	_ =	shalt  }
0x58: {  	_ =	shalt  }
0x59: {  	_ =	shalt  }
0x5a: {  	_ =	shalt  }
0x5b: {  	_ =	shalt  }
0x5c: {  	_ =	shalt  }
0x5d: {  	_ =	shalt  }
0x5e: {  	_ =	shalt  }
0x5f: {  	_ =	shalt  }
0x60: {  	_ =	shalt  }
0x61: {  	_ =	shalt  }
0x62: {  	_ =	shalt  }
0x63: {  	_ =	shalt  }
0x64: {  	_ =	shalt  }
0x65: {  	_ =	shalt  }
0x66: {  	_ =	shalt  }
0x67: {  	_ =	shalt  }
0x68: {  	_ =	shalt  }
0x69: {  	_ =	shalt  }
0x6a: {  	_ =	shalt  }
0x6b: {  	_ =	shalt  }
0x6c: {  	_ =	shalt  }
0x6d: {  	_ =	shalt  }
0x6e: {  	_ =	shalt  }
0x6f: {  	_ =	shalt  }
0x70: {  	_ =	shalt  }
0x71: {  	_ =	shalt  }
0x72: {  	_ =	shalt  }
0x73: {  	_ =	shalt  }
0x74: {  	_ =	shalt  }
0x75: {  	_ =	shalt  }
0x76: {  	_ =	shalt  }
0x77: {  	_ =	shalt  }
0x78: {  	_ =	shalt  }
0x79: {  	_ =	shalt  }
0x7a: {  	_ =	shalt  }
0x7b: {  	_ =	shalt  }
0x7c: {  	_ =	shalt  }
0x7d: {  	_ =	shalt  }
0x7e: {  	_ =	shalt  }
0x7f: {  	_ =	shalt  }
0x80: {  	_ =	shalt  }
0x81: {  	_ =	shalt  }
0x82: {  	_ =	shalt  }
0x83: {  	_ =	shalt  }
0x84: {  	_ =	shalt  }
0x85: {  	_ =	shalt  }
0x86: {  	_ =	shalt  }
0x87: {  	_ =	shalt  }
.Lfunc_end0:
.L_simem_size_0:
called_computation.10_lowered:
.L_overlay_start_0:
0x88: {  	s2 =	sld [smem:$0x3FD9]  }
0x89: {  	s3 =	sld [smem:$0x3FFE];
	_ =	sdelay $0x1  }
0x8a: {  	s1 =	srdreg.scid  }
0x8b: {  	s0 =	sand.u32 $0x1, s1  }
0x8c: {  	s16 =	sshll.u32 s0, $0xA;
	s2 =	sadd.s32 s3, s2  }
0x8d: {  	s2 =	sadd.s32 s2, s16  }
0x8e: {  	[smem:$0x3FA7] =	sst s2  }
0x8f: {  	_ = 	snop  }
0x90: {  	(tm) =	ssettm $0x1  }
0x91: {  	s17 =	sld [smem:$0x3FFB];
	_ =	sdelay $0x3  }
0x92: {  	_ =	strace s17  }
0x93: {  	s2 =	sld [smem:$0x3FFC];
	_ =	sdelay $0x3  }
0x94: {  	_ =	strace s2  }
0x95: {  	s2 =	sld [smem:$0x3FFD];
	_ =	sdelay $0x3  }
0x96: {  	_ =	strace s2  }
0x97: {  	_ =	strace $0x8FFFFFFF  }
0x98: {  	s18 =	sld [smem:$0x3FDB];
	_ =	sdelay $0x1  }
0x99: {  	s19 =	simm.s32 $_scs_section_size  }
0x9a: {  	s4 =	simm.s32 $_size__tile_overlayer_lowered;
	s5 =	simm.s32 $_tile_overlayer_lowered  }
0x9b: {  	s22 =	simm.s32 $0x1BFF;
	s21 =	sshll.u32 s5, $0x1;
	s2 =	sadd.s32 s19, s18  }
0x9c: {  	s6 =	simm.s32 $0x0;
	s20 =	sshll.u32 s4, $0x1;
	s4 =	sadd.s32 s21, s2  }
0x9d: {  	[timem:s6], [sflag:s22] =	dma.local [hbm:s4], s20  }
0x9e: {  	_ =	swait.ge [sflag:s22], s20  }
0x9f: {  	s3 =	ssub.s32 $0x0, s20;
	[sflag:s22] =	ssyncset.done $0x0  }
0xa0: {  	[sflag:s22] =	ssyncadd.s32 s3;
	_ =	sdelay $0x1  }
0xa1: {  	s23 =	simm.s32 $0x1B8B  }
0xa2: {  	_ =	swait.ge [sflag:s23], $0x1  }
0xa3: {  	[sflag:s23] =	ssyncset.done $0x0  }
0xa4: {  	s25 =	simm.s32 $0x1B8E;
	s24 =	sld [smem:$0x3FFE];
	[sflag:s23] =	ssyncadd.s32 $0xFFFFFFFF  }
0xa5: {  	s26 =	simm.s32 $execute0_lowered;
	[smem:$0x3FD2] =	sst s25  }
0xa6: {  	s4 =	sshll.u32 s26, $0x1;
	_ =	strace $0x80000061;
	[dreg:$0x1] =	wrdreg $0xFFFFFFFF  }
0xa7: {  	s28 =	simm.s32 $_size_execute0_lowered;
	s2 =	sadd.s32 s2, s4;
	[dreg:$0x0] =	wrdreg $0x0  }
0xa8: {  	s4 =	sshll.u32 s28, $0x1;
	[dreg:$0x2] =	wrdreg s2  }
0xa9: {  	[dreg:$0x3] =	wrdreg s4  }
0xaa: {  	[dreg:$0x4] =	wrdreg $0xC0  }
0xab: {  	_ =	task [dreg:s6], $0x5FFFF  }
0xac: {  	[dreg:$0x1] =	wrdreg $0xFFFFFFFF  }
0xad: {  	[dreg:$0x0] =	wrdreg $0x60  }
0xae: {  	[dreg:$0x2] =	wrdreg s24  }
0xaf: {  	[dreg:$0x3] =	wrdreg $0x58000  }
0xb0: {  	[dreg:$0x4] =	wrdreg $0x9  }
0xb1: {  	_ =	task.clear_ibuf [dreg:s6], $0x5FFFF;
	_ =	strace $0x90000061  }
0xb2: {  	s29 =	simm.s32 $0x9;
	_ =	strace $0x80000063  }
0xb3: {  	_ =	swait.ge [sflag:s29], $0x1  }
0xb4: {  	[sflag:s29] =	ssyncadd.s32 $0xFFFFFFFF  }
0xb5: {  	_ =	strace $0x90000063  }
0xb6: {  	_ =	sfence  }
0xb7: {  	s30 =	sld [smem:$0x0];
	_ =	sdelay $0x2  }
0xb8: {  	s31 =	sshll.u32 s1, $0xD;
	s1 =	sshrl.u32 s1, $0x2  }
0xb9: {  	s3 =	sand.u32 $0x4000, s31;
	s1 =	sadd.s32 s1, s30  }
0xba: {  	s0 =	sor.u32 s3, s0;
	s1 =	sshll.u32 s1, $0x11  }
0xbb: {  	s0 =	sor.u32 s1, s0  }
0xbc: {  	s0 =	sadd.s32 $0x8F2B, s0  }
0xbd: {  	[sflag:s0] =	ssyncadd.remote.s32 $0x1  }
0xbe: {  	_ =	sfence.sel $0xFFFF  }
0xbf: {  	[dreg:$0x0] =	wrdreg $0xFFFFFFFF;
	(pc) =	sbr.abs _section_cstart, $3  }
0xc0: {  	[dreg:$0x1] =	wrdreg $0xFFFFFFFF  }
0xc1: {  	_ =	task.clear_ibuf [dreg:s6], $0x2FFFF;
	_ =	strace $0x9FFFFFFF  }
0xc2: {  	(tm) =	ssettm $0x7FFFFFFF  }
0xc3: {  	_ =	shalt  }
tec
execute0_lowered:
.L_overlay_start_1:
0x0: {  	(tag) =	ssettag $0x1  }
0x1: {  	s5 =	rddreg [dreg:$0x0]  }
0x2: {  	s2 =	rddreg [dreg:$0x1]  }
0x3: {  	s0 =	rddreg [dreg:$0x2];
	s3 =	simm.s32 $0x0  }
0x4: {  	s1 =	stileid.u32;
	s4 =	srdreg.scid;
	s20 =	simm.s32 $0x50  }
0x5: {  	s21 =	simm.s32 $0x3000;
	s22 =	simm.s32 $0x1;
	s23 =	simm.s32 $0x0  }
0x6: {  	[smem:$0x7FF] =	sst s3;
	s6 =	smul.u32 $0x14000, s1;
	s7 =	sand.u32 $0x1, s4  }
0x7: {  	s4 =	sadd.s32 $0x4AC00, s5;
	s13 =	sadd.s32 $0xAC00, s5;
	s14 =	sadd.s32 $0xA9400, s5  }
0x8: {  	s28 =	smul.u32 $0x50000, s1;
	s10 =	sshll.u32 s1, $0x1;
	s30 =	sshll.u32 s1, $0x6  }
0x9: {  	_ =	strace $0x80000062;
	s9 =	smul.u32 $0x140000, s7;
	s11 =	ssub.s32 $0x2, s7  }
0xa: {  	s7 =	sor.u32 s7, s10;
	s8 =	sshrl.u32 s6, $0x3;
	s29 =	sshrl.u32 s11, $0x1  }
0xb: {  	s7 =	smul.u32 $0x6000, s7;
	s8 =	sadd.s32 s8, s5;
	s6 =	sadd.s32 s6, s9  }
0xc: {  	s9 =	sshrl.u32 s28, $0x2;
	s16 =	ssub.s32 s11, s29;
	s6 =	sshrl.u32 s6, $0x3  }
0xd: {  	s17 =	sadd.s32 s9, s2;
	s12 =	sshrl.u32 s7, $0x3;
	s16 =	smax.u32 s16, $0x1  }
0xe: {  	s15 =	sadd.s32 s6, s5;
	s5 =	sadd.s32 $0x22C00, s8;
	s6 =	sor.u32 $0x1C02, s30  }
0xf: {  	s7 =	sadd.s32 s13, s12;
	s31 =	sor.u32 $0x300, s12;
	s8 =	sadd.s32 s14, s12  }
0x10: {  	s18 =	sadd.s32 $0x600, s12;
	s19 =	sadd.s32 $0x900, s12;
	s17 =	sshrl.u32 s17, $0x3  }
0x11: {  	s9 =	sadd.s32 s13, s31;
	s10 =	sadd.s32 s14, s31;
	s11 =	sadd.s32 s13, s18  }
0x12: {  	s12 =	sadd.s32 s14, s18;
	s13 =	sadd.s32 s13, s19;
	s14 =	sadd.s32 s14, s19  }
0x13: {  	s15 =	sadd.s32 $0xC1400, s15;
	s18 =	simm.s32 $0x2;
	s19 =	simm.s32 $0x1800  }
.LBB2_1:
0x14: {  	[spmem:s17], [sflag:s6] =	dma.local [hbm:s5], $0x2800  }
0x15: {  	_ =	swait.ge [sflag:s18], $0x2800  }
0x16: {  	[sflag:s18] =	ssyncset.done $0x0  }
0x17: {  	[sflag:s18] =	ssyncadd.s32 $0xFFFFD800  }
0x18: {  	[bflag:$0x0] =	sbarrier.arrive $0xFFFF  }
0x19: {  	[tilespmem:s3], [sflag:$0x2] =	stream.linear.gather [hbm4b:s7+s3], $0x1780, $0x38;
	[tilespmem:$0x19800] =	vst v63  }
0x1a: {  	_ =	swait.ge [sflag:s18], $0x1780  }
0x1b: {  	[sflag:s18] =	ssyncset.done $0x0  }
0x1c: {  	[sflag:s18] =	ssyncadd.s32 $0xFFFFE880  }
0x1d: {  	[tilespmem:s19], [sflag:$0x2] =	stream.linear.gather [hbm4b:s8+s3], $0x1780, $0x38;
	[tilespmem:$0x19800] =	vst v63  }
0x1e: {  	_ =	swait.ge [sflag:s18], $0x1780  }
0x1f: {  	[sflag:s18] =	ssyncset.done $0x0  }
0x20: {  	s24 =	simm.s32 $0x0;
	[sflag:s18] =	ssyncadd.s32 $0xFFFFE880  }
0x21: {  	[tilespmem:s21], [sflag:$0x1] =	stream.indirect.gather [hbm4b:s4+s20], $0x80, s24, s20, $0xb8;
	[tilespmem:$0x19800] =	vst v63  }
0x22: {  	_ =	swait.ge [sflag:s22], $0x2800  }
0x23: {  	[sflag:s22] =	ssyncset.done $0x0  }
0x24: {  	s31 =	simm.s32 $0x1800;
	[sflag:s22] =	ssyncadd.s32 $0xFFFFD800  }
0x25: {  	[spmem:s2] =	stream.indirect.scatter.add.f32 [tilespmem:s21], [sflag:$0x2], $0x80, s31, s20, $0xb8;
	[tilespmem:$0x19800] =	vst v63  }
0x26: {  	_ =	swait.ge [sflag:s18], $0x2800  }
0x27: {  	s25 =	simm.s32 $0x400;
	s24 =	simm.s32 $0x200;
	[sflag:s18] =	ssyncset.done $0x0  }
.LBB2_2:
0x28: {  	s26 =	sshra.s32 s24, $0x2  }
0x29: {  	[sflag:s18] =	ssyncadd.s32 $0xFFFFD800;
	s24 =	smov.u32 s25;
	s28 =	sadd.s32 $0x200, s25  }
0x2a: {  	[tilespmem:s21], [sflag:$0x1] =	stream.indirect.gather [hbm4b:s4+s20], $0x80, s26, s20, $0xb8;
	[tilespmem:$0x19800] =	vst v63  }
0x2b: {  	p0 =	sne.s32 s25, $0x5C00;
	_ =	swait.ge [sflag:s22], $0x2800  }
.Ltmp0:
0x2c: {  	[sflag:s22] =	ssyncset.done $0x0;
	(pc) =	sbr.rel @p0 .LBB2_2-.Ltmp0, $4  }
0x2d: {  	s25 =	sadd.s32 $0x1800, s26;
	[sflag:s22] =	ssyncadd.s32 $0xFFFFD800  }
0x2e: {  	[spmem:s2] =	stream.indirect.scatter.add.f32 [tilespmem:s21], [sflag:$0x2], $0x80, s25, s20, $0xb8;
	[tilespmem:$0x19800] =	vst v63  }
0x2f: {  	_ =	swait.ge [sflag:s18], $0x2800  }
0x30: {  	s25 =	smov.u32 s28;
	[sflag:s18] =	ssyncset.done $0x0  }
0x31: {  	s24 =	sshra.s32 s24, $0x2;
	[sflag:s18] =	ssyncadd.s32 $0xFFFFD800  }
0x32: {  	[tilespmem:s21], [sflag:$0x1] =	stream.indirect.gather [hbm4b:s4+s20], $0x80, s24, s20, $0xb8;
	[tilespmem:$0x19800] =	vst v63  }
0x33: {  	_ =	swait.ge [sflag:s22], $0x2800  }
0x34: {  	[sflag:s22] =	ssyncset.done $0x0  }
0x35: {  	s24 =	sadd.s32 $0x1800, s24;
	[sflag:s22] =	ssyncadd.s32 $0xFFFFD800  }
0x36: {  	[spmem:s2] =	stream.indirect.scatter.add.f32 [tilespmem:s21], [sflag:$0x2], $0x80, s24, s20, $0xb8;
	[tilespmem:$0x19800] =	vst v63  }
0x37: {  	_ =	swait.ge [sflag:s18], $0x2800  }
0x38: {  	[sflag:s18] =	ssyncset.done $0x0  }
0x39: {  	s29 =	simm.s32 $0x0;
	[sflag:s18] =	ssyncadd.s32 $0xFFFFD800  }
0x3a: {  	[tilespmem:s29], [sflag:$0x2] =	stream.linear.gather [hbm4b:s9+s29], $0x1780, $0x38;
	[tilespmem:$0x19800] =	vst v63  }
0x3b: {  	_ =	swait.ge [sflag:s18], $0x1780  }
0x3c: {  	[sflag:s18] =	ssyncset.done $0x0  }
0x3d: {  	[sflag:s18] =	ssyncadd.s32 $0xFFFFE880  }
0x3e: {  	[tilespmem:s19], [sflag:$0x2] =	stream.linear.gather [hbm4b:s10+s29], $0x1780, $0x38;
	[tilespmem:$0x19800] =	vst v63  }
0x3f: {  	_ =	swait.ge [sflag:s18], $0x1780  }
0x40: {  	[sflag:s18] =	ssyncset.done $0x0  }
0x41: {  	s30 =	simm.s32 $0x0;
	[sflag:s18] =	ssyncadd.s32 $0xFFFFE880  }
0x42: {  	[tilespmem:s21], [sflag:$0x1] =	stream.indirect.gather [hbm4b:s4+s20], $0x80, s30, s20, $0xb8;
	[tilespmem:$0x19800] =	vst v63  }
0x43: {  	_ =	swait.ge [sflag:s22], $0x2800  }
0x44: {  	[sflag:s22] =	ssyncset.done $0x0  }
0x45: {  	s31 =	simm.s32 $0x1800;
	[sflag:s22] =	ssyncadd.s32 $0xFFFFD800  }
0x46: {  	[spmem:s2] =	stream.indirect.scatter.add.f32 [tilespmem:s21], [sflag:$0x2], $0x80, s31, s20, $0xb8;
	[tilespmem:$0x19800] =	vst v63  }
0x47: {  	_ =	swait.ge [sflag:s18], $0x2800  }
0x48: {  	s25 =	simm.s32 $0x400;
	s24 =	simm.s32 $0x200;
	[sflag:s18] =	ssyncset.done $0x0  }
.LBB2_4:
0x49: {  	s26 =	sshra.s32 s24, $0x2  }
0x4a: {  	[sflag:s18] =	ssyncadd.s32 $0xFFFFD800;
	s24 =	smov.u32 s25;
	s28 =	sadd.s32 $0x200, s25  }
0x4b: {  	[tilespmem:s21], [sflag:$0x1] =	stream.indirect.gather [hbm4b:s4+s20], $0x80, s26, s20, $0xb8;
	[tilespmem:$0x19800] =	vst v63  }
0x4c: {  	p0 =	sne.s32 s25, $0x5C00;
	_ =	swait.ge [sflag:s22], $0x2800  }
.Ltmp1:
0x4d: {  	[sflag:s22] =	ssyncset.done $0x0;
	(pc) =	sbr.rel @p0 .LBB2_4-.Ltmp1, $4  }
0x4e: {  	s25 =	sadd.s32 $0x1800, s26;
	[sflag:s22] =	ssyncadd.s32 $0xFFFFD800  }
0x4f: {  	[spmem:s2] =	stream.indirect.scatter.add.f32 [tilespmem:s21], [sflag:$0x2], $0x80, s25, s20, $0xb8;
	[tilespmem:$0x19800] =	vst v63  }
0x50: {  	_ =	swait.ge [sflag:s18], $0x2800  }
0x51: {  	s25 =	smov.u32 s28;
	[sflag:s18] =	ssyncset.done $0x0  }
0x52: {  	s24 =	sshra.s32 s24, $0x2;
	[sflag:s18] =	ssyncadd.s32 $0xFFFFD800  }
0x53: {  	[tilespmem:s21], [sflag:$0x1] =	stream.indirect.gather [hbm4b:s4+s20], $0x80, s24, s20, $0xb8;
	[tilespmem:$0x19800] =	vst v63  }
0x54: {  	_ =	swait.ge [sflag:s22], $0x2800  }
0x55: {  	[sflag:s22] =	ssyncset.done $0x0  }
0x56: {  	s24 =	sadd.s32 $0x1800, s24;
	[sflag:s22] =	ssyncadd.s32 $0xFFFFD800  }
0x57: {  	[spmem:s2] =	stream.indirect.scatter.add.f32 [tilespmem:s21], [sflag:$0x2], $0x80, s24, s20, $0xb8;
	[tilespmem:$0x19800] =	vst v63  }
0x58: {  	_ =	swait.ge [sflag:s18], $0x2800  }
0x59: {  	[sflag:s18] =	ssyncset.done $0x0  }
0x5a: {  	s29 =	simm.s32 $0x0;
	[sflag:s18] =	ssyncadd.s32 $0xFFFFD800  }
0x5b: {  	[tilespmem:s29], [sflag:$0x2] =	stream.linear.gather [hbm4b:s11+s29], $0x1780, $0x38;
	[tilespmem:$0x19800] =	vst v63  }
0x5c: {  	_ =	swait.ge [sflag:s18], $0x1780  }
0x5d: {  	[sflag:s18] =	ssyncset.done $0x0  }
0x5e: {  	[sflag:s18] =	ssyncadd.s32 $0xFFFFE880  }
0x5f: {  	[tilespmem:s19], [sflag:$0x2] =	stream.linear.gather [hbm4b:s12+s29], $0x1780, $0x38;
	[tilespmem:$0x19800] =	vst v63  }
0x60: {  	_ =	swait.ge [sflag:s18], $0x1780  }
0x61: {  	[sflag:s18] =	ssyncset.done $0x0  }
0x62: {  	s30 =	simm.s32 $0x0;
	[sflag:s18] =	ssyncadd.s32 $0xFFFFE880  }
0x63: {  	[tilespmem:s21], [sflag:$0x1] =	stream.indirect.gather [hbm4b:s4+s20], $0x80, s30, s20, $0xb8;
	[tilespmem:$0x19800] =	vst v63  }
0x64: {  	_ =	swait.ge [sflag:s22], $0x2800  }
0x65: {  	[sflag:s22] =	ssyncset.done $0x0  }
0x66: {  	s31 =	simm.s32 $0x1800;
	[sflag:s22] =	ssyncadd.s32 $0xFFFFD800  }
0x67: {  	[spmem:s2] =	stream.indirect.scatter.add.f32 [tilespmem:s21], [sflag:$0x2], $0x80, s31, s20, $0xb8;
	[tilespmem:$0x19800] =	vst v63  }
0x68: {  	_ =	swait.ge [sflag:s18], $0x2800  }
0x69: {  	s25 =	simm.s32 $0x400;
	s24 =	simm.s32 $0x200;
	[sflag:s18] =	ssyncset.done $0x0  }
.LBB2_6:
0x6a: {  	s26 =	sshra.s32 s24, $0x2  }
0x6b: {  	[sflag:s18] =	ssyncadd.s32 $0xFFFFD800;
	s24 =	smov.u32 s25;
	s28 =	sadd.s32 $0x200, s25  }
0x6c: {  	[tilespmem:s21], [sflag:$0x1] =	stream.indirect.gather [hbm4b:s4+s20], $0x80, s26, s20, $0xb8;
	[tilespmem:$0x19800] =	vst v63  }
0x6d: {  	p0 =	sne.s32 s25, $0x5C00;
	_ =	swait.ge [sflag:s22], $0x2800  }
.Ltmp2:
0x6e: {  	[sflag:s22] =	ssyncset.done $0x0;
	(pc) =	sbr.rel @p0 .LBB2_6-.Ltmp2, $4  }
0x6f: {  	s25 =	sadd.s32 $0x1800, s26;
	[sflag:s22] =	ssyncadd.s32 $0xFFFFD800  }
0x70: {  	[spmem:s2] =	stream.indirect.scatter.add.f32 [tilespmem:s21], [sflag:$0x2], $0x80, s25, s20, $0xb8;
	[tilespmem:$0x19800] =	vst v63  }
0x71: {  	_ =	swait.ge [sflag:s18], $0x2800  }
0x72: {  	s25 =	smov.u32 s28;
	[sflag:s18] =	ssyncset.done $0x0  }
0x73: {  	s24 =	sshra.s32 s24, $0x2;
	[sflag:s18] =	ssyncadd.s32 $0xFFFFD800  }
0x74: {  	[tilespmem:s21], [sflag:$0x1] =	stream.indirect.gather [hbm4b:s4+s20], $0x80, s24, s20, $0xb8;
	[tilespmem:$0x19800] =	vst v63  }
0x75: {  	_ =	swait.ge [sflag:s22], $0x2800  }
0x76: {  	[sflag:s22] =	ssyncset.done $0x0  }
0x77: {  	s24 =	sadd.s32 $0x1800, s24;
	[sflag:s22] =	ssyncadd.s32 $0xFFFFD800  }
0x78: {  	[spmem:s2] =	stream.indirect.scatter.add.f32 [tilespmem:s21], [sflag:$0x2], $0x80, s24, s20, $0xb8;
	[tilespmem:$0x19800] =	vst v63  }
0x79: {  	_ =	swait.ge [sflag:s18], $0x2800  }
0x7a: {  	[sflag:s18] =	ssyncset.done $0x0  }
0x7b: {  	s29 =	simm.s32 $0x0;
	[sflag:s18] =	ssyncadd.s32 $0xFFFFD800  }
0x7c: {  	[tilespmem:s29], [sflag:$0x2] =	stream.linear.gather [hbm4b:s13+s29], $0x1780, $0x38;
	[tilespmem:$0x19800] =	vst v63  }
0x7d: {  	_ =	swait.ge [sflag:s18], $0x1780  }
0x7e: {  	[sflag:s18] =	ssyncset.done $0x0  }
0x7f: {  	[sflag:s18] =	ssyncadd.s32 $0xFFFFE880  }
0x80: {  	[tilespmem:s19], [sflag:$0x2] =	stream.linear.gather [hbm4b:s14+s29], $0x1780, $0x38;
	[tilespmem:$0x19800] =	vst v63  }
0x81: {  	_ =	swait.ge [sflag:s18], $0x1780  }
0x82: {  	[sflag:s18] =	ssyncset.done $0x0  }
0x83: {  	s30 =	simm.s32 $0x0;
	[sflag:s18] =	ssyncadd.s32 $0xFFFFE880  }
0x84: {  	[tilespmem:s21], [sflag:$0x1] =	stream.indirect.gather [hbm4b:s4+s20], $0x80, s30, s20, $0xb8;
	[tilespmem:$0x19800] =	vst v63  }
0x85: {  	_ =	swait.ge [sflag:s22], $0x2800  }
0x86: {  	[sflag:s22] =	ssyncset.done $0x0  }
0x87: {  	s31 =	simm.s32 $0x1800;
	[sflag:s22] =	ssyncadd.s32 $0xFFFFD800  }
0x88: {  	[spmem:s2] =	stream.indirect.scatter.add.f32 [tilespmem:s21], [sflag:$0x2], $0x80, s31, s20, $0xb8;
	[tilespmem:$0x19800] =	vst v63  }
0x89: {  	_ =	swait.ge [sflag:s18], $0x2800  }
0x8a: {  	s25 =	simm.s32 $0x400;
	s24 =	simm.s32 $0x200;
	[sflag:s18] =	ssyncset.done $0x0  }
.LBB2_8:
0x8b: {  	s26 =	sshra.s32 s24, $0x2  }
0x8c: {  	[sflag:s18] =	ssyncadd.s32 $0xFFFFD800;
	s24 =	smov.u32 s25;
	s28 =	sadd.s32 $0x200, s25  }
0x8d: {  	[tilespmem:s21], [sflag:$0x1] =	stream.indirect.gather [hbm4b:s4+s20], $0x80, s26, s20, $0xb8;
	[tilespmem:$0x19800] =	vst v63  }
0x8e: {  	p0 =	sne.s32 s25, $0x5C00;
	_ =	swait.ge [sflag:s22], $0x2800  }
.Ltmp3:
0x8f: {  	[sflag:s22] =	ssyncset.done $0x0;
	(pc) =	sbr.rel @p0 .LBB2_8-.Ltmp3, $4  }
0x90: {  	s25 =	sadd.s32 $0x1800, s26;
	[sflag:s22] =	ssyncadd.s32 $0xFFFFD800  }
0x91: {  	[spmem:s2] =	stream.indirect.scatter.add.f32 [tilespmem:s21], [sflag:$0x2], $0x80, s25, s20, $0xb8;
	[tilespmem:$0x19800] =	vst v63  }
0x92: {  	_ =	swait.ge [sflag:s18], $0x2800  }
0x93: {  	s25 =	smov.u32 s28;
	[sflag:s18] =	ssyncset.done $0x0  }
0x94: {  	s24 =	sshra.s32 s24, $0x2;
	[sflag:s18] =	ssyncadd.s32 $0xFFFFD800  }
0x95: {  	[tilespmem:s21], [sflag:$0x1] =	stream.indirect.gather [hbm4b:s4+s20], $0x80, s24, s20, $0xb8;
	[tilespmem:$0x19800] =	vst v63  }
0x96: {  	_ =	swait.ge [sflag:s22], $0x2800  }
0x97: {  	[sflag:s22] =	ssyncset.done $0x0  }
0x98: {  	s24 =	sadd.s32 $0x1800, s24;
	[sflag:s22] =	ssyncadd.s32 $0xFFFFD800  }
0x99: {  	[spmem:s2] =	stream.indirect.scatter.add.f32 [tilespmem:s21], [sflag:$0x2], $0x80, s24, s20, $0xb8;
	[tilespmem:$0x19800] =	vst v63  }
0x9a: {  	_ =	swait.ge [sflag:s18], $0x2800  }
0x9b: {  	s23 =	sadd.s32 $0x1, s23;
	[sflag:s18] =	ssyncset.done $0x0  }
0x9c: {  	p0 =	sne.s32 s23, s16;
	[sflag:s18] =	ssyncadd.s32 $0xFFFFD800  }
.Ltmp4:
0x9d: {  	[bflag:$0x0] =	sbarrier.arrive $0xFFFF;
	(pc) =	sbr.rel @p0 .LBB2_1-.Ltmp4, $4  }
0x9e: {  	[hbm:s15], [sflag:s6] =	dma.local [spmem:s17], $0x2800  }
0x9f: {  	_ =	swait.ge [sflag:s18], $0x2800  }
0xa0: {  	[sflag:s18] =	ssyncset.done $0x0  }
0xa1: {  	[sflag:s18] =	ssyncadd.s32 $0xFFFFD800  }
0xa2: {  	_ =	sfence.sel $0x180000  }
0xa3: {  	[bflag:$0x0] =	sbarrier.arrive $0xFFFF  }
0xa4: {  	p0 =	sne.s32 s1, $0x0;
	_ =	strace $0x90000062  }
0xa5: {  	s0 =	sadd.s32 @!p0 $0x100000, s0;
	[bflag:$0x2] =	sbarrier.arrive $0xFFFF  }
0xa6: {  	[sflag:s0] =	ssyncadd.tile.s32 @!p0 $0x1;
	_ =	shalt  }
.Lfunc_end2:
_tile_overlayer_lowered:
.L_overlay_start_2:
0xa7: {  	(tag) =	ssettag $0x2  }
0xa8: {  	s0 =	rddreg [dreg:$0x0];
	s2 =	stileid.u32  }
0xa9: {  	s1 =	rddreg [dreg:$0x1];
	p0 =	sne.s32 s2, $0x0  }
0xaa: {  	s3 =	rddreg [dreg:$0x2];
	[bflag:$0x3] =	sbarrier.arrive $0xFFFF;
	s2 =	simm.s32 @!p0 $0x1C02  }
0xab: {  	[timem:s3], [sflag:s2] =	dma.local @!p0 [hbm:s0], s1  }
0xac: {  	s0 =	simm.s32 @!p0 $0x2  }
0xad: {  	_ =	swait.ge @!p0 [sflag:s0], s1  }
0xae: {  	s1 =	ssub.s32 @!p0 $0x0, s1;
	[sflag:s0] =	ssyncset.done @!p0 $0x0  }
0xaf: {  	[sflag:s0] =	ssyncadd.s32 @!p0 s1  }
0xb0: {  	[bflag:$0x3] =	sbarrier.arrive $0xFFFF  }
0xb1: {  	_ =	shalt  }

// kernel: kernel.27.cloned.1.call-start
scs
__scs_entry_jumppad:
0x0: {  	(pc) =	sbr.rel $0x88, $3  }
0x1: {  	(tag) =	ssettag $0x0;
	lr =	simm.s32 $0x1  }
0x2: {  	[smem:$0x3F80] =	sst lr;
	_ =	strace $0xD0000000  }
0x3: {  	_ = 	snop  }
0x4: {  	_ = 	snop  }
0x5: {  	_ = 	snop  }
0x6: {  	_ = 	snop  }
0x7: {  	_ = 	snop  }
__scs_overlays_trampoline_lowered:
0x8: {  	[smem:$0x3F8F] =	sst s0  }
0x9: {  	[smem:$0x3F90] =	sst s1  }
0xa: {  	[smem:$0x3F91] =	sst s2  }
0xb: {  	[smem:$0x3F92] =	sst s3  }
0xc: {  	[smem:$0x3F93] =	sst s4  }
0xd: {  	[smem:$0x3F94] =	sst s5  }
0xe: {  	[smem:$0x3F95] =	sst s6  }
0xf: {  	[smem:$0x3F96] =	sst s7  }
0x10: {  	[smem:$0x3F97] =	sst s8  }
0x11: {  	[smem:$0x3F98] =	sst s9;
	s0 =	simm.s32 @!p0 $0x0  }
0x12: {  	s1 =	sld [smem:$0x3F7E];
	s0 =	simm.s32 @p0 $0x1  }
0x13: {  	[smem:$0x3F99] =	sst s0;
	s0 =	simm.s32 @!p1 $0x0  }
0x14: {  	s2 =	sld [smem:$0x3F7D];
	s0 =	simm.s32 @p1 $0x1  }
0x15: {  	[smem:$0x3F9A] =	sst s0;
	s0 =	simm.s32 @!p2 $0x0  }
0x16: {  	s3 =	sld [smem:$0x3FDB];
	s0 =	simm.s32 @p2 $0x1  }
0x17: {  	s4 =	simm.s32 $0x1BF5;
	[smem:$0x3F9C] =	sst s0  }
0x18: {  	s0 =	sld [smem:$0x3F7F];
	_ =	swait.ge [sflag:s4], $0x0  }
0x19: {  	s7 =	sld [smem:$0x3F80]  }
0x1a: {  	s8 =	sadd.s32 $0xFFFFE003, lr  }
0x1b: {  	s9 =	sadd.s32 $0xFFFFFEF7, lr;
	s5 =	simm.s32 $0xFFFFFFFF;
	p2 =	slt.u32 s8, $0xFFFFF086  }
0x1c: {  	p1 =	slt.u32 s9, $0xF7A;
	s5 =	simm.s32 @!p2 $0x0  }
0x1d: {  	s5 =	simm.s32 @p1 $0x1;
	p0 =	seq.s32 s7, s2  }
0x1e: {  	s7 =	smul.u32 @!p0 $0xF7A, s2;
	p2 =	seq.s32 @!p0 s5, $0x0  }
0x1f: {  	s9 =	smul.u32 $0xF7A, s1;
	s8 =	simm.s32 @!p0 $0x1BF5;
	p2 =	por !p2, p0  }
0x20: {  	[sflag:s8] =	ssyncset.s32 @!p0 $0xFFFFF086;
	s6 =	sadd.s32 @!p0 s3, s7;
	s7 =	simm.s32 @!p0 $0x108  }
0x21: {  	s3 =	sadd.s32 s3, s9;
	s6 =	sadd.s32 @!p0 $0x88, s6;
	s7 =	simm.s32 @p2 $0x1082  }
0x22: {  	[simem:s7], [sflag:s8] =	dma.local @!p0 [hbm:s6], $0xF7A  }
0x23: {  	s9 =	sor.u32 $0xD0000000, s2;
	s6 =	simm.s32 $0x108;
	_ =	swait.ge @!p0 [sflag:s8], $0x0  }
0x24: {  	s3 =	sadd.s32 $0x88, s3;
	s6 =	simm.s32 @!p1 $0x1082;
	[sflag:s4] =	ssyncset.s32 $0xFFFFF086  }
0x25: {  	[simem:s6], [sflag:s4] =	dma.local [hbm:s3], $0xF7A  }
0x26: {  	[smem:$0x3F80] =	sst s1;
	(tag) =	ssettag s2;
	_ =	strace s9  }
0x27: {  	s1 =	sld [smem:$0x3F90]  }
0x28: {  	s2 =	sld [smem:$0x3F91]  }
0x29: {  	s4 =	sld [smem:$0x3F93]  }
0x2a: {  	p0 =	seq.s32 s5, $0x0;
	s5 =	sld [smem:$0x3F94]  }
0x2b: {  	s6 =	sld [smem:$0x3F95]  }
0x2c: {  	s7 =	sld [smem:$0x3F96]  }
0x2d: {  	s3 =	simm.s32 $0x108;
	s8 =	sld [smem:$0x3F97]  }
0x2e: {  	s3 =	simm.s32 @!p0 $0x1082;
	s9 =	sld [smem:$0x3F98]  }
0x2f: {  	lr =	sadd.s32 s0, s3;
	s0 =	sld [smem:$0x3F8F]  }
0x30: {  	s3 =	sld [smem:$0x3F92]  }
0x31: {  	[smem:$0x3F9B] =	sst s10  }
0x32: {  	s10 =	sld [smem:$0x3F99];
	_ =	sdelay $0x3  }
0x33: {  	p0 =	seq.s32 s10, $0x1;
	s10 =	sld [smem:$0x3F9B];
	_ =	sdelay $0x3  }
0x34: {  	[smem:$0x3F9B] =	sst s10  }
0x35: {  	s10 =	sld [smem:$0x3F9A];
	_ =	sdelay $0x3  }
0x36: {  	p1 =	seq.s32 s10, $0x1;
	s10 =	sld [smem:$0x3F9B];
	_ =	sdelay $0x3  }
0x37: {  	[smem:$0x3F9B] =	sst s10  }
0x38: {  	s10 =	sld [smem:$0x3F9C]  }
0x39: {  	_ = 	snop;
	(pc) =	sbr.ind lr, $3  }
0x3a: {  	_ = 	snop  }
0x3b: {  	_ = 	snop  }
0x3c: {  	p2 =	seq.s32 s10, $0x1;
	s10 =	sld [smem:$0x3F9B]  }
0x3d: {  	_ =	shalt  }
0x3e: {  	_ =	shalt  }
0x3f: {  	_ =	shalt  }
0x40: {  	_ =	shalt  }
0x41: {  	_ =	shalt  }
0x42: {  	_ =	shalt  }
0x43: {  	_ =	shalt  }
0x44: {  	_ =	shalt  }
0x45: {  	_ =	shalt  }
0x46: {  	_ =	shalt  }
0x47: {  	_ =	shalt  }
0x48: {  	_ =	shalt  }
0x49: {  	_ =	shalt  }
0x4a: {  	_ =	shalt  }
0x4b: {  	_ =	shalt  }
0x4c: {  	_ =	shalt  }
0x4d: {  	_ =	shalt  }
0x4e: {  	_ =	shalt  }
0x4f: {  	_ =	shalt  }
0x50: {  	_ =	shalt  }
0x51: {  	_ =	shalt  }
0x52: {  	_ =	shalt  }
0x53: {  	_ =	shalt  }
0x54: {  	_ =	shalt  }
0x55: {  	_ =	shalt  }
0x56: {  	_ =	shalt  }
0x57: {  	_ =	shalt  }
0x58: {  	_ =	shalt  }
0x59: {  	_ =	shalt  }
0x5a: {  	_ =	shalt  }
0x5b: {  	_ =	shalt  }
0x5c: {  	_ =	shalt  }
0x5d: {  	_ =	shalt  }
0x5e: {  	_ =	shalt  }
0x5f: {  	_ =	shalt  }
0x60: {  	_ =	shalt  }
0x61: {  	_ =	shalt  }
0x62: {  	_ =	shalt  }
0x63: {  	_ =	shalt  }
0x64: {  	_ =	shalt  }
0x65: {  	_ =	shalt  }
0x66: {  	_ =	shalt  }
0x67: {  	_ =	shalt  }
0x68: {  	_ =	shalt  }
0x69: {  	_ =	shalt  }
0x6a: {  	_ =	shalt  }
0x6b: {  	_ =	shalt  }
0x6c: {  	_ =	shalt  }
0x6d: {  	_ =	shalt  }
0x6e: {  	_ =	shalt  }
0x6f: {  	_ =	shalt  }
0x70: {  	_ =	shalt  }
0x71: {  	_ =	shalt  }
0x72: {  	_ =	shalt  }
0x73: {  	_ =	shalt  }
0x74: {  	_ =	shalt  }
0x75: {  	_ =	shalt  }
0x76: {  	_ =	shalt  }
0x77: {  	_ =	shalt  }
0x78: {  	_ =	shalt  }
0x79: {  	_ =	shalt  }
0x7a: {  	_ =	shalt  }
0x7b: {  	_ =	shalt  }
0x7c: {  	_ =	shalt  }
0x7d: {  	_ =	shalt  }
0x7e: {  	_ =	shalt  }
0x7f: {  	_ =	shalt  }
0x80: {  	_ =	shalt  }
0x81: {  	_ =	shalt  }
0x82: {  	_ =	shalt  }
0x83: {  	_ =	shalt  }
0x84: {  	_ =	shalt  }
0x85: {  	_ =	shalt  }
0x86: {  	_ =	shalt  }
0x87: {  	_ =	shalt  }
.Lfunc_end0:
.L_simem_size_0:
called_computation.11_lowered:
.L_overlay_start_0:
0x88: {  	s2 =	sld [smem:$0x3FD9]  }
0x89: {  	s3 =	sld [smem:$0x3FFE];
	_ =	sdelay $0x1  }
0x8a: {  	s1 =	srdreg.scid  }
0x8b: {  	s0 =	sand.u32 $0x1, s1  }
0x8c: {  	s16 =	sshll.u32 s0, $0xA;
	s2 =	sadd.s32 s3, s2  }
0x8d: {  	s2 =	sadd.s32 s2, s16  }
0x8e: {  	[smem:$0x3FA7] =	sst s2  }
0x8f: {  	_ = 	snop  }
0x90: {  	(tm) =	ssettm $0x1  }
0x91: {  	s17 =	sld [smem:$0x3FFB];
	_ =	sdelay $0x3  }
0x92: {  	_ =	strace s17  }
0x93: {  	s2 =	sld [smem:$0x3FFC];
	_ =	sdelay $0x3  }
0x94: {  	_ =	strace s2  }
0x95: {  	s2 =	sld [smem:$0x3FFD];
	_ =	sdelay $0x3  }
0x96: {  	_ =	strace s2  }
0x97: {  	_ =	strace $0x8FFFFFFF  }
0x98: {  	s18 =	sld [smem:$0x3FDB];
	_ =	sdelay $0x1  }
0x99: {  	s19 =	simm.s32 $_scs_section_size  }
0x9a: {  	s4 =	simm.s32 $_size__tile_overlayer_lowered;
	s5 =	simm.s32 $_tile_overlayer_lowered  }
0x9b: {  	s22 =	simm.s32 $0x1BFF;
	s21 =	sshll.u32 s5, $0x1;
	s2 =	sadd.s32 s19, s18  }
0x9c: {  	s6 =	simm.s32 $0x0;
	s20 =	sshll.u32 s4, $0x1;
	s4 =	sadd.s32 s21, s2  }
0x9d: {  	[timem:s6], [sflag:s22] =	dma.local [hbm:s4], s20  }
0x9e: {  	_ =	swait.ge [sflag:s22], s20  }
0x9f: {  	s3 =	ssub.s32 $0x0, s20;
	[sflag:s22] =	ssyncset.done $0x0  }
0xa0: {  	[sflag:s22] =	ssyncadd.s32 s3;
	_ =	sdelay $0x1  }
0xa1: {  	s23 =	simm.s32 $0x1B8B  }
0xa2: {  	_ =	swait.ge [sflag:s23], $0x1  }
0xa3: {  	[sflag:s23] =	ssyncset.done $0x0  }
0xa4: {  	s25 =	simm.s32 $0x1B8E;
	s24 =	sld [smem:$0x3FFE];
	[sflag:s23] =	ssyncadd.s32 $0xFFFFFFFF  }
0xa5: {  	s26 =	simm.s32 $execute0_lowered;
	[smem:$0x3FD2] =	sst s25  }
0xa6: {  	s4 =	sshll.u32 s26, $0x1;
	_ =	strace $0x80000064;
	[dreg:$0x1] =	wrdreg $0xFFFFFFFF  }
0xa7: {  	s28 =	simm.s32 $_size_execute0_lowered;
	s2 =	sadd.s32 s2, s4;
	[dreg:$0x0] =	wrdreg $0x0  }
0xa8: {  	s4 =	sshll.u32 s28, $0x1;
	[dreg:$0x2] =	wrdreg s2  }
0xa9: {  	[dreg:$0x3] =	wrdreg s4  }
0xaa: {  	[dreg:$0x4] =	wrdreg $0xC0  }
0xab: {  	_ =	task [dreg:s6], $0x5FFFF  }
0xac: {  	[dreg:$0x1] =	wrdreg $0xFFFFFFFF  }
0xad: {  	[dreg:$0x0] =	wrdreg $0x60  }
0xae: {  	[dreg:$0x2] =	wrdreg s24  }
0xaf: {  	[dreg:$0x3] =	wrdreg $0x58000  }
0xb0: {  	[dreg:$0x4] =	wrdreg $0x9  }
0xb1: {  	_ =	task.clear_ibuf [dreg:s6], $0x5FFFF;
	_ =	strace $0x90000064  }
0xb2: {  	s29 =	simm.s32 $0x9;
	_ =	strace $0x80000066  }
0xb3: {  	_ =	swait.ge [sflag:s29], $0x1  }
0xb4: {  	[sflag:s29] =	ssyncadd.s32 $0xFFFFFFFF  }
0xb5: {  	_ =	strace $0x90000066  }
0xb6: {  	_ =	sfence  }
0xb7: {  	s30 =	sld [smem:$0x0];
	_ =	sdelay $0x2  }
0xb8: {  	s31 =	sshll.u32 s1, $0xD;
	s1 =	sshrl.u32 s1, $0x2  }
0xb9: {  	s3 =	sand.u32 $0x4000, s31;
	s1 =	sadd.s32 s1, s30  }
0xba: {  	s0 =	sor.u32 s3, s0;
	s1 =	sshll.u32 s1, $0x11  }
0xbb: {  	s0 =	sor.u32 s1, s0  }
0xbc: {  	s0 =	sadd.s32 $0x8F2B, s0  }
0xbd: {  	[sflag:s0] =	ssyncadd.remote.s32 $0x1  }
0xbe: {  	_ =	sfence.sel $0xFFFF  }
0xbf: {  	[dreg:$0x0] =	wrdreg $0xFFFFFFFF;
	(pc) =	sbr.abs _section_cstart, $3  }
0xc0: {  	[dreg:$0x1] =	wrdreg $0xFFFFFFFF  }
0xc1: {  	_ =	task.clear_ibuf [dreg:s6], $0x2FFFF;
	_ =	strace $0x9FFFFFFF  }
0xc2: {  	(tm) =	ssettm $0x7FFFFFFF  }
0xc3: {  	_ =	shalt  }
tec
execute0_lowered:
.L_overlay_start_1:
0x0: {  	(tag) =	ssettag $0x1  }
0x1: {  	s5 =	rddreg [dreg:$0x0]  }
0x2: {  	s2 =	rddreg [dreg:$0x1]  }
0x3: {  	s0 =	rddreg [dreg:$0x2];
	s3 =	simm.s32 $0x0  }
0x4: {  	s1 =	stileid.u32;
	s4 =	srdreg.scid;
	s20 =	simm.s32 $0x50  }
0x5: {  	s21 =	simm.s32 $0x3000;
	s22 =	simm.s32 $0x1;
	s23 =	simm.s32 $0x0  }
0x6: {  	[smem:$0x7FF] =	sst s3;
	s6 =	smul.u32 $0x14000, s1;
	s7 =	sand.u32 $0x1, s4  }
0x7: {  	s4 =	sadd.s32 $0x4AC00, s5;
	s13 =	sadd.s32 $0xAC00, s5;
	s14 =	sadd.s32 $0xA9400, s5  }
0x8: {  	s28 =	smul.u32 $0x50000, s1;
	s10 =	sshll.u32 s1, $0x1;
	s30 =	sshll.u32 s1, $0x6  }
0x9: {  	_ =	strace $0x80000065;
	s9 =	smul.u32 $0x140000, s7;
	s11 =	ssub.s32 $0x2, s7  }
0xa: {  	s7 =	sor.u32 s7, s10;
	s8 =	sshrl.u32 s6, $0x3;
	s29 =	sshrl.u32 s11, $0x1  }
0xb: {  	s7 =	smul.u32 $0x6000, s7;
	s8 =	sadd.s32 s8, s5;
	s6 =	sadd.s32 s6, s9  }
0xc: {  	s9 =	sshrl.u32 s28, $0x2;
	s16 =	ssub.s32 s11, s29;
	s6 =	sshrl.u32 s6, $0x3  }
0xd: {  	s17 =	sadd.s32 s9, s2;
	s12 =	sshrl.u32 s7, $0x3;
	s16 =	smax.u32 s16, $0x1  }
0xe: {  	s15 =	sadd.s32 s6, s5;
	s5 =	sadd.s32 $0x22C00, s8;
	s6 =	sor.u32 $0x1C02, s30  }
0xf: {  	s7 =	sadd.s32 s13, s12;
	s31 =	sor.u32 $0x300, s12;
	s8 =	sadd.s32 s14, s12  }
0x10: {  	s18 =	sadd.s32 $0x600, s12;
	s19 =	sadd.s32 $0x900, s12;
	s17 =	sshrl.u32 s17, $0x3  }
0x11: {  	s9 =	sadd.s32 s13, s31;
	s10 =	sadd.s32 s14, s31;
	s11 =	sadd.s32 s13, s18  }
0x12: {  	s12 =	sadd.s32 s14, s18;
	s13 =	sadd.s32 s13, s19;
	s14 =	sadd.s32 s14, s19  }
0x13: {  	s15 =	sadd.s32 $0xC1400, s15;
	s18 =	simm.s32 $0x2;
	s19 =	simm.s32 $0x1800  }
.LBB2_1:
0x14: {  	[spmem:s17], [sflag:s6] =	dma.local [hbm:s5], $0x2800  }
0x15: {  	_ =	swait.ge [sflag:s18], $0x2800  }
0x16: {  	[sflag:s18] =	ssyncset.done $0x0  }
0x17: {  	[sflag:s18] =	ssyncadd.s32 $0xFFFFD800  }
0x18: {  	[bflag:$0x0] =	sbarrier.arrive $0xFFFF  }
0x19: {  	[tilespmem:s3], [sflag:$0x2] =	stream.linear.gather [hbm4b:s7+s3], $0x1780, $0x38;
	[tilespmem:$0x19800] =	vst v63  }
0x1a: {  	_ =	swait.ge [sflag:s18], $0x1780  }
0x1b: {  	[sflag:s18] =	ssyncset.done $0x0  }
0x1c: {  	[sflag:s18] =	ssyncadd.s32 $0xFFFFE880  }
0x1d: {  	[tilespmem:s19], [sflag:$0x2] =	stream.linear.gather [hbm4b:s8+s3], $0x1780, $0x38;
	[tilespmem:$0x19800] =	vst v63  }
0x1e: {  	_ =	swait.ge [sflag:s18], $0x1780  }
0x1f: {  	[sflag:s18] =	ssyncset.done $0x0  }
0x20: {  	s24 =	simm.s32 $0x0;
	[sflag:s18] =	ssyncadd.s32 $0xFFFFE880  }
0x21: {  	[tilespmem:s21], [sflag:$0x1] =	stream.indirect.gather [hbm4b:s4+s20], $0x80, s24, s20, $0xb8;
	[tilespmem:$0x19800] =	vst v63  }
0x22: {  	_ =	swait.ge [sflag:s22], $0x2800  }
0x23: {  	[sflag:s22] =	ssyncset.done $0x0  }
0x24: {  	s31 =	simm.s32 $0x1800;
	[sflag:s22] =	ssyncadd.s32 $0xFFFFD800  }
0x25: {  	[spmem:s2] =	stream.indirect.scatter.add.f32 [tilespmem:s21], [sflag:$0x2], $0x80, s31, s20, $0xb8;
	[tilespmem:$0x19800] =	vst v63  }
0x26: {  	_ =	swait.ge [sflag:s18], $0x2800  }
0x27: {  	s25 =	simm.s32 $0x400;
	s24 =	simm.s32 $0x200;
	[sflag:s18] =	ssyncset.done $0x0  }
.LBB2_2:
0x28: {  	s26 =	sshra.s32 s24, $0x2  }
0x29: {  	[sflag:s18] =	ssyncadd.s32 $0xFFFFD800;
	s24 =	smov.u32 s25;
	s28 =	sadd.s32 $0x200, s25  }
0x2a: {  	[tilespmem:s21], [sflag:$0x1] =	stream.indirect.gather [hbm4b:s4+s20], $0x80, s26, s20, $0xb8;
	[tilespmem:$0x19800] =	vst v63  }
0x2b: {  	p0 =	sne.s32 s25, $0x5C00;
	_ =	swait.ge [sflag:s22], $0x2800  }
.Ltmp0:
0x2c: {  	[sflag:s22] =	ssyncset.done $0x0;
	(pc) =	sbr.rel @p0 .LBB2_2-.Ltmp0, $4  }
0x2d: {  	s25 =	sadd.s32 $0x1800, s26;
	[sflag:s22] =	ssyncadd.s32 $0xFFFFD800  }
0x2e: {  	[spmem:s2] =	stream.indirect.scatter.add.f32 [tilespmem:s21], [sflag:$0x2], $0x80, s25, s20, $0xb8;
	[tilespmem:$0x19800] =	vst v63  }
0x2f: {  	_ =	swait.ge [sflag:s18], $0x2800  }
0x30: {  	s25 =	smov.u32 s28;
	[sflag:s18] =	ssyncset.done $0x0  }
0x31: {  	s24 =	sshra.s32 s24, $0x2;
	[sflag:s18] =	ssyncadd.s32 $0xFFFFD800  }
0x32: {  	[tilespmem:s21], [sflag:$0x1] =	stream.indirect.gather [hbm4b:s4+s20], $0x80, s24, s20, $0xb8;
	[tilespmem:$0x19800] =	vst v63  }
0x33: {  	_ =	swait.ge [sflag:s22], $0x2800  }
0x34: {  	[sflag:s22] =	ssyncset.done $0x0  }
0x35: {  	s24 =	sadd.s32 $0x1800, s24;
	[sflag:s22] =	ssyncadd.s32 $0xFFFFD800  }
0x36: {  	[spmem:s2] =	stream.indirect.scatter.add.f32 [tilespmem:s21], [sflag:$0x2], $0x80, s24, s20, $0xb8;
	[tilespmem:$0x19800] =	vst v63  }
0x37: {  	_ =	swait.ge [sflag:s18], $0x2800  }
0x38: {  	[sflag:s18] =	ssyncset.done $0x0  }
0x39: {  	s29 =	simm.s32 $0x0;
	[sflag:s18] =	ssyncadd.s32 $0xFFFFD800  }
0x3a: {  	[tilespmem:s29], [sflag:$0x2] =	stream.linear.gather [hbm4b:s9+s29], $0x1780, $0x38;
	[tilespmem:$0x19800] =	vst v63  }
0x3b: {  	_ =	swait.ge [sflag:s18], $0x1780  }
0x3c: {  	[sflag:s18] =	ssyncset.done $0x0  }
0x3d: {  	[sflag:s18] =	ssyncadd.s32 $0xFFFFE880  }
0x3e: {  	[tilespmem:s19], [sflag:$0x2] =	stream.linear.gather [hbm4b:s10+s29], $0x1780, $0x38;
	[tilespmem:$0x19800] =	vst v63  }
0x3f: {  	_ =	swait.ge [sflag:s18], $0x1780  }
0x40: {  	[sflag:s18] =	ssyncset.done $0x0  }
0x41: {  	s30 =	simm.s32 $0x0;
	[sflag:s18] =	ssyncadd.s32 $0xFFFFE880  }
0x42: {  	[tilespmem:s21], [sflag:$0x1] =	stream.indirect.gather [hbm4b:s4+s20], $0x80, s30, s20, $0xb8;
	[tilespmem:$0x19800] =	vst v63  }
0x43: {  	_ =	swait.ge [sflag:s22], $0x2800  }
0x44: {  	[sflag:s22] =	ssyncset.done $0x0  }
0x45: {  	s31 =	simm.s32 $0x1800;
	[sflag:s22] =	ssyncadd.s32 $0xFFFFD800  }
0x46: {  	[spmem:s2] =	stream.indirect.scatter.add.f32 [tilespmem:s21], [sflag:$0x2], $0x80, s31, s20, $0xb8;
	[tilespmem:$0x19800] =	vst v63  }
0x47: {  	_ =	swait.ge [sflag:s18], $0x2800  }
0x48: {  	s25 =	simm.s32 $0x400;
	s24 =	simm.s32 $0x200;
	[sflag:s18] =	ssyncset.done $0x0  }
.LBB2_4:
0x49: {  	s26 =	sshra.s32 s24, $0x2  }
0x4a: {  	[sflag:s18] =	ssyncadd.s32 $0xFFFFD800;
	s24 =	smov.u32 s25;
	s28 =	sadd.s32 $0x200, s25  }
0x4b: {  	[tilespmem:s21], [sflag:$0x1] =	stream.indirect.gather [hbm4b:s4+s20], $0x80, s26, s20, $0xb8;
	[tilespmem:$0x19800] =	vst v63  }
0x4c: {  	p0 =	sne.s32 s25, $0x5C00;
	_ =	swait.ge [sflag:s22], $0x2800  }
.Ltmp1:
0x4d: {  	[sflag:s22] =	ssyncset.done $0x0;
	(pc) =	sbr.rel @p0 .LBB2_4-.Ltmp1, $4  }
0x4e: {  	s25 =	sadd.s32 $0x1800, s26;
	[sflag:s22] =	ssyncadd.s32 $0xFFFFD800  }
0x4f: {  	[spmem:s2] =	stream.indirect.scatter.add.f32 [tilespmem:s21], [sflag:$0x2], $0x80, s25, s20, $0xb8;
	[tilespmem:$0x19800] =	vst v63  }
0x50: {  	_ =	swait.ge [sflag:s18], $0x2800  }
0x51: {  	s25 =	smov.u32 s28;
	[sflag:s18] =	ssyncset.done $0x0  }
0x52: {  	s24 =	sshra.s32 s24, $0x2;
	[sflag:s18] =	ssyncadd.s32 $0xFFFFD800  }
0x53: {  	[tilespmem:s21], [sflag:$0x1] =	stream.indirect.gather [hbm4b:s4+s20], $0x80, s24, s20, $0xb8;
	[tilespmem:$0x19800] =	vst v63  }
0x54: {  	_ =	swait.ge [sflag:s22], $0x2800  }
0x55: {  	[sflag:s22] =	ssyncset.done $0x0  }
0x56: {  	s24 =	sadd.s32 $0x1800, s24;
	[sflag:s22] =	ssyncadd.s32 $0xFFFFD800  }
0x57: {  	[spmem:s2] =	stream.indirect.scatter.add.f32 [tilespmem:s21], [sflag:$0x2], $0x80, s24, s20, $0xb8;
	[tilespmem:$0x19800] =	vst v63  }
0x58: {  	_ =	swait.ge [sflag:s18], $0x2800  }
0x59: {  	[sflag:s18] =	ssyncset.done $0x0  }
0x5a: {  	s29 =	simm.s32 $0x0;
	[sflag:s18] =	ssyncadd.s32 $0xFFFFD800  }
0x5b: {  	[tilespmem:s29], [sflag:$0x2] =	stream.linear.gather [hbm4b:s11+s29], $0x1780, $0x38;
	[tilespmem:$0x19800] =	vst v63  }
0x5c: {  	_ =	swait.ge [sflag:s18], $0x1780  }
0x5d: {  	[sflag:s18] =	ssyncset.done $0x0  }
0x5e: {  	[sflag:s18] =	ssyncadd.s32 $0xFFFFE880  }
0x5f: {  	[tilespmem:s19], [sflag:$0x2] =	stream.linear.gather [hbm4b:s12+s29], $0x1780, $0x38;
	[tilespmem:$0x19800] =	vst v63  }
0x60: {  	_ =	swait.ge [sflag:s18], $0x1780  }
0x61: {  	[sflag:s18] =	ssyncset.done $0x0  }
0x62: {  	s30 =	simm.s32 $0x0;
	[sflag:s18] =	ssyncadd.s32 $0xFFFFE880  }
0x63: {  	[tilespmem:s21], [sflag:$0x1] =	stream.indirect.gather [hbm4b:s4+s20], $0x80, s30, s20, $0xb8;
	[tilespmem:$0x19800] =	vst v63  }
0x64: {  	_ =	swait.ge [sflag:s22], $0x2800  }
0x65: {  	[sflag:s22] =	ssyncset.done $0x0  }
0x66: {  	s31 =	simm.s32 $0x1800;
	[sflag:s22] =	ssyncadd.s32 $0xFFFFD800  }
0x67: {  	[spmem:s2] =	stream.indirect.scatter.add.f32 [tilespmem:s21], [sflag:$0x2], $0x80, s31, s20, $0xb8;
	[tilespmem:$0x19800] =	vst v63  }
0x68: {  	_ =	swait.ge [sflag:s18], $0x2800  }
0x69: {  	s25 =	simm.s32 $0x400;
	s24 =	simm.s32 $0x200;
	[sflag:s18] =	ssyncset.done $0x0  }
.LBB2_6:
0x6a: {  	s26 =	sshra.s32 s24, $0x2  }
0x6b: {  	[sflag:s18] =	ssyncadd.s32 $0xFFFFD800;
	s24 =	smov.u32 s25;
	s28 =	sadd.s32 $0x200, s25  }
0x6c: {  	[tilespmem:s21], [sflag:$0x1] =	stream.indirect.gather [hbm4b:s4+s20], $0x80, s26, s20, $0xb8;
	[tilespmem:$0x19800] =	vst v63  }
0x6d: {  	p0 =	sne.s32 s25, $0x5C00;
	_ =	swait.ge [sflag:s22], $0x2800  }
.Ltmp2:
0x6e: {  	[sflag:s22] =	ssyncset.done $0x0;
	(pc) =	sbr.rel @p0 .LBB2_6-.Ltmp2, $4  }
0x6f: {  	s25 =	sadd.s32 $0x1800, s26;
	[sflag:s22] =	ssyncadd.s32 $0xFFFFD800  }
0x70: {  	[spmem:s2] =	stream.indirect.scatter.add.f32 [tilespmem:s21], [sflag:$0x2], $0x80, s25, s20, $0xb8;
	[tilespmem:$0x19800] =	vst v63  }
0x71: {  	_ =	swait.ge [sflag:s18], $0x2800  }
0x72: {  	s25 =	smov.u32 s28;
	[sflag:s18] =	ssyncset.done $0x0  }
0x73: {  	s24 =	sshra.s32 s24, $0x2;
	[sflag:s18] =	ssyncadd.s32 $0xFFFFD800  }
0x74: {  	[tilespmem:s21], [sflag:$0x1] =	stream.indirect.gather [hbm4b:s4+s20], $0x80, s24, s20, $0xb8;
	[tilespmem:$0x19800] =	vst v63  }
0x75: {  	_ =	swait.ge [sflag:s22], $0x2800  }
0x76: {  	[sflag:s22] =	ssyncset.done $0x0  }
0x77: {  	s24 =	sadd.s32 $0x1800, s24;
	[sflag:s22] =	ssyncadd.s32 $0xFFFFD800  }
0x78: {  	[spmem:s2] =	stream.indirect.scatter.add.f32 [tilespmem:s21], [sflag:$0x2], $0x80, s24, s20, $0xb8;
	[tilespmem:$0x19800] =	vst v63  }
0x79: {  	_ =	swait.ge [sflag:s18], $0x2800  }
0x7a: {  	[sflag:s18] =	ssyncset.done $0x0  }
0x7b: {  	s29 =	simm.s32 $0x0;
	[sflag:s18] =	ssyncadd.s32 $0xFFFFD800  }
0x7c: {  	[tilespmem:s29], [sflag:$0x2] =	stream.linear.gather [hbm4b:s13+s29], $0x1780, $0x38;
	[tilespmem:$0x19800] =	vst v63  }
0x7d: {  	_ =	swait.ge [sflag:s18], $0x1780  }
0x7e: {  	[sflag:s18] =	ssyncset.done $0x0  }
0x7f: {  	[sflag:s18] =	ssyncadd.s32 $0xFFFFE880  }
0x80: {  	[tilespmem:s19], [sflag:$0x2] =	stream.linear.gather [hbm4b:s14+s29], $0x1780, $0x38;
	[tilespmem:$0x19800] =	vst v63  }
0x81: {  	_ =	swait.ge [sflag:s18], $0x1780  }
0x82: {  	[sflag:s18] =	ssyncset.done $0x0  }
0x83: {  	s30 =	simm.s32 $0x0;
	[sflag:s18] =	ssyncadd.s32 $0xFFFFE880  }
0x84: {  	[tilespmem:s21], [sflag:$0x1] =	stream.indirect.gather [hbm4b:s4+s20], $0x80, s30, s20, $0xb8;
	[tilespmem:$0x19800] =	vst v63  }
0x85: {  	_ =	swait.ge [sflag:s22], $0x2800  }
0x86: {  	[sflag:s22] =	ssyncset.done $0x0  }
0x87: {  	s31 =	simm.s32 $0x1800;
	[sflag:s22] =	ssyncadd.s32 $0xFFFFD800  }
0x88: {  	[spmem:s2] =	stream.indirect.scatter.add.f32 [tilespmem:s21], [sflag:$0x2], $0x80, s31, s20, $0xb8;
	[tilespmem:$0x19800] =	vst v63  }
0x89: {  	_ =	swait.ge [sflag:s18], $0x2800  }
0x8a: {  	s25 =	simm.s32 $0x400;
	s24 =	simm.s32 $0x200;
	[sflag:s18] =	ssyncset.done $0x0  }
.LBB2_8:
0x8b: {  	s26 =	sshra.s32 s24, $0x2  }
0x8c: {  	[sflag:s18] =	ssyncadd.s32 $0xFFFFD800;
	s24 =	smov.u32 s25;
	s28 =	sadd.s32 $0x200, s25  }
0x8d: {  	[tilespmem:s21], [sflag:$0x1] =	stream.indirect.gather [hbm4b:s4+s20], $0x80, s26, s20, $0xb8;
	[tilespmem:$0x19800] =	vst v63  }
0x8e: {  	p0 =	sne.s32 s25, $0x5C00;
	_ =	swait.ge [sflag:s22], $0x2800  }
.Ltmp3:
0x8f: {  	[sflag:s22] =	ssyncset.done $0x0;
	(pc) =	sbr.rel @p0 .LBB2_8-.Ltmp3, $4  }
0x90: {  	s25 =	sadd.s32 $0x1800, s26;
	[sflag:s22] =	ssyncadd.s32 $0xFFFFD800  }
0x91: {  	[spmem:s2] =	stream.indirect.scatter.add.f32 [tilespmem:s21], [sflag:$0x2], $0x80, s25, s20, $0xb8;
	[tilespmem:$0x19800] =	vst v63  }
0x92: {  	_ =	swait.ge [sflag:s18], $0x2800  }
0x93: {  	s25 =	smov.u32 s28;
	[sflag:s18] =	ssyncset.done $0x0  }
0x94: {  	s24 =	sshra.s32 s24, $0x2;
	[sflag:s18] =	ssyncadd.s32 $0xFFFFD800  }
0x95: {  	[tilespmem:s21], [sflag:$0x1] =	stream.indirect.gather [hbm4b:s4+s20], $0x80, s24, s20, $0xb8;
	[tilespmem:$0x19800] =	vst v63  }
0x96: {  	_ =	swait.ge [sflag:s22], $0x2800  }
0x97: {  	[sflag:s22] =	ssyncset.done $0x0  }
0x98: {  	s24 =	sadd.s32 $0x1800, s24;
	[sflag:s22] =	ssyncadd.s32 $0xFFFFD800  }
0x99: {  	[spmem:s2] =	stream.indirect.scatter.add.f32 [tilespmem:s21], [sflag:$0x2], $0x80, s24, s20, $0xb8;
	[tilespmem:$0x19800] =	vst v63  }
0x9a: {  	_ =	swait.ge [sflag:s18], $0x2800  }
0x9b: {  	s23 =	sadd.s32 $0x1, s23;
	[sflag:s18] =	ssyncset.done $0x0  }
0x9c: {  	p0 =	sne.s32 s23, s16;
	[sflag:s18] =	ssyncadd.s32 $0xFFFFD800  }
.Ltmp4:
0x9d: {  	[bflag:$0x0] =	sbarrier.arrive $0xFFFF;
	(pc) =	sbr.rel @p0 .LBB2_1-.Ltmp4, $4  }
0x9e: {  	[hbm:s15], [sflag:s6] =	dma.local [spmem:s17], $0x2800  }
0x9f: {  	_ =	swait.ge [sflag:s18], $0x2800  }
0xa0: {  	[sflag:s18] =	ssyncset.done $0x0  }
0xa1: {  	[sflag:s18] =	ssyncadd.s32 $0xFFFFD800  }
0xa2: {  	_ =	sfence.sel $0x180000  }
0xa3: {  	[bflag:$0x0] =	sbarrier.arrive $0xFFFF  }
0xa4: {  	p0 =	sne.s32 s1, $0x0;
	_ =	strace $0x90000065  }
0xa5: {  	s0 =	sadd.s32 @!p0 $0x100000, s0;
	[bflag:$0x2] =	sbarrier.arrive $0xFFFF  }
0xa6: {  	[sflag:s0] =	ssyncadd.tile.s32 @!p0 $0x1;
	_ =	shalt  }
.Lfunc_end2:
_tile_overlayer_lowered:
.L_overlay_start_2:
0xa7: {  	(tag) =	ssettag $0x2  }
0xa8: {  	s0 =	rddreg [dreg:$0x0];
	s2 =	stileid.u32  }
0xa9: {  	s1 =	rddreg [dreg:$0x1];
	p0 =	sne.s32 s2, $0x0  }
0xaa: {  	s3 =	rddreg [dreg:$0x2];
	[bflag:$0x3] =	sbarrier.arrive $0xFFFF;
	s2 =	simm.s32 @!p0 $0x1C02  }
0xab: {  	[timem:s3], [sflag:s2] =	dma.local @!p0 [hbm:s0], s1  }
0xac: {  	s0 =	simm.s32 @!p0 $0x2  }
0xad: {  	_ =	swait.ge @!p0 [sflag:s0], s1  }
0xae: {  	s1 =	ssub.s32 @!p0 $0x0, s1;
	[sflag:s0] =	ssyncset.done @!p0 $0x0  }
0xaf: {  	[sflag:s0] =	ssyncadd.s32 @!p0 s1  }
0xb0: {  	[bflag:$0x3] =	sbarrier.arrive $0xFFFF  }
0xb1: {  	_ =	shalt  }

</sc_bundles>
